<compile_context>
chip_gen: v7x
topology: tpu7x:2x2x1
jax: 0.10.2.dev20260603
libtpu: 0.0.44.dev20260713+nightly
codegen_flags: <defaults>
</compile_context>

<pallas_src>
import jax
import jax.numpy as jnp
from jax import lax
from jax.experimental import pallas as pl
from jax.experimental.pallas import tpu as pltpu
from jax.experimental.pallas import tpu_sc as plsc

VOCAB = 1000000
EMBED_DIM = 64
BATCH = 16384

NUM_CORES = 2
NUM_SUBCORES = 16
LANES = 16

NUM_WORKERS = NUM_CORES * NUM_SUBCORES
ROWS_PER_WORKER = BATCH // NUM_WORKERS
NUM_SLOTS = 7
IDX_PAD = ROWS_PER_WORKER + LANES


BLOCK = 128


def _fetch_row(tab_hbm, blocks_v, idx_v, j, slot, sems, table_id):
    vq = idx_v[pl.ds(j, LANES)]
    v = vq[0]
    off = pl.multiple_of((v // BLOCK) * BLOCK, BLOCK)
    pltpu.async_copy(tab_hbm.at[:, pl.ds(off, BLOCK)],
                     blocks_v.at[:, pl.ds(slot * BLOCK, BLOCK)],
                     sems.at[table_id * NUM_SLOTS + slot])


def _sc_body(cw_hbm, xw_hbm, ctab_hbm, xtab_hbm, out_hbm,
             idxc_v, idxx_v, blkc_v, blkx_v, out_v, sems):
    wid = lax.axis_index("s") * NUM_CORES + lax.axis_index("c")
    base = wid * ROWS_PER_WORKER

    pltpu.sync_copy(cw_hbm.at[pl.ds(base, ROWS_PER_WORKER)],
                    idxc_v.at[pl.ds(0, ROWS_PER_WORKER)])
    pltpu.sync_copy(xw_hbm.at[pl.ds(base, ROWS_PER_WORKER)],
                    idxx_v.at[pl.ds(0, ROWS_PER_WORKER)])

    lane_iota = lax.iota(jnp.int32, LANES)
    last_mask = lane_iota == (LANES - 1)

    for s in range(NUM_SLOTS):
        _fetch_row(ctab_hbm, blkc_v, idxc_v, s, s, sems, 0)
        _fetch_row(xtab_hbm, blkx_v, idxx_v, s, s, sems, 1)

    def step(j, s):
        slot_off = s * BLOCK
        vc = idxc_v[pl.ds(j, LANES)]
        vx = idxx_v[pl.ds(j, LANES)]
        rc = vc[0] % BLOCK
        rx = vx[0] % BLOCK

        pltpu.make_async_copy(ctab_hbm.at[:, pl.ds(0, BLOCK)],
                              blkc_v.at[:, pl.ds(slot_off, BLOCK)],
                              sems.at[s]).wait()
        pltpu.make_async_copy(xtab_hbm.at[:, pl.ds(0, BLOCK)],
                              blkx_v.at[:, pl.ds(slot_off, BLOCK)],
                              sems.at[NUM_SLOTS + s]).wait()

        colc = jnp.full((LANES,), slot_off, jnp.int32) + rc
        colx = jnp.full((LANES,), slot_off, jnp.int32) + rx
        acc = jnp.zeros((LANES,), jnp.float32)
        for k in range(EMBED_DIM // LANES):
            rows = lane_iota + k * LANES
            c = plsc.load_gather(blkc_v, [rows, colc])
            x = plsc.load_gather(blkx_v, [rows, colx])
            acc = acc + c * x
        total = plsc.cumsum(acc)
        plsc.store_scatter(out_v, [jnp.full((LANES,), j, jnp.int32)],
                           total, mask=last_mask)

        @pl.when(j + NUM_SLOTS < ROWS_PER_WORKER)
        def _():
            _fetch_row(ctab_hbm, blkc_v, idxc_v, j + NUM_SLOTS, s, sems, 0)
            _fetch_row(xtab_hbm, blkx_v, idxx_v, j + NUM_SLOTS, s, sems, 1)

    def group(g, carry):
        for s in range(NUM_SLOTS):
            step(g * NUM_SLOTS + s, s)
        return carry

    num_groups = ROWS_PER_WORKER // NUM_SLOTS
    lax.fori_loop(0, num_groups, group, 0)
    for s in range(ROWS_PER_WORKER % NUM_SLOTS):
        step(num_groups * NUM_SLOTS + s, s)

    def sig_body(chunk, carry):
        sl = pl.ds(chunk * LANES, LANES)
        out_v[sl] = 1.0 / (1.0 + jnp.exp(-out_v[sl]))
        return carry

    lax.fori_loop(0, ROWS_PER_WORKER // LANES, sig_body, 0)

    pltpu.sync_copy(out_v, out_hbm.at[pl.ds(base, ROWS_PER_WORKER)])


def kernel(center_words, context_words, center_table, context_table):
    mesh = plsc.VectorSubcoreMesh(core_axis_name="c", subcore_axis_name="s")
    run = pl.kernel(
        _sc_body,
        out_type=jax.ShapeDtypeStruct((BATCH,), jnp.float32),
        mesh=mesh,
        scratch_types=[
            pltpu.VMEM((IDX_PAD,), jnp.int32),
            pltpu.VMEM((IDX_PAD,), jnp.int32),
            pltpu.VMEM((EMBED_DIM, NUM_SLOTS * BLOCK), jnp.float32),
            pltpu.VMEM((EMBED_DIM, NUM_SLOTS * BLOCK), jnp.float32),
            pltpu.VMEM((ROWS_PER_WORKER,), jnp.float32),
            pltpu.SemaphoreType.DMA((2 * NUM_SLOTS,)),
        ],
        compiler_params=pltpu.CompilerParams(
            needs_layout_passes=False, use_tc_tiling_on_sc=True),
    )
    return run(center_words.astype(jnp.int32), context_words.astype(jnp.int32),
               center_table.T, context_table.T)

# --- scband reference (transcript-rebuilt; emitter-appended) ---
"""Pipeline reference for scband-skip-gram-2628519985316 (READ-ONLY COPY).

The authoritative reference and input builder live on the scoring server;
editing this copy changes nothing except your own understanding.
"""

import jax, jax.numpy as jnp
import numpy as np

VOCAB = 1000000
EMBED_DIM = 64
BATCH = 16384

def setup_inputs(seed: int = 0) -> dict:
    key = jax.random.key(seed)
    k1, k2, k3, k4 = jax.random.split(key, 4)
    bound = 0.5 / EMBED_DIM
    center_table = jax.random.uniform(k1, (VOCAB, EMBED_DIM), dtype=jnp.float32, minval=-bound, maxval=bound)
    context_table = jax.random.uniform(k2, (VOCAB, EMBED_DIM), dtype=jnp.float32, minval=-bound, maxval=bound)
    center_words = jax.random.randint(k3, (BATCH,), 0, VOCAB, dtype=jnp.int64 if jax.config.jax_enable_x64 else jnp.int32)
    context_words = jax.random.randint(k4, (BATCH,), 0, VOCAB, dtype=jnp.int64 if jax.config.jax_enable_x64 else jnp.int32)
    return {"center_words": center_words, "context_words": context_words, "center_table": center_table, "context_table": context_table}

def reference(center_words, context_words, center_table, context_table):
    center_embeds = jnp.take(center_table, center_words, axis=0)
    context_embeds = jnp.take(context_table, context_words, axis=0)
    dot_product = jnp.sum(center_embeds * context_embeds, axis=1)
    return jax.nn.sigmoid(dot_product)

if __name__ == "__main__":
    import jax
    _d = setup_inputs()
    print(jax.jit(kernel)(*tuple(_d.values())))

</pallas_src>

<mosaic_0001>
#map = affine_map<(d0, d1) -> (0)>
#map1 = affine_map<(d0, d1) -> (0, 0)>
module attributes {stable_mosaic.version = 14 : i64} {
  func.func @_sc_body(%arg0: i32, %arg1: i32, %arg2: memref<16384xi32, #tpu.memory_space<hbm>>, %arg3: memref<16384xi32, #tpu.memory_space<hbm>>, %arg4: memref<64x1000000xf32, #tpu.memory_space<hbm>>, %arg5: memref<64x1000000xf32, #tpu.memory_space<hbm>>, %arg6: memref<16384xf32, #tpu.memory_space<hbm>>, %arg7: memref<528xi32, #tpu.memory_space<vmem>>, %arg8: memref<528xi32, #tpu.memory_space<vmem>>, %arg9: memref<64x896xf32, #tpu.memory_space<vmem>>, %arg10: memref<64x896xf32, #tpu.memory_space<vmem>>, %arg11: memref<512xf32, #tpu.memory_space<vmem>>, %arg12: memref<14x!tpu.dma_semaphore, #tpu.memory_space<semaphore_mem>>) attributes {dimension_semantics = [#tpu.dimension_semantics<core_parallel>, #tpu.dimension_semantics<subcore_parallel>], iteration_bounds = array<i64: 2, 16>, scalar_prefetch = 0 : i64, scratch_operands = 6 : i64, tpu.core_type = #tpu.core_type<sc_vector_subcore>, window_params = [{transform_indices = #map}, {transform_indices = #map}, {transform_indices = #map1}, {transform_indices = #map1}, {transform_indices = #map}]} {
    %mul3A = arith.constant 2 : i32
    %mul3A_0 = arith.muli %arg1, %mul3A : i32
    %add3A = arith.addi %mul3A_0, %arg0 : i32
    %mul3A_1 = arith.constant 512 : i32
    %mul3A_2 = arith.muli %add3A, %mul3A_1 : i32
    "tpu.region"() ({
      %run_scoped3A = tpu.sem_alloc : memref<!tpu.dma_semaphore, #tpu.memory_space<semaphore_mem>>
      %dma_start3A_727 = arith.constant 0 : i32
      %dma_start3A_728 = tpu.memref_slice %arg7[%dma_start3A_727] : memref<528xi32, #tpu.memory_space<vmem>> -> memref<512xi32, #tpu.memory_space<vmem>>
      %dma_start3A_729 = tpu.memref_slice %arg2[%mul3A_2] : memref<16384xi32, #tpu.memory_space<hbm>> -> memref<512xi32, #tpu.memory_space<hbm>>
      %dma_start3A_730 = arith.constant 0 : i32
      %dma_start3A_731 = tpu.memref_slice %arg7[%dma_start3A_730] : memref<528xi32, #tpu.memory_space<vmem>> -> memref<512xi32, #tpu.memory_space<vmem>>
      %dma_start3A_732 = tpu.memref_slice %arg2[%mul3A_2] : memref<16384xi32, #tpu.memory_space<hbm>> -> memref<512xi32, #tpu.memory_space<hbm>>
      tpu.enqueue_dma source(%dma_start3A_732 : memref<512xi32, #tpu.memory_space<hbm>>) target(%dma_start3A_731 : memref<512xi32, #tpu.memory_space<vmem>>) target_semaphore(%run_scoped3A : memref<!tpu.dma_semaphore, #tpu.memory_space<semaphore_mem>>)
      %dma_wait3A_733 = arith.constant 0 : i32
      %dma_wait3A_734 = tpu.memref_slice %arg7[%dma_wait3A_733] : memref<528xi32, #tpu.memory_space<vmem>> -> memref<512xi32, #tpu.memory_space<vmem>>
      %dma_wait3A_735 = tpu.memref_slice %arg2[%mul3A_2] : memref<16384xi32, #tpu.memory_space<hbm>> -> memref<512xi32, #tpu.memory_space<hbm>>
      %dma_wait3A_736 = arith.constant 0 : i32
      %dma_wait3A_737 = tpu.memref_slice %arg7[%dma_wait3A_736] : memref<528xi32, #tpu.memory_space<vmem>> -> memref<512xi32, #tpu.memory_space<vmem>>
      %dma_wait3A_738 = tpu.memref_slice %arg2[%mul3A_2] : memref<16384xi32, #tpu.memory_space<hbm>> -> memref<512xi32, #tpu.memory_space<hbm>>
      tpu.wait_dma2 semaphore(%run_scoped3A : memref<!tpu.dma_semaphore, #tpu.memory_space<semaphore_mem>>) src(%dma_wait3A_738 : memref<512xi32, #tpu.memory_space<hbm>>) dst(%dma_wait3A_737 : memref<512xi32, #tpu.memory_space<vmem>>)
      tpu.yield
    }) : () -> ()
    "tpu.region"() ({
      %run_scoped3A = tpu.sem_alloc : memref<!tpu.dma_semaphore, #tpu.memory_space<semaphore_mem>>
      %dma_start3A_727 = arith.constant 0 : i32
      %dma_start3A_728 = tpu.memref_slice %arg8[%dma_start3A_727] : memref<528xi32, #tpu.memory_space<vmem>> -> memref<512xi32, #tpu.memory_space<vmem>>
      %dma_start3A_729 = tpu.memref_slice %arg3[%mul3A_2] : memref<16384xi32, #tpu.memory_space<hbm>> -> memref<512xi32, #tpu.memory_space<hbm>>
      %dma_start3A_730 = arith.constant 0 : i32
      %dma_start3A_731 = tpu.memref_slice %arg8[%dma_start3A_730] : memref<528xi32, #tpu.memory_space<vmem>> -> memref<512xi32, #tpu.memory_space<vmem>>
      %dma_start3A_732 = tpu.memref_slice %arg3[%mul3A_2] : memref<16384xi32, #tpu.memory_space<hbm>> -> memref<512xi32, #tpu.memory_space<hbm>>
      tpu.enqueue_dma source(%dma_start3A_732 : memref<512xi32, #tpu.memory_space<hbm>>) target(%dma_start3A_731 : memref<512xi32, #tpu.memory_space<vmem>>) target_semaphore(%run_scoped3A : memref<!tpu.dma_semaphore, #tpu.memory_space<semaphore_mem>>)
      %dma_wait3A_733 = arith.constant 0 : i32
      %dma_wait3A_734 = tpu.memref_slice %arg8[%dma_wait3A_733] : memref<528xi32, #tpu.memory_space<vmem>> -> memref<512xi32, #tpu.memory_space<vmem>>
      %dma_wait3A_735 = tpu.memref_slice %arg3[%mul3A_2] : memref<16384xi32, #tpu.memory_space<hbm>> -> memref<512xi32, #tpu.memory_space<hbm>>
      %dma_wait3A_736 = arith.constant 0 : i32
      %dma_wait3A_737 = tpu.memref_slice %arg8[%dma_wait3A_736] : memref<528xi32, #tpu.memory_space<vmem>> -> memref<512xi32, #tpu.memory_space<vmem>>
      %dma_wait3A_738 = tpu.memref_slice %arg3[%mul3A_2] : memref<16384xi32, #tpu.memory_space<hbm>> -> memref<512xi32, #tpu.memory_space<hbm>>
      tpu.wait_dma2 semaphore(%run_scoped3A : memref<!tpu.dma_semaphore, #tpu.memory_space<semaphore_mem>>) src(%dma_wait3A_738 : memref<512xi32, #tpu.memory_space<hbm>>) dst(%dma_wait3A_737 : memref<512xi32, #tpu.memory_space<vmem>>)
      tpu.yield
    }) : () -> ()
    %iota3A = tpu.iota {dimensions = array<i32: 0>} : vector<16xi32>
    %eq3A = arith.constant 15 : i32
    %eq3A_3 = vector.broadcast %eq3A : i32 to vector<16xi32>
    %eq3A_4 = arith.cmpi eq, %iota3A, %eq3A_3 : vector<16xi32>
    %get3A = arith.constant 0 : index
    %get3A_5 = tpu.vector_load %arg7[%get3A] {strides = array<i32>} : memref<528xi32, #tpu.memory_space<vmem>>, vector<16xi32>,
    %slice3A = vector.extract_strided_slice %get3A_5 {offsets = [0], sizes = [1], strides = [1]} : vector<16xi32> to vector<1xi32>
    %squeeze3A = vector.extract %slice3A[0] : i32 from vector<1xi32>
    %jit3A = arith.constant 128 : i32
    %div3A = arith.divsi %squeeze3A, %jit3A : i32
    %sign3A = arith.constant 0 : i32
    %sign3A_6 = arith.cmpi sgt, %squeeze3A, %sign3A : i32
    %sign3A_7 = arith.extui %sign3A_6 : i1 to i32
    %sign3A_8 = arith.constant 0 : i32
    %sign3A_9 = arith.cmpi slt, %squeeze3A, %sign3A_8 : i32
    %sign3A_10 = arith.extui %sign3A_9 : i1 to i32
    %sign3A_11 = arith.subi %sign3A_7, %sign3A_10 : i32
    %sign3A_12 = arith.constant 0 : i32
    %sign3A_13 = arith.cmpi sgt, %jit3A, %sign3A_12 : i32
    %sign3A_14 = arith.extui %sign3A_13 : i1 to i32
    %sign3A_15 = arith.constant 0 : i32
    %sign3A_16 = arith.cmpi slt, %jit3A, %sign3A_15 : i32
    %sign3A_17 = arith.extui %sign3A_16 : i1 to i32
    %sign3A_18 = arith.subi %sign3A_14, %sign3A_17 : i32
    %ne3A = arith.cmpi ne, %sign3A_11, %sign3A_18 : i32
    %rem3A = arith.remsi %squeeze3A, %jit3A : i32
    %ne3A_19 = arith.constant 0 : i32
    %ne3A_20 = arith.cmpi ne, %rem3A, %ne3A_19 : i32
    %and3A = arith.andi %ne3A, %ne3A_20 : i1
    %sub3A = arith.constant 1 : i32
    %sub3A_21 = arith.subi %div3A, %sub3A : i32
    %select_n3A = arith.select %and3A, %sub3A_21, %div3A : i32
    %mul3A_22 = arith.constant 128 : i32
    %mul3A_23 = arith.muli %select_n3A, %mul3A_22 : i32
    %multiple_of3A = tpu.assume_multiple %mul3A_23, 128 : i32
    %dma_start3A = arith.constant 0 : i32
    %dma_start3A_24 = arith.constant 0 : i32
    %dma_start3A_25 = arith.constant 0 : i32
    %dma_start3A_26 = tpu.memref_slice %arg9[%dma_start3A_24, %dma_start3A_25] : memref<64x896xf32, #tpu.memory_space<vmem>> -> memref<64x128xf32, #tpu.memory_space<vmem>>
    %dma_start3A_27 = arith.constant 0 : i32
    %dma_start3A_28 = tpu.memref_slice %arg4[%dma_start3A_27, %multiple_of3A] : memref<64x1000000xf32, #tpu.memory_space<hbm>> -> memref<64x128xf32, #tpu.memory_space<hbm>>
    %dma_start3A_29 = tpu.memref_slice %arg12[%dma_start3A] : memref<14x!tpu.dma_semaphore, #tpu.memory_space<semaphore_mem>> -> memref<1x!tpu.dma_semaphore, #tpu.memory_space<semaphore_mem>>
    %dma_start3A_30 = tpu.memref_squeeze %dma_start3A_29 : memref<1x!tpu.dma_semaphore, #tpu.memory_space<semaphore_mem>> -> memref<!tpu.dma_semaphore, #tpu.memory_space<semaphore_mem>>
    %dma_start3A_31 = arith.constant 0 : i32
    %dma_start3A_32 = arith.constant 0 : i32
    %dma_start3A_33 = tpu.memref_slice %arg9[%dma_start3A_31, %dma_start3A_32] : memref<64x896xf32, #tpu.memory_space<vmem>> -> memref<64x128xf32, #tpu.memory_space<vmem>>
    %dma_start3A_34 = arith.constant 0 : i32
    %dma_start3A_35 = tpu.memref_slice %arg4[%dma_start3A_34, %multiple_of3A] : memref<64x1000000xf32, #tpu.memory_space<hbm>> -> memref<64x128xf32, #tpu.memory_space<hbm>>
    tpu.enqueue_dma source(%dma_start3A_35 : memref<64x128xf32, #tpu.memory_space<hbm>>) target(%dma_start3A_33 : memref<64x128xf32, #tpu.memory_space<vmem>>) target_semaphore(%dma_start3A_30 : memref<!tpu.dma_semaphore, #tpu.memory_space<semaphore_mem>>)
    %get3A_36 = arith.constant 0 : index
    %get3A_37 = tpu.vector_load %arg8[%get3A_36] {strides = array<i32>} : memref<528xi32, #tpu.memory_space<vmem>>, vector<16xi32>,
    %slice3A_38 = vector.extract_strided_slice %get3A_37 {offsets = [0], sizes = [1], strides = [1]} : vector<16xi32> to vector<1xi32>
    %squeeze3A_39 = vector.extract %slice3A_38[0] : i32 from vector<1xi32>
    %jit3A_40 = arith.constant 128 : i32
    %div3A_41 = arith.divsi %squeeze3A_39, %jit3A_40 : i32
    %sign3A_42 = arith.constant 0 : i32
    %sign3A_43 = arith.cmpi sgt, %squeeze3A_39, %sign3A_42 : i32
    %sign3A_44 = arith.extui %sign3A_43 : i1 to i32
    %sign3A_45 = arith.constant 0 : i32
    %sign3A_46 = arith.cmpi slt, %squeeze3A_39, %sign3A_45 : i32
    %sign3A_47 = arith.extui %sign3A_46 : i1 to i32
    %sign3A_48 = arith.subi %sign3A_44, %sign3A_47 : i32
    %sign3A_49 = arith.constant 0 : i32
    %sign3A_50 = arith.cmpi sgt, %jit3A_40, %sign3A_49 : i32
    %sign3A_51 = arith.extui %sign3A_50 : i1 to i32
    %sign3A_52 = arith.constant 0 : i32
    %sign3A_53 = arith.cmpi slt, %jit3A_40, %sign3A_52 : i32
    %sign3A_54 = arith.extui %sign3A_53 : i1 to i32
    %sign3A_55 = arith.subi %sign3A_51, %sign3A_54 : i32
    %ne3A_56 = arith.cmpi ne, %sign3A_48, %sign3A_55 : i32
    %rem3A_57 = arith.remsi %squeeze3A_39, %jit3A_40 : i32
    %ne3A_58 = arith.constant 0 : i32
    %ne3A_59 = arith.cmpi ne, %rem3A_57, %ne3A_58 : i32
    %and3A_60 = arith.andi %ne3A_56, %ne3A_59 : i1
    %sub3A_61 = arith.constant 1 : i32
    %sub3A_62 = arith.subi %div3A_41, %sub3A_61 : i32
    %select_n3A_63 = arith.select %and3A_60, %sub3A_62, %div3A_41 : i32
    %mul3A_64 = arith.constant 128 : i32
    %mul3A_65 = arith.muli %select_n3A_63, %mul3A_64 : i32
    %multiple_of3A_66 = tpu.assume_multiple %mul3A_65, 128 : i32
    %dma_start3A_67 = arith.constant 7 : i32
    %dma_start3A_68 = arith.constant 0 : i32
    %dma_start3A_69 = arith.constant 0 : i32
    %dma_start3A_70 = tpu.memref_slice %arg10[%dma_start3A_68, %dma_start3A_69] : memref<64x896xf32, #tpu.memory_space<vmem>> -> memref<64x128xf32, #tpu.memory_space<vmem>>
    %dma_start3A_71 = arith.constant 0 : i32
    %dma_start3A_72 = tpu.memref_slice %arg5[%dma_start3A_71, %multiple_of3A_66] : memref<64x1000000xf32, #tpu.memory_space<hbm>> -> memref<64x128xf32, #tpu.memory_space<hbm>>
    %dma_start3A_73 = tpu.memref_slice %arg12[%dma_start3A_67] : memref<14x!tpu.dma_semaphore, #tpu.memory_space<semaphore_mem>> -> memref<1x!tpu.dma_semaphore, #tpu.memory_space<semaphore_mem>>
    %dma_start3A_74 = tpu.memref_squeeze %dma_start3A_73 : memref<1x!tpu.dma_semaphore, #tpu.memory_space<semaphore_mem>> -> memref<!tpu.dma_semaphore, #tpu.memory_space<semaphore_mem>>
    %dma_start3A_75 = arith.constant 0 : i32
    %dma_start3A_76 = arith.constant 0 : i32
    %dma_start3A_77 = tpu.memref_slice %arg10[%dma_start3A_75, %dma_start3A_76] : memref<64x896xf32, #tpu.memory_space<vmem>> -> memref<64x128xf32, #tpu.memory_space<vmem>>
    %dma_start3A_78 = arith.constant 0 : i32
    %dma_start3A_79 = tpu.memref_slice %arg5[%dma_start3A_78, %multiple_of3A_66] : memref<64x1000000xf32, #tpu.memory_space<hbm>> -> memref<64x128xf32, #tpu.memory_space<hbm>>
    tpu.enqueue_dma source(%dma_start3A_79 : memref<64x128xf32, #tpu.memory_space<hbm>>) target(%dma_start3A_77 : memref<64x128xf32, #tpu.memory_space<vmem>>) target_semaphore(%dma_start3A_74 : memref<!tpu.dma_semaphore, #tpu.memory_space<semaphore_mem>>)
    %get3A_80 = arith.constant 1 : index
    %get3A_81 = tpu.vector_load %arg7[%get3A_80] {strides = array<i32>} : memref<528xi32, #tpu.memory_space<vmem>>, vector<16xi32>,
    %slice3A_82 = vector.extract_strided_slice %get3A_81 {offsets = [0], sizes = [1], strides = [1]} : vector<16xi32> to vector<1xi32>
    %squeeze3A_83 = vector.extract %slice3A_82[0] : i32 from vector<1xi32>
    %jit3A_84 = arith.constant 128 : i32
    %div3A_85 = arith.divsi %squeeze3A_83, %jit3A_84 : i32
    %sign3A_86 = arith.constant 0 : i32
    %sign3A_87 = arith.cmpi sgt, %squeeze3A_83, %sign3A_86 : i32
    %sign3A_88 = arith.extui %sign3A_87 : i1 to i32
    %sign3A_89 = arith.constant 0 : i32
    %sign3A_90 = arith.cmpi slt, %squeeze3A_83, %sign3A_89 : i32
    %sign3A_91 = arith.extui %sign3A_90 : i1 to i32
    %sign3A_92 = arith.subi %sign3A_88, %sign3A_91 : i32
    %sign3A_93 = arith.constant 0 : i32
    %sign3A_94 = arith.cmpi sgt, %jit3A_84, %sign3A_93 : i32
    %sign3A_95 = arith.extui %sign3A_94 : i1 to i32
    %sign3A_96 = arith.constant 0 : i32
    %sign3A_97 = arith.cmpi slt, %jit3A_84, %sign3A_96 : i32
    %sign3A_98 = arith.extui %sign3A_97 : i1 to i32
    %sign3A_99 = arith.subi %sign3A_95, %sign3A_98 : i32
    %ne3A_100 = arith.cmpi ne, %sign3A_92, %sign3A_99 : i32
    %rem3A_101 = arith.remsi %squeeze3A_83, %jit3A_84 : i32
    %ne3A_102 = arith.constant 0 : i32
    %ne3A_103 = arith.cmpi ne, %rem3A_101, %ne3A_102 : i32
    %and3A_104 = arith.andi %ne3A_100, %ne3A_103 : i1
    %sub3A_105 = arith.constant 1 : i32
    %sub3A_106 = arith.subi %div3A_85, %sub3A_105 : i32
    %select_n3A_107 = arith.select %and3A_104, %sub3A_106, %div3A_85 : i32
    %mul3A_108 = arith.constant 128 : i32
    %mul3A_109 = arith.muli %select_n3A_107, %mul3A_108 : i32
    %multiple_of3A_110 = tpu.assume_multiple %mul3A_109, 128 : i32
    %dma_start3A_111 = arith.constant 1 : i32
    %dma_start3A_112 = arith.constant 0 : i32
    %dma_start3A_113 = arith.constant 128 : i32
    %dma_start3A_114 = tpu.memref_slice %arg9[%dma_start3A_112, %dma_start3A_113] : memref<64x896xf32, #tpu.memory_space<vmem>> -> memref<64x128xf32, #tpu.memory_space<vmem>>
    %dma_start3A_115 = arith.constant 0 : i32
    %dma_start3A_116 = tpu.memref_slice %arg4[%dma_start3A_115, %multiple_of3A_110] : memref<64x1000000xf32, #tpu.memory_space<hbm>> -> memref<64x128xf32, #tpu.memory_space<hbm>>
    %dma_start3A_117 = tpu.memref_slice %arg12[%dma_start3A_111] : memref<14x!tpu.dma_semaphore, #tpu.memory_space<semaphore_mem>> -> memref<1x!tpu.dma_semaphore, #tpu.memory_space<semaphore_mem>>
    %dma_start3A_118 = tpu.memref_squeeze %dma_start3A_117 : memref<1x!tpu.dma_semaphore, #tpu.memory_space<semaphore_mem>> -> memref<!tpu.dma_semaphore, #tpu.memory_space<semaphore_mem>>
    %dma_start3A_119 = arith.constant 0 : i32
    %dma_start3A_120 = arith.constant 128 : i32
    %dma_start3A_121 = tpu.memref_slice %arg9[%dma_start3A_119, %dma_start3A_120] : memref<64x896xf32, #tpu.memory_space<vmem>> -> memref<64x128xf32, #tpu.memory_space<vmem>>
    %dma_start3A_122 = arith.constant 0 : i32
    %dma_start3A_123 = tpu.memref_slice %arg4[%dma_start3A_122, %multiple_of3A_110] : memref<64x1000000xf32, #tpu.memory_space<hbm>> -> memref<64x128xf32, #tpu.memory_space<hbm>>
    tpu.enqueue_dma source(%dma_start3A_123 : memref<64x128xf32, #tpu.memory_space<hbm>>) target(%dma_start3A_121 : memref<64x128xf32, #tpu.memory_space<vmem>>) target_semaphore(%dma_start3A_118 : memref<!tpu.dma_semaphore, #tpu.memory_space<semaphore_mem>>)
    %get3A_124 = arith.constant 1 : index
    %get3A_125 = tpu.vector_load %arg8[%get3A_124] {strides = array<i32>} : memref<528xi32, #tpu.memory_space<vmem>>, vector<16xi32>,
    %slice3A_126 = vector.extract_strided_slice %get3A_125 {offsets = [0], sizes = [1], strides = [1]} : vector<16xi32> to vector<1xi32>
    %squeeze3A_127 = vector.extract %slice3A_126[0] : i32 from vector<1xi32>
    %jit3A_128 = arith.constant 128 : i32
    %div3A_129 = arith.divsi %squeeze3A_127, %jit3A_128 : i32
    %sign3A_130 = arith.constant 0 : i32
    %sign3A_131 = arith.cmpi sgt, %squeeze3A_127, %sign3A_130 : i32
    %sign3A_132 = arith.extui %sign3A_131 : i1 to i32
    %sign3A_133 = arith.constant 0 : i32
    %sign3A_134 = arith.cmpi slt, %squeeze3A_127, %sign3A_133 : i32
    %sign3A_135 = arith.extui %sign3A_134 : i1 to i32
    %sign3A_136 = arith.subi %sign3A_132, %sign3A_135 : i32
    %sign3A_137 = arith.constant 0 : i32
    %sign3A_138 = arith.cmpi sgt, %jit3A_128, %sign3A_137 : i32
    %sign3A_139 = arith.extui %sign3A_138 : i1 to i32
    %sign3A_140 = arith.constant 0 : i32
    %sign3A_141 = arith.cmpi slt, %jit3A_128, %sign3A_140 : i32
    %sign3A_142 = arith.extui %sign3A_141 : i1 to i32
    %sign3A_143 = arith.subi %sign3A_139, %sign3A_142 : i32
    %ne3A_144 = arith.cmpi ne, %sign3A_136, %sign3A_143 : i32
    %rem3A_145 = arith.remsi %squeeze3A_127, %jit3A_128 : i32
    %ne3A_146 = arith.constant 0 : i32
    %ne3A_147 = arith.cmpi ne, %rem3A_145, %ne3A_146 : i32
    %and3A_148 = arith.andi %ne3A_144, %ne3A_147 : i1
    %sub3A_149 = arith.constant 1 : i32
    %sub3A_150 = arith.subi %div3A_129, %sub3A_149 : i32
    %select_n3A_151 = arith.select %and3A_148, %sub3A_150, %div3A_129 : i32
    %mul3A_152 = arith.constant 128 : i32
    %mul3A_153 = arith.muli %select_n3A_151, %mul3A_152 : i32
    %multiple_of3A_154 = tpu.assume_multiple %mul3A_153, 128 : i32
    %dma_start3A_155 = arith.constant 8 : i32
    %dma_start3A_156 = arith.constant 0 : i32
    %dma_start3A_157 = arith.constant 128 : i32
    %dma_start3A_158 = tpu.memref_slice %arg10[%dma_start3A_156, %dma_start3A_157] : memref<64x896xf32, #tpu.memory_space<vmem>> -> memref<64x128xf32, #tpu.memory_space<vmem>>
    %dma_start3A_159 = arith.constant 0 : i32
    %dma_start3A_160 = tpu.memref_slice %arg5[%dma_start3A_159, %multiple_of3A_154] : memref<64x1000000xf32, #tpu.memory_space<hbm>> -> memref<64x128xf32, #tpu.memory_space<hbm>>
    %dma_start3A_161 = tpu.memref_slice %arg12[%dma_start3A_155] : memref<14x!tpu.dma_semaphore, #tpu.memory_space<semaphore_mem>> -> memref<1x!tpu.dma_semaphore, #tpu.memory_space<semaphore_mem>>
    %dma_start3A_162 = tpu.memref_squeeze %dma_start3A_161 : memref<1x!tpu.dma_semaphore, #tpu.memory_space<semaphore_mem>> -> memref<!tpu.dma_semaphore, #tpu.memory_space<semaphore_mem>>
    %dma_start3A_163 = arith.constant 0 : i32
    %dma_start3A_164 = arith.constant 128 : i32
    %dma_start3A_165 = tpu.memref_slice %arg10[%dma_start3A_163, %dma_start3A_164] : memref<64x896xf32, #tpu.memory_space<vmem>> -> memref<64x128xf32, #tpu.memory_space<vmem>>
    %dma_start3A_166 = arith.constant 0 : i32
    %dma_start3A_167 = tpu.memref_slice %arg5[%dma_start3A_166, %multiple_of3A_154] : memref<64x1000000xf32, #tpu.memory_space<hbm>> -> memref<64x128xf32, #tpu.memory_space<hbm>>
    tpu.enqueue_dma source(%dma_start3A_167 : memref<64x128xf32, #tpu.memory_space<hbm>>) target(%dma_start3A_165 : memref<64x128xf32, #tpu.memory_space<vmem>>) target_semaphore(%dma_start3A_162 : memref<!tpu.dma_semaphore, #tpu.memory_space<semaphore_mem>>)
    %get3A_168 = arith.constant 2 : index
    %get3A_169 = tpu.vector_load %arg7[%get3A_168] {strides = array<i32>} : memref<528xi32, #tpu.memory_space<vmem>>, vector<16xi32>,
    %slice3A_170 = vector.extract_strided_slice %get3A_169 {offsets = [0], sizes = [1], strides = [1]} : vector<16xi32> to vector<1xi32>
    %squeeze3A_171 = vector.extract %slice3A_170[0] : i32 from vector<1xi32>
    %jit3A_172 = arith.constant 128 : i32
    %div3A_173 = arith.divsi %squeeze3A_171, %jit3A_172 : i32
    %sign3A_174 = arith.constant 0 : i32
    %sign3A_175 = arith.cmpi sgt, %squeeze3A_171, %sign3A_174 : i32
    %sign3A_176 = arith.extui %sign3A_175 : i1 to i32
    %sign3A_177 = arith.constant 0 : i32
    %sign3A_178 = arith.cmpi slt, %squeeze3A_171, %sign3A_177 : i32
    %sign3A_179 = arith.extui %sign3A_178 : i1 to i32
    %sign3A_180 = arith.subi %sign3A_176, %sign3A_179 : i32
    %sign3A_181 = arith.constant 0 : i32
    %sign3A_182 = arith.cmpi sgt, %jit3A_172, %sign3A_181 : i32
    %sign3A_183 = arith.extui %sign3A_182 : i1 to i32
    %sign3A_184 = arith.constant 0 : i32
    %sign3A_185 = arith.cmpi slt, %jit3A_172, %sign3A_184 : i32
    %sign3A_186 = arith.extui %sign3A_185 : i1 to i32
    %sign3A_187 = arith.subi %sign3A_183, %sign3A_186 : i32
    %ne3A_188 = arith.cmpi ne, %sign3A_180, %sign3A_187 : i32
    %rem3A_189 = arith.remsi %squeeze3A_171, %jit3A_172 : i32
    %ne3A_190 = arith.constant 0 : i32
    %ne3A_191 = arith.cmpi ne, %rem3A_189, %ne3A_190 : i32
    %and3A_192 = arith.andi %ne3A_188, %ne3A_191 : i1
    %sub3A_193 = arith.constant 1 : i32
    %sub3A_194 = arith.subi %div3A_173, %sub3A_193 : i32
    %select_n3A_195 = arith.select %and3A_192, %sub3A_194, %div3A_173 : i32
    %mul3A_196 = arith.constant 128 : i32
    %mul3A_197 = arith.muli %select_n3A_195, %mul3A_196 : i32
    %multiple_of3A_198 = tpu.assume_multiple %mul3A_197, 128 : i32
    %dma_start3A_199 = arith.constant 2 : i32
    %dma_start3A_200 = arith.constant 0 : i32
    %dma_start3A_201 = arith.constant 256 : i32
    %dma_start3A_202 = tpu.memref_slice %arg9[%dma_start3A_200, %dma_start3A_201] : memref<64x896xf32, #tpu.memory_space<vmem>> -> memref<64x128xf32, #tpu.memory_space<vmem>>
    %dma_start3A_203 = arith.constant 0 : i32
    %dma_start3A_204 = tpu.memref_slice %arg4[%dma_start3A_203, %multiple_of3A_198] : memref<64x1000000xf32, #tpu.memory_space<hbm>> -> memref<64x128xf32, #tpu.memory_space<hbm>>
    %dma_start3A_205 = tpu.memref_slice %arg12[%dma_start3A_199] : memref<14x!tpu.dma_semaphore, #tpu.memory_space<semaphore_mem>> -> memref<1x!tpu.dma_semaphore, #tpu.memory_space<semaphore_mem>>
    %dma_start3A_206 = tpu.memref_squeeze %dma_start3A_205 : memref<1x!tpu.dma_semaphore, #tpu.memory_space<semaphore_mem>> -> memref<!tpu.dma_semaphore, #tpu.memory_space<semaphore_mem>>
    %dma_start3A_207 = arith.constant 0 : i32
    %dma_start3A_208 = arith.constant 256 : i32
    %dma_start3A_209 = tpu.memref_slice %arg9[%dma_start3A_207, %dma_start3A_208] : memref<64x896xf32, #tpu.memory_space<vmem>> -> memref<64x128xf32, #tpu.memory_space<vmem>>
    %dma_start3A_210 = arith.constant 0 : i32
    %dma_start3A_211 = tpu.memref_slice %arg4[%dma_start3A_210, %multiple_of3A_198] : memref<64x1000000xf32, #tpu.memory_space<hbm>> -> memref<64x128xf32, #tpu.memory_space<hbm>>
    tpu.enqueue_dma source(%dma_start3A_211 : memref<64x128xf32, #tpu.memory_space<hbm>>) target(%dma_start3A_209 : memref<64x128xf32, #tpu.memory_space<vmem>>) target_semaphore(%dma_start3A_206 : memref<!tpu.dma_semaphore, #tpu.memory_space<semaphore_mem>>)
    %get3A_212 = arith.constant 2 : index
    %get3A_213 = tpu.vector_load %arg8[%get3A_212] {strides = array<i32>} : memref<528xi32, #tpu.memory_space<vmem>>, vector<16xi32>,
    %slice3A_214 = vector.extract_strided_slice %get3A_213 {offsets = [0], sizes = [1], strides = [1]} : vector<16xi32> to vector<1xi32>
    %squeeze3A_215 = vector.extract %slice3A_214[0] : i32 from vector<1xi32>
    %jit3A_216 = arith.constant 128 : i32
    %div3A_217 = arith.divsi %squeeze3A_215, %jit3A_216 : i32
    %sign3A_218 = arith.constant 0 : i32
    %sign3A_219 = arith.cmpi sgt, %squeeze3A_215, %sign3A_218 : i32
    %sign3A_220 = arith.extui %sign3A_219 : i1 to i32
    %sign3A_221 = arith.constant 0 : i32
    %sign3A_222 = arith.cmpi slt, %squeeze3A_215, %sign3A_221 : i32
    %sign3A_223 = arith.extui %sign3A_222 : i1 to i32
    %sign3A_224 = arith.subi %sign3A_220, %sign3A_223 : i32
    %sign3A_225 = arith.constant 0 : i32
    %sign3A_226 = arith.cmpi sgt, %jit3A_216, %sign3A_225 : i32
    %sign3A_227 = arith.extui %sign3A_226 : i1 to i32
    %sign3A_228 = arith.constant 0 : i32
    %sign3A_229 = arith.cmpi slt, %jit3A_216, %sign3A_228 : i32
    %sign3A_230 = arith.extui %sign3A_229 : i1 to i32
    %sign3A_231 = arith.subi %sign3A_227, %sign3A_230 : i32
    %ne3A_232 = arith.cmpi ne, %sign3A_224, %sign3A_231 : i32
    %rem3A_233 = arith.remsi %squeeze3A_215, %jit3A_216 : i32
    %ne3A_234 = arith.constant 0 : i32
    %ne3A_235 = arith.cmpi ne, %rem3A_233, %ne3A_234 : i32
    %and3A_236 = arith.andi %ne3A_232, %ne3A_235 : i1
    %sub3A_237 = arith.constant 1 : i32
    %sub3A_238 = arith.subi %div3A_217, %sub3A_237 : i32
    %select_n3A_239 = arith.select %and3A_236, %sub3A_238, %div3A_217 : i32
    %mul3A_240 = arith.constant 128 : i32
    %mul3A_241 = arith.muli %select_n3A_239, %mul3A_240 : i32
    %multiple_of3A_242 = tpu.assume_multiple %mul3A_241, 128 : i32
    %dma_start3A_243 = arith.constant 9 : i32
    %dma_start3A_244 = arith.constant 0 : i32
    %dma_start3A_245 = arith.constant 256 : i32
    %dma_start3A_246 = tpu.memref_slice %arg10[%dma_start3A_244, %dma_start3A_245] : memref<64x896xf32, #tpu.memory_space<vmem>> -> memref<64x128xf32, #tpu.memory_space<vmem>>
    %dma_start3A_247 = arith.constant 0 : i32
    %dma_start3A_248 = tpu.memref_slice %arg5[%dma_start3A_247, %multiple_of3A_242] : memref<64x1000000xf32, #tpu.memory_space<hbm>> -> memref<64x128xf32, #tpu.memory_space<hbm>>
    %dma_start3A_249 = tpu.memref_slice %arg12[%dma_start3A_243] : memref<14x!tpu.dma_semaphore, #tpu.memory_space<semaphore_mem>> -> memref<1x!tpu.dma_semaphore, #tpu.memory_space<semaphore_mem>>
    %dma_start3A_250 = tpu.memref_squeeze %dma_start3A_249 : memref<1x!tpu.dma_semaphore, #tpu.memory_space<semaphore_mem>> -> memref<!tpu.dma_semaphore, #tpu.memory_space<semaphore_mem>>
    %dma_start3A_251 = arith.constant 0 : i32
    %dma_start3A_252 = arith.constant 256 : i32
    %dma_start3A_253 = tpu.memref_slice %arg10[%dma_start3A_251, %dma_start3A_252] : memref<64x896xf32, #tpu.memory_space<vmem>> -> memref<64x128xf32, #tpu.memory_space<vmem>>
    %dma_start3A_254 = arith.constant 0 : i32
    %dma_start3A_255 = tpu.memref_slice %arg5[%dma_start3A_254, %multiple_of3A_242] : memref<64x1000000xf32, #tpu.memory_space<hbm>> -> memref<64x128xf32, #tpu.memory_space<hbm>>
    tpu.enqueue_dma source(%dma_start3A_255 : memref<64x128xf32, #tpu.memory_space<hbm>>) target(%dma_start3A_253 : memref<64x128xf32, #tpu.memory_space<vmem>>) target_semaphore(%dma_start3A_250 : memref<!tpu.dma_semaphore, #tpu.memory_space<semaphore_mem>>)
    %get3A_256 = arith.constant 3 : index
    %get3A_257 = tpu.vector_load %arg7[%get3A_256] {strides = array<i32>} : memref<528xi32, #tpu.memory_space<vmem>>, vector<16xi32>,
    %slice3A_258 = vector.extract_strided_slice %get3A_257 {offsets = [0], sizes = [1], strides = [1]} : vector<16xi32> to vector<1xi32>
    %squeeze3A_259 = vector.extract %slice3A_258[0] : i32 from vector<1xi32>
    %jit3A_260 = arith.constant 128 : i32
    %div3A_261 = arith.divsi %squeeze3A_259, %jit3A_260 : i32
    %sign3A_262 = arith.constant 0 : i32
    %sign3A_263 = arith.cmpi sgt, %squeeze3A_259, %sign3A_262 : i32
    %sign3A_264 = arith.extui %sign3A_263 : i1 to i32
    %sign3A_265 = arith.constant 0 : i32
    %sign3A_266 = arith.cmpi slt, %squeeze3A_259, %sign3A_265 : i32
    %sign3A_267 = arith.extui %sign3A_266 : i1 to i32
    %sign3A_268 = arith.subi %sign3A_264, %sign3A_267 : i32
    %sign3A_269 = arith.constant 0 : i32
    %sign3A_270 = arith.cmpi sgt, %jit3A_260, %sign3A_269 : i32
    %sign3A_271 = arith.extui %sign3A_270 : i1 to i32
    %sign3A_272 = arith.constant 0 : i32
    %sign3A_273 = arith.cmpi slt, %jit3A_260, %sign3A_272 : i32
    %sign3A_274 = arith.extui %sign3A_273 : i1 to i32
    %sign3A_275 = arith.subi %sign3A_271, %sign3A_274 : i32
    %ne3A_276 = arith.cmpi ne, %sign3A_268, %sign3A_275 : i32
    %rem3A_277 = arith.remsi %squeeze3A_259, %jit3A_260 : i32
    %ne3A_278 = arith.constant 0 : i32
    %ne3A_279 = arith.cmpi ne, %rem3A_277, %ne3A_278 : i32
    %and3A_280 = arith.andi %ne3A_276, %ne3A_279 : i1
    %sub3A_281 = arith.constant 1 : i32
    %sub3A_282 = arith.subi %div3A_261, %sub3A_281 : i32
    %select_n3A_283 = arith.select %and3A_280, %sub3A_282, %div3A_261 : i32
    %mul3A_284 = arith.constant 128 : i32
    %mul3A_285 = arith.muli %select_n3A_283, %mul3A_284 : i32
    %multiple_of3A_286 = tpu.assume_multiple %mul3A_285, 128 : i32
    %dma_start3A_287 = arith.constant 3 : i32
    %dma_start3A_288 = arith.constant 0 : i32
    %dma_start3A_289 = arith.constant 384 : i32
    %dma_start3A_290 = tpu.memref_slice %arg9[%dma_start3A_288, %dma_start3A_289] : memref<64x896xf32, #tpu.memory_space<vmem>> -> memref<64x128xf32, #tpu.memory_space<vmem>>
    %dma_start3A_291 = arith.constant 0 : i32
    %dma_start3A_292 = tpu.memref_slice %arg4[%dma_start3A_291, %multiple_of3A_286] : memref<64x1000000xf32, #tpu.memory_space<hbm>> -> memref<64x128xf32, #tpu.memory_space<hbm>>
    %dma_start3A_293 = tpu.memref_slice %arg12[%dma_start3A_287] : memref<14x!tpu.dma_semaphore, #tpu.memory_space<semaphore_mem>> -> memref<1x!tpu.dma_semaphore, #tpu.memory_space<semaphore_mem>>
    %dma_start3A_294 = tpu.memref_squeeze %dma_start3A_293 : memref<1x!tpu.dma_semaphore, #tpu.memory_space<semaphore_mem>> -> memref<!tpu.dma_semaphore, #tpu.memory_space<semaphore_mem>>
    %dma_start3A_295 = arith.constant 0 : i32
    %dma_start3A_296 = arith.constant 384 : i32
    %dma_start3A_297 = tpu.memref_slice %arg9[%dma_start3A_295, %dma_start3A_296] : memref<64x896xf32, #tpu.memory_space<vmem>> -> memref<64x128xf32, #tpu.memory_space<vmem>>
    %dma_start3A_298 = arith.constant 0 : i32
    %dma_start3A_299 = tpu.memref_slice %arg4[%dma_start3A_298, %multiple_of3A_286] : memref<64x1000000xf32, #tpu.memory_space<hbm>> -> memref<64x128xf32, #tpu.memory_space<hbm>>
    tpu.enqueue_dma source(%dma_start3A_299 : memref<64x128xf32, #tpu.memory_space<hbm>>) target(%dma_start3A_297 : memref<64x128xf32, #tpu.memory_space<vmem>>) target_semaphore(%dma_start3A_294 : memref<!tpu.dma_semaphore, #tpu.memory_space<semaphore_mem>>)
    %get3A_300 = arith.constant 3 : index
    %get3A_301 = tpu.vector_load %arg8[%get3A_300] {strides = array<i32>} : memref<528xi32, #tpu.memory_space<vmem>>, vector<16xi32>,
    %slice3A_302 = vector.extract_strided_slice %get3A_301 {offsets = [0], sizes = [1], strides = [1]} : vector<16xi32> to vector<1xi32>
    %squeeze3A_303 = vector.extract %slice3A_302[0] : i32 from vector<1xi32>
    %jit3A_304 = arith.constant 128 : i32
    %div3A_305 = arith.divsi %squeeze3A_303, %jit3A_304 : i32
    %sign3A_306 = arith.constant 0 : i32
    %sign3A_307 = arith.cmpi sgt, %squeeze3A_303, %sign3A_306 : i32
    %sign3A_308 = arith.extui %sign3A_307 : i1 to i32
    %sign3A_309 = arith.constant 0 : i32
    %sign3A_310 = arith.cmpi slt, %squeeze3A_303, %sign3A_309 : i32
    %sign3A_311 = arith.extui %sign3A_310 : i1 to i32
    %sign3A_312 = arith.subi %sign3A_308, %sign3A_311 : i32
    %sign3A_313 = arith.constant 0 : i32
    %sign3A_314 = arith.cmpi sgt, %jit3A_304, %sign3A_313 : i32
    %sign3A_315 = arith.extui %sign3A_314 : i1 to i32
    %sign3A_316 = arith.constant 0 : i32
    %sign3A_317 = arith.cmpi slt, %jit3A_304, %sign3A_316 : i32
    %sign3A_318 = arith.extui %sign3A_317 : i1 to i32
    %sign3A_319 = arith.subi %sign3A_315, %sign3A_318 : i32
    %ne3A_320 = arith.cmpi ne, %sign3A_312, %sign3A_319 : i32
    %rem3A_321 = arith.remsi %squeeze3A_303, %jit3A_304 : i32
    %ne3A_322 = arith.constant 0 : i32
    %ne3A_323 = arith.cmpi ne, %rem3A_321, %ne3A_322 : i32
    %and3A_324 = arith.andi %ne3A_320, %ne3A_323 : i1
    %sub3A_325 = arith.constant 1 : i32
    %sub3A_326 = arith.subi %div3A_305, %sub3A_325 : i32
    %select_n3A_327 = arith.select %and3A_324, %sub3A_326, %div3A_305 : i32
    %mul3A_328 = arith.constant 128 : i32
    %mul3A_329 = arith.muli %select_n3A_327, %mul3A_328 : i32
    %multiple_of3A_330 = tpu.assume_multiple %mul3A_329, 128 : i32
    %dma_start3A_331 = arith.constant 10 : i32
    %dma_start3A_332 = arith.constant 0 : i32
    %dma_start3A_333 = arith.constant 384 : i32
    %dma_start3A_334 = tpu.memref_slice %arg10[%dma_start3A_332, %dma_start3A_333] : memref<64x896xf32, #tpu.memory_space<vmem>> -> memref<64x128xf32, #tpu.memory_space<vmem>>
    %dma_start3A_335 = arith.constant 0 : i32
    %dma_start3A_336 = tpu.memref_slice %arg5[%dma_start3A_335, %multiple_of3A_330] : memref<64x1000000xf32, #tpu.memory_space<hbm>> -> memref<64x128xf32, #tpu.memory_space<hbm>>
    %dma_start3A_337 = tpu.memref_slice %arg12[%dma_start3A_331] : memref<14x!tpu.dma_semaphore, #tpu.memory_space<semaphore_mem>> -> memref<1x!tpu.dma_semaphore, #tpu.memory_space<semaphore_mem>>
    %dma_start3A_338 = tpu.memref_squeeze %dma_start3A_337 : memref<1x!tpu.dma_semaphore, #tpu.memory_space<semaphore_mem>> -> memref<!tpu.dma_semaphore, #tpu.memory_space<semaphore_mem>>
    %dma_start3A_339 = arith.constant 0 : i32
    %dma_start3A_340 = arith.constant 384 : i32
    %dma_start3A_341 = tpu.memref_slice %arg10[%dma_start3A_339, %dma_start3A_340] : memref<64x896xf32, #tpu.memory_space<vmem>> -> memref<64x128xf32, #tpu.memory_space<vmem>>
    %dma_start3A_342 = arith.constant 0 : i32
    %dma_start3A_343 = tpu.memref_slice %arg5[%dma_start3A_342, %multiple_of3A_330] : memref<64x1000000xf32, #tpu.memory_space<hbm>> -> memref<64x128xf32, #tpu.memory_space<hbm>>
    tpu.enqueue_dma source(%dma_start3A_343 : memref<64x128xf32, #tpu.memory_space<hbm>>) target(%dma_start3A_341 : memref<64x128xf32, #tpu.memory_space<vmem>>) target_semaphore(%dma_start3A_338 : memref<!tpu.dma_semaphore, #tpu.memory_space<semaphore_mem>>)
    %get3A_344 = arith.constant 4 : index
    %get3A_345 = tpu.vector_load %arg7[%get3A_344] {strides = array<i32>} : memref<528xi32, #tpu.memory_space<vmem>>, vector<16xi32>,
    %slice3A_346 = vector.extract_strided_slice %get3A_345 {offsets = [0], sizes = [1], strides = [1]} : vector<16xi32> to vector<1xi32>
    %squeeze3A_347 = vector.extract %slice3A_346[0] : i32 from vector<1xi32>
    %jit3A_348 = arith.constant 128 : i32
    %div3A_349 = arith.divsi %squeeze3A_347, %jit3A_348 : i32
    %sign3A_350 = arith.constant 0 : i32
    %sign3A_351 = arith.cmpi sgt, %squeeze3A_347, %sign3A_350 : i32
    %sign3A_352 = arith.extui %sign3A_351 : i1 to i32
    %sign3A_353 = arith.constant 0 : i32
    %sign3A_354 = arith.cmpi slt, %squeeze3A_347, %sign3A_353 : i32
    %sign3A_355 = arith.extui %sign3A_354 : i1 to i32
    %sign3A_356 = arith.subi %sign3A_352, %sign3A_355 : i32
    %sign3A_357 = arith.constant 0 : i32
    %sign3A_358 = arith.cmpi sgt, %jit3A_348, %sign3A_357 : i32
    %sign3A_359 = arith.extui %sign3A_358 : i1 to i32
    %sign3A_360 = arith.constant 0 : i32
    %sign3A_361 = arith.cmpi slt, %jit3A_348, %sign3A_360 : i32
    %sign3A_362 = arith.extui %sign3A_361 : i1 to i32
    %sign3A_363 = arith.subi %sign3A_359, %sign3A_362 : i32
    %ne3A_364 = arith.cmpi ne, %sign3A_356, %sign3A_363 : i32
    %rem3A_365 = arith.remsi %squeeze3A_347, %jit3A_348 : i32
    %ne3A_366 = arith.constant 0 : i32
    %ne3A_367 = arith.cmpi ne, %rem3A_365, %ne3A_366 : i32
    %and3A_368 = arith.andi %ne3A_364, %ne3A_367 : i1
    %sub3A_369 = arith.constant 1 : i32
    %sub3A_370 = arith.subi %div3A_349, %sub3A_369 : i32
    %select_n3A_371 = arith.select %and3A_368, %sub3A_370, %div3A_349 : i32
    %mul3A_372 = arith.constant 128 : i32
    %mul3A_373 = arith.muli %select_n3A_371, %mul3A_372 : i32
    %multiple_of3A_374 = tpu.assume_multiple %mul3A_373, 128 : i32
    %dma_start3A_375 = arith.constant 4 : i32
    %dma_start3A_376 = arith.constant 0 : i32
    %dma_start3A_377 = arith.constant 512 : i32
    %dma_start3A_378 = tpu.memref_slice %arg9[%dma_start3A_376, %dma_start3A_377] : memref<64x896xf32, #tpu.memory_space<vmem>> -> memref<64x128xf32, #tpu.memory_space<vmem>>
    %dma_start3A_379 = arith.constant 0 : i32
    %dma_start3A_380 = tpu.memref_slice %arg4[%dma_start3A_379, %multiple_of3A_374] : memref<64x1000000xf32, #tpu.memory_space<hbm>> -> memref<64x128xf32, #tpu.memory_space<hbm>>
    %dma_start3A_381 = tpu.memref_slice %arg12[%dma_start3A_375] : memref<14x!tpu.dma_semaphore, #tpu.memory_space<semaphore_mem>> -> memref<1x!tpu.dma_semaphore, #tpu.memory_space<semaphore_mem>>
    %dma_start3A_382 = tpu.memref_squeeze %dma_start3A_381 : memref<1x!tpu.dma_semaphore, #tpu.memory_space<semaphore_mem>> -> memref<!tpu.dma_semaphore, #tpu.memory_space<semaphore_mem>>
    %dma_start3A_383 = arith.constant 0 : i32
    %dma_start3A_384 = arith.constant 512 : i32
    %dma_start3A_385 = tpu.memref_slice %arg9[%dma_start3A_383, %dma_start3A_384] : memref<64x896xf32, #tpu.memory_space<vmem>> -> memref<64x128xf32, #tpu.memory_space<vmem>>
    %dma_start3A_386 = arith.constant 0 : i32
    %dma_start3A_387 = tpu.memref_slice %arg4[%dma_start3A_386, %multiple_of3A_374] : memref<64x1000000xf32, #tpu.memory_space<hbm>> -> memref<64x128xf32, #tpu.memory_space<hbm>>
    tpu.enqueue_dma source(%dma_start3A_387 : memref<64x128xf32, #tpu.memory_space<hbm>>) target(%dma_start3A_385 : memref<64x128xf32, #tpu.memory_space<vmem>>) target_semaphore(%dma_start3A_382 : memref<!tpu.dma_semaphore, #tpu.memory_space<semaphore_mem>>)
    %get3A_388 = arith.constant 4 : index
    %get3A_389 = tpu.vector_load %arg8[%get3A_388] {strides = array<i32>} : memref<528xi32, #tpu.memory_space<vmem>>, vector<16xi32>,
    %slice3A_390 = vector.extract_strided_slice %get3A_389 {offsets = [0], sizes = [1], strides = [1]} : vector<16xi32> to vector<1xi32>
    %squeeze3A_391 = vector.extract %slice3A_390[0] : i32 from vector<1xi32>
    %jit3A_392 = arith.constant 128 : i32
    %div3A_393 = arith.divsi %squeeze3A_391, %jit3A_392 : i32
    %sign3A_394 = arith.constant 0 : i32
    %sign3A_395 = arith.cmpi sgt, %squeeze3A_391, %sign3A_394 : i32
    %sign3A_396 = arith.extui %sign3A_395 : i1 to i32
    %sign3A_397 = arith.constant 0 : i32
    %sign3A_398 = arith.cmpi slt, %squeeze3A_391, %sign3A_397 : i32
    %sign3A_399 = arith.extui %sign3A_398 : i1 to i32
    %sign3A_400 = arith.subi %sign3A_396, %sign3A_399 : i32
    %sign3A_401 = arith.constant 0 : i32
    %sign3A_402 = arith.cmpi sgt, %jit3A_392, %sign3A_401 : i32
    %sign3A_403 = arith.extui %sign3A_402 : i1 to i32
    %sign3A_404 = arith.constant 0 : i32
    %sign3A_405 = arith.cmpi slt, %jit3A_392, %sign3A_404 : i32
    %sign3A_406 = arith.extui %sign3A_405 : i1 to i32
    %sign3A_407 = arith.subi %sign3A_403, %sign3A_406 : i32
    %ne3A_408 = arith.cmpi ne, %sign3A_400, %sign3A_407 : i32
    %rem3A_409 = arith.remsi %squeeze3A_391, %jit3A_392 : i32
    %ne3A_410 = arith.constant 0 : i32
    %ne3A_411 = arith.cmpi ne, %rem3A_409, %ne3A_410 : i32
    %and3A_412 = arith.andi %ne3A_408, %ne3A_411 : i1
    %sub3A_413 = arith.constant 1 : i32
    %sub3A_414 = arith.subi %div3A_393, %sub3A_413 : i32
    %select_n3A_415 = arith.select %and3A_412, %sub3A_414, %div3A_393 : i32
    %mul3A_416 = arith.constant 128 : i32
    %mul3A_417 = arith.muli %select_n3A_415, %mul3A_416 : i32
    %multiple_of3A_418 = tpu.assume_multiple %mul3A_417, 128 : i32
    %dma_start3A_419 = arith.constant 11 : i32
    %dma_start3A_420 = arith.constant 0 : i32
    %dma_start3A_421 = arith.constant 512 : i32
    %dma_start3A_422 = tpu.memref_slice %arg10[%dma_start3A_420, %dma_start3A_421] : memref<64x896xf32, #tpu.memory_space<vmem>> -> memref<64x128xf32, #tpu.memory_space<vmem>>
    %dma_start3A_423 = arith.constant 0 : i32
    %dma_start3A_424 = tpu.memref_slice %arg5[%dma_start3A_423, %multiple_of3A_418] : memref<64x1000000xf32, #tpu.memory_space<hbm>> -> memref<64x128xf32, #tpu.memory_space<hbm>>
    %dma_start3A_425 = tpu.memref_slice %arg12[%dma_start3A_419] : memref<14x!tpu.dma_semaphore, #tpu.memory_space<semaphore_mem>> -> memref<1x!tpu.dma_semaphore, #tpu.memory_space<semaphore_mem>>
    %dma_start3A_426 = tpu.memref_squeeze %dma_start3A_425 : memref<1x!tpu.dma_semaphore, #tpu.memory_space<semaphore_mem>> -> memref<!tpu.dma_semaphore, #tpu.memory_space<semaphore_mem>>
    %dma_start3A_427 = arith.constant 0 : i32
    %dma_start3A_428 = arith.constant 512 : i32
    %dma_start3A_429 = tpu.memref_slice %arg10[%dma_start3A_427, %dma_start3A_428] : memref<64x896xf32, #tpu.memory_space<vmem>> -> memref<64x128xf32, #tpu.memory_space<vmem>>
    %dma_start3A_430 = arith.constant 0 : i32
    %dma_start3A_431 = tpu.memref_slice %arg5[%dma_start3A_430, %multiple_of3A_418] : memref<64x1000000xf32, #tpu.memory_space<hbm>> -> memref<64x128xf32, #tpu.memory_space<hbm>>
    tpu.enqueue_dma source(%dma_start3A_431 : memref<64x128xf32, #tpu.memory_space<hbm>>) target(%dma_start3A_429 : memref<64x128xf32, #tpu.memory_space<vmem>>) target_semaphore(%dma_start3A_426 : memref<!tpu.dma_semaphore, #tpu.memory_space<semaphore_mem>>)
    %get3A_432 = arith.constant 5 : index
    %get3A_433 = tpu.vector_load %arg7[%get3A_432] {strides = array<i32>} : memref<528xi32, #tpu.memory_space<vmem>>, vector<16xi32>,
    %slice3A_434 = vector.extract_strided_slice %get3A_433 {offsets = [0], sizes = [1], strides = [1]} : vector<16xi32> to vector<1xi32>
    %squeeze3A_435 = vector.extract %slice3A_434[0] : i32 from vector<1xi32>
    %jit3A_436 = arith.constant 128 : i32
    %div3A_437 = arith.divsi %squeeze3A_435, %jit3A_436 : i32
    %sign3A_438 = arith.constant 0 : i32
    %sign3A_439 = arith.cmpi sgt, %squeeze3A_435, %sign3A_438 : i32
    %sign3A_440 = arith.extui %sign3A_439 : i1 to i32
    %sign3A_441 = arith.constant 0 : i32
    %sign3A_442 = arith.cmpi slt, %squeeze3A_435, %sign3A_441 : i32
    %sign3A_443 = arith.extui %sign3A_442 : i1 to i32
    %sign3A_444 = arith.subi %sign3A_440, %sign3A_443 : i32
    %sign3A_445 = arith.constant 0 : i32
    %sign3A_446 = arith.cmpi sgt, %jit3A_436, %sign3A_445 : i32
    %sign3A_447 = arith.extui %sign3A_446 : i1 to i32
    %sign3A_448 = arith.constant 0 : i32
    %sign3A_449 = arith.cmpi slt, %jit3A_436, %sign3A_448 : i32
    %sign3A_450 = arith.extui %sign3A_449 : i1 to i32
    %sign3A_451 = arith.subi %sign3A_447, %sign3A_450 : i32
    %ne3A_452 = arith.cmpi ne, %sign3A_444, %sign3A_451 : i32
    %rem3A_453 = arith.remsi %squeeze3A_435, %jit3A_436 : i32
    %ne3A_454 = arith.constant 0 : i32
    %ne3A_455 = arith.cmpi ne, %rem3A_453, %ne3A_454 : i32
    %and3A_456 = arith.andi %ne3A_452, %ne3A_455 : i1
    %sub3A_457 = arith.constant 1 : i32
    %sub3A_458 = arith.subi %div3A_437, %sub3A_457 : i32
    %select_n3A_459 = arith.select %and3A_456, %sub3A_458, %div3A_437 : i32
    %mul3A_460 = arith.constant 128 : i32
    %mul3A_461 = arith.muli %select_n3A_459, %mul3A_460 : i32
    %multiple_of3A_462 = tpu.assume_multiple %mul3A_461, 128 : i32
    %dma_start3A_463 = arith.constant 5 : i32
    %dma_start3A_464 = arith.constant 0 : i32
    %dma_start3A_465 = arith.constant 640 : i32
    %dma_start3A_466 = tpu.memref_slice %arg9[%dma_start3A_464, %dma_start3A_465] : memref<64x896xf32, #tpu.memory_space<vmem>> -> memref<64x128xf32, #tpu.memory_space<vmem>>
    %dma_start3A_467 = arith.constant 0 : i32
    %dma_start3A_468 = tpu.memref_slice %arg4[%dma_start3A_467, %multiple_of3A_462] : memref<64x1000000xf32, #tpu.memory_space<hbm>> -> memref<64x128xf32, #tpu.memory_space<hbm>>
    %dma_start3A_469 = tpu.memref_slice %arg12[%dma_start3A_463] : memref<14x!tpu.dma_semaphore, #tpu.memory_space<semaphore_mem>> -> memref<1x!tpu.dma_semaphore, #tpu.memory_space<semaphore_mem>>
    %dma_start3A_470 = tpu.memref_squeeze %dma_start3A_469 : memref<1x!tpu.dma_semaphore, #tpu.memory_space<semaphore_mem>> -> memref<!tpu.dma_semaphore, #tpu.memory_space<semaphore_mem>>
    %dma_start3A_471 = arith.constant 0 : i32
    %dma_start3A_472 = arith.constant 640 : i32
    %dma_start3A_473 = tpu.memref_slice %arg9[%dma_start3A_471, %dma_start3A_472] : memref<64x896xf32, #tpu.memory_space<vmem>> -> memref<64x128xf32, #tpu.memory_space<vmem>>
    %dma_start3A_474 = arith.constant 0 : i32
    %dma_start3A_475 = tpu.memref_slice %arg4[%dma_start3A_474, %multiple_of3A_462] : memref<64x1000000xf32, #tpu.memory_space<hbm>> -> memref<64x128xf32, #tpu.memory_space<hbm>>
    tpu.enqueue_dma source(%dma_start3A_475 : memref<64x128xf32, #tpu.memory_space<hbm>>) target(%dma_start3A_473 : memref<64x128xf32, #tpu.memory_space<vmem>>) target_semaphore(%dma_start3A_470 : memref<!tpu.dma_semaphore, #tpu.memory_space<semaphore_mem>>)
    %get3A_476 = arith.constant 5 : index
    %get3A_477 = tpu.vector_load %arg8[%get3A_476] {strides = array<i32>} : memref<528xi32, #tpu.memory_space<vmem>>, vector<16xi32>,
    %slice3A_478 = vector.extract_strided_slice %get3A_477 {offsets = [0], sizes = [1], strides = [1]} : vector<16xi32> to vector<1xi32>
    %squeeze3A_479 = vector.extract %slice3A_478[0] : i32 from vector<1xi32>
    %jit3A_480 = arith.constant 128 : i32
    %div3A_481 = arith.divsi %squeeze3A_479, %jit3A_480 : i32
    %sign3A_482 = arith.constant 0 : i32
    %sign3A_483 = arith.cmpi sgt, %squeeze3A_479, %sign3A_482 : i32
    %sign3A_484 = arith.extui %sign3A_483 : i1 to i32
    %sign3A_485 = arith.constant 0 : i32
    %sign3A_486 = arith.cmpi slt, %squeeze3A_479, %sign3A_485 : i32
    %sign3A_487 = arith.extui %sign3A_486 : i1 to i32
    %sign3A_488 = arith.subi %sign3A_484, %sign3A_487 : i32
    %sign3A_489 = arith.constant 0 : i32
    %sign3A_490 = arith.cmpi sgt, %jit3A_480, %sign3A_489 : i32
    %sign3A_491 = arith.extui %sign3A_490 : i1 to i32
    %sign3A_492 = arith.constant 0 : i32
    %sign3A_493 = arith.cmpi slt, %jit3A_480, %sign3A_492 : i32
    %sign3A_494 = arith.extui %sign3A_493 : i1 to i32
    %sign3A_495 = arith.subi %sign3A_491, %sign3A_494 : i32
    %ne3A_496 = arith.cmpi ne, %sign3A_488, %sign3A_495 : i32
    %rem3A_497 = arith.remsi %squeeze3A_479, %jit3A_480 : i32
    %ne3A_498 = arith.constant 0 : i32
    %ne3A_499 = arith.cmpi ne, %rem3A_497, %ne3A_498 : i32
    %and3A_500 = arith.andi %ne3A_496, %ne3A_499 : i1
    %sub3A_501 = arith.constant 1 : i32
    %sub3A_502 = arith.subi %div3A_481, %sub3A_501 : i32
    %select_n3A_503 = arith.select %and3A_500, %sub3A_502, %div3A_481 : i32
    %mul3A_504 = arith.constant 128 : i32
    %mul3A_505 = arith.muli %select_n3A_503, %mul3A_504 : i32
    %multiple_of3A_506 = tpu.assume_multiple %mul3A_505, 128 : i32
    %dma_start3A_507 = arith.constant 12 : i32
    %dma_start3A_508 = arith.constant 0 : i32
    %dma_start3A_509 = arith.constant 640 : i32
    %dma_start3A_510 = tpu.memref_slice %arg10[%dma_start3A_508, %dma_start3A_509] : memref<64x896xf32, #tpu.memory_space<vmem>> -> memref<64x128xf32, #tpu.memory_space<vmem>>
    %dma_start3A_511 = arith.constant 0 : i32
    %dma_start3A_512 = tpu.memref_slice %arg5[%dma_start3A_511, %multiple_of3A_506] : memref<64x1000000xf32, #tpu.memory_space<hbm>> -> memref<64x128xf32, #tpu.memory_space<hbm>>
    %dma_start3A_513 = tpu.memref_slice %arg12[%dma_start3A_507] : memref<14x!tpu.dma_semaphore, #tpu.memory_space<semaphore_mem>> -> memref<1x!tpu.dma_semaphore, #tpu.memory_space<semaphore_mem>>
    %dma_start3A_514 = tpu.memref_squeeze %dma_start3A_513 : memref<1x!tpu.dma_semaphore, #tpu.memory_space<semaphore_mem>> -> memref<!tpu.dma_semaphore, #tpu.memory_space<semaphore_mem>>
    %dma_start3A_515 = arith.constant 0 : i32
    %dma_start3A_516 = arith.constant 640 : i32
    %dma_start3A_517 = tpu.memref_slice %arg10[%dma_start3A_515, %dma_start3A_516] : memref<64x896xf32, #tpu.memory_space<vmem>> -> memref<64x128xf32, #tpu.memory_space<vmem>>
    %dma_start3A_518 = arith.constant 0 : i32
    %dma_start3A_519 = tpu.memref_slice %arg5[%dma_start3A_518, %multiple_of3A_506] : memref<64x1000000xf32, #tpu.memory_space<hbm>> -> memref<64x128xf32, #tpu.memory_space<hbm>>
    tpu.enqueue_dma source(%dma_start3A_519 : memref<64x128xf32, #tpu.memory_space<hbm>>) target(%dma_start3A_517 : memref<64x128xf32, #tpu.memory_space<vmem>>) target_semaphore(%dma_start3A_514 : memref<!tpu.dma_semaphore, #tpu.memory_space<semaphore_mem>>)
    %get3A_520 = arith.constant 6 : index
    %get3A_521 = tpu.vector_load %arg7[%get3A_520] {strides = array<i32>} : memref<528xi32, #tpu.memory_space<vmem>>, vector<16xi32>,
    %slice3A_522 = vector.extract_strided_slice %get3A_521 {offsets = [0], sizes = [1], strides = [1]} : vector<16xi32> to vector<1xi32>
    %squeeze3A_523 = vector.extract %slice3A_522[0] : i32 from vector<1xi32>
    %jit3A_524 = arith.constant 128 : i32
    %div3A_525 = arith.divsi %squeeze3A_523, %jit3A_524 : i32
    %sign3A_526 = arith.constant 0 : i32
    %sign3A_527 = arith.cmpi sgt, %squeeze3A_523, %sign3A_526 : i32
    %sign3A_528 = arith.extui %sign3A_527 : i1 to i32
    %sign3A_529 = arith.constant 0 : i32
    %sign3A_530 = arith.cmpi slt, %squeeze3A_523, %sign3A_529 : i32
    %sign3A_531 = arith.extui %sign3A_530 : i1 to i32
    %sign3A_532 = arith.subi %sign3A_528, %sign3A_531 : i32
    %sign3A_533 = arith.constant 0 : i32
    %sign3A_534 = arith.cmpi sgt, %jit3A_524, %sign3A_533 : i32
    %sign3A_535 = arith.extui %sign3A_534 : i1 to i32
    %sign3A_536 = arith.constant 0 : i32
    %sign3A_537 = arith.cmpi slt, %jit3A_524, %sign3A_536 : i32
    %sign3A_538 = arith.extui %sign3A_537 : i1 to i32
    %sign3A_539 = arith.subi %sign3A_535, %sign3A_538 : i32
    %ne3A_540 = arith.cmpi ne, %sign3A_532, %sign3A_539 : i32
    %rem3A_541 = arith.remsi %squeeze3A_523, %jit3A_524 : i32
    %ne3A_542 = arith.constant 0 : i32
    %ne3A_543 = arith.cmpi ne, %rem3A_541, %ne3A_542 : i32
    %and3A_544 = arith.andi %ne3A_540, %ne3A_543 : i1
    %sub3A_545 = arith.constant 1 : i32
    %sub3A_546 = arith.subi %div3A_525, %sub3A_545 : i32
    %select_n3A_547 = arith.select %and3A_544, %sub3A_546, %div3A_525 : i32
    %mul3A_548 = arith.constant 128 : i32
    %mul3A_549 = arith.muli %select_n3A_547, %mul3A_548 : i32
    %multiple_of3A_550 = tpu.assume_multiple %mul3A_549, 128 : i32
    %dma_start3A_551 = arith.constant 6 : i32
    %dma_start3A_552 = arith.constant 0 : i32
    %dma_start3A_553 = arith.constant 768 : i32
    %dma_start3A_554 = tpu.memref_slice %arg9[%dma_start3A_552, %dma_start3A_553] : memref<64x896xf32, #tpu.memory_space<vmem>> -> memref<64x128xf32, #tpu.memory_space<vmem>>
    %dma_start3A_555 = arith.constant 0 : i32
    %dma_start3A_556 = tpu.memref_slice %arg4[%dma_start3A_555, %multiple_of3A_550] : memref<64x1000000xf32, #tpu.memory_space<hbm>> -> memref<64x128xf32, #tpu.memory_space<hbm>>
    %dma_start3A_557 = tpu.memref_slice %arg12[%dma_start3A_551] : memref<14x!tpu.dma_semaphore, #tpu.memory_space<semaphore_mem>> -> memref<1x!tpu.dma_semaphore, #tpu.memory_space<semaphore_mem>>
    %dma_start3A_558 = tpu.memref_squeeze %dma_start3A_557 : memref<1x!tpu.dma_semaphore, #tpu.memory_space<semaphore_mem>> -> memref<!tpu.dma_semaphore, #tpu.memory_space<semaphore_mem>>
    %dma_start3A_559 = arith.constant 0 : i32
    %dma_start3A_560 = arith.constant 768 : i32
    %dma_start3A_561 = tpu.memref_slice %arg9[%dma_start3A_559, %dma_start3A_560] : memref<64x896xf32, #tpu.memory_space<vmem>> -> memref<64x128xf32, #tpu.memory_space<vmem>>
    %dma_start3A_562 = arith.constant 0 : i32
    %dma_start3A_563 = tpu.memref_slice %arg4[%dma_start3A_562, %multiple_of3A_550] : memref<64x1000000xf32, #tpu.memory_space<hbm>> -> memref<64x128xf32, #tpu.memory_space<hbm>>
    tpu.enqueue_dma source(%dma_start3A_563 : memref<64x128xf32, #tpu.memory_space<hbm>>) target(%dma_start3A_561 : memref<64x128xf32, #tpu.memory_space<vmem>>) target_semaphore(%dma_start3A_558 : memref<!tpu.dma_semaphore, #tpu.memory_space<semaphore_mem>>)
    %get3A_564 = arith.constant 6 : index
    %get3A_565 = tpu.vector_load %arg8[%get3A_564] {strides = array<i32>} : memref<528xi32, #tpu.memory_space<vmem>>, vector<16xi32>,
    %slice3A_566 = vector.extract_strided_slice %get3A_565 {offsets = [0], sizes = [1], strides = [1]} : vector<16xi32> to vector<1xi32>
    %squeeze3A_567 = vector.extract %slice3A_566[0] : i32 from vector<1xi32>
    %jit3A_568 = arith.constant 128 : i32
    %div3A_569 = arith.divsi %squeeze3A_567, %jit3A_568 : i32
    %sign3A_570 = arith.constant 0 : i32
    %sign3A_571 = arith.cmpi sgt, %squeeze3A_567, %sign3A_570 : i32
    %sign3A_572 = arith.extui %sign3A_571 : i1 to i32
    %sign3A_573 = arith.constant 0 : i32
    %sign3A_574 = arith.cmpi slt, %squeeze3A_567, %sign3A_573 : i32
    %sign3A_575 = arith.extui %sign3A_574 : i1 to i32
    %sign3A_576 = arith.subi %sign3A_572, %sign3A_575 : i32
    %sign3A_577 = arith.constant 0 : i32
    %sign3A_578 = arith.cmpi sgt, %jit3A_568, %sign3A_577 : i32
    %sign3A_579 = arith.extui %sign3A_578 : i1 to i32
    %sign3A_580 = arith.constant 0 : i32
    %sign3A_581 = arith.cmpi slt, %jit3A_568, %sign3A_580 : i32
    %sign3A_582 = arith.extui %sign3A_581 : i1 to i32
    %sign3A_583 = arith.subi %sign3A_579, %sign3A_582 : i32
    %ne3A_584 = arith.cmpi ne, %sign3A_576, %sign3A_583 : i32
    %rem3A_585 = arith.remsi %squeeze3A_567, %jit3A_568 : i32
    %ne3A_586 = arith.constant 0 : i32
    %ne3A_587 = arith.cmpi ne, %rem3A_585, %ne3A_586 : i32
    %and3A_588 = arith.andi %ne3A_584, %ne3A_587 : i1
    %sub3A_589 = arith.constant 1 : i32
    %sub3A_590 = arith.subi %div3A_569, %sub3A_589 : i32
    %select_n3A_591 = arith.select %and3A_588, %sub3A_590, %div3A_569 : i32
    %mul3A_592 = arith.constant 128 : i32
    %mul3A_593 = arith.muli %select_n3A_591, %mul3A_592 : i32
    %multiple_of3A_594 = tpu.assume_multiple %mul3A_593, 128 : i32
    %dma_start3A_595 = arith.constant 13 : i32
    %dma_start3A_596 = arith.constant 0 : i32
    %dma_start3A_597 = arith.constant 768 : i32
    %dma_start3A_598 = tpu.memref_slice %arg10[%dma_start3A_596, %dma_start3A_597] : memref<64x896xf32, #tpu.memory_space<vmem>> -> memref<64x128xf32, #tpu.memory_space<vmem>>
    %dma_start3A_599 = arith.constant 0 : i32
    %dma_start3A_600 = tpu.memref_slice %arg5[%dma_start3A_599, %multiple_of3A_594] : memref<64x1000000xf32, #tpu.memory_space<hbm>> -> memref<64x128xf32, #tpu.memory_space<hbm>>
    %dma_start3A_601 = tpu.memref_slice %arg12[%dma_start3A_595] : memref<14x!tpu.dma_semaphore, #tpu.memory_space<semaphore_mem>> -> memref<1x!tpu.dma_semaphore, #tpu.memory_space<semaphore_mem>>
    %dma_start3A_602 = tpu.memref_squeeze %dma_start3A_601 : memref<1x!tpu.dma_semaphore, #tpu.memory_space<semaphore_mem>> -> memref<!tpu.dma_semaphore, #tpu.memory_space<semaphore_mem>>
    %dma_start3A_603 = arith.constant 0 : i32
    %dma_start3A_604 = arith.constant 768 : i32
    %dma_start3A_605 = tpu.memref_slice %arg10[%dma_start3A_603, %dma_start3A_604] : memref<64x896xf32, #tpu.memory_space<vmem>> -> memref<64x128xf32, #tpu.memory_space<vmem>>
    %dma_start3A_606 = arith.constant 0 : i32
    %dma_start3A_607 = tpu.memref_slice %arg5[%dma_start3A_606, %multiple_of3A_594] : memref<64x1000000xf32, #tpu.memory_space<hbm>> -> memref<64x128xf32, #tpu.memory_space<hbm>>
    tpu.enqueue_dma source(%dma_start3A_607 : memref<64x128xf32, #tpu.memory_space<hbm>>) target(%dma_start3A_605 : memref<64x128xf32, #tpu.memory_space<vmem>>) target_semaphore(%dma_start3A_602 : memref<!tpu.dma_semaphore, #tpu.memory_space<semaphore_mem>>)
    %scan3A = arith.constant 0 : i32
    %scan3A_608 = arith.constant 0 : i32
    %scan3A_609 = arith.constant 73 : i32
    %scan3A_610 = arith.addi %scan3A_608, %scan3A_609 : i32
    %scan3A_611 = arith.constant 1 : i32
    scf.for %scan3A_727 = %scan3A_608 to %scan3A_610 step %scan3A_611  : i32 {
      %mul3A_728 = arith.constant 7 : i32
      %mul3A_729 = arith.muli %scan3A_727, %mul3A_728 : i32
      %add3A_730 = arith.constant 0 : i32
      %add3A_731 = arith.addi %mul3A_729, %add3A_730 : i32
      %get3A_732 = arith.index_cast %add3A_731 : i32 to index
      %get3A_733 = tpu.vector_load %arg7[%get3A_732] {strides = array<i32>} : memref<528xi32, #tpu.memory_space<vmem>>, vector<16xi32>,
      %get3A_734 = arith.index_cast %add3A_731 : i32 to index
      %get3A_735 = tpu.vector_load %arg8[%get3A_734] {strides = array<i32>} : memref<528xi32, #tpu.memory_space<vmem>>, vector<16xi32>,
      %slice3A_736 = vector.extract_strided_slice %get3A_733 {offsets = [0], sizes = [1], strides = [1]} : vector<16xi32> to vector<1xi32>
      %squeeze3A_737 = vector.extract %slice3A_736[0] : i32 from vector<1xi32>
      %jit3A_738 = arith.constant 128 : i32
      %eq3A_739 = arith.constant 0 : i32
      %eq3A_740 = arith.cmpi eq, %jit3A_738, %eq3A_739 : i32
      %jit3A_741 = arith.constant 1 : i32
      %select_n3A_742 = arith.select %eq3A_740, %jit3A_741, %jit3A_738 : i32
      %rem3A_743 = arith.remsi %squeeze3A_737, %select_n3A_742 : i32
      %ne3A_744 = arith.constant 0 : i32
      %ne3A_745 = arith.cmpi ne, %rem3A_743, %ne3A_744 : i32
      %lt3A_746 = arith.constant 0 : i32
      %lt3A_747 = arith.cmpi slt, %rem3A_743, %lt3A_746 : i32
      %lt3A_748 = arith.constant 0 : i32
      %lt3A_749 = arith.cmpi slt, %select_n3A_742, %lt3A_748 : i32
      %ne3A_750 = arith.xori %lt3A_747, %lt3A_749 : i1
      %and3A_751 = arith.andi %ne3A_750, %ne3A_745 : i1
      %add3A_752 = arith.addi %rem3A_743, %select_n3A_742 : i32
      %select_n3A_753 = arith.select %and3A_751, %add3A_752, %rem3A_743 : i32
      %slice3A_754 = vector.extract_strided_slice %get3A_735 {offsets = [0], sizes = [1], strides = [1]} : vector<16xi32> to vector<1xi32>
      %squeeze3A_755 = vector.extract %slice3A_754[0] : i32 from vector<1xi32>
      %jit3A_756 = arith.constant 128 : i32
      %eq3A_757 = arith.constant 0 : i32
      %eq3A_758 = arith.cmpi eq, %jit3A_756, %eq3A_757 : i32
      %jit3A_759 = arith.constant 1 : i32
      %select_n3A_760 = arith.select %eq3A_758, %jit3A_759, %jit3A_756 : i32
      %rem3A_761 = arith.remsi %squeeze3A_755, %select_n3A_760 : i32
      %ne3A_762 = arith.constant 0 : i32
      %ne3A_763 = arith.cmpi ne, %rem3A_761, %ne3A_762 : i32
      %lt3A_764 = arith.constant 0 : i32
      %lt3A_765 = arith.cmpi slt, %rem3A_761, %lt3A_764 : i32
      %lt3A_766 = arith.constant 0 : i32
      %lt3A_767 = arith.cmpi slt, %select_n3A_760, %lt3A_766 : i32
      %ne3A_768 = arith.xori %lt3A_765, %lt3A_767 : i1
      %and3A_769 = arith.andi %ne3A_768, %ne3A_763 : i1
      %add3A_770 = arith.addi %rem3A_761, %select_n3A_760 : i32
      %select_n3A_771 = arith.select %and3A_769, %add3A_770, %rem3A_761 : i32
      %dma_wait3A_772 = arith.constant 0 : i32
      %dma_wait3A_773 = arith.constant 0 : i32
      %dma_wait3A_774 = arith.constant 0 : i32
      %dma_wait3A_775 = tpu.memref_slice %arg9[%dma_wait3A_773, %dma_wait3A_774] : memref<64x896xf32, #tpu.memory_space<vmem>> -> memref<64x128xf32, #tpu.memory_space<vmem>>
      %dma_wait3A_776 = arith.constant 0 : i32
      %dma_wait3A_777 = arith.constant 0 : i32
      %dma_wait3A_778 = tpu.memref_slice %arg4[%dma_wait3A_776, %dma_wait3A_777] : memref<64x1000000xf32, #tpu.memory_space<hbm>> -> memref<64x128xf32, #tpu.memory_space<hbm>>
      %dma_wait3A_779 = tpu.memref_slice %arg12[%dma_wait3A_772] : memref<14x!tpu.dma_semaphore, #tpu.memory_space<semaphore_mem>> -> memref<1x!tpu.dma_semaphore, #tpu.memory_space<semaphore_mem>>
      %dma_wait3A_780 = tpu.memref_squeeze %dma_wait3A_779 : memref<1x!tpu.dma_semaphore, #tpu.memory_space<semaphore_mem>> -> memref<!tpu.dma_semaphore, #tpu.memory_space<semaphore_mem>>
      %dma_wait3A_781 = arith.constant 0 : i32
      %dma_wait3A_782 = arith.constant 0 : i32
      %dma_wait3A_783 = tpu.memref_slice %arg9[%dma_wait3A_781, %dma_wait3A_782] : memref<64x896xf32, #tpu.memory_space<vmem>> -> memref<64x128xf32, #tpu.memory_space<vmem>>
      %dma_wait3A_784 = arith.constant 0 : i32
      %dma_wait3A_785 = arith.constant 0 : i32
      %dma_wait3A_786 = tpu.memref_slice %arg4[%dma_wait3A_784, %dma_wait3A_785] : memref<64x1000000xf32, #tpu.memory_space<hbm>> -> memref<64x128xf32, #tpu.memory_space<hbm>>
      tpu.wait_dma2 semaphore(%dma_wait3A_780 : memref<!tpu.dma_semaphore, #tpu.memory_space<semaphore_mem>>) src(%dma_wait3A_786 : memref<64x128xf32, #tpu.memory_space<hbm>>) dst(%dma_wait3A_783 : memref<64x128xf32, #tpu.memory_space<vmem>>)
      %dma_wait3A_787 = arith.constant 7 : i32
      %dma_wait3A_788 = arith.constant 0 : i32
      %dma_wait3A_789 = arith.constant 0 : i32
      %dma_wait3A_790 = tpu.memref_slice %arg10[%dma_wait3A_788, %dma_wait3A_789] : memref<64x896xf32, #tpu.memory_space<vmem>> -> memref<64x128xf32, #tpu.memory_space<vmem>>
      %dma_wait3A_791 = arith.constant 0 : i32
      %dma_wait3A_792 = arith.constant 0 : i32
      %dma_wait3A_793 = tpu.memref_slice %arg5[%dma_wait3A_791, %dma_wait3A_792] : memref<64x1000000xf32, #tpu.memory_space<hbm>> -> memref<64x128xf32, #tpu.memory_space<hbm>>
      %dma_wait3A_794 = tpu.memref_slice %arg12[%dma_wait3A_787] : memref<14x!tpu.dma_semaphore, #tpu.memory_space<semaphore_mem>> -> memref<1x!tpu.dma_semaphore, #tpu.memory_space<semaphore_mem>>
      %dma_wait3A_795 = tpu.memref_squeeze %dma_wait3A_794 : memref<1x!tpu.dma_semaphore, #tpu.memory_space<semaphore_mem>> -> memref<!tpu.dma_semaphore, #tpu.memory_space<semaphore_mem>>
      %dma_wait3A_796 = arith.constant 0 : i32
      %dma_wait3A_797 = arith.constant 0 : i32
      %dma_wait3A_798 = tpu.memref_slice %arg10[%dma_wait3A_796, %dma_wait3A_797] : memref<64x896xf32, #tpu.memory_space<vmem>> -> memref<64x128xf32, #tpu.memory_space<vmem>>
      %dma_wait3A_799 = arith.constant 0 : i32
      %dma_wait3A_800 = arith.constant 0 : i32
      %dma_wait3A_801 = tpu.memref_slice %arg5[%dma_wait3A_799, %dma_wait3A_800] : memref<64x1000000xf32, #tpu.memory_space<hbm>> -> memref<64x128xf32, #tpu.memory_space<hbm>>
      tpu.wait_dma2 semaphore(%dma_wait3A_795 : memref<!tpu.dma_semaphore, #tpu.memory_space<semaphore_mem>>) src(%dma_wait3A_801 : memref<64x128xf32, #tpu.memory_space<hbm>>) dst(%dma_wait3A_798 : memref<64x128xf32, #tpu.memory_space<vmem>>)
      %broadcast_in_dim3A_802 = arith.constant 0 : i32
      %broadcast_in_dim3A_803 = vector.broadcast %broadcast_in_dim3A_802 : i32 to vector<16xi32>
      %add3A_804 = vector.broadcast %select_n3A_753 : i32 to vector<16xi32>
      %add3A_805 = arith.addi %broadcast_in_dim3A_803, %add3A_804 : vector<16xi32>
      %broadcast_in_dim3A_806 = arith.constant 0 : i32
      %broadcast_in_dim3A_807 = vector.broadcast %broadcast_in_dim3A_806 : i32 to vector<16xi32>
      %add3A_808 = vector.broadcast %select_n3A_771 : i32 to vector<16xi32>
      %add3A_809 = arith.addi %broadcast_in_dim3A_807, %add3A_808 : vector<16xi32>
      %broadcast_in_dim3A_810 = arith.constant 0.000000e+00 : f32
      %broadcast_in_dim3A_811 = vector.broadcast %broadcast_in_dim3A_810 : f32 to vector<16xf32>
      %add3A_812 = arith.constant 0 : i32
      %add3A_813 = vector.broadcast %add3A_812 : i32 to vector<16xi32>
      %add3A_814 = arith.addi %iota3A, %add3A_813 : vector<16xi32>
      %gather3A_815 = tpu.vector_load_idx %arg9[%add3A_814, %add3A_805] : memref<64x896xf32, #tpu.memory_space<vmem>>[vector<16xi32>, vector<16xi32>], vector<16xf32>,
      %gather3A_816 = tpu.vector_load_idx %arg10[%add3A_814, %add3A_809] : memref<64x896xf32, #tpu.memory_space<vmem>>[vector<16xi32>, vector<16xi32>], vector<16xf32>,
      %mul3A_817 = arith.mulf %gather3A_815, %gather3A_816 : vector<16xf32>
      %add3A_818 = arith.addf %broadcast_in_dim3A_811, %mul3A_817 : vector<16xf32>
      %add3A_819 = arith.constant 16 : i32
      %add3A_820 = vector.broadcast %add3A_819 : i32 to vector<16xi32>
      %add3A_821 = arith.addi %iota3A, %add3A_820 : vector<16xi32>
      %gather3A_822 = tpu.vector_load_idx %arg9[%add3A_821, %add3A_805] : memref<64x896xf32, #tpu.memory_space<vmem>>[vector<16xi32>, vector<16xi32>], vector<16xf32>,
      %gather3A_823 = tpu.vector_load_idx %arg10[%add3A_821, %add3A_809] : memref<64x896xf32, #tpu.memory_space<vmem>>[vector<16xi32>, vector<16xi32>], vector<16xf32>,
      %mul3A_824 = arith.mulf %gather3A_822, %gather3A_823 : vector<16xf32>
      %add3A_825 = arith.addf %add3A_818, %mul3A_824 : vector<16xf32>
      %add3A_826 = arith.constant 32 : i32
      %add3A_827 = vector.broadcast %add3A_826 : i32 to vector<16xi32>
      %add3A_828 = arith.addi %iota3A, %add3A_827 : vector<16xi32>
      %gather3A_829 = tpu.vector_load_idx %arg9[%add3A_828, %add3A_805] : memref<64x896xf32, #tpu.memory_space<vmem>>[vector<16xi32>, vector<16xi32>], vector<16xf32>,
      %gather3A_830 = tpu.vector_load_idx %arg10[%add3A_828, %add3A_809] : memref<64x896xf32, #tpu.memory_space<vmem>>[vector<16xi32>, vector<16xi32>], vector<16xf32>,
      %mul3A_831 = arith.mulf %gather3A_829, %gather3A_830 : vector<16xf32>
      %add3A_832 = arith.addf %add3A_825, %mul3A_831 : vector<16xf32>
      %add3A_833 = arith.constant 48 : i32
      %add3A_834 = vector.broadcast %add3A_833 : i32 to vector<16xi32>
      %add3A_835 = arith.addi %iota3A, %add3A_834 : vector<16xi32>
      %gather3A_836 = tpu.vector_load_idx %arg9[%add3A_835, %add3A_805] : memref<64x896xf32, #tpu.memory_space<vmem>>[vector<16xi32>, vector<16xi32>], vector<16xf32>,
      %gather3A_837 = tpu.vector_load_idx %arg10[%add3A_835, %add3A_809] : memref<64x896xf32, #tpu.memory_space<vmem>>[vector<16xi32>, vector<16xi32>], vector<16xf32>,
      %mul3A_838 = arith.mulf %gather3A_836, %gather3A_837 : vector<16xf32>
      %add3A_839 = arith.addf %add3A_832, %mul3A_838 : vector<16xf32>
      %broadcast_in_dim3A_840 = arith.constant true
      %broadcast_in_dim3A_841 = vector.broadcast %broadcast_in_dim3A_840 : i1 to vector<16xi1>
      %masked_cumsum3A_842 = tpu.scan <sum>, %add3A_839 masked %broadcast_in_dim3A_841 : vector<16xf32>, vector<16xi1> -> vector<16xf32>
      %broadcast_in_dim3A_843 = vector.broadcast %add3A_731 : i32 to vector<16xi32>
      tpu.vector_store_idx %arg11[%broadcast_in_dim3A_843], %masked_cumsum3A_842 masked %eq3A_4 : memref<512xf32, #tpu.memory_space<vmem>>[vector<16xi32>], vector<16xf32>, vector<16xi1>
      %add3A_844 = arith.constant 7 : i32
      %add3A_845 = arith.addi %add3A_731, %add3A_844 : i32
      %lt3A_846 = arith.constant 512 : i32
      %lt3A_847 = arith.cmpi slt, %add3A_845, %lt3A_846 : i32
      %convert_element_type3A = arith.extui %lt3A_847 : i1 to i32
      %cond3A = arith.constant 0 : i32
      %cond3A_848 = arith.cmpi ne, %convert_element_type3A, %cond3A : i32
      scf.if %cond3A_848 {
        %add3A_1587 = arith.constant 7 : i32
        %add3A_1588 = arith.addi %add3A_731, %add3A_1587 : i32
        %get3A_1589 = arith.index_cast %add3A_1588 : i32 to index
        %get3A_1590 = tpu.vector_load %arg7[%get3A_1589] {strides = array<i32>} : memref<528xi32, #tpu.memory_space<vmem>>, vector<16xi32>,
        %slice3A_1591 = vector.extract_strided_slice %get3A_1590 {offsets = [0], sizes = [1], strides = [1]} : vector<16xi32> to vector<1xi32>
        %squeeze3A_1592 = vector.extract %slice3A_1591[0] : i32 from vector<1xi32>
        %jit3A_1593 = arith.constant 128 : i32
        %div3A_1594 = arith.divsi %squeeze3A_1592, %jit3A_1593 : i32
        %sign3A_1595 = arith.constant 0 : i32
        %sign3A_1596 = arith.cmpi sgt, %squeeze3A_1592, %sign3A_1595 : i32
        %sign3A_1597 = arith.extui %sign3A_1596 : i1 to i32
        %sign3A_1598 = arith.constant 0 : i32
        %sign3A_1599 = arith.cmpi slt, %squeeze3A_1592, %sign3A_1598 : i32
        %sign3A_1600 = arith.extui %sign3A_1599 : i1 to i32
        %sign3A_1601 = arith.subi %sign3A_1597, %sign3A_1600 : i32
        %sign3A_1602 = arith.constant 0 : i32
        %sign3A_1603 = arith.cmpi sgt, %jit3A_1593, %sign3A_1602 : i32
        %sign3A_1604 = arith.extui %sign3A_1603 : i1 to i32
        %sign3A_1605 = arith.constant 0 : i32
        %sign3A_1606 = arith.cmpi slt, %jit3A_1593, %sign3A_1605 : i32
        %sign3A_1607 = arith.extui %sign3A_1606 : i1 to i32
        %sign3A_1608 = arith.subi %sign3A_1604, %sign3A_1607 : i32
        %ne3A_1609 = arith.cmpi ne, %sign3A_1601, %sign3A_1608 : i32
        %rem3A_1610 = arith.remsi %squeeze3A_1592, %jit3A_1593 : i32
        %ne3A_1611 = arith.constant 0 : i32
        %ne3A_1612 = arith.cmpi ne, %rem3A_1610, %ne3A_1611 : i32
        %and3A_1613 = arith.andi %ne3A_1609, %ne3A_1612 : i1
        %sub3A_1614 = arith.constant 1 : i32
        %sub3A_1615 = arith.subi %div3A_1594, %sub3A_1614 : i32
        %select_n3A_1616 = arith.select %and3A_1613, %sub3A_1615, %div3A_1594 : i32
        %mul3A_1617 = arith.constant 128 : i32
        %mul3A_1618 = arith.muli %select_n3A_1616, %mul3A_1617 : i32
        %multiple_of3A_1619 = tpu.assume_multiple %mul3A_1618, 128 : i32
        %dma_start3A_1620 = arith.constant 0 : i32
        %dma_start3A_1621 = arith.constant 0 : i32
        %dma_start3A_1622 = arith.constant 0 : i32
        %dma_start3A_1623 = tpu.memref_slice %arg9[%dma_start3A_1621, %dma_start3A_1622] : memref<64x896xf32, #tpu.memory_space<vmem>> -> memref<64x128xf32, #tpu.memory_space<vmem>>
        %dma_start3A_1624 = arith.constant 0 : i32
        %dma_start3A_1625 = tpu.memref_slice %arg4[%dma_start3A_1624, %multiple_of3A_1619] : memref<64x1000000xf32, #tpu.memory_space<hbm>> -> memref<64x128xf32, #tpu.memory_space<hbm>>
        %dma_start3A_1626 = tpu.memref_slice %arg12[%dma_start3A_1620] : memref<14x!tpu.dma_semaphore, #tpu.memory_space<semaphore_mem>> -> memref<1x!tpu.dma_semaphore, #tpu.memory_space<semaphore_mem>>
        %dma_start3A_1627 = tpu.memref_squeeze %dma_start3A_1626 : memref<1x!tpu.dma_semaphore, #tpu.memory_space<semaphore_mem>> -> memref<!tpu.dma_semaphore, #tpu.memory_space<semaphore_mem>>
        %dma_start3A_1628 = arith.constant 0 : i32
        %dma_start3A_1629 = arith.constant 0 : i32
        %dma_start3A_1630 = tpu.memref_slice %arg9[%dma_start3A_1628, %dma_start3A_1629] : memref<64x896xf32, #tpu.memory_space<vmem>> -> memref<64x128xf32, #tpu.memory_space<vmem>>
        %dma_start3A_1631 = arith.constant 0 : i32
        %dma_start3A_1632 = tpu.memref_slice %arg4[%dma_start3A_1631, %multiple_of3A_1619] : memref<64x1000000xf32, #tpu.memory_space<hbm>> -> memref<64x128xf32, #tpu.memory_space<hbm>>
        tpu.enqueue_dma source(%dma_start3A_1632 : memref<64x128xf32, #tpu.memory_space<hbm>>) target(%dma_start3A_1630 : memref<64x128xf32, #tpu.memory_space<vmem>>) target_semaphore(%dma_start3A_1627 : memref<!tpu.dma_semaphore, #tpu.memory_space<semaphore_mem>>)
        %add3A_1633 = arith.constant 7 : i32
        %add3A_1634 = arith.addi %add3A_731, %add3A_1633 : i32
        %get3A_1635 = arith.index_cast %add3A_1634 : i32 to index
        %get3A_1636 = tpu.vector_load %arg8[%get3A_1635] {strides = array<i32>} : memref<528xi32, #tpu.memory_space<vmem>>, vector<16xi32>,
        %slice3A_1637 = vector.extract_strided_slice %get3A_1636 {offsets = [0], sizes = [1], strides = [1]} : vector<16xi32> to vector<1xi32>
        %squeeze3A_1638 = vector.extract %slice3A_1637[0] : i32 from vector<1xi32>
        %jit3A_1639 = arith.constant 128 : i32
        %div3A_1640 = arith.divsi %squeeze3A_1638, %jit3A_1639 : i32
        %sign3A_1641 = arith.constant 0 : i32
        %sign3A_1642 = arith.cmpi sgt, %squeeze3A_1638, %sign3A_1641 : i32
        %sign3A_1643 = arith.extui %sign3A_1642 : i1 to i32
        %sign3A_1644 = arith.constant 0 : i32
        %sign3A_1645 = arith.cmpi slt, %squeeze3A_1638, %sign3A_1644 : i32
        %sign3A_1646 = arith.extui %sign3A_1645 : i1 to i32
        %sign3A_1647 = arith.subi %sign3A_1643, %sign3A_1646 : i32
        %sign3A_1648 = arith.constant 0 : i32
        %sign3A_1649 = arith.cmpi sgt, %jit3A_1639, %sign3A_1648 : i32
        %sign3A_1650 = arith.extui %sign3A_1649 : i1 to i32
        %sign3A_1651 = arith.constant 0 : i32
        %sign3A_1652 = arith.cmpi slt, %jit3A_1639, %sign3A_1651 : i32
        %sign3A_1653 = arith.extui %sign3A_1652 : i1 to i32
        %sign3A_1654 = arith.subi %sign3A_1650, %sign3A_1653 : i32
        %ne3A_1655 = arith.cmpi ne, %sign3A_1647, %sign3A_1654 : i32
        %rem3A_1656 = arith.remsi %squeeze3A_1638, %jit3A_1639 : i32
        %ne3A_1657 = arith.constant 0 : i32
        %ne3A_1658 = arith.cmpi ne, %rem3A_1656, %ne3A_1657 : i32
        %and3A_1659 = arith.andi %ne3A_1655, %ne3A_1658 : i1
        %sub3A_1660 = arith.constant 1 : i32
        %sub3A_1661 = arith.subi %div3A_1640, %sub3A_1660 : i32
        %select_n3A_1662 = arith.select %and3A_1659, %sub3A_1661, %div3A_1640 : i32
        %mul3A_1663 = arith.constant 128 : i32
        %mul3A_1664 = arith.muli %select_n3A_1662, %mul3A_1663 : i32
        %multiple_of3A_1665 = tpu.assume_multiple %mul3A_1664, 128 : i32
        %dma_start3A_1666 = arith.constant 7 : i32
        %dma_start3A_1667 = arith.constant 0 : i32
        %dma_start3A_1668 = arith.constant 0 : i32
        %dma_start3A_1669 = tpu.memref_slice %arg10[%dma_start3A_1667, %dma_start3A_1668] : memref<64x896xf32, #tpu.memory_space<vmem>> -> memref<64x128xf32, #tpu.memory_space<vmem>>
        %dma_start3A_1670 = arith.constant 0 : i32
        %dma_start3A_1671 = tpu.memref_slice %arg5[%dma_start3A_1670, %multiple_of3A_1665] : memref<64x1000000xf32, #tpu.memory_space<hbm>> -> memref<64x128xf32, #tpu.memory_space<hbm>>
        %dma_start3A_1672 = tpu.memref_slice %arg12[%dma_start3A_1666] : memref<14x!tpu.dma_semaphore, #tpu.memory_space<semaphore_mem>> -> memref<1x!tpu.dma_semaphore, #tpu.memory_space<semaphore_mem>>
        %dma_start3A_1673 = tpu.memref_squeeze %dma_start3A_1672 : memref<1x!tpu.dma_semaphore, #tpu.memory_space<semaphore_mem>> -> memref<!tpu.dma_semaphore, #tpu.memory_space<semaphore_mem>>
        %dma_start3A_1674 = arith.constant 0 : i32
        %dma_start3A_1675 = arith.constant 0 : i32
        %dma_start3A_1676 = tpu.memref_slice %arg10[%dma_start3A_1674, %dma_start3A_1675] : memref<64x896xf32, #tpu.memory_space<vmem>> -> memref<64x128xf32, #tpu.memory_space<vmem>>
        %dma_start3A_1677 = arith.constant 0 : i32
        %dma_start3A_1678 = tpu.memref_slice %arg5[%dma_start3A_1677, %multiple_of3A_1665] : memref<64x1000000xf32, #tpu.memory_space<hbm>> -> memref<64x128xf32, #tpu.memory_space<hbm>>
        tpu.enqueue_dma source(%dma_start3A_1678 : memref<64x128xf32, #tpu.memory_space<hbm>>) target(%dma_start3A_1676 : memref<64x128xf32, #tpu.memory_space<vmem>>) target_semaphore(%dma_start3A_1673 : memref<!tpu.dma_semaphore, #tpu.memory_space<semaphore_mem>>)
      } else {
      }
      %mul3A_849 = arith.constant 7 : i32
      %mul3A_850 = arith.muli %scan3A_727, %mul3A_849 : i32
      %add3A_851 = arith.constant 1 : i32
      %add3A_852 = arith.addi %mul3A_850, %add3A_851 : i32
      %get3A_853 = arith.index_cast %add3A_852 : i32 to index
      %get3A_854 = tpu.vector_load %arg7[%get3A_853] {strides = array<i32>} : memref<528xi32, #tpu.memory_space<vmem>>, vector<16xi32>,
      %get3A_855 = arith.index_cast %add3A_852 : i32 to index
      %get3A_856 = tpu.vector_load %arg8[%get3A_855] {strides = array<i32>} : memref<528xi32, #tpu.memory_space<vmem>>, vector<16xi32>,
      %slice3A_857 = vector.extract_strided_slice %get3A_854 {offsets = [0], sizes = [1], strides = [1]} : vector<16xi32> to vector<1xi32>
      %squeeze3A_858 = vector.extract %slice3A_857[0] : i32 from vector<1xi32>
      %jit3A_859 = arith.constant 128 : i32
      %eq3A_860 = arith.constant 0 : i32
      %eq3A_861 = arith.cmpi eq, %jit3A_859, %eq3A_860 : i32
      %jit3A_862 = arith.constant 1 : i32
      %select_n3A_863 = arith.select %eq3A_861, %jit3A_862, %jit3A_859 : i32
      %rem3A_864 = arith.remsi %squeeze3A_858, %select_n3A_863 : i32
      %ne3A_865 = arith.constant 0 : i32
      %ne3A_866 = arith.cmpi ne, %rem3A_864, %ne3A_865 : i32
      %lt3A_867 = arith.constant 0 : i32
      %lt3A_868 = arith.cmpi slt, %rem3A_864, %lt3A_867 : i32
      %lt3A_869 = arith.constant 0 : i32
      %lt3A_870 = arith.cmpi slt, %select_n3A_863, %lt3A_869 : i32
      %ne3A_871 = arith.xori %lt3A_868, %lt3A_870 : i1
      %and3A_872 = arith.andi %ne3A_871, %ne3A_866 : i1
      %add3A_873 = arith.addi %rem3A_864, %select_n3A_863 : i32
      %select_n3A_874 = arith.select %and3A_872, %add3A_873, %rem3A_864 : i32
      %slice3A_875 = vector.extract_strided_slice %get3A_856 {offsets = [0], sizes = [1], strides = [1]} : vector<16xi32> to vector<1xi32>
      %squeeze3A_876 = vector.extract %slice3A_875[0] : i32 from vector<1xi32>
      %jit3A_877 = arith.constant 128 : i32
      %eq3A_878 = arith.constant 0 : i32
      %eq3A_879 = arith.cmpi eq, %jit3A_877, %eq3A_878 : i32
      %jit3A_880 = arith.constant 1 : i32
      %select_n3A_881 = arith.select %eq3A_879, %jit3A_880, %jit3A_877 : i32
      %rem3A_882 = arith.remsi %squeeze3A_876, %select_n3A_881 : i32
      %ne3A_883 = arith.constant 0 : i32
      %ne3A_884 = arith.cmpi ne, %rem3A_882, %ne3A_883 : i32
      %lt3A_885 = arith.constant 0 : i32
      %lt3A_886 = arith.cmpi slt, %rem3A_882, %lt3A_885 : i32
      %lt3A_887 = arith.constant 0 : i32
      %lt3A_888 = arith.cmpi slt, %select_n3A_881, %lt3A_887 : i32
      %ne3A_889 = arith.xori %lt3A_886, %lt3A_888 : i1
      %and3A_890 = arith.andi %ne3A_889, %ne3A_884 : i1
      %add3A_891 = arith.addi %rem3A_882, %select_n3A_881 : i32
      %select_n3A_892 = arith.select %and3A_890, %add3A_891, %rem3A_882 : i32
      %dma_wait3A_893 = arith.constant 1 : i32
      %dma_wait3A_894 = arith.constant 0 : i32
      %dma_wait3A_895 = arith.constant 128 : i32
      %dma_wait3A_896 = tpu.memref_slice %arg9[%dma_wait3A_894, %dma_wait3A_895] : memref<64x896xf32, #tpu.memory_space<vmem>> -> memref<64x128xf32, #tpu.memory_space<vmem>>
      %dma_wait3A_897 = arith.constant 0 : i32
      %dma_wait3A_898 = arith.constant 0 : i32
      %dma_wait3A_899 = tpu.memref_slice %arg4[%dma_wait3A_897, %dma_wait3A_898] : memref<64x1000000xf32, #tpu.memory_space<hbm>> -> memref<64x128xf32, #tpu.memory_space<hbm>>
      %dma_wait3A_900 = tpu.memref_slice %arg12[%dma_wait3A_893] : memref<14x!tpu.dma_semaphore, #tpu.memory_space<semaphore_mem>> -> memref<1x!tpu.dma_semaphore, #tpu.memory_space<semaphore_mem>>
      %dma_wait3A_901 = tpu.memref_squeeze %dma_wait3A_900 : memref<1x!tpu.dma_semaphore, #tpu.memory_space<semaphore_mem>> -> memref<!tpu.dma_semaphore, #tpu.memory_space<semaphore_mem>>
      %dma_wait3A_902 = arith.constant 0 : i32
      %dma_wait3A_903 = arith.constant 128 : i32
      %dma_wait3A_904 = tpu.memref_slice %arg9[%dma_wait3A_902, %dma_wait3A_903] : memref<64x896xf32, #tpu.memory_space<vmem>> -> memref<64x128xf32, #tpu.memory_space<vmem>>
      %dma_wait3A_905 = arith.constant 0 : i32
      %dma_wait3A_906 = arith.constant 0 : i32
      %dma_wait3A_907 = tpu.memref_slice %arg4[%dma_wait3A_905, %dma_wait3A_906] : memref<64x1000000xf32, #tpu.memory_space<hbm>> -> memref<64x128xf32, #tpu.memory_space<hbm>>
      tpu.wait_dma2 semaphore(%dma_wait3A_901 : memref<!tpu.dma_semaphore, #tpu.memory_space<semaphore_mem>>) src(%dma_wait3A_907 : memref<64x128xf32, #tpu.memory_space<hbm>>) dst(%dma_wait3A_904 : memref<64x128xf32, #tpu.memory_space<vmem>>)
      %dma_wait3A_908 = arith.constant 8 : i32
      %dma_wait3A_909 = arith.constant 0 : i32
      %dma_wait3A_910 = arith.constant 128 : i32
      %dma_wait3A_911 = tpu.memref_slice %arg10[%dma_wait3A_909, %dma_wait3A_910] : memref<64x896xf32, #tpu.memory_space<vmem>> -> memref<64x128xf32, #tpu.memory_space<vmem>>
      %dma_wait3A_912 = arith.constant 0 : i32
      %dma_wait3A_913 = arith.constant 0 : i32
      %dma_wait3A_914 = tpu.memref_slice %arg5[%dma_wait3A_912, %dma_wait3A_913] : memref<64x1000000xf32, #tpu.memory_space<hbm>> -> memref<64x128xf32, #tpu.memory_space<hbm>>
      %dma_wait3A_915 = tpu.memref_slice %arg12[%dma_wait3A_908] : memref<14x!tpu.dma_semaphore, #tpu.memory_space<semaphore_mem>> -> memref<1x!tpu.dma_semaphore, #tpu.memory_space<semaphore_mem>>
      %dma_wait3A_916 = tpu.memref_squeeze %dma_wait3A_915 : memref<1x!tpu.dma_semaphore, #tpu.memory_space<semaphore_mem>> -> memref<!tpu.dma_semaphore, #tpu.memory_space<semaphore_mem>>
      %dma_wait3A_917 = arith.constant 0 : i32
      %dma_wait3A_918 = arith.constant 128 : i32
      %dma_wait3A_919 = tpu.memref_slice %arg10[%dma_wait3A_917, %dma_wait3A_918] : memref<64x896xf32, #tpu.memory_space<vmem>> -> memref<64x128xf32, #tpu.memory_space<vmem>>
      %dma_wait3A_920 = arith.constant 0 : i32
      %dma_wait3A_921 = arith.constant 0 : i32
      %dma_wait3A_922 = tpu.memref_slice %arg5[%dma_wait3A_920, %dma_wait3A_921] : memref<64x1000000xf32, #tpu.memory_space<hbm>> -> memref<64x128xf32, #tpu.memory_space<hbm>>
      tpu.wait_dma2 semaphore(%dma_wait3A_916 : memref<!tpu.dma_semaphore, #tpu.memory_space<semaphore_mem>>) src(%dma_wait3A_922 : memref<64x128xf32, #tpu.memory_space<hbm>>) dst(%dma_wait3A_919 : memref<64x128xf32, #tpu.memory_space<vmem>>)
      %broadcast_in_dim3A_923 = arith.constant 128 : i32
      %broadcast_in_dim3A_924 = vector.broadcast %broadcast_in_dim3A_923 : i32 to vector<16xi32>
      %add3A_925 = vector.broadcast %select_n3A_874 : i32 to vector<16xi32>
      %add3A_926 = arith.addi %broadcast_in_dim3A_924, %add3A_925 : vector<16xi32>
      %broadcast_in_dim3A_927 = arith.constant 128 : i32
      %broadcast_in_dim3A_928 = vector.broadcast %broadcast_in_dim3A_927 : i32 to vector<16xi32>
      %add3A_929 = vector.broadcast %select_n3A_892 : i32 to vector<16xi32>
      %add3A_930 = arith.addi %broadcast_in_dim3A_928, %add3A_929 : vector<16xi32>
      %broadcast_in_dim3A_931 = arith.constant 0.000000e+00 : f32
      %broadcast_in_dim3A_932 = vector.broadcast %broadcast_in_dim3A_931 : f32 to vector<16xf32>
      %add3A_933 = arith.constant 0 : i32
      %add3A_934 = vector.broadcast %add3A_933 : i32 to vector<16xi32>
      %add3A_935 = arith.addi %iota3A, %add3A_934 : vector<16xi32>
      %gather3A_936 = tpu.vector_load_idx %arg9[%add3A_935, %add3A_926] : memref<64x896xf32, #tpu.memory_space<vmem>>[vector<16xi32>, vector<16xi32>], vector<16xf32>,
      %gather3A_937 = tpu.vector_load_idx %arg10[%add3A_935, %add3A_930] : memref<64x896xf32, #tpu.memory_space<vmem>>[vector<16xi32>, vector<16xi32>], vector<16xf32>,
      %mul3A_938 = arith.mulf %gather3A_936, %gather3A_937 : vector<16xf32>
      %add3A_939 = arith.addf %broadcast_in_dim3A_932, %mul3A_938 : vector<16xf32>
      %add3A_940 = arith.constant 16 : i32
      %add3A_941 = vector.broadcast %add3A_940 : i32 to vector<16xi32>
      %add3A_942 = arith.addi %iota3A, %add3A_941 : vector<16xi32>
      %gather3A_943 = tpu.vector_load_idx %arg9[%add3A_942, %add3A_926] : memref<64x896xf32, #tpu.memory_space<vmem>>[vector<16xi32>, vector<16xi32>], vector<16xf32>,
      %gather3A_944 = tpu.vector_load_idx %arg10[%add3A_942, %add3A_930] : memref<64x896xf32, #tpu.memory_space<vmem>>[vector<16xi32>, vector<16xi32>], vector<16xf32>,
      %mul3A_945 = arith.mulf %gather3A_943, %gather3A_944 : vector<16xf32>
      %add3A_946 = arith.addf %add3A_939, %mul3A_945 : vector<16xf32>
      %add3A_947 = arith.constant 32 : i32
      %add3A_948 = vector.broadcast %add3A_947 : i32 to vector<16xi32>
      %add3A_949 = arith.addi %iota3A, %add3A_948 : vector<16xi32>
      %gather3A_950 = tpu.vector_load_idx %arg9[%add3A_949, %add3A_926] : memref<64x896xf32, #tpu.memory_space<vmem>>[vector<16xi32>, vector<16xi32>], vector<16xf32>,
      %gather3A_951 = tpu.vector_load_idx %arg10[%add3A_949, %add3A_930] : memref<64x896xf32, #tpu.memory_space<vmem>>[vector<16xi32>, vector<16xi32>], vector<16xf32>,
      %mul3A_952 = arith.mulf %gather3A_950, %gather3A_951 : vector<16xf32>
      %add3A_953 = arith.addf %add3A_946, %mul3A_952 : vector<16xf32>
      %add3A_954 = arith.constant 48 : i32
      %add3A_955 = vector.broadcast %add3A_954 : i32 to vector<16xi32>
      %add3A_956 = arith.addi %iota3A, %add3A_955 : vector<16xi32>
      %gather3A_957 = tpu.vector_load_idx %arg9[%add3A_956, %add3A_926] : memref<64x896xf32, #tpu.memory_space<vmem>>[vector<16xi32>, vector<16xi32>], vector<16xf32>,
      %gather3A_958 = tpu.vector_load_idx %arg10[%add3A_956, %add3A_930] : memref<64x896xf32, #tpu.memory_space<vmem>>[vector<16xi32>, vector<16xi32>], vector<16xf32>,
      %mul3A_959 = arith.mulf %gather3A_957, %gather3A_958 : vector<16xf32>
      %add3A_960 = arith.addf %add3A_953, %mul3A_959 : vector<16xf32>
      %broadcast_in_dim3A_961 = arith.constant true
      %broadcast_in_dim3A_962 = vector.broadcast %broadcast_in_dim3A_961 : i1 to vector<16xi1>
      %masked_cumsum3A_963 = tpu.scan <sum>, %add3A_960 masked %broadcast_in_dim3A_962 : vector<16xf32>, vector<16xi1> -> vector<16xf32>
      %broadcast_in_dim3A_964 = vector.broadcast %add3A_852 : i32 to vector<16xi32>
      tpu.vector_store_idx %arg11[%broadcast_in_dim3A_964], %masked_cumsum3A_963 masked %eq3A_4 : memref<512xf32, #tpu.memory_space<vmem>>[vector<16xi32>], vector<16xf32>, vector<16xi1>
      %add3A_965 = arith.constant 7 : i32
      %add3A_966 = arith.addi %add3A_852, %add3A_965 : i32
      %lt3A_967 = arith.constant 512 : i32
      %lt3A_968 = arith.cmpi slt, %add3A_966, %lt3A_967 : i32
      %convert_element_type3A_969 = arith.extui %lt3A_968 : i1 to i32
      %cond3A_970 = arith.constant 0 : i32
      %cond3A_971 = arith.cmpi ne, %convert_element_type3A_969, %cond3A_970 : i32
      scf.if %cond3A_971 {
        %add3A_1587 = arith.constant 7 : i32
        %add3A_1588 = arith.addi %add3A_852, %add3A_1587 : i32
        %get3A_1589 = arith.index_cast %add3A_1588 : i32 to index
        %get3A_1590 = tpu.vector_load %arg7[%get3A_1589] {strides = array<i32>} : memref<528xi32, #tpu.memory_space<vmem>>, vector<16xi32>,
        %slice3A_1591 = vector.extract_strided_slice %get3A_1590 {offsets = [0], sizes = [1], strides = [1]} : vector<16xi32> to vector<1xi32>
        %squeeze3A_1592 = vector.extract %slice3A_1591[0] : i32 from vector<1xi32>
        %jit3A_1593 = arith.constant 128 : i32
        %div3A_1594 = arith.divsi %squeeze3A_1592, %jit3A_1593 : i32
        %sign3A_1595 = arith.constant 0 : i32
        %sign3A_1596 = arith.cmpi sgt, %squeeze3A_1592, %sign3A_1595 : i32
        %sign3A_1597 = arith.extui %sign3A_1596 : i1 to i32
        %sign3A_1598 = arith.constant 0 : i32
        %sign3A_1599 = arith.cmpi slt, %squeeze3A_1592, %sign3A_1598 : i32
        %sign3A_1600 = arith.extui %sign3A_1599 : i1 to i32
        %sign3A_1601 = arith.subi %sign3A_1597, %sign3A_1600 : i32
        %sign3A_1602 = arith.constant 0 : i32
        %sign3A_1603 = arith.cmpi sgt, %jit3A_1593, %sign3A_1602 : i32
        %sign3A_1604 = arith.extui %sign3A_1603 : i1 to i32
        %sign3A_1605 = arith.constant 0 : i32
        %sign3A_1606 = arith.cmpi slt, %jit3A_1593, %sign3A_1605 : i32
        %sign3A_1607 = arith.extui %sign3A_1606 : i1 to i32
        %sign3A_1608 = arith.subi %sign3A_1604, %sign3A_1607 : i32
        %ne3A_1609 = arith.cmpi ne, %sign3A_1601, %sign3A_1608 : i32
        %rem3A_1610 = arith.remsi %squeeze3A_1592, %jit3A_1593 : i32
        %ne3A_1611 = arith.constant 0 : i32
        %ne3A_1612 = arith.cmpi ne, %rem3A_1610, %ne3A_1611 : i32
        %and3A_1613 = arith.andi %ne3A_1609, %ne3A_1612 : i1
        %sub3A_1614 = arith.constant 1 : i32
        %sub3A_1615 = arith.subi %div3A_1594, %sub3A_1614 : i32
        %select_n3A_1616 = arith.select %and3A_1613, %sub3A_1615, %div3A_1594 : i32
        %mul3A_1617 = arith.constant 128 : i32
        %mul3A_1618 = arith.muli %select_n3A_1616, %mul3A_1617 : i32
        %multiple_of3A_1619 = tpu.assume_multiple %mul3A_1618, 128 : i32
        %dma_start3A_1620 = arith.constant 1 : i32
        %dma_start3A_1621 = arith.constant 0 : i32
        %dma_start3A_1622 = arith.constant 128 : i32
        %dma_start3A_1623 = tpu.memref_slice %arg9[%dma_start3A_1621, %dma_start3A_1622] : memref<64x896xf32, #tpu.memory_space<vmem>> -> memref<64x128xf32, #tpu.memory_space<vmem>>
        %dma_start3A_1624 = arith.constant 0 : i32
        %dma_start3A_1625 = tpu.memref_slice %arg4[%dma_start3A_1624, %multiple_of3A_1619] : memref<64x1000000xf32, #tpu.memory_space<hbm>> -> memref<64x128xf32, #tpu.memory_space<hbm>>
        %dma_start3A_1626 = tpu.memref_slice %arg12[%dma_start3A_1620] : memref<14x!tpu.dma_semaphore, #tpu.memory_space<semaphore_mem>> -> memref<1x!tpu.dma_semaphore, #tpu.memory_space<semaphore_mem>>
        %dma_start3A_1627 = tpu.memref_squeeze %dma_start3A_1626 : memref<1x!tpu.dma_semaphore, #tpu.memory_space<semaphore_mem>> -> memref<!tpu.dma_semaphore, #tpu.memory_space<semaphore_mem>>
        %dma_start3A_1628 = arith.constant 0 : i32
        %dma_start3A_1629 = arith.constant 128 : i32
        %dma_start3A_1630 = tpu.memref_slice %arg9[%dma_start3A_1628, %dma_start3A_1629] : memref<64x896xf32, #tpu.memory_space<vmem>> -> memref<64x128xf32, #tpu.memory_space<vmem>>
        %dma_start3A_1631 = arith.constant 0 : i32
        %dma_start3A_1632 = tpu.memref_slice %arg4[%dma_start3A_1631, %multiple_of3A_1619] : memref<64x1000000xf32, #tpu.memory_space<hbm>> -> memref<64x128xf32, #tpu.memory_space<hbm>>
        tpu.enqueue_dma source(%dma_start3A_1632 : memref<64x128xf32, #tpu.memory_space<hbm>>) target(%dma_start3A_1630 : memref<64x128xf32, #tpu.memory_space<vmem>>) target_semaphore(%dma_start3A_1627 : memref<!tpu.dma_semaphore, #tpu.memory_space<semaphore_mem>>)
        %add3A_1633 = arith.constant 7 : i32
        %add3A_1634 = arith.addi %add3A_852, %add3A_1633 : i32
        %get3A_1635 = arith.index_cast %add3A_1634 : i32 to index
        %get3A_1636 = tpu.vector_load %arg8[%get3A_1635] {strides = array<i32>} : memref<528xi32, #tpu.memory_space<vmem>>, vector<16xi32>,
        %slice3A_1637 = vector.extract_strided_slice %get3A_1636 {offsets = [0], sizes = [1], strides = [1]} : vector<16xi32> to vector<1xi32>
        %squeeze3A_1638 = vector.extract %slice3A_1637[0] : i32 from vector<1xi32>
        %jit3A_1639 = arith.constant 128 : i32
        %div3A_1640 = arith.divsi %squeeze3A_1638, %jit3A_1639 : i32
        %sign3A_1641 = arith.constant 0 : i32
        %sign3A_1642 = arith.cmpi sgt, %squeeze3A_1638, %sign3A_1641 : i32
        %sign3A_1643 = arith.extui %sign3A_1642 : i1 to i32
        %sign3A_1644 = arith.constant 0 : i32
        %sign3A_1645 = arith.cmpi slt, %squeeze3A_1638, %sign3A_1644 : i32
        %sign3A_1646 = arith.extui %sign3A_1645 : i1 to i32
        %sign3A_1647 = arith.subi %sign3A_1643, %sign3A_1646 : i32
        %sign3A_1648 = arith.constant 0 : i32
        %sign3A_1649 = arith.cmpi sgt, %jit3A_1639, %sign3A_1648 : i32
        %sign3A_1650 = arith.extui %sign3A_1649 : i1 to i32
        %sign3A_1651 = arith.constant 0 : i32
        %sign3A_1652 = arith.cmpi slt, %jit3A_1639, %sign3A_1651 : i32
        %sign3A_1653 = arith.extui %sign3A_1652 : i1 to i32
        %sign3A_1654 = arith.subi %sign3A_1650, %sign3A_1653 : i32
        %ne3A_1655 = arith.cmpi ne, %sign3A_1647, %sign3A_1654 : i32
        %rem3A_1656 = arith.remsi %squeeze3A_1638, %jit3A_1639 : i32
        %ne3A_1657 = arith.constant 0 : i32
        %ne3A_1658 = arith.cmpi ne, %rem3A_1656, %ne3A_1657 : i32
        %and3A_1659 = arith.andi %ne3A_1655, %ne3A_1658 : i1
        %sub3A_1660 = arith.constant 1 : i32
        %sub3A_1661 = arith.subi %div3A_1640, %sub3A_1660 : i32
        %select_n3A_1662 = arith.select %and3A_1659, %sub3A_1661, %div3A_1640 : i32
        %mul3A_1663 = arith.constant 128 : i32
        %mul3A_1664 = arith.muli %select_n3A_1662, %mul3A_1663 : i32
        %multiple_of3A_1665 = tpu.assume_multiple %mul3A_1664, 128 : i32
        %dma_start3A_1666 = arith.constant 8 : i32
        %dma_start3A_1667 = arith.constant 0 : i32
        %dma_start3A_1668 = arith.constant 128 : i32
        %dma_start3A_1669 = tpu.memref_slice %arg10[%dma_start3A_1667, %dma_start3A_1668] : memref<64x896xf32, #tpu.memory_space<vmem>> -> memref<64x128xf32, #tpu.memory_space<vmem>>
        %dma_start3A_1670 = arith.constant 0 : i32
        %dma_start3A_1671 = tpu.memref_slice %arg5[%dma_start3A_1670, %multiple_of3A_1665] : memref<64x1000000xf32, #tpu.memory_space<hbm>> -> memref<64x128xf32, #tpu.memory_space<hbm>>
        %dma_start3A_1672 = tpu.memref_slice %arg12[%dma_start3A_1666] : memref<14x!tpu.dma_semaphore, #tpu.memory_space<semaphore_mem>> -> memref<1x!tpu.dma_semaphore, #tpu.memory_space<semaphore_mem>>
        %dma_start3A_1673 = tpu.memref_squeeze %dma_start3A_1672 : memref<1x!tpu.dma_semaphore, #tpu.memory_space<semaphore_mem>> -> memref<!tpu.dma_semaphore, #tpu.memory_space<semaphore_mem>>
        %dma_start3A_1674 = arith.constant 0 : i32
        %dma_start3A_1675 = arith.constant 128 : i32
        %dma_start3A_1676 = tpu.memref_slice %arg10[%dma_start3A_1674, %dma_start3A_1675] : memref<64x896xf32, #tpu.memory_space<vmem>> -> memref<64x128xf32, #tpu.memory_space<vmem>>
        %dma_start3A_1677 = arith.constant 0 : i32
        %dma_start3A_1678 = tpu.memref_slice %arg5[%dma_start3A_1677, %multiple_of3A_1665] : memref<64x1000000xf32, #tpu.memory_space<hbm>> -> memref<64x128xf32, #tpu.memory_space<hbm>>
        tpu.enqueue_dma source(%dma_start3A_1678 : memref<64x128xf32, #tpu.memory_space<hbm>>) target(%dma_start3A_1676 : memref<64x128xf32, #tpu.memory_space<vmem>>) target_semaphore(%dma_start3A_1673 : memref<!tpu.dma_semaphore, #tpu.memory_space<semaphore_mem>>)
      } else {
      }
      %mul3A_972 = arith.constant 7 : i32
      %mul3A_973 = arith.muli %scan3A_727, %mul3A_972 : i32
      %add3A_974 = arith.constant 2 : i32
      %add3A_975 = arith.addi %mul3A_973, %add3A_974 : i32
      %get3A_976 = arith.index_cast %add3A_975 : i32 to index
      %get3A_977 = tpu.vector_load %arg7[%get3A_976] {strides = array<i32>} : memref<528xi32, #tpu.memory_space<vmem>>, vector<16xi32>,
      %get3A_978 = arith.index_cast %add3A_975 : i32 to index
      %get3A_979 = tpu.vector_load %arg8[%get3A_978] {strides = array<i32>} : memref<528xi32, #tpu.memory_space<vmem>>, vector<16xi32>,
      %slice3A_980 = vector.extract_strided_slice %get3A_977 {offsets = [0], sizes = [1], strides = [1]} : vector<16xi32> to vector<1xi32>
      %squeeze3A_981 = vector.extract %slice3A_980[0] : i32 from vector<1xi32>
      %jit3A_982 = arith.constant 128 : i32
      %eq3A_983 = arith.constant 0 : i32
      %eq3A_984 = arith.cmpi eq, %jit3A_982, %eq3A_983 : i32
      %jit3A_985 = arith.constant 1 : i32
      %select_n3A_986 = arith.select %eq3A_984, %jit3A_985, %jit3A_982 : i32
      %rem3A_987 = arith.remsi %squeeze3A_981, %select_n3A_986 : i32
      %ne3A_988 = arith.constant 0 : i32
      %ne3A_989 = arith.cmpi ne, %rem3A_987, %ne3A_988 : i32
      %lt3A_990 = arith.constant 0 : i32
      %lt3A_991 = arith.cmpi slt, %rem3A_987, %lt3A_990 : i32
      %lt3A_992 = arith.constant 0 : i32
      %lt3A_993 = arith.cmpi slt, %select_n3A_986, %lt3A_992 : i32
      %ne3A_994 = arith.xori %lt3A_991, %lt3A_993 : i1
      %and3A_995 = arith.andi %ne3A_994, %ne3A_989 : i1
      %add3A_996 = arith.addi %rem3A_987, %select_n3A_986 : i32
      %select_n3A_997 = arith.select %and3A_995, %add3A_996, %rem3A_987 : i32
      %slice3A_998 = vector.extract_strided_slice %get3A_979 {offsets = [0], sizes = [1], strides = [1]} : vector<16xi32> to vector<1xi32>
      %squeeze3A_999 = vector.extract %slice3A_998[0] : i32 from vector<1xi32>
      %jit3A_1000 = arith.constant 128 : i32
      %eq3A_1001 = arith.constant 0 : i32
      %eq3A_1002 = arith.cmpi eq, %jit3A_1000, %eq3A_1001 : i32
      %jit3A_1003 = arith.constant 1 : i32
      %select_n3A_1004 = arith.select %eq3A_1002, %jit3A_1003, %jit3A_1000 : i32
      %rem3A_1005 = arith.remsi %squeeze3A_999, %select_n3A_1004 : i32
      %ne3A_1006 = arith.constant 0 : i32
      %ne3A_1007 = arith.cmpi ne, %rem3A_1005, %ne3A_1006 : i32
      %lt3A_1008 = arith.constant 0 : i32
      %lt3A_1009 = arith.cmpi slt, %rem3A_1005, %lt3A_1008 : i32
      %lt3A_1010 = arith.constant 0 : i32
      %lt3A_1011 = arith.cmpi slt, %select_n3A_1004, %lt3A_1010 : i32
      %ne3A_1012 = arith.xori %lt3A_1009, %lt3A_1011 : i1
      %and3A_1013 = arith.andi %ne3A_1012, %ne3A_1007 : i1
      %add3A_1014 = arith.addi %rem3A_1005, %select_n3A_1004 : i32
      %select_n3A_1015 = arith.select %and3A_1013, %add3A_1014, %rem3A_1005 : i32
      %dma_wait3A_1016 = arith.constant 2 : i32
      %dma_wait3A_1017 = arith.constant 0 : i32
      %dma_wait3A_1018 = arith.constant 256 : i32
      %dma_wait3A_1019 = tpu.memref_slice %arg9[%dma_wait3A_1017, %dma_wait3A_1018] : memref<64x896xf32, #tpu.memory_space<vmem>> -> memref<64x128xf32, #tpu.memory_space<vmem>>
      %dma_wait3A_1020 = arith.constant 0 : i32
      %dma_wait3A_1021 = arith.constant 0 : i32
      %dma_wait3A_1022 = tpu.memref_slice %arg4[%dma_wait3A_1020, %dma_wait3A_1021] : memref<64x1000000xf32, #tpu.memory_space<hbm>> -> memref<64x128xf32, #tpu.memory_space<hbm>>
      %dma_wait3A_1023 = tpu.memref_slice %arg12[%dma_wait3A_1016] : memref<14x!tpu.dma_semaphore, #tpu.memory_space<semaphore_mem>> -> memref<1x!tpu.dma_semaphore, #tpu.memory_space<semaphore_mem>>
      %dma_wait3A_1024 = tpu.memref_squeeze %dma_wait3A_1023 : memref<1x!tpu.dma_semaphore, #tpu.memory_space<semaphore_mem>> -> memref<!tpu.dma_semaphore, #tpu.memory_space<semaphore_mem>>
      %dma_wait3A_1025 = arith.constant 0 : i32
      %dma_wait3A_1026 = arith.constant 256 : i32
      %dma_wait3A_1027 = tpu.memref_slice %arg9[%dma_wait3A_1025, %dma_wait3A_1026] : memref<64x896xf32, #tpu.memory_space<vmem>> -> memref<64x128xf32, #tpu.memory_space<vmem>>
      %dma_wait3A_1028 = arith.constant 0 : i32
      %dma_wait3A_1029 = arith.constant 0 : i32
      %dma_wait3A_1030 = tpu.memref_slice %arg4[%dma_wait3A_1028, %dma_wait3A_1029] : memref<64x1000000xf32, #tpu.memory_space<hbm>> -> memref<64x128xf32, #tpu.memory_space<hbm>>
      tpu.wait_dma2 semaphore(%dma_wait3A_1024 : memref<!tpu.dma_semaphore, #tpu.memory_space<semaphore_mem>>) src(%dma_wait3A_1030 : memref<64x128xf32, #tpu.memory_space<hbm>>) dst(%dma_wait3A_1027 : memref<64x128xf32, #tpu.memory_space<vmem>>)
      %dma_wait3A_1031 = arith.constant 9 : i32
      %dma_wait3A_1032 = arith.constant 0 : i32
      %dma_wait3A_1033 = arith.constant 256 : i32
      %dma_wait3A_1034 = tpu.memref_slice %arg10[%dma_wait3A_1032, %dma_wait3A_1033] : memref<64x896xf32, #tpu.memory_space<vmem>> -> memref<64x128xf32, #tpu.memory_space<vmem>>
      %dma_wait3A_1035 = arith.constant 0 : i32
      %dma_wait3A_1036 = arith.constant 0 : i32
      %dma_wait3A_1037 = tpu.memref_slice %arg5[%dma_wait3A_1035, %dma_wait3A_1036] : memref<64x1000000xf32, #tpu.memory_space<hbm>> -> memref<64x128xf32, #tpu.memory_space<hbm>>
      %dma_wait3A_1038 = tpu.memref_slice %arg12[%dma_wait3A_1031] : memref<14x!tpu.dma_semaphore, #tpu.memory_space<semaphore_mem>> -> memref<1x!tpu.dma_semaphore, #tpu.memory_space<semaphore_mem>>
      %dma_wait3A_1039 = tpu.memref_squeeze %dma_wait3A_1038 : memref<1x!tpu.dma_semaphore, #tpu.memory_space<semaphore_mem>> -> memref<!tpu.dma_semaphore, #tpu.memory_space<semaphore_mem>>
      %dma_wait3A_1040 = arith.constant 0 : i32
      %dma_wait3A_1041 = arith.constant 256 : i32
      %dma_wait3A_1042 = tpu.memref_slice %arg10[%dma_wait3A_1040, %dma_wait3A_1041] : memref<64x896xf32, #tpu.memory_space<vmem>> -> memref<64x128xf32, #tpu.memory_space<vmem>>
      %dma_wait3A_1043 = arith.constant 0 : i32
      %dma_wait3A_1044 = arith.constant 0 : i32
      %dma_wait3A_1045 = tpu.memref_slice %arg5[%dma_wait3A_1043, %dma_wait3A_1044] : memref<64x1000000xf32, #tpu.memory_space<hbm>> -> memref<64x128xf32, #tpu.memory_space<hbm>>
      tpu.wait_dma2 semaphore(%dma_wait3A_1039 : memref<!tpu.dma_semaphore, #tpu.memory_space<semaphore_mem>>) src(%dma_wait3A_1045 : memref<64x128xf32, #tpu.memory_space<hbm>>) dst(%dma_wait3A_1042 : memref<64x128xf32, #tpu.memory_space<vmem>>)
      %broadcast_in_dim3A_1046 = arith.constant 256 : i32
      %broadcast_in_dim3A_1047 = vector.broadcast %broadcast_in_dim3A_1046 : i32 to vector<16xi32>
      %add3A_1048 = vector.broadcast %select_n3A_997 : i32 to vector<16xi32>
      %add3A_1049 = arith.addi %broadcast_in_dim3A_1047, %add3A_1048 : vector<16xi32>
      %broadcast_in_dim3A_1050 = arith.constant 256 : i32
      %broadcast_in_dim3A_1051 = vector.broadcast %broadcast_in_dim3A_1050 : i32 to vector<16xi32>
      %add3A_1052 = vector.broadcast %select_n3A_1015 : i32 to vector<16xi32>
      %add3A_1053 = arith.addi %broadcast_in_dim3A_1051, %add3A_1052 : vector<16xi32>
      %broadcast_in_dim3A_1054 = arith.constant 0.000000e+00 : f32
      %broadcast_in_dim3A_1055 = vector.broadcast %broadcast_in_dim3A_1054 : f32 to vector<16xf32>
      %add3A_1056 = arith.constant 0 : i32
      %add3A_1057 = vector.broadcast %add3A_1056 : i32 to vector<16xi32>
      %add3A_1058 = arith.addi %iota3A, %add3A_1057 : vector<16xi32>
      %gather3A_1059 = tpu.vector_load_idx %arg9[%add3A_1058, %add3A_1049] : memref<64x896xf32, #tpu.memory_space<vmem>>[vector<16xi32>, vector<16xi32>], vector<16xf32>,
      %gather3A_1060 = tpu.vector_load_idx %arg10[%add3A_1058, %add3A_1053] : memref<64x896xf32, #tpu.memory_space<vmem>>[vector<16xi32>, vector<16xi32>], vector<16xf32>,
      %mul3A_1061 = arith.mulf %gather3A_1059, %gather3A_1060 : vector<16xf32>
      %add3A_1062 = arith.addf %broadcast_in_dim3A_1055, %mul3A_1061 : vector<16xf32>
      %add3A_1063 = arith.constant 16 : i32
      %add3A_1064 = vector.broadcast %add3A_1063 : i32 to vector<16xi32>
      %add3A_1065 = arith.addi %iota3A, %add3A_1064 : vector<16xi32>
      %gather3A_1066 = tpu.vector_load_idx %arg9[%add3A_1065, %add3A_1049] : memref<64x896xf32, #tpu.memory_space<vmem>>[vector<16xi32>, vector<16xi32>], vector<16xf32>,
      %gather3A_1067 = tpu.vector_load_idx %arg10[%add3A_1065, %add3A_1053] : memref<64x896xf32, #tpu.memory_space<vmem>>[vector<16xi32>, vector<16xi32>], vector<16xf32>,
      %mul3A_1068 = arith.mulf %gather3A_1066, %gather3A_1067 : vector<16xf32>
      %add3A_1069 = arith.addf %add3A_1062, %mul3A_1068 : vector<16xf32>
      %add3A_1070 = arith.constant 32 : i32
      %add3A_1071 = vector.broadcast %add3A_1070 : i32 to vector<16xi32>
      %add3A_1072 = arith.addi %iota3A, %add3A_1071 : vector<16xi32>
      %gather3A_1073 = tpu.vector_load_idx %arg9[%add3A_1072, %add3A_1049] : memref<64x896xf32, #tpu.memory_space<vmem>>[vector<16xi32>, vector<16xi32>], vector<16xf32>,
      %gather3A_1074 = tpu.vector_load_idx %arg10[%add3A_1072, %add3A_1053] : memref<64x896xf32, #tpu.memory_space<vmem>>[vector<16xi32>, vector<16xi32>], vector<16xf32>,
      %mul3A_1075 = arith.mulf %gather3A_1073, %gather3A_1074 : vector<16xf32>
      %add3A_1076 = arith.addf %add3A_1069, %mul3A_1075 : vector<16xf32>
      %add3A_1077 = arith.constant 48 : i32
      %add3A_1078 = vector.broadcast %add3A_1077 : i32 to vector<16xi32>
      %add3A_1079 = arith.addi %iota3A, %add3A_1078 : vector<16xi32>
      %gather3A_1080 = tpu.vector_load_idx %arg9[%add3A_1079, %add3A_1049] : memref<64x896xf32, #tpu.memory_space<vmem>>[vector<16xi32>, vector<16xi32>], vector<16xf32>,
      %gather3A_1081 = tpu.vector_load_idx %arg10[%add3A_1079, %add3A_1053] : memref<64x896xf32, #tpu.memory_space<vmem>>[vector<16xi32>, vector<16xi32>], vector<16xf32>,
      %mul3A_1082 = arith.mulf %gather3A_1080, %gather3A_1081 : vector<16xf32>
      %add3A_1083 = arith.addf %add3A_1076, %mul3A_1082 : vector<16xf32>
      %broadcast_in_dim3A_1084 = arith.constant true
      %broadcast_in_dim3A_1085 = vector.broadcast %broadcast_in_dim3A_1084 : i1 to vector<16xi1>
      %masked_cumsum3A_1086 = tpu.scan <sum>, %add3A_1083 masked %broadcast_in_dim3A_1085 : vector<16xf32>, vector<16xi1> -> vector<16xf32>
      %broadcast_in_dim3A_1087 = vector.broadcast %add3A_975 : i32 to vector<16xi32>
      tpu.vector_store_idx %arg11[%broadcast_in_dim3A_1087], %masked_cumsum3A_1086 masked %eq3A_4 : memref<512xf32, #tpu.memory_space<vmem>>[vector<16xi32>], vector<16xf32>, vector<16xi1>
      %add3A_1088 = arith.constant 7 : i32
      %add3A_1089 = arith.addi %add3A_975, %add3A_1088 : i32
      %lt3A_1090 = arith.constant 512 : i32
      %lt3A_1091 = arith.cmpi slt, %add3A_1089, %lt3A_1090 : i32
      %convert_element_type3A_1092 = arith.extui %lt3A_1091 : i1 to i32
      %cond3A_1093 = arith.constant 0 : i32
      %cond3A_1094 = arith.cmpi ne, %convert_element_type3A_1092, %cond3A_1093 : i32
      scf.if %cond3A_1094 {
        %add3A_1587 = arith.constant 7 : i32
        %add3A_1588 = arith.addi %add3A_975, %add3A_1587 : i32
        %get3A_1589 = arith.index_cast %add3A_1588 : i32 to index
        %get3A_1590 = tpu.vector_load %arg7[%get3A_1589] {strides = array<i32>} : memref<528xi32, #tpu.memory_space<vmem>>, vector<16xi32>,
        %slice3A_1591 = vector.extract_strided_slice %get3A_1590 {offsets = [0], sizes = [1], strides = [1]} : vector<16xi32> to vector<1xi32>
        %squeeze3A_1592 = vector.extract %slice3A_1591[0] : i32 from vector<1xi32>
        %jit3A_1593 = arith.constant 128 : i32
        %div3A_1594 = arith.divsi %squeeze3A_1592, %jit3A_1593 : i32
        %sign3A_1595 = arith.constant 0 : i32
        %sign3A_1596 = arith.cmpi sgt, %squeeze3A_1592, %sign3A_1595 : i32
        %sign3A_1597 = arith.extui %sign3A_1596 : i1 to i32
        %sign3A_1598 = arith.constant 0 : i32
        %sign3A_1599 = arith.cmpi slt, %squeeze3A_1592, %sign3A_1598 : i32
        %sign3A_1600 = arith.extui %sign3A_1599 : i1 to i32
        %sign3A_1601 = arith.subi %sign3A_1597, %sign3A_1600 : i32
        %sign3A_1602 = arith.constant 0 : i32
        %sign3A_1603 = arith.cmpi sgt, %jit3A_1593, %sign3A_1602 : i32
        %sign3A_1604 = arith.extui %sign3A_1603 : i1 to i32
        %sign3A_1605 = arith.constant 0 : i32
        %sign3A_1606 = arith.cmpi slt, %jit3A_1593, %sign3A_1605 : i32
        %sign3A_1607 = arith.extui %sign3A_1606 : i1 to i32
        %sign3A_1608 = arith.subi %sign3A_1604, %sign3A_1607 : i32
        %ne3A_1609 = arith.cmpi ne, %sign3A_1601, %sign3A_1608 : i32
        %rem3A_1610 = arith.remsi %squeeze3A_1592, %jit3A_1593 : i32
        %ne3A_1611 = arith.constant 0 : i32
        %ne3A_1612 = arith.cmpi ne, %rem3A_1610, %ne3A_1611 : i32
        %and3A_1613 = arith.andi %ne3A_1609, %ne3A_1612 : i1
        %sub3A_1614 = arith.constant 1 : i32
        %sub3A_1615 = arith.subi %div3A_1594, %sub3A_1614 : i32
        %select_n3A_1616 = arith.select %and3A_1613, %sub3A_1615, %div3A_1594 : i32
        %mul3A_1617 = arith.constant 128 : i32
        %mul3A_1618 = arith.muli %select_n3A_1616, %mul3A_1617 : i32
        %multiple_of3A_1619 = tpu.assume_multiple %mul3A_1618, 128 : i32
        %dma_start3A_1620 = arith.constant 2 : i32
        %dma_start3A_1621 = arith.constant 0 : i32
        %dma_start3A_1622 = arith.constant 256 : i32
        %dma_start3A_1623 = tpu.memref_slice %arg9[%dma_start3A_1621, %dma_start3A_1622] : memref<64x896xf32, #tpu.memory_space<vmem>> -> memref<64x128xf32, #tpu.memory_space<vmem>>
        %dma_start3A_1624 = arith.constant 0 : i32
        %dma_start3A_1625 = tpu.memref_slice %arg4[%dma_start3A_1624, %multiple_of3A_1619] : memref<64x1000000xf32, #tpu.memory_space<hbm>> -> memref<64x128xf32, #tpu.memory_space<hbm>>
        %dma_start3A_1626 = tpu.memref_slice %arg12[%dma_start3A_1620] : memref<14x!tpu.dma_semaphore, #tpu.memory_space<semaphore_mem>> -> memref<1x!tpu.dma_semaphore, #tpu.memory_space<semaphore_mem>>
        %dma_start3A_1627 = tpu.memref_squeeze %dma_start3A_1626 : memref<1x!tpu.dma_semaphore, #tpu.memory_space<semaphore_mem>> -> memref<!tpu.dma_semaphore, #tpu.memory_space<semaphore_mem>>
        %dma_start3A_1628 = arith.constant 0 : i32
        %dma_start3A_1629 = arith.constant 256 : i32
        %dma_start3A_1630 = tpu.memref_slice %arg9[%dma_start3A_1628, %dma_start3A_1629] : memref<64x896xf32, #tpu.memory_space<vmem>> -> memref<64x128xf32, #tpu.memory_space<vmem>>
        %dma_start3A_1631 = arith.constant 0 : i32
        %dma_start3A_1632 = tpu.memref_slice %arg4[%dma_start3A_1631, %multiple_of3A_1619] : memref<64x1000000xf32, #tpu.memory_space<hbm>> -> memref<64x128xf32, #tpu.memory_space<hbm>>
        tpu.enqueue_dma source(%dma_start3A_1632 : memref<64x128xf32, #tpu.memory_space<hbm>>) target(%dma_start3A_1630 : memref<64x128xf32, #tpu.memory_space<vmem>>) target_semaphore(%dma_start3A_1627 : memref<!tpu.dma_semaphore, #tpu.memory_space<semaphore_mem>>)
        %add3A_1633 = arith.constant 7 : i32
        %add3A_1634 = arith.addi %add3A_975, %add3A_1633 : i32
        %get3A_1635 = arith.index_cast %add3A_1634 : i32 to index
        %get3A_1636 = tpu.vector_load %arg8[%get3A_1635] {strides = array<i32>} : memref<528xi32, #tpu.memory_space<vmem>>, vector<16xi32>,
        %slice3A_1637 = vector.extract_strided_slice %get3A_1636 {offsets = [0], sizes = [1], strides = [1]} : vector<16xi32> to vector<1xi32>
        %squeeze3A_1638 = vector.extract %slice3A_1637[0] : i32 from vector<1xi32>
        %jit3A_1639 = arith.constant 128 : i32
        %div3A_1640 = arith.divsi %squeeze3A_1638, %jit3A_1639 : i32
        %sign3A_1641 = arith.constant 0 : i32
        %sign3A_1642 = arith.cmpi sgt, %squeeze3A_1638, %sign3A_1641 : i32
        %sign3A_1643 = arith.extui %sign3A_1642 : i1 to i32
        %sign3A_1644 = arith.constant 0 : i32
        %sign3A_1645 = arith.cmpi slt, %squeeze3A_1638, %sign3A_1644 : i32
        %sign3A_1646 = arith.extui %sign3A_1645 : i1 to i32
        %sign3A_1647 = arith.subi %sign3A_1643, %sign3A_1646 : i32
        %sign3A_1648 = arith.constant 0 : i32
        %sign3A_1649 = arith.cmpi sgt, %jit3A_1639, %sign3A_1648 : i32
        %sign3A_1650 = arith.extui %sign3A_1649 : i1 to i32
        %sign3A_1651 = arith.constant 0 : i32
        %sign3A_1652 = arith.cmpi slt, %jit3A_1639, %sign3A_1651 : i32
        %sign3A_1653 = arith.extui %sign3A_1652 : i1 to i32
        %sign3A_1654 = arith.subi %sign3A_1650, %sign3A_1653 : i32
        %ne3A_1655 = arith.cmpi ne, %sign3A_1647, %sign3A_1654 : i32
        %rem3A_1656 = arith.remsi %squeeze3A_1638, %jit3A_1639 : i32
        %ne3A_1657 = arith.constant 0 : i32
        %ne3A_1658 = arith.cmpi ne, %rem3A_1656, %ne3A_1657 : i32
        %and3A_1659 = arith.andi %ne3A_1655, %ne3A_1658 : i1
        %sub3A_1660 = arith.constant 1 : i32
        %sub3A_1661 = arith.subi %div3A_1640, %sub3A_1660 : i32
        %select_n3A_1662 = arith.select %and3A_1659, %sub3A_1661, %div3A_1640 : i32
        %mul3A_1663 = arith.constant 128 : i32
        %mul3A_1664 = arith.muli %select_n3A_1662, %mul3A_1663 : i32
        %multiple_of3A_1665 = tpu.assume_multiple %mul3A_1664, 128 : i32
        %dma_start3A_1666 = arith.constant 9 : i32
        %dma_start3A_1667 = arith.constant 0 : i32
        %dma_start3A_1668 = arith.constant 256 : i32
        %dma_start3A_1669 = tpu.memref_slice %arg10[%dma_start3A_1667, %dma_start3A_1668] : memref<64x896xf32, #tpu.memory_space<vmem>> -> memref<64x128xf32, #tpu.memory_space<vmem>>
        %dma_start3A_1670 = arith.constant 0 : i32
        %dma_start3A_1671 = tpu.memref_slice %arg5[%dma_start3A_1670, %multiple_of3A_1665] : memref<64x1000000xf32, #tpu.memory_space<hbm>> -> memref<64x128xf32, #tpu.memory_space<hbm>>
        %dma_start3A_1672 = tpu.memref_slice %arg12[%dma_start3A_1666] : memref<14x!tpu.dma_semaphore, #tpu.memory_space<semaphore_mem>> -> memref<1x!tpu.dma_semaphore, #tpu.memory_space<semaphore_mem>>
        %dma_start3A_1673 = tpu.memref_squeeze %dma_start3A_1672 : memref<1x!tpu.dma_semaphore, #tpu.memory_space<semaphore_mem>> -> memref<!tpu.dma_semaphore, #tpu.memory_space<semaphore_mem>>
        %dma_start3A_1674 = arith.constant 0 : i32
        %dma_start3A_1675 = arith.constant 256 : i32
        %dma_start3A_1676 = tpu.memref_slice %arg10[%dma_start3A_1674, %dma_start3A_1675] : memref<64x896xf32, #tpu.memory_space<vmem>> -> memref<64x128xf32, #tpu.memory_space<vmem>>
        %dma_start3A_1677 = arith.constant 0 : i32
        %dma_start3A_1678 = tpu.memref_slice %arg5[%dma_start3A_1677, %multiple_of3A_1665] : memref<64x1000000xf32, #tpu.memory_space<hbm>> -> memref<64x128xf32, #tpu.memory_space<hbm>>
        tpu.enqueue_dma source(%dma_start3A_1678 : memref<64x128xf32, #tpu.memory_space<hbm>>) target(%dma_start3A_1676 : memref<64x128xf32, #tpu.memory_space<vmem>>) target_semaphore(%dma_start3A_1673 : memref<!tpu.dma_semaphore, #tpu.memory_space<semaphore_mem>>)
      } else {
      }
      %mul3A_1095 = arith.constant 7 : i32
      %mul3A_1096 = arith.muli %scan3A_727, %mul3A_1095 : i32
      %add3A_1097 = arith.constant 3 : i32
      %add3A_1098 = arith.addi %mul3A_1096, %add3A_1097 : i32
      %get3A_1099 = arith.index_cast %add3A_1098 : i32 to index
      %get3A_1100 = tpu.vector_load %arg7[%get3A_1099] {strides = array<i32>} : memref<528xi32, #tpu.memory_space<vmem>>, vector<16xi32>,
      %get3A_1101 = arith.index_cast %add3A_1098 : i32 to index
      %get3A_1102 = tpu.vector_load %arg8[%get3A_1101] {strides = array<i32>} : memref<528xi32, #tpu.memory_space<vmem>>, vector<16xi32>,
      %slice3A_1103 = vector.extract_strided_slice %get3A_1100 {offsets = [0], sizes = [1], strides = [1]} : vector<16xi32> to vector<1xi32>
      %squeeze3A_1104 = vector.extract %slice3A_1103[0] : i32 from vector<1xi32>
      %jit3A_1105 = arith.constant 128 : i32
      %eq3A_1106 = arith.constant 0 : i32
      %eq3A_1107 = arith.cmpi eq, %jit3A_1105, %eq3A_1106 : i32
      %jit3A_1108 = arith.constant 1 : i32
      %select_n3A_1109 = arith.select %eq3A_1107, %jit3A_1108, %jit3A_1105 : i32
      %rem3A_1110 = arith.remsi %squeeze3A_1104, %select_n3A_1109 : i32
      %ne3A_1111 = arith.constant 0 : i32
      %ne3A_1112 = arith.cmpi ne, %rem3A_1110, %ne3A_1111 : i32
      %lt3A_1113 = arith.constant 0 : i32
      %lt3A_1114 = arith.cmpi slt, %rem3A_1110, %lt3A_1113 : i32
      %lt3A_1115 = arith.constant 0 : i32
      %lt3A_1116 = arith.cmpi slt, %select_n3A_1109, %lt3A_1115 : i32
      %ne3A_1117 = arith.xori %lt3A_1114, %lt3A_1116 : i1
      %and3A_1118 = arith.andi %ne3A_1117, %ne3A_1112 : i1
      %add3A_1119 = arith.addi %rem3A_1110, %select_n3A_1109 : i32
      %select_n3A_1120 = arith.select %and3A_1118, %add3A_1119, %rem3A_1110 : i32
      %slice3A_1121 = vector.extract_strided_slice %get3A_1102 {offsets = [0], sizes = [1], strides = [1]} : vector<16xi32> to vector<1xi32>
      %squeeze3A_1122 = vector.extract %slice3A_1121[0] : i32 from vector<1xi32>
      %jit3A_1123 = arith.constant 128 : i32
      %eq3A_1124 = arith.constant 0 : i32
      %eq3A_1125 = arith.cmpi eq, %jit3A_1123, %eq3A_1124 : i32
      %jit3A_1126 = arith.constant 1 : i32
      %select_n3A_1127 = arith.select %eq3A_1125, %jit3A_1126, %jit3A_1123 : i32
      %rem3A_1128 = arith.remsi %squeeze3A_1122, %select_n3A_1127 : i32
      %ne3A_1129 = arith.constant 0 : i32
      %ne3A_1130 = arith.cmpi ne, %rem3A_1128, %ne3A_1129 : i32
      %lt3A_1131 = arith.constant 0 : i32
      %lt3A_1132 = arith.cmpi slt, %rem3A_1128, %lt3A_1131 : i32
      %lt3A_1133 = arith.constant 0 : i32
      %lt3A_1134 = arith.cmpi slt, %select_n3A_1127, %lt3A_1133 : i32
      %ne3A_1135 = arith.xori %lt3A_1132, %lt3A_1134 : i1
      %and3A_1136 = arith.andi %ne3A_1135, %ne3A_1130 : i1
      %add3A_1137 = arith.addi %rem3A_1128, %select_n3A_1127 : i32
      %select_n3A_1138 = arith.select %and3A_1136, %add3A_1137, %rem3A_1128 : i32
      %dma_wait3A_1139 = arith.constant 3 : i32
      %dma_wait3A_1140 = arith.constant 0 : i32
      %dma_wait3A_1141 = arith.constant 384 : i32
      %dma_wait3A_1142 = tpu.memref_slice %arg9[%dma_wait3A_1140, %dma_wait3A_1141] : memref<64x896xf32, #tpu.memory_space<vmem>> -> memref<64x128xf32, #tpu.memory_space<vmem>>
      %dma_wait3A_1143 = arith.constant 0 : i32
      %dma_wait3A_1144 = arith.constant 0 : i32
      %dma_wait3A_1145 = tpu.memref_slice %arg4[%dma_wait3A_1143, %dma_wait3A_1144] : memref<64x1000000xf32, #tpu.memory_space<hbm>> -> memref<64x128xf32, #tpu.memory_space<hbm>>
      %dma_wait3A_1146 = tpu.memref_slice %arg12[%dma_wait3A_1139] : memref<14x!tpu.dma_semaphore, #tpu.memory_space<semaphore_mem>> -> memref<1x!tpu.dma_semaphore, #tpu.memory_space<semaphore_mem>>
      %dma_wait3A_1147 = tpu.memref_squeeze %dma_wait3A_1146 : memref<1x!tpu.dma_semaphore, #tpu.memory_space<semaphore_mem>> -> memref<!tpu.dma_semaphore, #tpu.memory_space<semaphore_mem>>
      %dma_wait3A_1148 = arith.constant 0 : i32
      %dma_wait3A_1149 = arith.constant 384 : i32
      %dma_wait3A_1150 = tpu.memref_slice %arg9[%dma_wait3A_1148, %dma_wait3A_1149] : memref<64x896xf32, #tpu.memory_space<vmem>> -> memref<64x128xf32, #tpu.memory_space<vmem>>
      %dma_wait3A_1151 = arith.constant 0 : i32
      %dma_wait3A_1152 = arith.constant 0 : i32
      %dma_wait3A_1153 = tpu.memref_slice %arg4[%dma_wait3A_1151, %dma_wait3A_1152] : memref<64x1000000xf32, #tpu.memory_space<hbm>> -> memref<64x128xf32, #tpu.memory_space<hbm>>
      tpu.wait_dma2 semaphore(%dma_wait3A_1147 : memref<!tpu.dma_semaphore, #tpu.memory_space<semaphore_mem>>) src(%dma_wait3A_1153 : memref<64x128xf32, #tpu.memory_space<hbm>>) dst(%dma_wait3A_1150 : memref<64x128xf32, #tpu.memory_space<vmem>>)
      %dma_wait3A_1154 = arith.constant 10 : i32
      %dma_wait3A_1155 = arith.constant 0 : i32
      %dma_wait3A_1156 = arith.constant 384 : i32
      %dma_wait3A_1157 = tpu.memref_slice %arg10[%dma_wait3A_1155, %dma_wait3A_1156] : memref<64x896xf32, #tpu.memory_space<vmem>> -> memref<64x128xf32, #tpu.memory_space<vmem>>
      %dma_wait3A_1158 = arith.constant 0 : i32
      %dma_wait3A_1159 = arith.constant 0 : i32
      %dma_wait3A_1160 = tpu.memref_slice %arg5[%dma_wait3A_1158, %dma_wait3A_1159] : memref<64x1000000xf32, #tpu.memory_space<hbm>> -> memref<64x128xf32, #tpu.memory_space<hbm>>
      %dma_wait3A_1161 = tpu.memref_slice %arg12[%dma_wait3A_1154] : memref<14x!tpu.dma_semaphore, #tpu.memory_space<semaphore_mem>> -> memref<1x!tpu.dma_semaphore, #tpu.memory_space<semaphore_mem>>
      %dma_wait3A_1162 = tpu.memref_squeeze %dma_wait3A_1161 : memref<1x!tpu.dma_semaphore, #tpu.memory_space<semaphore_mem>> -> memref<!tpu.dma_semaphore, #tpu.memory_space<semaphore_mem>>
      %dma_wait3A_1163 = arith.constant 0 : i32
      %dma_wait3A_1164 = arith.constant 384 : i32
      %dma_wait3A_1165 = tpu.memref_slice %arg10[%dma_wait3A_1163, %dma_wait3A_1164] : memref<64x896xf32, #tpu.memory_space<vmem>> -> memref<64x128xf32, #tpu.memory_space<vmem>>
      %dma_wait3A_1166 = arith.constant 0 : i32
      %dma_wait3A_1167 = arith.constant 0 : i32
      %dma_wait3A_1168 = tpu.memref_slice %arg5[%dma_wait3A_1166, %dma_wait3A_1167] : memref<64x1000000xf32, #tpu.memory_space<hbm>> -> memref<64x128xf32, #tpu.memory_space<hbm>>
      tpu.wait_dma2 semaphore(%dma_wait3A_1162 : memref<!tpu.dma_semaphore, #tpu.memory_space<semaphore_mem>>) src(%dma_wait3A_1168 : memref<64x128xf32, #tpu.memory_space<hbm>>) dst(%dma_wait3A_1165 : memref<64x128xf32, #tpu.memory_space<vmem>>)
      %broadcast_in_dim3A_1169 = arith.constant 384 : i32
      %broadcast_in_dim3A_1170 = vector.broadcast %broadcast_in_dim3A_1169 : i32 to vector<16xi32>
      %add3A_1171 = vector.broadcast %select_n3A_1120 : i32 to vector<16xi32>
      %add3A_1172 = arith.addi %broadcast_in_dim3A_1170, %add3A_1171 : vector<16xi32>
      %broadcast_in_dim3A_1173 = arith.constant 384 : i32
      %broadcast_in_dim3A_1174 = vector.broadcast %broadcast_in_dim3A_1173 : i32 to vector<16xi32>
      %add3A_1175 = vector.broadcast %select_n3A_1138 : i32 to vector<16xi32>
      %add3A_1176 = arith.addi %broadcast_in_dim3A_1174, %add3A_1175 : vector<16xi32>
      %broadcast_in_dim3A_1177 = arith.constant 0.000000e+00 : f32
      %broadcast_in_dim3A_1178 = vector.broadcast %broadcast_in_dim3A_1177 : f32 to vector<16xf32>
      %add3A_1179 = arith.constant 0 : i32
      %add3A_1180 = vector.broadcast %add3A_1179 : i32 to vector<16xi32>
      %add3A_1181 = arith.addi %iota3A, %add3A_1180 : vector<16xi32>
      %gather3A_1182 = tpu.vector_load_idx %arg9[%add3A_1181, %add3A_1172] : memref<64x896xf32, #tpu.memory_space<vmem>>[vector<16xi32>, vector<16xi32>], vector<16xf32>,
      %gather3A_1183 = tpu.vector_load_idx %arg10[%add3A_1181, %add3A_1176] : memref<64x896xf32, #tpu.memory_space<vmem>>[vector<16xi32>, vector<16xi32>], vector<16xf32>,
      %mul3A_1184 = arith.mulf %gather3A_1182, %gather3A_1183 : vector<16xf32>
      %add3A_1185 = arith.addf %broadcast_in_dim3A_1178, %mul3A_1184 : vector<16xf32>
      %add3A_1186 = arith.constant 16 : i32
      %add3A_1187 = vector.broadcast %add3A_1186 : i32 to vector<16xi32>
      %add3A_1188 = arith.addi %iota3A, %add3A_1187 : vector<16xi32>
      %gather3A_1189 = tpu.vector_load_idx %arg9[%add3A_1188, %add3A_1172] : memref<64x896xf32, #tpu.memory_space<vmem>>[vector<16xi32>, vector<16xi32>], vector<16xf32>,
      %gather3A_1190 = tpu.vector_load_idx %arg10[%add3A_1188, %add3A_1176] : memref<64x896xf32, #tpu.memory_space<vmem>>[vector<16xi32>, vector<16xi32>], vector<16xf32>,
      %mul3A_1191 = arith.mulf %gather3A_1189, %gather3A_1190 : vector<16xf32>
      %add3A_1192 = arith.addf %add3A_1185, %mul3A_1191 : vector<16xf32>
      %add3A_1193 = arith.constant 32 : i32
      %add3A_1194 = vector.broadcast %add3A_1193 : i32 to vector<16xi32>
      %add3A_1195 = arith.addi %iota3A, %add3A_1194 : vector<16xi32>
      %gather3A_1196 = tpu.vector_load_idx %arg9[%add3A_1195, %add3A_1172] : memref<64x896xf32, #tpu.memory_space<vmem>>[vector<16xi32>, vector<16xi32>], vector<16xf32>,
      %gather3A_1197 = tpu.vector_load_idx %arg10[%add3A_1195, %add3A_1176] : memref<64x896xf32, #tpu.memory_space<vmem>>[vector<16xi32>, vector<16xi32>], vector<16xf32>,
      %mul3A_1198 = arith.mulf %gather3A_1196, %gather3A_1197 : vector<16xf32>
      %add3A_1199 = arith.addf %add3A_1192, %mul3A_1198 : vector<16xf32>
      %add3A_1200 = arith.constant 48 : i32
      %add3A_1201 = vector.broadcast %add3A_1200 : i32 to vector<16xi32>
      %add3A_1202 = arith.addi %iota3A, %add3A_1201 : vector<16xi32>
      %gather3A_1203 = tpu.vector_load_idx %arg9[%add3A_1202, %add3A_1172] : memref<64x896xf32, #tpu.memory_space<vmem>>[vector<16xi32>, vector<16xi32>], vector<16xf32>,
      %gather3A_1204 = tpu.vector_load_idx %arg10[%add3A_1202, %add3A_1176] : memref<64x896xf32, #tpu.memory_space<vmem>>[vector<16xi32>, vector<16xi32>], vector<16xf32>,
      %mul3A_1205 = arith.mulf %gather3A_1203, %gather3A_1204 : vector<16xf32>
      %add3A_1206 = arith.addf %add3A_1199, %mul3A_1205 : vector<16xf32>
      %broadcast_in_dim3A_1207 = arith.constant true
      %broadcast_in_dim3A_1208 = vector.broadcast %broadcast_in_dim3A_1207 : i1 to vector<16xi1>
      %masked_cumsum3A_1209 = tpu.scan <sum>, %add3A_1206 masked %broadcast_in_dim3A_1208 : vector<16xf32>, vector<16xi1> -> vector<16xf32>
      %broadcast_in_dim3A_1210 = vector.broadcast %add3A_1098 : i32 to vector<16xi32>
      tpu.vector_store_idx %arg11[%broadcast_in_dim3A_1210], %masked_cumsum3A_1209 masked %eq3A_4 : memref<512xf32, #tpu.memory_space<vmem>>[vector<16xi32>], vector<16xf32>, vector<16xi1>
      %add3A_1211 = arith.constant 7 : i32
      %add3A_1212 = arith.addi %add3A_1098, %add3A_1211 : i32
      %lt3A_1213 = arith.constant 512 : i32
      %lt3A_1214 = arith.cmpi slt, %add3A_1212, %lt3A_1213 : i32
      %convert_element_type3A_1215 = arith.extui %lt3A_1214 : i1 to i32
      %cond3A_1216 = arith.constant 0 : i32
      %cond3A_1217 = arith.cmpi ne, %convert_element_type3A_1215, %cond3A_1216 : i32
      scf.if %cond3A_1217 {
        %add3A_1587 = arith.constant 7 : i32
        %add3A_1588 = arith.addi %add3A_1098, %add3A_1587 : i32
        %get3A_1589 = arith.index_cast %add3A_1588 : i32 to index
        %get3A_1590 = tpu.vector_load %arg7[%get3A_1589] {strides = array<i32>} : memref<528xi32, #tpu.memory_space<vmem>>, vector<16xi32>,
        %slice3A_1591 = vector.extract_strided_slice %get3A_1590 {offsets = [0], sizes = [1], strides = [1]} : vector<16xi32> to vector<1xi32>
        %squeeze3A_1592 = vector.extract %slice3A_1591[0] : i32 from vector<1xi32>
        %jit3A_1593 = arith.constant 128 : i32
        %div3A_1594 = arith.divsi %squeeze3A_1592, %jit3A_1593 : i32
        %sign3A_1595 = arith.constant 0 : i32
        %sign3A_1596 = arith.cmpi sgt, %squeeze3A_1592, %sign3A_1595 : i32
        %sign3A_1597 = arith.extui %sign3A_1596 : i1 to i32
        %sign3A_1598 = arith.constant 0 : i32
        %sign3A_1599 = arith.cmpi slt, %squeeze3A_1592, %sign3A_1598 : i32
        %sign3A_1600 = arith.extui %sign3A_1599 : i1 to i32
        %sign3A_1601 = arith.subi %sign3A_1597, %sign3A_1600 : i32
        %sign3A_1602 = arith.constant 0 : i32
        %sign3A_1603 = arith.cmpi sgt, %jit3A_1593, %sign3A_1602 : i32
        %sign3A_1604 = arith.extui %sign3A_1603 : i1 to i32
        %sign3A_1605 = arith.constant 0 : i32
        %sign3A_1606 = arith.cmpi slt, %jit3A_1593, %sign3A_1605 : i32
        %sign3A_1607 = arith.extui %sign3A_1606 : i1 to i32
        %sign3A_1608 = arith.subi %sign3A_1604, %sign3A_1607 : i32
        %ne3A_1609 = arith.cmpi ne, %sign3A_1601, %sign3A_1608 : i32
        %rem3A_1610 = arith.remsi %squeeze3A_1592, %jit3A_1593 : i32
        %ne3A_1611 = arith.constant 0 : i32
        %ne3A_1612 = arith.cmpi ne, %rem3A_1610, %ne3A_1611 : i32
        %and3A_1613 = arith.andi %ne3A_1609, %ne3A_1612 : i1
        %sub3A_1614 = arith.constant 1 : i32
        %sub3A_1615 = arith.subi %div3A_1594, %sub3A_1614 : i32
        %select_n3A_1616 = arith.select %and3A_1613, %sub3A_1615, %div3A_1594 : i32
        %mul3A_1617 = arith.constant 128 : i32
        %mul3A_1618 = arith.muli %select_n3A_1616, %mul3A_1617 : i32
        %multiple_of3A_1619 = tpu.assume_multiple %mul3A_1618, 128 : i32
        %dma_start3A_1620 = arith.constant 3 : i32
        %dma_start3A_1621 = arith.constant 0 : i32
        %dma_start3A_1622 = arith.constant 384 : i32
        %dma_start3A_1623 = tpu.memref_slice %arg9[%dma_start3A_1621, %dma_start3A_1622] : memref<64x896xf32, #tpu.memory_space<vmem>> -> memref<64x128xf32, #tpu.memory_space<vmem>>
        %dma_start3A_1624 = arith.constant 0 : i32
        %dma_start3A_1625 = tpu.memref_slice %arg4[%dma_start3A_1624, %multiple_of3A_1619] : memref<64x1000000xf32, #tpu.memory_space<hbm>> -> memref<64x128xf32, #tpu.memory_space<hbm>>
        %dma_start3A_1626 = tpu.memref_slice %arg12[%dma_start3A_1620] : memref<14x!tpu.dma_semaphore, #tpu.memory_space<semaphore_mem>> -> memref<1x!tpu.dma_semaphore, #tpu.memory_space<semaphore_mem>>
        %dma_start3A_1627 = tpu.memref_squeeze %dma_start3A_1626 : memref<1x!tpu.dma_semaphore, #tpu.memory_space<semaphore_mem>> -> memref<!tpu.dma_semaphore, #tpu.memory_space<semaphore_mem>>
        %dma_start3A_1628 = arith.constant 0 : i32
        %dma_start3A_1629 = arith.constant 384 : i32
        %dma_start3A_1630 = tpu.memref_slice %arg9[%dma_start3A_1628, %dma_start3A_1629] : memref<64x896xf32, #tpu.memory_space<vmem>> -> memref<64x128xf32, #tpu.memory_space<vmem>>
        %dma_start3A_1631 = arith.constant 0 : i32
        %dma_start3A_1632 = tpu.memref_slice %arg4[%dma_start3A_1631, %multiple_of3A_1619] : memref<64x1000000xf32, #tpu.memory_space<hbm>> -> memref<64x128xf32, #tpu.memory_space<hbm>>
        tpu.enqueue_dma source(%dma_start3A_1632 : memref<64x128xf32, #tpu.memory_space<hbm>>) target(%dma_start3A_1630 : memref<64x128xf32, #tpu.memory_space<vmem>>) target_semaphore(%dma_start3A_1627 : memref<!tpu.dma_semaphore, #tpu.memory_space<semaphore_mem>>)
        %add3A_1633 = arith.constant 7 : i32
        %add3A_1634 = arith.addi %add3A_1098, %add3A_1633 : i32
        %get3A_1635 = arith.index_cast %add3A_1634 : i32 to index
        %get3A_1636 = tpu.vector_load %arg8[%get3A_1635] {strides = array<i32>} : memref<528xi32, #tpu.memory_space<vmem>>, vector<16xi32>,
        %slice3A_1637 = vector.extract_strided_slice %get3A_1636 {offsets = [0], sizes = [1], strides = [1]} : vector<16xi32> to vector<1xi32>
        %squeeze3A_1638 = vector.extract %slice3A_1637[0] : i32 from vector<1xi32>
        %jit3A_1639 = arith.constant 128 : i32
        %div3A_1640 = arith.divsi %squeeze3A_1638, %jit3A_1639 : i32
        %sign3A_1641 = arith.constant 0 : i32
        %sign3A_1642 = arith.cmpi sgt, %squeeze3A_1638, %sign3A_1641 : i32
        %sign3A_1643 = arith.extui %sign3A_1642 : i1 to i32
        %sign3A_1644 = arith.constant 0 : i32
        %sign3A_1645 = arith.cmpi slt, %squeeze3A_1638, %sign3A_1644 : i32
        %sign3A_1646 = arith.extui %sign3A_1645 : i1 to i32
        %sign3A_1647 = arith.subi %sign3A_1643, %sign3A_1646 : i32
        %sign3A_1648 = arith.constant 0 : i32
        %sign3A_1649 = arith.cmpi sgt, %jit3A_1639, %sign3A_1648 : i32
        %sign3A_1650 = arith.extui %sign3A_1649 : i1 to i32
        %sign3A_1651 = arith.constant 0 : i32
        %sign3A_1652 = arith.cmpi slt, %jit3A_1639, %sign3A_1651 : i32
        %sign3A_1653 = arith.extui %sign3A_1652 : i1 to i32
        %sign3A_1654 = arith.subi %sign3A_1650, %sign3A_1653 : i32
        %ne3A_1655 = arith.cmpi ne, %sign3A_1647, %sign3A_1654 : i32
        %rem3A_1656 = arith.remsi %squeeze3A_1638, %jit3A_1639 : i32
        %ne3A_1657 = arith.constant 0 : i32
        %ne3A_1658 = arith.cmpi ne, %rem3A_1656, %ne3A_1657 : i32
        %and3A_1659 = arith.andi %ne3A_1655, %ne3A_1658 : i1
        %sub3A_1660 = arith.constant 1 : i32
        %sub3A_1661 = arith.subi %div3A_1640, %sub3A_1660 : i32
        %select_n3A_1662 = arith.select %and3A_1659, %sub3A_1661, %div3A_1640 : i32
        %mul3A_1663 = arith.constant 128 : i32
        %mul3A_1664 = arith.muli %select_n3A_1662, %mul3A_1663 : i32
        %multiple_of3A_1665 = tpu.assume_multiple %mul3A_1664, 128 : i32
        %dma_start3A_1666 = arith.constant 10 : i32
        %dma_start3A_1667 = arith.constant 0 : i32
        %dma_start3A_1668 = arith.constant 384 : i32
        %dma_start3A_1669 = tpu.memref_slice %arg10[%dma_start3A_1667, %dma_start3A_1668] : memref<64x896xf32, #tpu.memory_space<vmem>> -> memref<64x128xf32, #tpu.memory_space<vmem>>
        %dma_start3A_1670 = arith.constant 0 : i32
        %dma_start3A_1671 = tpu.memref_slice %arg5[%dma_start3A_1670, %multiple_of3A_1665] : memref<64x1000000xf32, #tpu.memory_space<hbm>> -> memref<64x128xf32, #tpu.memory_space<hbm>>
        %dma_start3A_1672 = tpu.memref_slice %arg12[%dma_start3A_1666] : memref<14x!tpu.dma_semaphore, #tpu.memory_space<semaphore_mem>> -> memref<1x!tpu.dma_semaphore, #tpu.memory_space<semaphore_mem>>
        %dma_start3A_1673 = tpu.memref_squeeze %dma_start3A_1672 : memref<1x!tpu.dma_semaphore, #tpu.memory_space<semaphore_mem>> -> memref<!tpu.dma_semaphore, #tpu.memory_space<semaphore_mem>>
        %dma_start3A_1674 = arith.constant 0 : i32
        %dma_start3A_1675 = arith.constant 384 : i32
        %dma_start3A_1676 = tpu.memref_slice %arg10[%dma_start3A_1674, %dma_start3A_1675] : memref<64x896xf32, #tpu.memory_space<vmem>> -> memref<64x128xf32, #tpu.memory_space<vmem>>
        %dma_start3A_1677 = arith.constant 0 : i32
        %dma_start3A_1678 = tpu.memref_slice %arg5[%dma_start3A_1677, %multiple_of3A_1665] : memref<64x1000000xf32, #tpu.memory_space<hbm>> -> memref<64x128xf32, #tpu.memory_space<hbm>>
        tpu.enqueue_dma source(%dma_start3A_1678 : memref<64x128xf32, #tpu.memory_space<hbm>>) target(%dma_start3A_1676 : memref<64x128xf32, #tpu.memory_space<vmem>>) target_semaphore(%dma_start3A_1673 : memref<!tpu.dma_semaphore, #tpu.memory_space<semaphore_mem>>)
      } else {
      }
      %mul3A_1218 = arith.constant 7 : i32
      %mul3A_1219 = arith.muli %scan3A_727, %mul3A_1218 : i32
      %add3A_1220 = arith.constant 4 : i32
      %add3A_1221 = arith.addi %mul3A_1219, %add3A_1220 : i32
      %get3A_1222 = arith.index_cast %add3A_1221 : i32 to index
      %get3A_1223 = tpu.vector_load %arg7[%get3A_1222] {strides = array<i32>} : memref<528xi32, #tpu.memory_space<vmem>>, vector<16xi32>,
      %get3A_1224 = arith.index_cast %add3A_1221 : i32 to index
      %get3A_1225 = tpu.vector_load %arg8[%get3A_1224] {strides = array<i32>} : memref<528xi32, #tpu.memory_space<vmem>>, vector<16xi32>,
      %slice3A_1226 = vector.extract_strided_slice %get3A_1223 {offsets = [0], sizes = [1], strides = [1]} : vector<16xi32> to vector<1xi32>
      %squeeze3A_1227 = vector.extract %slice3A_1226[0] : i32 from vector<1xi32>
      %jit3A_1228 = arith.constant 128 : i32
      %eq3A_1229 = arith.constant 0 : i32
      %eq3A_1230 = arith.cmpi eq, %jit3A_1228, %eq3A_1229 : i32
      %jit3A_1231 = arith.constant 1 : i32
      %select_n3A_1232 = arith.select %eq3A_1230, %jit3A_1231, %jit3A_1228 : i32
      %rem3A_1233 = arith.remsi %squeeze3A_1227, %select_n3A_1232 : i32
      %ne3A_1234 = arith.constant 0 : i32
      %ne3A_1235 = arith.cmpi ne, %rem3A_1233, %ne3A_1234 : i32
      %lt3A_1236 = arith.constant 0 : i32
      %lt3A_1237 = arith.cmpi slt, %rem3A_1233, %lt3A_1236 : i32
      %lt3A_1238 = arith.constant 0 : i32
      %lt3A_1239 = arith.cmpi slt, %select_n3A_1232, %lt3A_1238 : i32
      %ne3A_1240 = arith.xori %lt3A_1237, %lt3A_1239 : i1
      %and3A_1241 = arith.andi %ne3A_1240, %ne3A_1235 : i1
      %add3A_1242 = arith.addi %rem3A_1233, %select_n3A_1232 : i32
      %select_n3A_1243 = arith.select %and3A_1241, %add3A_1242, %rem3A_1233 : i32
      %slice3A_1244 = vector.extract_strided_slice %get3A_1225 {offsets = [0], sizes = [1], strides = [1]} : vector<16xi32> to vector<1xi32>
      %squeeze3A_1245 = vector.extract %slice3A_1244[0] : i32 from vector<1xi32>
      %jit3A_1246 = arith.constant 128 : i32
      %eq3A_1247 = arith.constant 0 : i32
      %eq3A_1248 = arith.cmpi eq, %jit3A_1246, %eq3A_1247 : i32
      %jit3A_1249 = arith.constant 1 : i32
      %select_n3A_1250 = arith.select %eq3A_1248, %jit3A_1249, %jit3A_1246 : i32
      %rem3A_1251 = arith.remsi %squeeze3A_1245, %select_n3A_1250 : i32
      %ne3A_1252 = arith.constant 0 : i32
      %ne3A_1253 = arith.cmpi ne, %rem3A_1251, %ne3A_1252 : i32
      %lt3A_1254 = arith.constant 0 : i32
      %lt3A_1255 = arith.cmpi slt, %rem3A_1251, %lt3A_1254 : i32
      %lt3A_1256 = arith.constant 0 : i32
      %lt3A_1257 = arith.cmpi slt, %select_n3A_1250, %lt3A_1256 : i32
      %ne3A_1258 = arith.xori %lt3A_1255, %lt3A_1257 : i1
      %and3A_1259 = arith.andi %ne3A_1258, %ne3A_1253 : i1
      %add3A_1260 = arith.addi %rem3A_1251, %select_n3A_1250 : i32
      %select_n3A_1261 = arith.select %and3A_1259, %add3A_1260, %rem3A_1251 : i32
      %dma_wait3A_1262 = arith.constant 4 : i32
      %dma_wait3A_1263 = arith.constant 0 : i32
      %dma_wait3A_1264 = arith.constant 512 : i32
      %dma_wait3A_1265 = tpu.memref_slice %arg9[%dma_wait3A_1263, %dma_wait3A_1264] : memref<64x896xf32, #tpu.memory_space<vmem>> -> memref<64x128xf32, #tpu.memory_space<vmem>>
      %dma_wait3A_1266 = arith.constant 0 : i32
      %dma_wait3A_1267 = arith.constant 0 : i32
      %dma_wait3A_1268 = tpu.memref_slice %arg4[%dma_wait3A_1266, %dma_wait3A_1267] : memref<64x1000000xf32, #tpu.memory_space<hbm>> -> memref<64x128xf32, #tpu.memory_space<hbm>>
      %dma_wait3A_1269 = tpu.memref_slice %arg12[%dma_wait3A_1262] : memref<14x!tpu.dma_semaphore, #tpu.memory_space<semaphore_mem>> -> memref<1x!tpu.dma_semaphore, #tpu.memory_space<semaphore_mem>>
      %dma_wait3A_1270 = tpu.memref_squeeze %dma_wait3A_1269 : memref<1x!tpu.dma_semaphore, #tpu.memory_space<semaphore_mem>> -> memref<!tpu.dma_semaphore, #tpu.memory_space<semaphore_mem>>
      %dma_wait3A_1271 = arith.constant 0 : i32
      %dma_wait3A_1272 = arith.constant 512 : i32
      %dma_wait3A_1273 = tpu.memref_slice %arg9[%dma_wait3A_1271, %dma_wait3A_1272] : memref<64x896xf32, #tpu.memory_space<vmem>> -> memref<64x128xf32, #tpu.memory_space<vmem>>
      %dma_wait3A_1274 = arith.constant 0 : i32
      %dma_wait3A_1275 = arith.constant 0 : i32
      %dma_wait3A_1276 = tpu.memref_slice %arg4[%dma_wait3A_1274, %dma_wait3A_1275] : memref<64x1000000xf32, #tpu.memory_space<hbm>> -> memref<64x128xf32, #tpu.memory_space<hbm>>
      tpu.wait_dma2 semaphore(%dma_wait3A_1270 : memref<!tpu.dma_semaphore, #tpu.memory_space<semaphore_mem>>) src(%dma_wait3A_1276 : memref<64x128xf32, #tpu.memory_space<hbm>>) dst(%dma_wait3A_1273 : memref<64x128xf32, #tpu.memory_space<vmem>>)
      %dma_wait3A_1277 = arith.constant 11 : i32
      %dma_wait3A_1278 = arith.constant 0 : i32
      %dma_wait3A_1279 = arith.constant 512 : i32
      %dma_wait3A_1280 = tpu.memref_slice %arg10[%dma_wait3A_1278, %dma_wait3A_1279] : memref<64x896xf32, #tpu.memory_space<vmem>> -> memref<64x128xf32, #tpu.memory_space<vmem>>
      %dma_wait3A_1281 = arith.constant 0 : i32
      %dma_wait3A_1282 = arith.constant 0 : i32
      %dma_wait3A_1283 = tpu.memref_slice %arg5[%dma_wait3A_1281, %dma_wait3A_1282] : memref<64x1000000xf32, #tpu.memory_space<hbm>> -> memref<64x128xf32, #tpu.memory_space<hbm>>
      %dma_wait3A_1284 = tpu.memref_slice %arg12[%dma_wait3A_1277] : memref<14x!tpu.dma_semaphore, #tpu.memory_space<semaphore_mem>> -> memref<1x!tpu.dma_semaphore, #tpu.memory_space<semaphore_mem>>
      %dma_wait3A_1285 = tpu.memref_squeeze %dma_wait3A_1284 : memref<1x!tpu.dma_semaphore, #tpu.memory_space<semaphore_mem>> -> memref<!tpu.dma_semaphore, #tpu.memory_space<semaphore_mem>>
      %dma_wait3A_1286 = arith.constant 0 : i32
      %dma_wait3A_1287 = arith.constant 512 : i32
      %dma_wait3A_1288 = tpu.memref_slice %arg10[%dma_wait3A_1286, %dma_wait3A_1287] : memref<64x896xf32, #tpu.memory_space<vmem>> -> memref<64x128xf32, #tpu.memory_space<vmem>>
      %dma_wait3A_1289 = arith.constant 0 : i32
      %dma_wait3A_1290 = arith.constant 0 : i32
      %dma_wait3A_1291 = tpu.memref_slice %arg5[%dma_wait3A_1289, %dma_wait3A_1290] : memref<64x1000000xf32, #tpu.memory_space<hbm>> -> memref<64x128xf32, #tpu.memory_space<hbm>>
      tpu.wait_dma2 semaphore(%dma_wait3A_1285 : memref<!tpu.dma_semaphore, #tpu.memory_space<semaphore_mem>>) src(%dma_wait3A_1291 : memref<64x128xf32, #tpu.memory_space<hbm>>) dst(%dma_wait3A_1288 : memref<64x128xf32, #tpu.memory_space<vmem>>)
      %broadcast_in_dim3A_1292 = arith.constant 512 : i32
      %broadcast_in_dim3A_1293 = vector.broadcast %broadcast_in_dim3A_1292 : i32 to vector<16xi32>
      %add3A_1294 = vector.broadcast %select_n3A_1243 : i32 to vector<16xi32>
      %add3A_1295 = arith.addi %broadcast_in_dim3A_1293, %add3A_1294 : vector<16xi32>
      %broadcast_in_dim3A_1296 = arith.constant 512 : i32
      %broadcast_in_dim3A_1297 = vector.broadcast %broadcast_in_dim3A_1296 : i32 to vector<16xi32>
      %add3A_1298 = vector.broadcast %select_n3A_1261 : i32 to vector<16xi32>
      %add3A_1299 = arith.addi %broadcast_in_dim3A_1297, %add3A_1298 : vector<16xi32>
      %broadcast_in_dim3A_1300 = arith.constant 0.000000e+00 : f32
      %broadcast_in_dim3A_1301 = vector.broadcast %broadcast_in_dim3A_1300 : f32 to vector<16xf32>
      %add3A_1302 = arith.constant 0 : i32
      %add3A_1303 = vector.broadcast %add3A_1302 : i32 to vector<16xi32>
      %add3A_1304 = arith.addi %iota3A, %add3A_1303 : vector<16xi32>
      %gather3A_1305 = tpu.vector_load_idx %arg9[%add3A_1304, %add3A_1295] : memref<64x896xf32, #tpu.memory_space<vmem>>[vector<16xi32>, vector<16xi32>], vector<16xf32>,
      %gather3A_1306 = tpu.vector_load_idx %arg10[%add3A_1304, %add3A_1299] : memref<64x896xf32, #tpu.memory_space<vmem>>[vector<16xi32>, vector<16xi32>], vector<16xf32>,
      %mul3A_1307 = arith.mulf %gather3A_1305, %gather3A_1306 : vector<16xf32>
      %add3A_1308 = arith.addf %broadcast_in_dim3A_1301, %mul3A_1307 : vector<16xf32>
      %add3A_1309 = arith.constant 16 : i32
      %add3A_1310 = vector.broadcast %add3A_1309 : i32 to vector<16xi32>
      %add3A_1311 = arith.addi %iota3A, %add3A_1310 : vector<16xi32>
      %gather3A_1312 = tpu.vector_load_idx %arg9[%add3A_1311, %add3A_1295] : memref<64x896xf32, #tpu.memory_space<vmem>>[vector<16xi32>, vector<16xi32>], vector<16xf32>,
      %gather3A_1313 = tpu.vector_load_idx %arg10[%add3A_1311, %add3A_1299] : memref<64x896xf32, #tpu.memory_space<vmem>>[vector<16xi32>, vector<16xi32>], vector<16xf32>,
      %mul3A_1314 = arith.mulf %gather3A_1312, %gather3A_1313 : vector<16xf32>
      %add3A_1315 = arith.addf %add3A_1308, %mul3A_1314 : vector<16xf32>
      %add3A_1316 = arith.constant 32 : i32
      %add3A_1317 = vector.broadcast %add3A_1316 : i32 to vector<16xi32>
      %add3A_1318 = arith.addi %iota3A, %add3A_1317 : vector<16xi32>
      %gather3A_1319 = tpu.vector_load_idx %arg9[%add3A_1318, %add3A_1295] : memref<64x896xf32, #tpu.memory_space<vmem>>[vector<16xi32>, vector<16xi32>], vector<16xf32>,
      %gather3A_1320 = tpu.vector_load_idx %arg10[%add3A_1318, %add3A_1299] : memref<64x896xf32, #tpu.memory_space<vmem>>[vector<16xi32>, vector<16xi32>], vector<16xf32>,
      %mul3A_1321 = arith.mulf %gather3A_1319, %gather3A_1320 : vector<16xf32>
      %add3A_1322 = arith.addf %add3A_1315, %mul3A_1321 : vector<16xf32>
      %add3A_1323 = arith.constant 48 : i32
      %add3A_1324 = vector.broadcast %add3A_1323 : i32 to vector<16xi32>
      %add3A_1325 = arith.addi %iota3A, %add3A_1324 : vector<16xi32>
      %gather3A_1326 = tpu.vector_load_idx %arg9[%add3A_1325, %add3A_1295] : memref<64x896xf32, #tpu.memory_space<vmem>>[vector<16xi32>, vector<16xi32>], vector<16xf32>,
      %gather3A_1327 = tpu.vector_load_idx %arg10[%add3A_1325, %add3A_1299] : memref<64x896xf32, #tpu.memory_space<vmem>>[vector<16xi32>, vector<16xi32>], vector<16xf32>,
      %mul3A_1328 = arith.mulf %gather3A_1326, %gather3A_1327 : vector<16xf32>
      %add3A_1329 = arith.addf %add3A_1322, %mul3A_1328 : vector<16xf32>
      %broadcast_in_dim3A_1330 = arith.constant true
      %broadcast_in_dim3A_1331 = vector.broadcast %broadcast_in_dim3A_1330 : i1 to vector<16xi1>
      %masked_cumsum3A_1332 = tpu.scan <sum>, %add3A_1329 masked %broadcast_in_dim3A_1331 : vector<16xf32>, vector<16xi1> -> vector<16xf32>
      %broadcast_in_dim3A_1333 = vector.broadcast %add3A_1221 : i32 to vector<16xi32>
      tpu.vector_store_idx %arg11[%broadcast_in_dim3A_1333], %masked_cumsum3A_1332 masked %eq3A_4 : memref<512xf32, #tpu.memory_space<vmem>>[vector<16xi32>], vector<16xf32>, vector<16xi1>
      %add3A_1334 = arith.constant 7 : i32
      %add3A_1335 = arith.addi %add3A_1221, %add3A_1334 : i32
      %lt3A_1336 = arith.constant 512 : i32
      %lt3A_1337 = arith.cmpi slt, %add3A_1335, %lt3A_1336 : i32
      %convert_element_type3A_1338 = arith.extui %lt3A_1337 : i1 to i32
      %cond3A_1339 = arith.constant 0 : i32
      %cond3A_1340 = arith.cmpi ne, %convert_element_type3A_1338, %cond3A_1339 : i32
      scf.if %cond3A_1340 {
        %add3A_1587 = arith.constant 7 : i32
        %add3A_1588 = arith.addi %add3A_1221, %add3A_1587 : i32
        %get3A_1589 = arith.index_cast %add3A_1588 : i32 to index
        %get3A_1590 = tpu.vector_load %arg7[%get3A_1589] {strides = array<i32>} : memref<528xi32, #tpu.memory_space<vmem>>, vector<16xi32>,
        %slice3A_1591 = vector.extract_strided_slice %get3A_1590 {offsets = [0], sizes = [1], strides = [1]} : vector<16xi32> to vector<1xi32>
        %squeeze3A_1592 = vector.extract %slice3A_1591[0] : i32 from vector<1xi32>
        %jit3A_1593 = arith.constant 128 : i32
        %div3A_1594 = arith.divsi %squeeze3A_1592, %jit3A_1593 : i32
        %sign3A_1595 = arith.constant 0 : i32
        %sign3A_1596 = arith.cmpi sgt, %squeeze3A_1592, %sign3A_1595 : i32
        %sign3A_1597 = arith.extui %sign3A_1596 : i1 to i32
        %sign3A_1598 = arith.constant 0 : i32
        %sign3A_1599 = arith.cmpi slt, %squeeze3A_1592, %sign3A_1598 : i32
        %sign3A_1600 = arith.extui %sign3A_1599 : i1 to i32
        %sign3A_1601 = arith.subi %sign3A_1597, %sign3A_1600 : i32
        %sign3A_1602 = arith.constant 0 : i32
        %sign3A_1603 = arith.cmpi sgt, %jit3A_1593, %sign3A_1602 : i32
        %sign3A_1604 = arith.extui %sign3A_1603 : i1 to i32
        %sign3A_1605 = arith.constant 0 : i32
        %sign3A_1606 = arith.cmpi slt, %jit3A_1593, %sign3A_1605 : i32
        %sign3A_1607 = arith.extui %sign3A_1606 : i1 to i32
        %sign3A_1608 = arith.subi %sign3A_1604, %sign3A_1607 : i32
        %ne3A_1609 = arith.cmpi ne, %sign3A_1601, %sign3A_1608 : i32
        %rem3A_1610 = arith.remsi %squeeze3A_1592, %jit3A_1593 : i32
        %ne3A_1611 = arith.constant 0 : i32
        %ne3A_1612 = arith.cmpi ne, %rem3A_1610, %ne3A_1611 : i32
        %and3A_1613 = arith.andi %ne3A_1609, %ne3A_1612 : i1
        %sub3A_1614 = arith.constant 1 : i32
        %sub3A_1615 = arith.subi %div3A_1594, %sub3A_1614 : i32
        %select_n3A_1616 = arith.select %and3A_1613, %sub3A_1615, %div3A_1594 : i32
        %mul3A_1617 = arith.constant 128 : i32
        %mul3A_1618 = arith.muli %select_n3A_1616, %mul3A_1617 : i32
        %multiple_of3A_1619 = tpu.assume_multiple %mul3A_1618, 128 : i32
        %dma_start3A_1620 = arith.constant 4 : i32
        %dma_start3A_1621 = arith.constant 0 : i32
        %dma_start3A_1622 = arith.constant 512 : i32
        %dma_start3A_1623 = tpu.memref_slice %arg9[%dma_start3A_1621, %dma_start3A_1622] : memref<64x896xf32, #tpu.memory_space<vmem>> -> memref<64x128xf32, #tpu.memory_space<vmem>>
        %dma_start3A_1624 = arith.constant 0 : i32
        %dma_start3A_1625 = tpu.memref_slice %arg4[%dma_start3A_1624, %multiple_of3A_1619] : memref<64x1000000xf32, #tpu.memory_space<hbm>> -> memref<64x128xf32, #tpu.memory_space<hbm>>
        %dma_start3A_1626 = tpu.memref_slice %arg12[%dma_start3A_1620] : memref<14x!tpu.dma_semaphore, #tpu.memory_space<semaphore_mem>> -> memref<1x!tpu.dma_semaphore, #tpu.memory_space<semaphore_mem>>
        %dma_start3A_1627 = tpu.memref_squeeze %dma_start3A_1626 : memref<1x!tpu.dma_semaphore, #tpu.memory_space<semaphore_mem>> -> memref<!tpu.dma_semaphore, #tpu.memory_space<semaphore_mem>>
        %dma_start3A_1628 = arith.constant 0 : i32
        %dma_start3A_1629 = arith.constant 512 : i32
        %dma_start3A_1630 = tpu.memref_slice %arg9[%dma_start3A_1628, %dma_start3A_1629] : memref<64x896xf32, #tpu.memory_space<vmem>> -> memref<64x128xf32, #tpu.memory_space<vmem>>
        %dma_start3A_1631 = arith.constant 0 : i32
        %dma_start3A_1632 = tpu.memref_slice %arg4[%dma_start3A_1631, %multiple_of3A_1619] : memref<64x1000000xf32, #tpu.memory_space<hbm>> -> memref<64x128xf32, #tpu.memory_space<hbm>>
        tpu.enqueue_dma source(%dma_start3A_1632 : memref<64x128xf32, #tpu.memory_space<hbm>>) target(%dma_start3A_1630 : memref<64x128xf32, #tpu.memory_space<vmem>>) target_semaphore(%dma_start3A_1627 : memref<!tpu.dma_semaphore, #tpu.memory_space<semaphore_mem>>)
        %add3A_1633 = arith.constant 7 : i32
        %add3A_1634 = arith.addi %add3A_1221, %add3A_1633 : i32
        %get3A_1635 = arith.index_cast %add3A_1634 : i32 to index
        %get3A_1636 = tpu.vector_load %arg8[%get3A_1635] {strides = array<i32>} : memref<528xi32, #tpu.memory_space<vmem>>, vector<16xi32>,
        %slice3A_1637 = vector.extract_strided_slice %get3A_1636 {offsets = [0], sizes = [1], strides = [1]} : vector<16xi32> to vector<1xi32>
        %squeeze3A_1638 = vector.extract %slice3A_1637[0] : i32 from vector<1xi32>
        %jit3A_1639 = arith.constant 128 : i32
        %div3A_1640 = arith.divsi %squeeze3A_1638, %jit3A_1639 : i32
        %sign3A_1641 = arith.constant 0 : i32
        %sign3A_1642 = arith.cmpi sgt, %squeeze3A_1638, %sign3A_1641 : i32
        %sign3A_1643 = arith.extui %sign3A_1642 : i1 to i32
        %sign3A_1644 = arith.constant 0 : i32
        %sign3A_1645 = arith.cmpi slt, %squeeze3A_1638, %sign3A_1644 : i32
        %sign3A_1646 = arith.extui %sign3A_1645 : i1 to i32
        %sign3A_1647 = arith.subi %sign3A_1643, %sign3A_1646 : i32
        %sign3A_1648 = arith.constant 0 : i32
        %sign3A_1649 = arith.cmpi sgt, %jit3A_1639, %sign3A_1648 : i32
        %sign3A_1650 = arith.extui %sign3A_1649 : i1 to i32
        %sign3A_1651 = arith.constant 0 : i32
        %sign3A_1652 = arith.cmpi slt, %jit3A_1639, %sign3A_1651 : i32
        %sign3A_1653 = arith.extui %sign3A_1652 : i1 to i32
        %sign3A_1654 = arith.subi %sign3A_1650, %sign3A_1653 : i32
        %ne3A_1655 = arith.cmpi ne, %sign3A_1647, %sign3A_1654 : i32
        %rem3A_1656 = arith.remsi %squeeze3A_1638, %jit3A_1639 : i32
        %ne3A_1657 = arith.constant 0 : i32
        %ne3A_1658 = arith.cmpi ne, %rem3A_1656, %ne3A_1657 : i32
        %and3A_1659 = arith.andi %ne3A_1655, %ne3A_1658 : i1
        %sub3A_1660 = arith.constant 1 : i32
        %sub3A_1661 = arith.subi %div3A_1640, %sub3A_1660 : i32
        %select_n3A_1662 = arith.select %and3A_1659, %sub3A_1661, %div3A_1640 : i32
        %mul3A_1663 = arith.constant 128 : i32
        %mul3A_1664 = arith.muli %select_n3A_1662, %mul3A_1663 : i32
        %multiple_of3A_1665 = tpu.assume_multiple %mul3A_1664, 128 : i32
        %dma_start3A_1666 = arith.constant 11 : i32
        %dma_start3A_1667 = arith.constant 0 : i32
        %dma_start3A_1668 = arith.constant 512 : i32
        %dma_start3A_1669 = tpu.memref_slice %arg10[%dma_start3A_1667, %dma_start3A_1668] : memref<64x896xf32, #tpu.memory_space<vmem>> -> memref<64x128xf32, #tpu.memory_space<vmem>>
        %dma_start3A_1670 = arith.constant 0 : i32
        %dma_start3A_1671 = tpu.memref_slice %arg5[%dma_start3A_1670, %multiple_of3A_1665] : memref<64x1000000xf32, #tpu.memory_space<hbm>> -> memref<64x128xf32, #tpu.memory_space<hbm>>
        %dma_start3A_1672 = tpu.memref_slice %arg12[%dma_start3A_1666] : memref<14x!tpu.dma_semaphore, #tpu.memory_space<semaphore_mem>> -> memref<1x!tpu.dma_semaphore, #tpu.memory_space<semaphore_mem>>
        %dma_start3A_1673 = tpu.memref_squeeze %dma_start3A_1672 : memref<1x!tpu.dma_semaphore, #tpu.memory_space<semaphore_mem>> -> memref<!tpu.dma_semaphore, #tpu.memory_space<semaphore_mem>>
        %dma_start3A_1674 = arith.constant 0 : i32
        %dma_start3A_1675 = arith.constant 512 : i32
        %dma_start3A_1676 = tpu.memref_slice %arg10[%dma_start3A_1674, %dma_start3A_1675] : memref<64x896xf32, #tpu.memory_space<vmem>> -> memref<64x128xf32, #tpu.memory_space<vmem>>
        %dma_start3A_1677 = arith.constant 0 : i32
        %dma_start3A_1678 = tpu.memref_slice %arg5[%dma_start3A_1677, %multiple_of3A_1665] : memref<64x1000000xf32, #tpu.memory_space<hbm>> -> memref<64x128xf32, #tpu.memory_space<hbm>>
        tpu.enqueue_dma source(%dma_start3A_1678 : memref<64x128xf32, #tpu.memory_space<hbm>>) target(%dma_start3A_1676 : memref<64x128xf32, #tpu.memory_space<vmem>>) target_semaphore(%dma_start3A_1673 : memref<!tpu.dma_semaphore, #tpu.memory_space<semaphore_mem>>)
      } else {
      }
      %mul3A_1341 = arith.constant 7 : i32
      %mul3A_1342 = arith.muli %scan3A_727, %mul3A_1341 : i32
      %add3A_1343 = arith.constant 5 : i32
      %add3A_1344 = arith.addi %mul3A_1342, %add3A_1343 : i32
      %get3A_1345 = arith.index_cast %add3A_1344 : i32 to index
      %get3A_1346 = tpu.vector_load %arg7[%get3A_1345] {strides = array<i32>} : memref<528xi32, #tpu.memory_space<vmem>>, vector<16xi32>,
      %get3A_1347 = arith.index_cast %add3A_1344 : i32 to index
      %get3A_1348 = tpu.vector_load %arg8[%get3A_1347] {strides = array<i32>} : memref<528xi32, #tpu.memory_space<vmem>>, vector<16xi32>,
      %slice3A_1349 = vector.extract_strided_slice %get3A_1346 {offsets = [0], sizes = [1], strides = [1]} : vector<16xi32> to vector<1xi32>
      %squeeze3A_1350 = vector.extract %slice3A_1349[0] : i32 from vector<1xi32>
      %jit3A_1351 = arith.constant 128 : i32
      %eq3A_1352 = arith.constant 0 : i32
      %eq3A_1353 = arith.cmpi eq, %jit3A_1351, %eq3A_1352 : i32
      %jit3A_1354 = arith.constant 1 : i32
      %select_n3A_1355 = arith.select %eq3A_1353, %jit3A_1354, %jit3A_1351 : i32
      %rem3A_1356 = arith.remsi %squeeze3A_1350, %select_n3A_1355 : i32
      %ne3A_1357 = arith.constant 0 : i32
      %ne3A_1358 = arith.cmpi ne, %rem3A_1356, %ne3A_1357 : i32
      %lt3A_1359 = arith.constant 0 : i32
      %lt3A_1360 = arith.cmpi slt, %rem3A_1356, %lt3A_1359 : i32
      %lt3A_1361 = arith.constant 0 : i32
      %lt3A_1362 = arith.cmpi slt, %select_n3A_1355, %lt3A_1361 : i32
      %ne3A_1363 = arith.xori %lt3A_1360, %lt3A_1362 : i1
      %and3A_1364 = arith.andi %ne3A_1363, %ne3A_1358 : i1
      %add3A_1365 = arith.addi %rem3A_1356, %select_n3A_1355 : i32
      %select_n3A_1366 = arith.select %and3A_1364, %add3A_1365, %rem3A_1356 : i32
      %slice3A_1367 = vector.extract_strided_slice %get3A_1348 {offsets = [0], sizes = [1], strides = [1]} : vector<16xi32> to vector<1xi32>
      %squeeze3A_1368 = vector.extract %slice3A_1367[0] : i32 from vector<1xi32>
      %jit3A_1369 = arith.constant 128 : i32
      %eq3A_1370 = arith.constant 0 : i32
      %eq3A_1371 = arith.cmpi eq, %jit3A_1369, %eq3A_1370 : i32
      %jit3A_1372 = arith.constant 1 : i32
      %select_n3A_1373 = arith.select %eq3A_1371, %jit3A_1372, %jit3A_1369 : i32
      %rem3A_1374 = arith.remsi %squeeze3A_1368, %select_n3A_1373 : i32
      %ne3A_1375 = arith.constant 0 : i32
      %ne3A_1376 = arith.cmpi ne, %rem3A_1374, %ne3A_1375 : i32
      %lt3A_1377 = arith.constant 0 : i32
      %lt3A_1378 = arith.cmpi slt, %rem3A_1374, %lt3A_1377 : i32
      %lt3A_1379 = arith.constant 0 : i32
      %lt3A_1380 = arith.cmpi slt, %select_n3A_1373, %lt3A_1379 : i32
      %ne3A_1381 = arith.xori %lt3A_1378, %lt3A_1380 : i1
      %and3A_1382 = arith.andi %ne3A_1381, %ne3A_1376 : i1
      %add3A_1383 = arith.addi %rem3A_1374, %select_n3A_1373 : i32
      %select_n3A_1384 = arith.select %and3A_1382, %add3A_1383, %rem3A_1374 : i32
      %dma_wait3A_1385 = arith.constant 5 : i32
      %dma_wait3A_1386 = arith.constant 0 : i32
      %dma_wait3A_1387 = arith.constant 640 : i32
      %dma_wait3A_1388 = tpu.memref_slice %arg9[%dma_wait3A_1386, %dma_wait3A_1387] : memref<64x896xf32, #tpu.memory_space<vmem>> -> memref<64x128xf32, #tpu.memory_space<vmem>>
      %dma_wait3A_1389 = arith.constant 0 : i32
      %dma_wait3A_1390 = arith.constant 0 : i32
      %dma_wait3A_1391 = tpu.memref_slice %arg4[%dma_wait3A_1389, %dma_wait3A_1390] : memref<64x1000000xf32, #tpu.memory_space<hbm>> -> memref<64x128xf32, #tpu.memory_space<hbm>>
      %dma_wait3A_1392 = tpu.memref_slice %arg12[%dma_wait3A_1385] : memref<14x!tpu.dma_semaphore, #tpu.memory_space<semaphore_mem>> -> memref<1x!tpu.dma_semaphore, #tpu.memory_space<semaphore_mem>>
      %dma_wait3A_1393 = tpu.memref_squeeze %dma_wait3A_1392 : memref<1x!tpu.dma_semaphore, #tpu.memory_space<semaphore_mem>> -> memref<!tpu.dma_semaphore, #tpu.memory_space<semaphore_mem>>
      %dma_wait3A_1394 = arith.constant 0 : i32
      %dma_wait3A_1395 = arith.constant 640 : i32
      %dma_wait3A_1396 = tpu.memref_slice %arg9[%dma_wait3A_1394, %dma_wait3A_1395] : memref<64x896xf32, #tpu.memory_space<vmem>> -> memref<64x128xf32, #tpu.memory_space<vmem>>
      %dma_wait3A_1397 = arith.constant 0 : i32
      %dma_wait3A_1398 = arith.constant 0 : i32
      %dma_wait3A_1399 = tpu.memref_slice %arg4[%dma_wait3A_1397, %dma_wait3A_1398] : memref<64x1000000xf32, #tpu.memory_space<hbm>> -> memref<64x128xf32, #tpu.memory_space<hbm>>
      tpu.wait_dma2 semaphore(%dma_wait3A_1393 : memref<!tpu.dma_semaphore, #tpu.memory_space<semaphore_mem>>) src(%dma_wait3A_1399 : memref<64x128xf32, #tpu.memory_space<hbm>>) dst(%dma_wait3A_1396 : memref<64x128xf32, #tpu.memory_space<vmem>>)
      %dma_wait3A_1400 = arith.constant 12 : i32
      %dma_wait3A_1401 = arith.constant 0 : i32
      %dma_wait3A_1402 = arith.constant 640 : i32
      %dma_wait3A_1403 = tpu.memref_slice %arg10[%dma_wait3A_1401, %dma_wait3A_1402] : memref<64x896xf32, #tpu.memory_space<vmem>> -> memref<64x128xf32, #tpu.memory_space<vmem>>
      %dma_wait3A_1404 = arith.constant 0 : i32
      %dma_wait3A_1405 = arith.constant 0 : i32
      %dma_wait3A_1406 = tpu.memref_slice %arg5[%dma_wait3A_1404, %dma_wait3A_1405] : memref<64x1000000xf32, #tpu.memory_space<hbm>> -> memref<64x128xf32, #tpu.memory_space<hbm>>
      %dma_wait3A_1407 = tpu.memref_slice %arg12[%dma_wait3A_1400] : memref<14x!tpu.dma_semaphore, #tpu.memory_space<semaphore_mem>> -> memref<1x!tpu.dma_semaphore, #tpu.memory_space<semaphore_mem>>
      %dma_wait3A_1408 = tpu.memref_squeeze %dma_wait3A_1407 : memref<1x!tpu.dma_semaphore, #tpu.memory_space<semaphore_mem>> -> memref<!tpu.dma_semaphore, #tpu.memory_space<semaphore_mem>>
      %dma_wait3A_1409 = arith.constant 0 : i32
      %dma_wait3A_1410 = arith.constant 640 : i32
      %dma_wait3A_1411 = tpu.memref_slice %arg10[%dma_wait3A_1409, %dma_wait3A_1410] : memref<64x896xf32, #tpu.memory_space<vmem>> -> memref<64x128xf32, #tpu.memory_space<vmem>>
      %dma_wait3A_1412 = arith.constant 0 : i32
      %dma_wait3A_1413 = arith.constant 0 : i32
      %dma_wait3A_1414 = tpu.memref_slice %arg5[%dma_wait3A_1412, %dma_wait3A_1413] : memref<64x1000000xf32, #tpu.memory_space<hbm>> -> memref<64x128xf32, #tpu.memory_space<hbm>>
      tpu.wait_dma2 semaphore(%dma_wait3A_1408 : memref<!tpu.dma_semaphore, #tpu.memory_space<semaphore_mem>>) src(%dma_wait3A_1414 : memref<64x128xf32, #tpu.memory_space<hbm>>) dst(%dma_wait3A_1411 : memref<64x128xf32, #tpu.memory_space<vmem>>)
      %broadcast_in_dim3A_1415 = arith.constant 640 : i32
      %broadcast_in_dim3A_1416 = vector.broadcast %broadcast_in_dim3A_1415 : i32 to vector<16xi32>
      %add3A_1417 = vector.broadcast %select_n3A_1366 : i32 to vector<16xi32>
      %add3A_1418 = arith.addi %broadcast_in_dim3A_1416, %add3A_1417 : vector<16xi32>
      %broadcast_in_dim3A_1419 = arith.constant 640 : i32
      %broadcast_in_dim3A_1420 = vector.broadcast %broadcast_in_dim3A_1419 : i32 to vector<16xi32>
      %add3A_1421 = vector.broadcast %select_n3A_1384 : i32 to vector<16xi32>
      %add3A_1422 = arith.addi %broadcast_in_dim3A_1420, %add3A_1421 : vector<16xi32>
      %broadcast_in_dim3A_1423 = arith.constant 0.000000e+00 : f32
      %broadcast_in_dim3A_1424 = vector.broadcast %broadcast_in_dim3A_1423 : f32 to vector<16xf32>
      %add3A_1425 = arith.constant 0 : i32
      %add3A_1426 = vector.broadcast %add3A_1425 : i32 to vector<16xi32>
      %add3A_1427 = arith.addi %iota3A, %add3A_1426 : vector<16xi32>
      %gather3A_1428 = tpu.vector_load_idx %arg9[%add3A_1427, %add3A_1418] : memref<64x896xf32, #tpu.memory_space<vmem>>[vector<16xi32>, vector<16xi32>], vector<16xf32>,
      %gather3A_1429 = tpu.vector_load_idx %arg10[%add3A_1427, %add3A_1422] : memref<64x896xf32, #tpu.memory_space<vmem>>[vector<16xi32>, vector<16xi32>], vector<16xf32>,
      %mul3A_1430 = arith.mulf %gather3A_1428, %gather3A_1429 : vector<16xf32>
      %add3A_1431 = arith.addf %broadcast_in_dim3A_1424, %mul3A_1430 : vector<16xf32>
      %add3A_1432 = arith.constant 16 : i32
      %add3A_1433 = vector.broadcast %add3A_1432 : i32 to vector<16xi32>
      %add3A_1434 = arith.addi %iota3A, %add3A_1433 : vector<16xi32>
      %gather3A_1435 = tpu.vector_load_idx %arg9[%add3A_1434, %add3A_1418] : memref<64x896xf32, #tpu.memory_space<vmem>>[vector<16xi32>, vector<16xi32>], vector<16xf32>,
      %gather3A_1436 = tpu.vector_load_idx %arg10[%add3A_1434, %add3A_1422] : memref<64x896xf32, #tpu.memory_space<vmem>>[vector<16xi32>, vector<16xi32>], vector<16xf32>,
      %mul3A_1437 = arith.mulf %gather3A_1435, %gather3A_1436 : vector<16xf32>
      %add3A_1438 = arith.addf %add3A_1431, %mul3A_1437 : vector<16xf32>
      %add3A_1439 = arith.constant 32 : i32
      %add3A_1440 = vector.broadcast %add3A_1439 : i32 to vector<16xi32>
      %add3A_1441 = arith.addi %iota3A, %add3A_1440 : vector<16xi32>
      %gather3A_1442 = tpu.vector_load_idx %arg9[%add3A_1441, %add3A_1418] : memref<64x896xf32, #tpu.memory_space<vmem>>[vector<16xi32>, vector<16xi32>], vector<16xf32>,
      %gather3A_1443 = tpu.vector_load_idx %arg10[%add3A_1441, %add3A_1422] : memref<64x896xf32, #tpu.memory_space<vmem>>[vector<16xi32>, vector<16xi32>], vector<16xf32>,
      %mul3A_1444 = arith.mulf %gather3A_1442, %gather3A_1443 : vector<16xf32>
      %add3A_1445 = arith.addf %add3A_1438, %mul3A_1444 : vector<16xf32>
      %add3A_1446 = arith.constant 48 : i32
      %add3A_1447 = vector.broadcast %add3A_1446 : i32 to vector<16xi32>
      %add3A_1448 = arith.addi %iota3A, %add3A_1447 : vector<16xi32>
      %gather3A_1449 = tpu.vector_load_idx %arg9[%add3A_1448, %add3A_1418] : memref<64x896xf32, #tpu.memory_space<vmem>>[vector<16xi32>, vector<16xi32>], vector<16xf32>,
      %gather3A_1450 = tpu.vector_load_idx %arg10[%add3A_1448, %add3A_1422] : memref<64x896xf32, #tpu.memory_space<vmem>>[vector<16xi32>, vector<16xi32>], vector<16xf32>,
      %mul3A_1451 = arith.mulf %gather3A_1449, %gather3A_1450 : vector<16xf32>
      %add3A_1452 = arith.addf %add3A_1445, %mul3A_1451 : vector<16xf32>
      %broadcast_in_dim3A_1453 = arith.constant true
      %broadcast_in_dim3A_1454 = vector.broadcast %broadcast_in_dim3A_1453 : i1 to vector<16xi1>
      %masked_cumsum3A_1455 = tpu.scan <sum>, %add3A_1452 masked %broadcast_in_dim3A_1454 : vector<16xf32>, vector<16xi1> -> vector<16xf32>
      %broadcast_in_dim3A_1456 = vector.broadcast %add3A_1344 : i32 to vector<16xi32>
      tpu.vector_store_idx %arg11[%broadcast_in_dim3A_1456], %masked_cumsum3A_1455 masked %eq3A_4 : memref<512xf32, #tpu.memory_space<vmem>>[vector<16xi32>], vector<16xf32>, vector<16xi1>
      %add3A_1457 = arith.constant 7 : i32
      %add3A_1458 = arith.addi %add3A_1344, %add3A_1457 : i32
      %lt3A_1459 = arith.constant 512 : i32
      %lt3A_1460 = arith.cmpi slt, %add3A_1458, %lt3A_1459 : i32
      %convert_element_type3A_1461 = arith.extui %lt3A_1460 : i1 to i32
      %cond3A_1462 = arith.constant 0 : i32
      %cond3A_1463 = arith.cmpi ne, %convert_element_type3A_1461, %cond3A_1462 : i32
      scf.if %cond3A_1463 {
        %add3A_1587 = arith.constant 7 : i32
        %add3A_1588 = arith.addi %add3A_1344, %add3A_1587 : i32
        %get3A_1589 = arith.index_cast %add3A_1588 : i32 to index
        %get3A_1590 = tpu.vector_load %arg7[%get3A_1589] {strides = array<i32>} : memref<528xi32, #tpu.memory_space<vmem>>, vector<16xi32>,
        %slice3A_1591 = vector.extract_strided_slice %get3A_1590 {offsets = [0], sizes = [1], strides = [1]} : vector<16xi32> to vector<1xi32>
        %squeeze3A_1592 = vector.extract %slice3A_1591[0] : i32 from vector<1xi32>
        %jit3A_1593 = arith.constant 128 : i32
        %div3A_1594 = arith.divsi %squeeze3A_1592, %jit3A_1593 : i32
        %sign3A_1595 = arith.constant 0 : i32
        %sign3A_1596 = arith.cmpi sgt, %squeeze3A_1592, %sign3A_1595 : i32
        %sign3A_1597 = arith.extui %sign3A_1596 : i1 to i32
        %sign3A_1598 = arith.constant 0 : i32
        %sign3A_1599 = arith.cmpi slt, %squeeze3A_1592, %sign3A_1598 : i32
        %sign3A_1600 = arith.extui %sign3A_1599 : i1 to i32
        %sign3A_1601 = arith.subi %sign3A_1597, %sign3A_1600 : i32
        %sign3A_1602 = arith.constant 0 : i32
        %sign3A_1603 = arith.cmpi sgt, %jit3A_1593, %sign3A_1602 : i32
        %sign3A_1604 = arith.extui %sign3A_1603 : i1 to i32
        %sign3A_1605 = arith.constant 0 : i32
        %sign3A_1606 = arith.cmpi slt, %jit3A_1593, %sign3A_1605 : i32
        %sign3A_1607 = arith.extui %sign3A_1606 : i1 to i32
        %sign3A_1608 = arith.subi %sign3A_1604, %sign3A_1607 : i32
        %ne3A_1609 = arith.cmpi ne, %sign3A_1601, %sign3A_1608 : i32
        %rem3A_1610 = arith.remsi %squeeze3A_1592, %jit3A_1593 : i32
        %ne3A_1611 = arith.constant 0 : i32
        %ne3A_1612 = arith.cmpi ne, %rem3A_1610, %ne3A_1611 : i32
        %and3A_1613 = arith.andi %ne3A_1609, %ne3A_1612 : i1
        %sub3A_1614 = arith.constant 1 : i32
        %sub3A_1615 = arith.subi %div3A_1594, %sub3A_1614 : i32
        %select_n3A_1616 = arith.select %and3A_1613, %sub3A_1615, %div3A_1594 : i32
        %mul3A_1617 = arith.constant 128 : i32
        %mul3A_1618 = arith.muli %select_n3A_1616, %mul3A_1617 : i32
        %multiple_of3A_1619 = tpu.assume_multiple %mul3A_1618, 128 : i32
        %dma_start3A_1620 = arith.constant 5 : i32
        %dma_start3A_1621 = arith.constant 0 : i32
        %dma_start3A_1622 = arith.constant 640 : i32
        %dma_start3A_1623 = tpu.memref_slice %arg9[%dma_start3A_1621, %dma_start3A_1622] : memref<64x896xf32, #tpu.memory_space<vmem>> -> memref<64x128xf32, #tpu.memory_space<vmem>>
        %dma_start3A_1624 = arith.constant 0 : i32
        %dma_start3A_1625 = tpu.memref_slice %arg4[%dma_start3A_1624, %multiple_of3A_1619] : memref<64x1000000xf32, #tpu.memory_space<hbm>> -> memref<64x128xf32, #tpu.memory_space<hbm>>
        %dma_start3A_1626 = tpu.memref_slice %arg12[%dma_start3A_1620] : memref<14x!tpu.dma_semaphore, #tpu.memory_space<semaphore_mem>> -> memref<1x!tpu.dma_semaphore, #tpu.memory_space<semaphore_mem>>
        %dma_start3A_1627 = tpu.memref_squeeze %dma_start3A_1626 : memref<1x!tpu.dma_semaphore, #tpu.memory_space<semaphore_mem>> -> memref<!tpu.dma_semaphore, #tpu.memory_space<semaphore_mem>>
        %dma_start3A_1628 = arith.constant 0 : i32
        %dma_start3A_1629 = arith.constant 640 : i32
        %dma_start3A_1630 = tpu.memref_slice %arg9[%dma_start3A_1628, %dma_start3A_1629] : memref<64x896xf32, #tpu.memory_space<vmem>> -> memref<64x128xf32, #tpu.memory_space<vmem>>
        %dma_start3A_1631 = arith.constant 0 : i32
        %dma_start3A_1632 = tpu.memref_slice %arg4[%dma_start3A_1631, %multiple_of3A_1619] : memref<64x1000000xf32, #tpu.memory_space<hbm>> -> memref<64x128xf32, #tpu.memory_space<hbm>>
        tpu.enqueue_dma source(%dma_start3A_1632 : memref<64x128xf32, #tpu.memory_space<hbm>>) target(%dma_start3A_1630 : memref<64x128xf32, #tpu.memory_space<vmem>>) target_semaphore(%dma_start3A_1627 : memref<!tpu.dma_semaphore, #tpu.memory_space<semaphore_mem>>)
        %add3A_1633 = arith.constant 7 : i32
        %add3A_1634 = arith.addi %add3A_1344, %add3A_1633 : i32
        %get3A_1635 = arith.index_cast %add3A_1634 : i32 to index
        %get3A_1636 = tpu.vector_load %arg8[%get3A_1635] {strides = array<i32>} : memref<528xi32, #tpu.memory_space<vmem>>, vector<16xi32>,
        %slice3A_1637 = vector.extract_strided_slice %get3A_1636 {offsets = [0], sizes = [1], strides = [1]} : vector<16xi32> to vector<1xi32>
        %squeeze3A_1638 = vector.extract %slice3A_1637[0] : i32 from vector<1xi32>
        %jit3A_1639 = arith.constant 128 : i32
        %div3A_1640 = arith.divsi %squeeze3A_1638, %jit3A_1639 : i32
        %sign3A_1641 = arith.constant 0 : i32
        %sign3A_1642 = arith.cmpi sgt, %squeeze3A_1638, %sign3A_1641 : i32
        %sign3A_1643 = arith.extui %sign3A_1642 : i1 to i32
        %sign3A_1644 = arith.constant 0 : i32
        %sign3A_1645 = arith.cmpi slt, %squeeze3A_1638, %sign3A_1644 : i32
        %sign3A_1646 = arith.extui %sign3A_1645 : i1 to i32
        %sign3A_1647 = arith.subi %sign3A_1643, %sign3A_1646 : i32
        %sign3A_1648 = arith.constant 0 : i32
        %sign3A_1649 = arith.cmpi sgt, %jit3A_1639, %sign3A_1648 : i32
        %sign3A_1650 = arith.extui %sign3A_1649 : i1 to i32
        %sign3A_1651 = arith.constant 0 : i32
        %sign3A_1652 = arith.cmpi slt, %jit3A_1639, %sign3A_1651 : i32
        %sign3A_1653 = arith.extui %sign3A_1652 : i1 to i32
        %sign3A_1654 = arith.subi %sign3A_1650, %sign3A_1653 : i32
        %ne3A_1655 = arith.cmpi ne, %sign3A_1647, %sign3A_1654 : i32
        %rem3A_1656 = arith.remsi %squeeze3A_1638, %jit3A_1639 : i32
        %ne3A_1657 = arith.constant 0 : i32
        %ne3A_1658 = arith.cmpi ne, %rem3A_1656, %ne3A_1657 : i32
        %and3A_1659 = arith.andi %ne3A_1655, %ne3A_1658 : i1
        %sub3A_1660 = arith.constant 1 : i32
        %sub3A_1661 = arith.subi %div3A_1640, %sub3A_1660 : i32
        %select_n3A_1662 = arith.select %and3A_1659, %sub3A_1661, %div3A_1640 : i32
        %mul3A_1663 = arith.constant 128 : i32
        %mul3A_1664 = arith.muli %select_n3A_1662, %mul3A_1663 : i32
        %multiple_of3A_1665 = tpu.assume_multiple %mul3A_1664, 128 : i32
        %dma_start3A_1666 = arith.constant 12 : i32
        %dma_start3A_1667 = arith.constant 0 : i32
        %dma_start3A_1668 = arith.constant 640 : i32
        %dma_start3A_1669 = tpu.memref_slice %arg10[%dma_start3A_1667, %dma_start3A_1668] : memref<64x896xf32, #tpu.memory_space<vmem>> -> memref<64x128xf32, #tpu.memory_space<vmem>>
        %dma_start3A_1670 = arith.constant 0 : i32
        %dma_start3A_1671 = tpu.memref_slice %arg5[%dma_start3A_1670, %multiple_of3A_1665] : memref<64x1000000xf32, #tpu.memory_space<hbm>> -> memref<64x128xf32, #tpu.memory_space<hbm>>
        %dma_start3A_1672 = tpu.memref_slice %arg12[%dma_start3A_1666] : memref<14x!tpu.dma_semaphore, #tpu.memory_space<semaphore_mem>> -> memref<1x!tpu.dma_semaphore, #tpu.memory_space<semaphore_mem>>
        %dma_start3A_1673 = tpu.memref_squeeze %dma_start3A_1672 : memref<1x!tpu.dma_semaphore, #tpu.memory_space<semaphore_mem>> -> memref<!tpu.dma_semaphore, #tpu.memory_space<semaphore_mem>>
        %dma_start3A_1674 = arith.constant 0 : i32
        %dma_start3A_1675 = arith.constant 640 : i32
        %dma_start3A_1676 = tpu.memref_slice %arg10[%dma_start3A_1674, %dma_start3A_1675] : memref<64x896xf32, #tpu.memory_space<vmem>> -> memref<64x128xf32, #tpu.memory_space<vmem>>
        %dma_start3A_1677 = arith.constant 0 : i32
        %dma_start3A_1678 = tpu.memref_slice %arg5[%dma_start3A_1677, %multiple_of3A_1665] : memref<64x1000000xf32, #tpu.memory_space<hbm>> -> memref<64x128xf32, #tpu.memory_space<hbm>>
        tpu.enqueue_dma source(%dma_start3A_1678 : memref<64x128xf32, #tpu.memory_space<hbm>>) target(%dma_start3A_1676 : memref<64x128xf32, #tpu.memory_space<vmem>>) target_semaphore(%dma_start3A_1673 : memref<!tpu.dma_semaphore, #tpu.memory_space<semaphore_mem>>)
      } else {
      }
      %mul3A_1464 = arith.constant 7 : i32
      %mul3A_1465 = arith.muli %scan3A_727, %mul3A_1464 : i32
      %add3A_1466 = arith.constant 6 : i32
      %add3A_1467 = arith.addi %mul3A_1465, %add3A_1466 : i32
      %get3A_1468 = arith.index_cast %add3A_1467 : i32 to index
      %get3A_1469 = tpu.vector_load %arg7[%get3A_1468] {strides = array<i32>} : memref<528xi32, #tpu.memory_space<vmem>>, vector<16xi32>,
      %get3A_1470 = arith.index_cast %add3A_1467 : i32 to index
      %get3A_1471 = tpu.vector_load %arg8[%get3A_1470] {strides = array<i32>} : memref<528xi32, #tpu.memory_space<vmem>>, vector<16xi32>,
      %slice3A_1472 = vector.extract_strided_slice %get3A_1469 {offsets = [0], sizes = [1], strides = [1]} : vector<16xi32> to vector<1xi32>
      %squeeze3A_1473 = vector.extract %slice3A_1472[0] : i32 from vector<1xi32>
      %jit3A_1474 = arith.constant 128 : i32
      %eq3A_1475 = arith.constant 0 : i32
      %eq3A_1476 = arith.cmpi eq, %jit3A_1474, %eq3A_1475 : i32
      %jit3A_1477 = arith.constant 1 : i32
      %select_n3A_1478 = arith.select %eq3A_1476, %jit3A_1477, %jit3A_1474 : i32
      %rem3A_1479 = arith.remsi %squeeze3A_1473, %select_n3A_1478 : i32
      %ne3A_1480 = arith.constant 0 : i32
      %ne3A_1481 = arith.cmpi ne, %rem3A_1479, %ne3A_1480 : i32
      %lt3A_1482 = arith.constant 0 : i32
      %lt3A_1483 = arith.cmpi slt, %rem3A_1479, %lt3A_1482 : i32
      %lt3A_1484 = arith.constant 0 : i32
      %lt3A_1485 = arith.cmpi slt, %select_n3A_1478, %lt3A_1484 : i32
      %ne3A_1486 = arith.xori %lt3A_1483, %lt3A_1485 : i1
      %and3A_1487 = arith.andi %ne3A_1486, %ne3A_1481 : i1
      %add3A_1488 = arith.addi %rem3A_1479, %select_n3A_1478 : i32
      %select_n3A_1489 = arith.select %and3A_1487, %add3A_1488, %rem3A_1479 : i32
      %slice3A_1490 = vector.extract_strided_slice %get3A_1471 {offsets = [0], sizes = [1], strides = [1]} : vector<16xi32> to vector<1xi32>
      %squeeze3A_1491 = vector.extract %slice3A_1490[0] : i32 from vector<1xi32>
      %jit3A_1492 = arith.constant 128 : i32
      %eq3A_1493 = arith.constant 0 : i32
      %eq3A_1494 = arith.cmpi eq, %jit3A_1492, %eq3A_1493 : i32
      %jit3A_1495 = arith.constant 1 : i32
      %select_n3A_1496 = arith.select %eq3A_1494, %jit3A_1495, %jit3A_1492 : i32
      %rem3A_1497 = arith.remsi %squeeze3A_1491, %select_n3A_1496 : i32
      %ne3A_1498 = arith.constant 0 : i32
      %ne3A_1499 = arith.cmpi ne, %rem3A_1497, %ne3A_1498 : i32
      %lt3A_1500 = arith.constant 0 : i32
      %lt3A_1501 = arith.cmpi slt, %rem3A_1497, %lt3A_1500 : i32
      %lt3A_1502 = arith.constant 0 : i32
      %lt3A_1503 = arith.cmpi slt, %select_n3A_1496, %lt3A_1502 : i32
      %ne3A_1504 = arith.xori %lt3A_1501, %lt3A_1503 : i1
      %and3A_1505 = arith.andi %ne3A_1504, %ne3A_1499 : i1
      %add3A_1506 = arith.addi %rem3A_1497, %select_n3A_1496 : i32
      %select_n3A_1507 = arith.select %and3A_1505, %add3A_1506, %rem3A_1497 : i32
      %dma_wait3A_1508 = arith.constant 6 : i32
      %dma_wait3A_1509 = arith.constant 0 : i32
      %dma_wait3A_1510 = arith.constant 768 : i32
      %dma_wait3A_1511 = tpu.memref_slice %arg9[%dma_wait3A_1509, %dma_wait3A_1510] : memref<64x896xf32, #tpu.memory_space<vmem>> -> memref<64x128xf32, #tpu.memory_space<vmem>>
      %dma_wait3A_1512 = arith.constant 0 : i32
      %dma_wait3A_1513 = arith.constant 0 : i32
      %dma_wait3A_1514 = tpu.memref_slice %arg4[%dma_wait3A_1512, %dma_wait3A_1513] : memref<64x1000000xf32, #tpu.memory_space<hbm>> -> memref<64x128xf32, #tpu.memory_space<hbm>>
      %dma_wait3A_1515 = tpu.memref_slice %arg12[%dma_wait3A_1508] : memref<14x!tpu.dma_semaphore, #tpu.memory_space<semaphore_mem>> -> memref<1x!tpu.dma_semaphore, #tpu.memory_space<semaphore_mem>>
      %dma_wait3A_1516 = tpu.memref_squeeze %dma_wait3A_1515 : memref<1x!tpu.dma_semaphore, #tpu.memory_space<semaphore_mem>> -> memref<!tpu.dma_semaphore, #tpu.memory_space<semaphore_mem>>
      %dma_wait3A_1517 = arith.constant 0 : i32
      %dma_wait3A_1518 = arith.constant 768 : i32
      %dma_wait3A_1519 = tpu.memref_slice %arg9[%dma_wait3A_1517, %dma_wait3A_1518] : memref<64x896xf32, #tpu.memory_space<vmem>> -> memref<64x128xf32, #tpu.memory_space<vmem>>
      %dma_wait3A_1520 = arith.constant 0 : i32
      %dma_wait3A_1521 = arith.constant 0 : i32
      %dma_wait3A_1522 = tpu.memref_slice %arg4[%dma_wait3A_1520, %dma_wait3A_1521] : memref<64x1000000xf32, #tpu.memory_space<hbm>> -> memref<64x128xf32, #tpu.memory_space<hbm>>
      tpu.wait_dma2 semaphore(%dma_wait3A_1516 : memref<!tpu.dma_semaphore, #tpu.memory_space<semaphore_mem>>) src(%dma_wait3A_1522 : memref<64x128xf32, #tpu.memory_space<hbm>>) dst(%dma_wait3A_1519 : memref<64x128xf32, #tpu.memory_space<vmem>>)
      %dma_wait3A_1523 = arith.constant 13 : i32
      %dma_wait3A_1524 = arith.constant 0 : i32
      %dma_wait3A_1525 = arith.constant 768 : i32
      %dma_wait3A_1526 = tpu.memref_slice %arg10[%dma_wait3A_1524, %dma_wait3A_1525] : memref<64x896xf32, #tpu.memory_space<vmem>> -> memref<64x128xf32, #tpu.memory_space<vmem>>
      %dma_wait3A_1527 = arith.constant 0 : i32
      %dma_wait3A_1528 = arith.constant 0 : i32
      %dma_wait3A_1529 = tpu.memref_slice %arg5[%dma_wait3A_1527, %dma_wait3A_1528] : memref<64x1000000xf32, #tpu.memory_space<hbm>> -> memref<64x128xf32, #tpu.memory_space<hbm>>
      %dma_wait3A_1530 = tpu.memref_slice %arg12[%dma_wait3A_1523] : memref<14x!tpu.dma_semaphore, #tpu.memory_space<semaphore_mem>> -> memref<1x!tpu.dma_semaphore, #tpu.memory_space<semaphore_mem>>
      %dma_wait3A_1531 = tpu.memref_squeeze %dma_wait3A_1530 : memref<1x!tpu.dma_semaphore, #tpu.memory_space<semaphore_mem>> -> memref<!tpu.dma_semaphore, #tpu.memory_space<semaphore_mem>>
      %dma_wait3A_1532 = arith.constant 0 : i32
      %dma_wait3A_1533 = arith.constant 768 : i32
      %dma_wait3A_1534 = tpu.memref_slice %arg10[%dma_wait3A_1532, %dma_wait3A_1533] : memref<64x896xf32, #tpu.memory_space<vmem>> -> memref<64x128xf32, #tpu.memory_space<vmem>>
      %dma_wait3A_1535 = arith.constant 0 : i32
      %dma_wait3A_1536 = arith.constant 0 : i32
      %dma_wait3A_1537 = tpu.memref_slice %arg5[%dma_wait3A_1535, %dma_wait3A_1536] : memref<64x1000000xf32, #tpu.memory_space<hbm>> -> memref<64x128xf32, #tpu.memory_space<hbm>>
      tpu.wait_dma2 semaphore(%dma_wait3A_1531 : memref<!tpu.dma_semaphore, #tpu.memory_space<semaphore_mem>>) src(%dma_wait3A_1537 : memref<64x128xf32, #tpu.memory_space<hbm>>) dst(%dma_wait3A_1534 : memref<64x128xf32, #tpu.memory_space<vmem>>)
      %broadcast_in_dim3A_1538 = arith.constant 768 : i32
      %broadcast_in_dim3A_1539 = vector.broadcast %broadcast_in_dim3A_1538 : i32 to vector<16xi32>
      %add3A_1540 = vector.broadcast %select_n3A_1489 : i32 to vector<16xi32>
      %add3A_1541 = arith.addi %broadcast_in_dim3A_1539, %add3A_1540 : vector<16xi32>
      %broadcast_in_dim3A_1542 = arith.constant 768 : i32
      %broadcast_in_dim3A_1543 = vector.broadcast %broadcast_in_dim3A_1542 : i32 to vector<16xi32>
      %add3A_1544 = vector.broadcast %select_n3A_1507 : i32 to vector<16xi32>
      %add3A_1545 = arith.addi %broadcast_in_dim3A_1543, %add3A_1544 : vector<16xi32>
      %broadcast_in_dim3A_1546 = arith.constant 0.000000e+00 : f32
      %broadcast_in_dim3A_1547 = vector.broadcast %broadcast_in_dim3A_1546 : f32 to vector<16xf32>
      %add3A_1548 = arith.constant 0 : i32
      %add3A_1549 = vector.broadcast %add3A_1548 : i32 to vector<16xi32>
      %add3A_1550 = arith.addi %iota3A, %add3A_1549 : vector<16xi32>
      %gather3A_1551 = tpu.vector_load_idx %arg9[%add3A_1550, %add3A_1541] : memref<64x896xf32, #tpu.memory_space<vmem>>[vector<16xi32>, vector<16xi32>], vector<16xf32>,
      %gather3A_1552 = tpu.vector_load_idx %arg10[%add3A_1550, %add3A_1545] : memref<64x896xf32, #tpu.memory_space<vmem>>[vector<16xi32>, vector<16xi32>], vector<16xf32>,
      %mul3A_1553 = arith.mulf %gather3A_1551, %gather3A_1552 : vector<16xf32>
      %add3A_1554 = arith.addf %broadcast_in_dim3A_1547, %mul3A_1553 : vector<16xf32>
      %add3A_1555 = arith.constant 16 : i32
      %add3A_1556 = vector.broadcast %add3A_1555 : i32 to vector<16xi32>
      %add3A_1557 = arith.addi %iota3A, %add3A_1556 : vector<16xi32>
      %gather3A_1558 = tpu.vector_load_idx %arg9[%add3A_1557, %add3A_1541] : memref<64x896xf32, #tpu.memory_space<vmem>>[vector<16xi32>, vector<16xi32>], vector<16xf32>,
      %gather3A_1559 = tpu.vector_load_idx %arg10[%add3A_1557, %add3A_1545] : memref<64x896xf32, #tpu.memory_space<vmem>>[vector<16xi32>, vector<16xi32>], vector<16xf32>,
      %mul3A_1560 = arith.mulf %gather3A_1558, %gather3A_1559 : vector<16xf32>
      %add3A_1561 = arith.addf %add3A_1554, %mul3A_1560 : vector<16xf32>
      %add3A_1562 = arith.constant 32 : i32
      %add3A_1563 = vector.broadcast %add3A_1562 : i32 to vector<16xi32>
      %add3A_1564 = arith.addi %iota3A, %add3A_1563 : vector<16xi32>
      %gather3A_1565 = tpu.vector_load_idx %arg9[%add3A_1564, %add3A_1541] : memref<64x896xf32, #tpu.memory_space<vmem>>[vector<16xi32>, vector<16xi32>], vector<16xf32>,
      %gather3A_1566 = tpu.vector_load_idx %arg10[%add3A_1564, %add3A_1545] : memref<64x896xf32, #tpu.memory_space<vmem>>[vector<16xi32>, vector<16xi32>], vector<16xf32>,
      %mul3A_1567 = arith.mulf %gather3A_1565, %gather3A_1566 : vector<16xf32>
      %add3A_1568 = arith.addf %add3A_1561, %mul3A_1567 : vector<16xf32>
      %add3A_1569 = arith.constant 48 : i32
      %add3A_1570 = vector.broadcast %add3A_1569 : i32 to vector<16xi32>
      %add3A_1571 = arith.addi %iota3A, %add3A_1570 : vector<16xi32>
      %gather3A_1572 = tpu.vector_load_idx %arg9[%add3A_1571, %add3A_1541] : memref<64x896xf32, #tpu.memory_space<vmem>>[vector<16xi32>, vector<16xi32>], vector<16xf32>,
      %gather3A_1573 = tpu.vector_load_idx %arg10[%add3A_1571, %add3A_1545] : memref<64x896xf32, #tpu.memory_space<vmem>>[vector<16xi32>, vector<16xi32>], vector<16xf32>,
      %mul3A_1574 = arith.mulf %gather3A_1572, %gather3A_1573 : vector<16xf32>
      %add3A_1575 = arith.addf %add3A_1568, %mul3A_1574 : vector<16xf32>
      %broadcast_in_dim3A_1576 = arith.constant true
      %broadcast_in_dim3A_1577 = vector.broadcast %broadcast_in_dim3A_1576 : i1 to vector<16xi1>
      %masked_cumsum3A_1578 = tpu.scan <sum>, %add3A_1575 masked %broadcast_in_dim3A_1577 : vector<16xf32>, vector<16xi1> -> vector<16xf32>
      %broadcast_in_dim3A_1579 = vector.broadcast %add3A_1467 : i32 to vector<16xi32>
      tpu.vector_store_idx %arg11[%broadcast_in_dim3A_1579], %masked_cumsum3A_1578 masked %eq3A_4 : memref<512xf32, #tpu.memory_space<vmem>>[vector<16xi32>], vector<16xf32>, vector<16xi1>
      %add3A_1580 = arith.constant 7 : i32
      %add3A_1581 = arith.addi %add3A_1467, %add3A_1580 : i32
      %lt3A_1582 = arith.constant 512 : i32
      %lt3A_1583 = arith.cmpi slt, %add3A_1581, %lt3A_1582 : i32
      %convert_element_type3A_1584 = arith.extui %lt3A_1583 : i1 to i32
      %cond3A_1585 = arith.constant 0 : i32
      %cond3A_1586 = arith.cmpi ne, %convert_element_type3A_1584, %cond3A_1585 : i32
      scf.if %cond3A_1586 {
        %add3A_1587 = arith.constant 7 : i32
        %add3A_1588 = arith.addi %add3A_1467, %add3A_1587 : i32
        %get3A_1589 = arith.index_cast %add3A_1588 : i32 to index
        %get3A_1590 = tpu.vector_load %arg7[%get3A_1589] {strides = array<i32>} : memref<528xi32, #tpu.memory_space<vmem>>, vector<16xi32>,
        %slice3A_1591 = vector.extract_strided_slice %get3A_1590 {offsets = [0], sizes = [1], strides = [1]} : vector<16xi32> to vector<1xi32>
        %squeeze3A_1592 = vector.extract %slice3A_1591[0] : i32 from vector<1xi32>
        %jit3A_1593 = arith.constant 128 : i32
        %div3A_1594 = arith.divsi %squeeze3A_1592, %jit3A_1593 : i32
        %sign3A_1595 = arith.constant 0 : i32
        %sign3A_1596 = arith.cmpi sgt, %squeeze3A_1592, %sign3A_1595 : i32
        %sign3A_1597 = arith.extui %sign3A_1596 : i1 to i32
        %sign3A_1598 = arith.constant 0 : i32
        %sign3A_1599 = arith.cmpi slt, %squeeze3A_1592, %sign3A_1598 : i32
        %sign3A_1600 = arith.extui %sign3A_1599 : i1 to i32
        %sign3A_1601 = arith.subi %sign3A_1597, %sign3A_1600 : i32
        %sign3A_1602 = arith.constant 0 : i32
        %sign3A_1603 = arith.cmpi sgt, %jit3A_1593, %sign3A_1602 : i32
        %sign3A_1604 = arith.extui %sign3A_1603 : i1 to i32
        %sign3A_1605 = arith.constant 0 : i32
        %sign3A_1606 = arith.cmpi slt, %jit3A_1593, %sign3A_1605 : i32
        %sign3A_1607 = arith.extui %sign3A_1606 : i1 to i32
        %sign3A_1608 = arith.subi %sign3A_1604, %sign3A_1607 : i32
        %ne3A_1609 = arith.cmpi ne, %sign3A_1601, %sign3A_1608 : i32
        %rem3A_1610 = arith.remsi %squeeze3A_1592, %jit3A_1593 : i32
        %ne3A_1611 = arith.constant 0 : i32
        %ne3A_1612 = arith.cmpi ne, %rem3A_1610, %ne3A_1611 : i32
        %and3A_1613 = arith.andi %ne3A_1609, %ne3A_1612 : i1
        %sub3A_1614 = arith.constant 1 : i32
        %sub3A_1615 = arith.subi %div3A_1594, %sub3A_1614 : i32
        %select_n3A_1616 = arith.select %and3A_1613, %sub3A_1615, %div3A_1594 : i32
        %mul3A_1617 = arith.constant 128 : i32
        %mul3A_1618 = arith.muli %select_n3A_1616, %mul3A_1617 : i32
        %multiple_of3A_1619 = tpu.assume_multiple %mul3A_1618, 128 : i32
        %dma_start3A_1620 = arith.constant 6 : i32
        %dma_start3A_1621 = arith.constant 0 : i32
        %dma_start3A_1622 = arith.constant 768 : i32
        %dma_start3A_1623 = tpu.memref_slice %arg9[%dma_start3A_1621, %dma_start3A_1622] : memref<64x896xf32, #tpu.memory_space<vmem>> -> memref<64x128xf32, #tpu.memory_space<vmem>>
        %dma_start3A_1624 = arith.constant 0 : i32
        %dma_start3A_1625 = tpu.memref_slice %arg4[%dma_start3A_1624, %multiple_of3A_1619] : memref<64x1000000xf32, #tpu.memory_space<hbm>> -> memref<64x128xf32, #tpu.memory_space<hbm>>
        %dma_start3A_1626 = tpu.memref_slice %arg12[%dma_start3A_1620] : memref<14x!tpu.dma_semaphore, #tpu.memory_space<semaphore_mem>> -> memref<1x!tpu.dma_semaphore, #tpu.memory_space<semaphore_mem>>
        %dma_start3A_1627 = tpu.memref_squeeze %dma_start3A_1626 : memref<1x!tpu.dma_semaphore, #tpu.memory_space<semaphore_mem>> -> memref<!tpu.dma_semaphore, #tpu.memory_space<semaphore_mem>>
        %dma_start3A_1628 = arith.constant 0 : i32
        %dma_start3A_1629 = arith.constant 768 : i32
        %dma_start3A_1630 = tpu.memref_slice %arg9[%dma_start3A_1628, %dma_start3A_1629] : memref<64x896xf32, #tpu.memory_space<vmem>> -> memref<64x128xf32, #tpu.memory_space<vmem>>
        %dma_start3A_1631 = arith.constant 0 : i32
        %dma_start3A_1632 = tpu.memref_slice %arg4[%dma_start3A_1631, %multiple_of3A_1619] : memref<64x1000000xf32, #tpu.memory_space<hbm>> -> memref<64x128xf32, #tpu.memory_space<hbm>>
        tpu.enqueue_dma source(%dma_start3A_1632 : memref<64x128xf32, #tpu.memory_space<hbm>>) target(%dma_start3A_1630 : memref<64x128xf32, #tpu.memory_space<vmem>>) target_semaphore(%dma_start3A_1627 : memref<!tpu.dma_semaphore, #tpu.memory_space<semaphore_mem>>)
        %add3A_1633 = arith.constant 7 : i32
        %add3A_1634 = arith.addi %add3A_1467, %add3A_1633 : i32
        %get3A_1635 = arith.index_cast %add3A_1634 : i32 to index
        %get3A_1636 = tpu.vector_load %arg8[%get3A_1635] {strides = array<i32>} : memref<528xi32, #tpu.memory_space<vmem>>, vector<16xi32>,
        %slice3A_1637 = vector.extract_strided_slice %get3A_1636 {offsets = [0], sizes = [1], strides = [1]} : vector<16xi32> to vector<1xi32>
        %squeeze3A_1638 = vector.extract %slice3A_1637[0] : i32 from vector<1xi32>
        %jit3A_1639 = arith.constant 128 : i32
        %div3A_1640 = arith.divsi %squeeze3A_1638, %jit3A_1639 : i32
        %sign3A_1641 = arith.constant 0 : i32
        %sign3A_1642 = arith.cmpi sgt, %squeeze3A_1638, %sign3A_1641 : i32
        %sign3A_1643 = arith.extui %sign3A_1642 : i1 to i32
        %sign3A_1644 = arith.constant 0 : i32
        %sign3A_1645 = arith.cmpi slt, %squeeze3A_1638, %sign3A_1644 : i32
        %sign3A_1646 = arith.extui %sign3A_1645 : i1 to i32
        %sign3A_1647 = arith.subi %sign3A_1643, %sign3A_1646 : i32
        %sign3A_1648 = arith.constant 0 : i32
        %sign3A_1649 = arith.cmpi sgt, %jit3A_1639, %sign3A_1648 : i32
        %sign3A_1650 = arith.extui %sign3A_1649 : i1 to i32
        %sign3A_1651 = arith.constant 0 : i32
        %sign3A_1652 = arith.cmpi slt, %jit3A_1639, %sign3A_1651 : i32
        %sign3A_1653 = arith.extui %sign3A_1652 : i1 to i32
        %sign3A_1654 = arith.subi %sign3A_1650, %sign3A_1653 : i32
        %ne3A_1655 = arith.cmpi ne, %sign3A_1647, %sign3A_1654 : i32
        %rem3A_1656 = arith.remsi %squeeze3A_1638, %jit3A_1639 : i32
        %ne3A_1657 = arith.constant 0 : i32
        %ne3A_1658 = arith.cmpi ne, %rem3A_1656, %ne3A_1657 : i32
        %and3A_1659 = arith.andi %ne3A_1655, %ne3A_1658 : i1
        %sub3A_1660 = arith.constant 1 : i32
        %sub3A_1661 = arith.subi %div3A_1640, %sub3A_1660 : i32
        %select_n3A_1662 = arith.select %and3A_1659, %sub3A_1661, %div3A_1640 : i32
        %mul3A_1663 = arith.constant 128 : i32
        %mul3A_1664 = arith.muli %select_n3A_1662, %mul3A_1663 : i32
        %multiple_of3A_1665 = tpu.assume_multiple %mul3A_1664, 128 : i32
        %dma_start3A_1666 = arith.constant 13 : i32
        %dma_start3A_1667 = arith.constant 0 : i32
        %dma_start3A_1668 = arith.constant 768 : i32
        %dma_start3A_1669 = tpu.memref_slice %arg10[%dma_start3A_1667, %dma_start3A_1668] : memref<64x896xf32, #tpu.memory_space<vmem>> -> memref<64x128xf32, #tpu.memory_space<vmem>>
        %dma_start3A_1670 = arith.constant 0 : i32
        %dma_start3A_1671 = tpu.memref_slice %arg5[%dma_start3A_1670, %multiple_of3A_1665] : memref<64x1000000xf32, #tpu.memory_space<hbm>> -> memref<64x128xf32, #tpu.memory_space<hbm>>
        %dma_start3A_1672 = tpu.memref_slice %arg12[%dma_start3A_1666] : memref<14x!tpu.dma_semaphore, #tpu.memory_space<semaphore_mem>> -> memref<1x!tpu.dma_semaphore, #tpu.memory_space<semaphore_mem>>
        %dma_start3A_1673 = tpu.memref_squeeze %dma_start3A_1672 : memref<1x!tpu.dma_semaphore, #tpu.memory_space<semaphore_mem>> -> memref<!tpu.dma_semaphore, #tpu.memory_space<semaphore_mem>>
        %dma_start3A_1674 = arith.constant 0 : i32
        %dma_start3A_1675 = arith.constant 768 : i32
        %dma_start3A_1676 = tpu.memref_slice %arg10[%dma_start3A_1674, %dma_start3A_1675] : memref<64x896xf32, #tpu.memory_space<vmem>> -> memref<64x128xf32, #tpu.memory_space<vmem>>
        %dma_start3A_1677 = arith.constant 0 : i32
        %dma_start3A_1678 = tpu.memref_slice %arg5[%dma_start3A_1677, %multiple_of3A_1665] : memref<64x1000000xf32, #tpu.memory_space<hbm>> -> memref<64x128xf32, #tpu.memory_space<hbm>>
        tpu.enqueue_dma source(%dma_start3A_1678 : memref<64x128xf32, #tpu.memory_space<hbm>>) target(%dma_start3A_1676 : memref<64x128xf32, #tpu.memory_space<vmem>>) target_semaphore(%dma_start3A_1673 : memref<!tpu.dma_semaphore, #tpu.memory_space<semaphore_mem>>)
      } else {
      }
    }
    %scan3A_612 = arith.constant 73 : i32
    %get3A_613 = arith.constant 511 : index
    %get3A_614 = tpu.vector_load %arg7[%get3A_613] {strides = array<i32>} : memref<528xi32, #tpu.memory_space<vmem>>, vector<16xi32>,
    %get3A_615 = arith.constant 511 : index
    %get3A_616 = tpu.vector_load %arg8[%get3A_615] {strides = array<i32>} : memref<528xi32, #tpu.memory_space<vmem>>, vector<16xi32>,
    %slice3A_617 = vector.extract_strided_slice %get3A_614 {offsets = [0], sizes = [1], strides = [1]} : vector<16xi32> to vector<1xi32>
    %squeeze3A_618 = vector.extract %slice3A_617[0] : i32 from vector<1xi32>
    %jit3A_619 = arith.constant 128 : i32
    %eq3A_620 = arith.constant 0 : i32
    %eq3A_621 = arith.cmpi eq, %jit3A_619, %eq3A_620 : i32
    %jit3A_622 = arith.constant 1 : i32
    %select_n3A_623 = arith.select %eq3A_621, %jit3A_622, %jit3A_619 : i32
    %rem3A_624 = arith.remsi %squeeze3A_618, %select_n3A_623 : i32
    %ne3A_625 = arith.constant 0 : i32
    %ne3A_626 = arith.cmpi ne, %rem3A_624, %ne3A_625 : i32
    %lt3A = arith.constant 0 : i32
    %lt3A_627 = arith.cmpi slt, %rem3A_624, %lt3A : i32
    %lt3A_628 = arith.constant 0 : i32
    %lt3A_629 = arith.cmpi slt, %select_n3A_623, %lt3A_628 : i32
    %ne3A_630 = arith.xori %lt3A_627, %lt3A_629 : i1
    %and3A_631 = arith.andi %ne3A_630, %ne3A_626 : i1
    %add3A_632 = arith.addi %rem3A_624, %select_n3A_623 : i32
    %select_n3A_633 = arith.select %and3A_631, %add3A_632, %rem3A_624 : i32
    %slice3A_634 = vector.extract_strided_slice %get3A_616 {offsets = [0], sizes = [1], strides = [1]} : vector<16xi32> to vector<1xi32>
    %squeeze3A_635 = vector.extract %slice3A_634[0] : i32 from vector<1xi32>
    %jit3A_636 = arith.constant 128 : i32
    %eq3A_637 = arith.constant 0 : i32
    %eq3A_638 = arith.cmpi eq, %jit3A_636, %eq3A_637 : i32
    %jit3A_639 = arith.constant 1 : i32
    %select_n3A_640 = arith.select %eq3A_638, %jit3A_639, %jit3A_636 : i32
    %rem3A_641 = arith.remsi %squeeze3A_635, %select_n3A_640 : i32
    %ne3A_642 = arith.constant 0 : i32
    %ne3A_643 = arith.cmpi ne, %rem3A_641, %ne3A_642 : i32
    %lt3A_644 = arith.constant 0 : i32
    %lt3A_645 = arith.cmpi slt, %rem3A_641, %lt3A_644 : i32
    %lt3A_646 = arith.constant 0 : i32
    %lt3A_647 = arith.cmpi slt, %select_n3A_640, %lt3A_646 : i32
    %ne3A_648 = arith.xori %lt3A_645, %lt3A_647 : i1
    %and3A_649 = arith.andi %ne3A_648, %ne3A_643 : i1
    %add3A_650 = arith.addi %rem3A_641, %select_n3A_640 : i32
    %select_n3A_651 = arith.select %and3A_649, %add3A_650, %rem3A_641 : i32
    %dma_wait3A = arith.constant 0 : i32
    %dma_wait3A_652 = arith.constant 0 : i32
    %dma_wait3A_653 = arith.constant 0 : i32
    %dma_wait3A_654 = tpu.memref_slice %arg9[%dma_wait3A_652, %dma_wait3A_653] : memref<64x896xf32, #tpu.memory_space<vmem>> -> memref<64x128xf32, #tpu.memory_space<vmem>>
    %dma_wait3A_655 = arith.constant 0 : i32
    %dma_wait3A_656 = arith.constant 0 : i32
    %dma_wait3A_657 = tpu.memref_slice %arg4[%dma_wait3A_655, %dma_wait3A_656] : memref<64x1000000xf32, #tpu.memory_space<hbm>> -> memref<64x128xf32, #tpu.memory_space<hbm>>
    %dma_wait3A_658 = tpu.memref_slice %arg12[%dma_wait3A] : memref<14x!tpu.dma_semaphore, #tpu.memory_space<semaphore_mem>> -> memref<1x!tpu.dma_semaphore, #tpu.memory_space<semaphore_mem>>
    %dma_wait3A_659 = tpu.memref_squeeze %dma_wait3A_658 : memref<1x!tpu.dma_semaphore, #tpu.memory_space<semaphore_mem>> -> memref<!tpu.dma_semaphore, #tpu.memory_space<semaphore_mem>>
    %dma_wait3A_660 = arith.constant 0 : i32
    %dma_wait3A_661 = arith.constant 0 : i32
    %dma_wait3A_662 = tpu.memref_slice %arg9[%dma_wait3A_660, %dma_wait3A_661] : memref<64x896xf32, #tpu.memory_space<vmem>> -> memref<64x128xf32, #tpu.memory_space<vmem>>
    %dma_wait3A_663 = arith.constant 0 : i32
    %dma_wait3A_664 = arith.constant 0 : i32
    %dma_wait3A_665 = tpu.memref_slice %arg4[%dma_wait3A_663, %dma_wait3A_664] : memref<64x1000000xf32, #tpu.memory_space<hbm>> -> memref<64x128xf32, #tpu.memory_space<hbm>>
    tpu.wait_dma2 semaphore(%dma_wait3A_659 : memref<!tpu.dma_semaphore, #tpu.memory_space<semaphore_mem>>) src(%dma_wait3A_665 : memref<64x128xf32, #tpu.memory_space<hbm>>) dst(%dma_wait3A_662 : memref<64x128xf32, #tpu.memory_space<vmem>>)
    %dma_wait3A_666 = arith.constant 7 : i32
    %dma_wait3A_667 = arith.constant 0 : i32
    %dma_wait3A_668 = arith.constant 0 : i32
    %dma_wait3A_669 = tpu.memref_slice %arg10[%dma_wait3A_667, %dma_wait3A_668] : memref<64x896xf32, #tpu.memory_space<vmem>> -> memref<64x128xf32, #tpu.memory_space<vmem>>
    %dma_wait3A_670 = arith.constant 0 : i32
    %dma_wait3A_671 = arith.constant 0 : i32
    %dma_wait3A_672 = tpu.memref_slice %arg5[%dma_wait3A_670, %dma_wait3A_671] : memref<64x1000000xf32, #tpu.memory_space<hbm>> -> memref<64x128xf32, #tpu.memory_space<hbm>>
    %dma_wait3A_673 = tpu.memref_slice %arg12[%dma_wait3A_666] : memref<14x!tpu.dma_semaphore, #tpu.memory_space<semaphore_mem>> -> memref<1x!tpu.dma_semaphore, #tpu.memory_space<semaphore_mem>>
    %dma_wait3A_674 = tpu.memref_squeeze %dma_wait3A_673 : memref<1x!tpu.dma_semaphore, #tpu.memory_space<semaphore_mem>> -> memref<!tpu.dma_semaphore, #tpu.memory_space<semaphore_mem>>
    %dma_wait3A_675 = arith.constant 0 : i32
    %dma_wait3A_676 = arith.constant 0 : i32
    %dma_wait3A_677 = tpu.memref_slice %arg10[%dma_wait3A_675, %dma_wait3A_676] : memref<64x896xf32, #tpu.memory_space<vmem>> -> memref<64x128xf32, #tpu.memory_space<vmem>>
    %dma_wait3A_678 = arith.constant 0 : i32
    %dma_wait3A_679 = arith.constant 0 : i32
    %dma_wait3A_680 = tpu.memref_slice %arg5[%dma_wait3A_678, %dma_wait3A_679] : memref<64x1000000xf32, #tpu.memory_space<hbm>> -> memref<64x128xf32, #tpu.memory_space<hbm>>
    tpu.wait_dma2 semaphore(%dma_wait3A_674 : memref<!tpu.dma_semaphore, #tpu.memory_space<semaphore_mem>>) src(%dma_wait3A_680 : memref<64x128xf32, #tpu.memory_space<hbm>>) dst(%dma_wait3A_677 : memref<64x128xf32, #tpu.memory_space<vmem>>)
    %broadcast_in_dim3A = arith.constant 0 : i32
    %broadcast_in_dim3A_681 = vector.broadcast %broadcast_in_dim3A : i32 to vector<16xi32>
    %add3A_682 = vector.broadcast %select_n3A_633 : i32 to vector<16xi32>
    %add3A_683 = arith.addi %broadcast_in_dim3A_681, %add3A_682 : vector<16xi32>
    %broadcast_in_dim3A_684 = arith.constant 0 : i32
    %broadcast_in_dim3A_685 = vector.broadcast %broadcast_in_dim3A_684 : i32 to vector<16xi32>
    %add3A_686 = vector.broadcast %select_n3A_651 : i32 to vector<16xi32>
    %add3A_687 = arith.addi %broadcast_in_dim3A_685, %add3A_686 : vector<16xi32>
    %broadcast_in_dim3A_688 = arith.constant 0.000000e+00 : f32
    %broadcast_in_dim3A_689 = vector.broadcast %broadcast_in_dim3A_688 : f32 to vector<16xf32>
    %add3A_690 = arith.constant 0 : i32
    %add3A_691 = vector.broadcast %add3A_690 : i32 to vector<16xi32>
    %add3A_692 = arith.addi %iota3A, %add3A_691 : vector<16xi32>
    %gather3A = tpu.vector_load_idx %arg9[%add3A_692, %add3A_683] : memref<64x896xf32, #tpu.memory_space<vmem>>[vector<16xi32>, vector<16xi32>], vector<16xf32>,
    %gather3A_693 = tpu.vector_load_idx %arg10[%add3A_692, %add3A_687] : memref<64x896xf32, #tpu.memory_space<vmem>>[vector<16xi32>, vector<16xi32>], vector<16xf32>,
    %mul3A_694 = arith.mulf %gather3A, %gather3A_693 : vector<16xf32>
    %add3A_695 = arith.addf %broadcast_in_dim3A_689, %mul3A_694 : vector<16xf32>
    %add3A_696 = arith.constant 16 : i32
    %add3A_697 = vector.broadcast %add3A_696 : i32 to vector<16xi32>
    %add3A_698 = arith.addi %iota3A, %add3A_697 : vector<16xi32>
    %gather3A_699 = tpu.vector_load_idx %arg9[%add3A_698, %add3A_683] : memref<64x896xf32, #tpu.memory_space<vmem>>[vector<16xi32>, vector<16xi32>], vector<16xf32>,
    %gather3A_700 = tpu.vector_load_idx %arg10[%add3A_698, %add3A_687] : memref<64x896xf32, #tpu.memory_space<vmem>>[vector<16xi32>, vector<16xi32>], vector<16xf32>,
    %mul3A_701 = arith.mulf %gather3A_699, %gather3A_700 : vector<16xf32>
    %add3A_702 = arith.addf %add3A_695, %mul3A_701 : vector<16xf32>
    %add3A_703 = arith.constant 32 : i32
    %add3A_704 = vector.broadcast %add3A_703 : i32 to vector<16xi32>
    %add3A_705 = arith.addi %iota3A, %add3A_704 : vector<16xi32>
    %gather3A_706 = tpu.vector_load_idx %arg9[%add3A_705, %add3A_683] : memref<64x896xf32, #tpu.memory_space<vmem>>[vector<16xi32>, vector<16xi32>], vector<16xf32>,
    %gather3A_707 = tpu.vector_load_idx %arg10[%add3A_705, %add3A_687] : memref<64x896xf32, #tpu.memory_space<vmem>>[vector<16xi32>, vector<16xi32>], vector<16xf32>,
    %mul3A_708 = arith.mulf %gather3A_706, %gather3A_707 : vector<16xf32>
    %add3A_709 = arith.addf %add3A_702, %mul3A_708 : vector<16xf32>
    %add3A_710 = arith.constant 48 : i32
    %add3A_711 = vector.broadcast %add3A_710 : i32 to vector<16xi32>
    %add3A_712 = arith.addi %iota3A, %add3A_711 : vector<16xi32>
    %gather3A_713 = tpu.vector_load_idx %arg9[%add3A_712, %add3A_683] : memref<64x896xf32, #tpu.memory_space<vmem>>[vector<16xi32>, vector<16xi32>], vector<16xf32>,
    %gather3A_714 = tpu.vector_load_idx %arg10[%add3A_712, %add3A_687] : memref<64x896xf32, #tpu.memory_space<vmem>>[vector<16xi32>, vector<16xi32>], vector<16xf32>,
    %mul3A_715 = arith.mulf %gather3A_713, %gather3A_714 : vector<16xf32>
    %add3A_716 = arith.addf %add3A_709, %mul3A_715 : vector<16xf32>
    %broadcast_in_dim3A_717 = arith.constant true
    %broadcast_in_dim3A_718 = vector.broadcast %broadcast_in_dim3A_717 : i1 to vector<16xi1>
    %masked_cumsum3A = tpu.scan <sum>, %add3A_716 masked %broadcast_in_dim3A_718 : vector<16xf32>, vector<16xi1> -> vector<16xf32>
    %broadcast_in_dim3A_719 = arith.constant 511 : i32
    %broadcast_in_dim3A_720 = vector.broadcast %broadcast_in_dim3A_719 : i32 to vector<16xi32>
    tpu.vector_store_idx %arg11[%broadcast_in_dim3A_720], %masked_cumsum3A masked %eq3A_4 : memref<512xf32, #tpu.memory_space<vmem>>[vector<16xi32>], vector<16xf32>, vector<16xi1>
    %scan3A_721 = arith.constant 0 : i32
    %scan3A_722 = arith.constant 0 : i32
    %scan3A_723 = arith.constant 32 : i32
    %scan3A_724 = arith.addi %scan3A_722, %scan3A_723 : i32
    %scan3A_725 = arith.constant 1 : i32
    scf.for %scan3A_727 = %scan3A_722 to %scan3A_724 step %scan3A_725  : i32 {
      %mul3A_728 = arith.constant 16 : i32
      %mul3A_729 = arith.muli %scan3A_727, %mul3A_728 : i32
      %get3A_730 = arith.index_cast %mul3A_729 : i32 to index
      %get3A_731 = tpu.vector_load %arg11[%get3A_730] {strides = array<i32>} : memref<512xf32, #tpu.memory_space<vmem>>, vector<16xf32>,
      %neg3A = arith.constant 0.000000e+00 : f32
      %neg3A_732 = vector.broadcast %neg3A : f32 to vector<16xf32>
      %neg3A_733 = arith.subf %neg3A_732, %get3A_731 : vector<16xf32>
      %exp3A = math.exp %neg3A_733 : vector<16xf32>
      %add3A_734 = arith.constant 1.000000e+00 : f32
      %add3A_735 = vector.broadcast %add3A_734 : f32 to vector<16xf32>
      %add3A_736 = arith.addf %add3A_735, %exp3A : vector<16xf32>
      %div3A_737 = arith.constant 1.000000e+00 : f32
      %div3A_738 = vector.broadcast %div3A_737 : f32 to vector<16xf32>
      %div3A_739 = arith.divf %div3A_738, %add3A_736 : vector<16xf32>
      %swap3A = arith.index_cast %mul3A_729 : i32 to index
      %swap3A_740 = tpu.vector_load %arg11[%swap3A] {strides = array<i32>} : memref<512xf32, #tpu.memory_space<vmem>>, vector<16xf32>,
      tpu.vector_store %arg11[%swap3A], %div3A_739 {strides = array<i32>} : memref<512xf32, #tpu.memory_space<vmem>>, vector<16xf32>,
    }
    %scan3A_726 = arith.constant 32 : i32
    "tpu.region"() ({
      %run_scoped3A = tpu.sem_alloc : memref<!tpu.dma_semaphore, #tpu.memory_space<semaphore_mem>>
      %dma_start3A_727 = tpu.memref_slice %arg6[%mul3A_2] : memref<16384xf32, #tpu.memory_space<hbm>> -> memref<512xf32, #tpu.memory_space<hbm>>
      %dma_start3A_728 = tpu.memref_slice %arg6[%mul3A_2] : memref<16384xf32, #tpu.memory_space<hbm>> -> memref<512xf32, #tpu.memory_space<hbm>>
      tpu.enqueue_dma source(%arg11 : memref<512xf32, #tpu.memory_space<vmem>>) target(%dma_start3A_728 : memref<512xf32, #tpu.memory_space<hbm>>) target_semaphore(%run_scoped3A : memref<!tpu.dma_semaphore, #tpu.memory_space<semaphore_mem>>)
      %dma_wait3A_729 = tpu.memref_slice %arg6[%mul3A_2] : memref<16384xf32, #tpu.memory_space<hbm>> -> memref<512xf32, #tpu.memory_space<hbm>>
      %dma_wait3A_730 = tpu.memref_slice %arg6[%mul3A_2] : memref<16384xf32, #tpu.memory_space<hbm>> -> memref<512xf32, #tpu.memory_space<hbm>>
      tpu.wait_dma2 semaphore(%run_scoped3A : memref<!tpu.dma_semaphore, #tpu.memory_space<semaphore_mem>>) src(%arg11 : memref<512xf32, #tpu.memory_space<vmem>>) dst(%dma_wait3A_730 : memref<512xf32, #tpu.memory_space<hbm>>)
      tpu.yield
    }) : () -> ()
    return
  }
}

</mosaic_0001>

<sc_bundles>
// kernel: kernel.3.cloned.1.call-start
scs
__scs_entry_jumppad:
0x0: {  	(pc) =	sbr.rel $0x88, $3  }
0x1: {  	(tag) =	ssettag $0x0;
	lr =	simm.s32 $0x1  }
0x2: {  	[smem:$0x3F9D] =	sst lr;
	_ =	strace $0xD0000000  }
0x3: {  	_ = 	snop  }
0x4: {  	_ = 	snop  }
0x5: {  	_ = 	snop  }
0x6: {  	_ = 	snop  }
0x7: {  	_ = 	snop  }
__scs_overlays_trampoline_lowered:
0x8: {  	[smem:$0x3FAC] =	sst s0  }
0x9: {  	[smem:$0x3FAD] =	sst s1  }
0xa: {  	[smem:$0x3FAE] =	sst s2  }
0xb: {  	[smem:$0x3FAF] =	sst s3  }
0xc: {  	[smem:$0x3FB0] =	sst s4  }
0xd: {  	[smem:$0x3FB1] =	sst s5  }
0xe: {  	[smem:$0x3FB2] =	sst s6  }
0xf: {  	[smem:$0x3FB3] =	sst s7  }
0x10: {  	[smem:$0x3FB4] =	sst s8  }
0x11: {  	[smem:$0x3FB5] =	sst s9;
	s0 =	simm.s32 @!p0 $0x0  }
0x12: {  	s1 =	sld [smem:$0x3F9B];
	s0 =	simm.s32 @p0 $0x1  }
0x13: {  	[smem:$0x3FB6] =	sst s0;
	s0 =	simm.s32 @!p1 $0x0  }
0x14: {  	s2 =	sld [smem:$0x3F9A];
	s0 =	simm.s32 @p1 $0x1  }
0x15: {  	[smem:$0x3FB7] =	sst s0;
	s0 =	simm.s32 @!p2 $0x0  }
0x16: {  	s3 =	sld [smem:$0x3FDB];
	s0 =	simm.s32 @p2 $0x1  }
0x17: {  	s4 =	simm.s32 $0x1BF5;
	[smem:$0x3FB9] =	sst s0  }
0x18: {  	s0 =	sld [smem:$0x3F9C];
	_ =	swait.ge [sflag:s4], $0x0  }
0x19: {  	s7 =	sld [smem:$0x3F9D]  }
0x1a: {  	s8 =	sadd.s32 $0xFFFFE003, lr  }
0x1b: {  	s9 =	sadd.s32 $0xFFFFFEF7, lr;
	s5 =	simm.s32 $0xFFFFFFFF;
	p2 =	slt.u32 s8, $0xFFFFF086  }
0x1c: {  	p1 =	slt.u32 s9, $0xF7A;
	s5 =	simm.s32 @!p2 $0x0  }
0x1d: {  	s5 =	simm.s32 @p1 $0x1;
	p0 =	seq.s32 s7, s2  }
0x1e: {  	s7 =	smul.u32 @!p0 $0xF7A, s2;
	p2 =	seq.s32 @!p0 s5, $0x0  }
0x1f: {  	s9 =	smul.u32 $0xF7A, s1;
	s8 =	simm.s32 @!p0 $0x1BF5;
	p2 =	por !p2, p0  }
0x20: {  	[sflag:s8] =	ssyncset.s32 @!p0 $0xFFFFF086;
	s6 =	sadd.s32 @!p0 s3, s7;
	s7 =	simm.s32 @!p0 $0x108  }
0x21: {  	s3 =	sadd.s32 s3, s9;
	s6 =	sadd.s32 @!p0 $0x88, s6;
	s7 =	simm.s32 @p2 $0x1082  }
0x22: {  	[simem:s7], [sflag:s8] =	dma.local @!p0 [hbm:s6], $0xF7A  }
0x23: {  	s9 =	sor.u32 $0xD0000000, s2;
	s6 =	simm.s32 $0x108;
	_ =	swait.ge @!p0 [sflag:s8], $0x0  }
0x24: {  	s3 =	sadd.s32 $0x88, s3;
	s6 =	simm.s32 @!p1 $0x1082;
	[sflag:s4] =	ssyncset.s32 $0xFFFFF086  }
0x25: {  	[simem:s6], [sflag:s4] =	dma.local [hbm:s3], $0xF7A  }
0x26: {  	[smem:$0x3F9D] =	sst s1;
	(tag) =	ssettag s2;
	_ =	strace s9  }
0x27: {  	s1 =	sld [smem:$0x3FAD]  }
0x28: {  	s2 =	sld [smem:$0x3FAE]  }
0x29: {  	s4 =	sld [smem:$0x3FB0]  }
0x2a: {  	p0 =	seq.s32 s5, $0x0;
	s5 =	sld [smem:$0x3FB1]  }
0x2b: {  	s6 =	sld [smem:$0x3FB2]  }
0x2c: {  	s7 =	sld [smem:$0x3FB3]  }
0x2d: {  	s3 =	simm.s32 $0x108;
	s8 =	sld [smem:$0x3FB4]  }
0x2e: {  	s3 =	simm.s32 @!p0 $0x1082;
	s9 =	sld [smem:$0x3FB5]  }
0x2f: {  	lr =	sadd.s32 s0, s3;
	s0 =	sld [smem:$0x3FAC]  }
0x30: {  	s3 =	sld [smem:$0x3FAF]  }
0x31: {  	[smem:$0x3FB8] =	sst s10  }
0x32: {  	s10 =	sld [smem:$0x3FB6];
	_ =	sdelay $0x3  }
0x33: {  	p0 =	seq.s32 s10, $0x1;
	s10 =	sld [smem:$0x3FB8];
	_ =	sdelay $0x3  }
0x34: {  	[smem:$0x3FB8] =	sst s10  }
0x35: {  	s10 =	sld [smem:$0x3FB7];
	_ =	sdelay $0x3  }
0x36: {  	p1 =	seq.s32 s10, $0x1;
	s10 =	sld [smem:$0x3FB8];
	_ =	sdelay $0x3  }
0x37: {  	[smem:$0x3FB8] =	sst s10  }
0x38: {  	s10 =	sld [smem:$0x3FB9]  }
0x39: {  	_ = 	snop;
	(pc) =	sbr.ind lr, $3  }
0x3a: {  	_ = 	snop  }
0x3b: {  	_ = 	snop  }
0x3c: {  	p2 =	seq.s32 s10, $0x1;
	s10 =	sld [smem:$0x3FB8]  }
0x3d: {  	_ =	shalt  }
0x3e: {  	_ =	shalt  }
0x3f: {  	_ =	shalt  }
0x40: {  	_ =	shalt  }
0x41: {  	_ =	shalt  }
0x42: {  	_ =	shalt  }
0x43: {  	_ =	shalt  }
0x44: {  	_ =	shalt  }
0x45: {  	_ =	shalt  }
0x46: {  	_ =	shalt  }
0x47: {  	_ =	shalt  }
0x48: {  	_ =	shalt  }
0x49: {  	_ =	shalt  }
0x4a: {  	_ =	shalt  }
0x4b: {  	_ =	shalt  }
0x4c: {  	_ =	shalt  }
0x4d: {  	_ =	shalt  }
0x4e: {  	_ =	shalt  }
0x4f: {  	_ =	shalt  }
0x50: {  	_ =	shalt  }
0x51: {  	_ =	shalt  }
0x52: {  	_ =	shalt  }
0x53: {  	_ =	shalt  }
0x54: {  	_ =	shalt  }
0x55: {  	_ =	shalt  }
0x56: {  	_ =	shalt  }
0x57: {  	_ =	shalt  }
0x58: {  	_ =	shalt  }
0x59: {  	_ =	shalt  }
0x5a: {  	_ =	shalt  }
0x5b: {  	_ =	shalt  }
0x5c: {  	_ =	shalt  }
0x5d: {  	_ =	shalt  }
0x5e: {  	_ =	shalt  }
0x5f: {  	_ =	shalt  }
0x60: {  	_ =	shalt  }
0x61: {  	_ =	shalt  }
0x62: {  	_ =	shalt  }
0x63: {  	_ =	shalt  }
0x64: {  	_ =	shalt  }
0x65: {  	_ =	shalt  }
0x66: {  	_ =	shalt  }
0x67: {  	_ =	shalt  }
0x68: {  	_ =	shalt  }
0x69: {  	_ =	shalt  }
0x6a: {  	_ =	shalt  }
0x6b: {  	_ =	shalt  }
0x6c: {  	_ =	shalt  }
0x6d: {  	_ =	shalt  }
0x6e: {  	_ =	shalt  }
0x6f: {  	_ =	shalt  }
0x70: {  	_ =	shalt  }
0x71: {  	_ =	shalt  }
0x72: {  	_ =	shalt  }
0x73: {  	_ =	shalt  }
0x74: {  	_ =	shalt  }
0x75: {  	_ =	shalt  }
0x76: {  	_ =	shalt  }
0x77: {  	_ =	shalt  }
0x78: {  	_ =	shalt  }
0x79: {  	_ =	shalt  }
0x7a: {  	_ =	shalt  }
0x7b: {  	_ =	shalt  }
0x7c: {  	_ =	shalt  }
0x7d: {  	_ =	shalt  }
0x7e: {  	_ =	shalt  }
0x7f: {  	_ =	shalt  }
0x80: {  	_ =	shalt  }
0x81: {  	_ =	shalt  }
0x82: {  	_ =	shalt  }
0x83: {  	_ =	shalt  }
0x84: {  	_ =	shalt  }
0x85: {  	_ =	shalt  }
0x86: {  	_ =	shalt  }
0x87: {  	_ =	shalt  }
.Lfunc_end0:
.L_simem_size_0:
called_computation_lowered:
.L_overlay_start_0:
0x88: {  	s2 =	sld [smem:$0x3FD9]  }
0x89: {  	s3 =	sld [smem:$0x3FFE];
	_ =	sdelay $0x1  }
0x8a: {  	s1 =	srdreg.scid  }
0x8b: {  	s0 =	sand.u32 $0x1, s1  }
0x8c: {  	s18 =	sshll.u32 s0, $0xA;
	s2 =	sadd.s32 s3, s2  }
0x8d: {  	s2 =	sadd.s32 s2, s18  }
0x8e: {  	[smem:$0x3FC4] =	sst s2  }
0x8f: {  	_ = 	snop  }
0x90: {  	s2 =	sld [smem:$0x3FC9]  }
0x91: {  	s19 =	sld [smem:$0x3FC8]  }
0x92: {  	s4 =	sld [smem:$0x3FC7]  }
0x93: {  	s5 =	sld [smem:$0x3FC6]  }
0x94: {  	s6 =	sld [smem:$0x3FD0];
	(tm) =	ssettm $0x1  }
0x95: {  	s7 =	sld [smem:$0x3FFB];
	_ =	sdelay $0x3  }
0x96: {  	_ =	strace s7  }
0x97: {  	s7 =	sld [smem:$0x3FFC];
	_ =	sdelay $0x3  }
0x98: {  	_ =	strace s7  }
0x99: {  	s7 =	sld [smem:$0x3FFD];
	_ =	sdelay $0x3  }
0x9a: {  	_ =	strace s7  }
0x9b: {  	_ =	strace $0x8FFFFFFF  }
0x9c: {  	s20 =	sld [smem:$0x3FDB];
	_ =	sdelay $0x1  }
0x9d: {  	s8 =	simm.s32 $_scs_section_size  }
0x9e: {  	s9 =	simm.s32 $_size__tile_overlayer_lowered;
	s10 =	simm.s32 $_tile_overlayer_lowered  }
0x9f: {  	s23 =	simm.s32 $0x1BFF;
	s22 =	sshll.u32 s10, $0x1;
	s7 =	sadd.s32 s8, s20  }
0xa0: {  	s11 =	simm.s32 $0x0;
	s21 =	sshll.u32 s9, $0x1;
	s9 =	sadd.s32 s22, s7  }
0xa1: {  	[timem:s11], [sflag:s23] =	dma.local [hbm:s9], s21  }
0xa2: {  	_ =	swait.ge [sflag:s23], s21  }
0xa3: {  	s8 =	ssub.s32 $0x0, s21;
	[sflag:s23] =	ssyncset.done $0x0  }
0xa4: {  	[sflag:s23] =	ssyncadd.s32 s8;
	_ =	sdelay $0x1  }
0xa5: {  	s24 =	simm.s32 $0x1B8B  }
0xa6: {  	_ =	swait.ge [sflag:s24], $0x1  }
0xa7: {  	[sflag:s24] =	ssyncset.done $0x0  }
0xa8: {  	s25 =	simm.s32 $0x1B8E;
	[sflag:s24] =	ssyncadd.s32 $0xFFFFFFFF  }
0xa9: {  	s26 =	simm.s32 $execute0_lowered;
	[smem:$0x3FD2] =	sst s25  }
0xaa: {  	s8 =	sshll.u32 s26, $0x1;
	_ =	strace $0x80000046;
	[dreg:$0x1] =	wrdreg $0xFFFFFFFF  }
0xab: {  	s28 =	simm.s32 $_size_execute0_lowered;
	s7 =	sadd.s32 s7, s8;
	[dreg:$0x0] =	wrdreg $0x0  }
0xac: {  	s8 =	sshll.u32 s28, $0x1;
	[dreg:$0x2] =	wrdreg s7  }
0xad: {  	[dreg:$0x3] =	wrdreg s8  }
0xae: {  	[dreg:$0x4] =	wrdreg $0xC0  }
0xaf: {  	_ =	task [dreg:s11], $0x5FFFF  }
0xb0: {  	[dreg:$0x1] =	wrdreg $0xFFFFFFFF  }
0xb1: {  	[dreg:$0x0] =	wrdreg $0x60  }
0xb2: {  	[dreg:$0x2] =	wrdreg s2  }
0xb3: {  	[dreg:$0x3] =	wrdreg s19  }
0xb4: {  	[dreg:$0x4] =	wrdreg s4  }
0xb5: {  	[dreg:$0x5] =	wrdreg s5  }
0xb6: {  	[dreg:$0x6] =	wrdreg s6  }
0xb7: {  	[dreg:$0x7] =	wrdreg $0x9  }
0xb8: {  	_ =	task.clear_ibuf [dreg:s11], $0x8FFFF;
	_ =	strace $0x90000046  }
0xb9: {  	s29 =	simm.s32 $0x9;
	_ =	strace $0x80000048  }
0xba: {  	_ =	swait.ge [sflag:s29], $0x1  }
0xbb: {  	[sflag:s29] =	ssyncadd.s32 $0xFFFFFFFF  }
0xbc: {  	_ =	strace $0x90000048  }
0xbd: {  	_ =	sfence  }
0xbe: {  	s30 =	sld [smem:$0x0];
	_ =	sdelay $0x2  }
0xbf: {  	s31 =	sshll.u32 s1, $0xD;
	s1 =	sshrl.u32 s1, $0x2  }
0xc0: {  	s3 =	sand.u32 $0x4000, s31;
	s1 =	sadd.s32 s1, s30  }
0xc1: {  	s0 =	sor.u32 s3, s0;
	s1 =	sshll.u32 s1, $0x11  }
0xc2: {  	s0 =	sor.u32 s1, s0  }
0xc3: {  	s0 =	sadd.s32 $0x8F2B, s0  }
0xc4: {  	[sflag:s0] =	ssyncadd.remote.s32 $0x1  }
0xc5: {  	_ =	sfence.sel $0xFFFF  }
0xc6: {  	[dreg:$0x0] =	wrdreg $0xFFFFFFFF;
	(pc) =	sbr.abs _section_cstart, $3  }
0xc7: {  	[dreg:$0x1] =	wrdreg $0xFFFFFFFF  }
0xc8: {  	_ =	task.clear_ibuf [dreg:s11], $0x2FFFF;
	_ =	strace $0x9FFFFFFF  }
0xc9: {  	(tm) =	ssettm $0x7FFFFFFF  }
tec
execute0_lowered:
.L_overlay_start_1:
0x0: {  	(tag) =	ssettag $0x1  }
0x1: {  	v0 =	vimm.s32 $0x1F80;
	vm15 =	vcmask $0x300;
	vm14 =	vcmask $0x704  }
0x2: {  	vm13 =	vcmask $0xB08;
	vm12 =	vcmask $0xF0C;
	vm11 =	vcmask $0x1310  }
0x3: {  	vm10 =	vcmask $0x1714;
	vm9 =	vcmask $0x1B18;
	vm8 =	vcmask $0x1F1C  }
0x4: {  	vm7 =	vcmask $0x2320;
	vm6 =	vcmask $0x2724;
	vm5 =	vcmask $0x2B28  }
0x5: {  	vm4 =	vcmask $0x2F2C;
	vm3 =	vcmask $0x3330;
	vm2 =	vcmask $0x3734  }
0x6: {  	vm1 =	vcmask $0x3B38;
	v1 =	vimm.s32 $0x5780;
	v2 =	vimm.s32 $0x8F80  }
0x7: {  	v3 =	vimm.s32 $0xC780;
	vm0 =	vcmask $0x3F3C;
	v4 =	vimm.s32 $0x2380  }
0x8: {  	v5 =	vimm.s32 $0x5B80;
	v6 =	vimm.s32 $0x9380;
	v7 =	vimm.s32 $0xCB80  }
0x9: {  	v8 =	vimm.s32 $0x2780;
	v9 =	vimm.s32 $0x5F80;
	v10 =	vimm.s32 $0x9780  }
0xa: {  	v11 =	vimm.s32 $0xCF80;
	v12 =	vimm.s32 $0x2B80;
	v13 =	vimm.s32 $0x6380  }
0xb: {  	v14 =	vimm.s32 $0x9B80;
	v15 =	vimm.s32 $0xD380;
	v16 =	vimm.s32 $0x2F80  }
0xc: {  	v17 =	vimm.s32 $0x6780;
	v18 =	vimm.s32 $0x9F80;
	v19 =	vimm.s32 $0xD780  }
0xd: {  	v20 =	vimm.s32 $0x3380;
	v21 =	vimm.s32 $0x6B80;
	v22 =	vimm.s32 $0xA380  }
0xe: {  	v23 =	vimm.s32 $0xDB80;
	v24 =	vimm.s32 $0x3780;
	v25 =	vimm.s32 $0x6F80  }
0xf: {  	v26 =	vimm.s32 $0xA780;
	v27 =	vimm.s32 $0xDF80;
	v28 =	vimm.s32 $0x1FF  }
0x10: {  	v0 =	vsel vm15, $0x0, v0;
	v1 =	vsel vm15, $0x3800, v1;
	v2 =	vsel vm15, $0x7000, v2  }
0x11: {  	v3 =	vsel vm15, $0xA800, v3;
	v4 =	vsel vm15, $0x400, v4;
	v5 =	vsel vm15, $0x3C00, v5  }
0x12: {  	v6 =	vsel vm15, $0x7400, v6;
	v7 =	vsel vm15, $0xAC00, v7;
	v8 =	vsel vm15, $0x800, v8  }
0x13: {  	v9 =	vsel vm15, $0x4000, v9;
	v10 =	vsel vm15, $0x7800, v10;
	v11 =	vsel vm15, $0xB000, v11  }
0x14: {  	v12 =	vsel vm15, $0xC00, v12;
	v13 =	vsel vm15, $0x4400, v13;
	v14 =	vsel vm15, $0x7C00, v14  }
0x15: {  	v15 =	vsel vm15, $0xB400, v15;
	v16 =	vsel vm15, $0x1000, v16;
	v17 =	vsel vm15, $0x4800, v17  }
0x16: {  	v18 =	vsel vm15, $0x8000, v18;
	v19 =	vsel vm15, $0xB800, v19;
	v20 =	vsel vm15, $0x1400, v20  }
0x17: {  	v21 =	vsel vm15, $0x4C00, v21;
	v22 =	vsel vm15, $0x8400, v22;
	v23 =	vsel vm15, $0xBC00, v23  }
0x18: {  	v24 =	vsel vm15, $0x1800, v24;
	v25 =	vsel vm15, $0x5000, v25;
	v26 =	vsel vm15, $0x8800, v26  }
0x19: {  	v27 =	vsel vm15, $0xC000, v27;
	v0 =	vsel vm14, $0x80, v0;
	v1 =	vsel vm14, $0x3880, v1  }
0x1a: {  	v2 =	vsel vm14, $0x7080, v2;
	v3 =	vsel vm14, $0xA880, v3;
	v4 =	vsel vm14, $0x480, v4  }
0x1b: {  	v5 =	vsel vm14, $0x3C80, v5;
	v6 =	vsel vm14, $0x7480, v6;
	v7 =	vsel vm14, $0xAC80, v7  }
0x1c: {  	v8 =	vsel vm14, $0x880, v8;
	v9 =	vsel vm14, $0x4080, v9;
	v10 =	vsel vm14, $0x7880, v10  }
0x1d: {  	v11 =	vsel vm14, $0xB080, v11;
	v12 =	vsel vm14, $0xC80, v12;
	v13 =	vsel vm14, $0x4480, v13  }
0x1e: {  	v14 =	vsel vm14, $0x7C80, v14;
	v15 =	vsel vm14, $0xB480, v15;
	v16 =	vsel vm14, $0x1080, v16  }
0x1f: {  	v17 =	vsel vm14, $0x4880, v17;
	v18 =	vsel vm14, $0x8080, v18;
	v19 =	vsel vm14, $0xB880, v19  }
0x20: {  	v20 =	vsel vm14, $0x1480, v20;
	v21 =	vsel vm14, $0x4C80, v21;
	v22 =	vsel vm14, $0x8480, v22  }
0x21: {  	v23 =	vsel vm14, $0xBC80, v23;
	v24 =	vsel vm14, $0x1880, v24;
	v25 =	vsel vm14, $0x5080, v25  }
0x22: {  	v26 =	vsel vm14, $0x8880, v26;
	v27 =	vsel vm14, $0xC080, v27;
	v0 =	vsel vm13, $0x100, v0  }
0x23: {  	v1 =	vsel vm13, $0x3900, v1;
	v2 =	vsel vm13, $0x7100, v2;
	v3 =	vsel vm13, $0xA900, v3  }
0x24: {  	v4 =	vsel vm13, $0x500, v4;
	v5 =	vsel vm13, $0x3D00, v5;
	v6 =	vsel vm13, $0x7500, v6  }
0x25: {  	v7 =	vsel vm13, $0xAD00, v7;
	v8 =	vsel vm13, $0x900, v8;
	v9 =	vsel vm13, $0x4100, v9  }
0x26: {  	v10 =	vsel vm13, $0x7900, v10;
	v11 =	vsel vm13, $0xB100, v11;
	v12 =	vsel vm13, $0xD00, v12  }
0x27: {  	v13 =	vsel vm13, $0x4500, v13;
	v14 =	vsel vm13, $0x7D00, v14;
	v15 =	vsel vm13, $0xB500, v15  }
0x28: {  	v16 =	vsel vm13, $0x1100, v16;
	v17 =	vsel vm13, $0x4900, v17;
	v18 =	vsel vm13, $0x8100, v18  }
0x29: {  	v19 =	vsel vm13, $0xB900, v19;
	v20 =	vsel vm13, $0x1500, v20;
	v21 =	vsel vm13, $0x4D00, v21  }
0x2a: {  	v22 =	vsel vm13, $0x8500, v22;
	v23 =	vsel vm13, $0xBD00, v23;
	v24 =	vsel vm13, $0x1900, v24  }
0x2b: {  	v25 =	vsel vm13, $0x5100, v25;
	v26 =	vsel vm13, $0x8900, v26;
	v27 =	vsel vm13, $0xC100, v27  }
0x2c: {  	v0 =	vsel vm12, $0x180, v0;
	v1 =	vsel vm12, $0x3980, v1;
	v2 =	vsel vm12, $0x7180, v2  }
0x2d: {  	v3 =	vsel vm12, $0xA980, v3;
	v4 =	vsel vm12, $0x580, v4;
	v5 =	vsel vm12, $0x3D80, v5  }
0x2e: {  	v6 =	vsel vm12, $0x7580, v6;
	v7 =	vsel vm12, $0xAD80, v7;
	v8 =	vsel vm12, $0x980, v8  }
0x2f: {  	v9 =	vsel vm12, $0x4180, v9;
	v10 =	vsel vm12, $0x7980, v10;
	v11 =	vsel vm12, $0xB180, v11  }
0x30: {  	v12 =	vsel vm12, $0xD80, v12;
	v13 =	vsel vm12, $0x4580, v13;
	v14 =	vsel vm12, $0x7D80, v14  }
0x31: {  	v15 =	vsel vm12, $0xB580, v15;
	v16 =	vsel vm12, $0x1180, v16;
	v17 =	vsel vm12, $0x4980, v17  }
0x32: {  	v18 =	vsel vm12, $0x8180, v18;
	v19 =	vsel vm12, $0xB980, v19;
	v20 =	vsel vm12, $0x1580, v20  }
0x33: {  	v21 =	vsel vm12, $0x4D80, v21;
	v22 =	vsel vm12, $0x8580, v22;
	v23 =	vsel vm12, $0xBD80, v23  }
0x34: {  	v24 =	vsel vm12, $0x1980, v24;
	v25 =	vsel vm12, $0x5180, v25;
	v26 =	vsel vm12, $0x8980, v26  }
0x35: {  	v27 =	vsel vm12, $0xC180, v27;
	v0 =	vsel vm11, $0x200, v0;
	v1 =	vsel vm11, $0x3A00, v1  }
0x36: {  	v2 =	vsel vm11, $0x7200, v2;
	v3 =	vsel vm11, $0xAA00, v3;
	v4 =	vsel vm11, $0x600, v4  }
0x37: {  	v5 =	vsel vm11, $0x3E00, v5;
	v6 =	vsel vm11, $0x7600, v6;
	v7 =	vsel vm11, $0xAE00, v7  }
0x38: {  	v8 =	vsel vm11, $0xA00, v8;
	v9 =	vsel vm11, $0x4200, v9;
	v10 =	vsel vm11, $0x7A00, v10  }
0x39: {  	v11 =	vsel vm11, $0xB200, v11;
	v12 =	vsel vm11, $0xE00, v12;
	v13 =	vsel vm11, $0x4600, v13  }
0x3a: {  	v14 =	vsel vm11, $0x7E00, v14;
	v15 =	vsel vm11, $0xB600, v15;
	v16 =	vsel vm11, $0x1200, v16  }
0x3b: {  	v17 =	vsel vm11, $0x4A00, v17;
	v18 =	vsel vm11, $0x8200, v18;
	v19 =	vsel vm11, $0xBA00, v19  }
0x3c: {  	v20 =	vsel vm11, $0x1600, v20;
	v21 =	vsel vm11, $0x4E00, v21;
	v22 =	vsel vm11, $0x8600, v22  }
0x3d: {  	v23 =	vsel vm11, $0xBE00, v23;
	v24 =	vsel vm11, $0x1A00, v24;
	v25 =	vsel vm11, $0x5200, v25  }
0x3e: {  	v26 =	vsel vm11, $0x8A00, v26;
	v27 =	vsel vm11, $0xC200, v27;
	v0 =	vsel vm10, $0x280, v0  }
0x3f: {  	v1 =	vsel vm10, $0x3A80, v1;
	v2 =	vsel vm10, $0x7280, v2;
	v3 =	vsel vm10, $0xAA80, v3  }
0x40: {  	v4 =	vsel vm10, $0x680, v4;
	v5 =	vsel vm10, $0x3E80, v5;
	v6 =	vsel vm10, $0x7680, v6  }
0x41: {  	v7 =	vsel vm10, $0xAE80, v7;
	v8 =	vsel vm10, $0xA80, v8;
	v9 =	vsel vm10, $0x4280, v9  }
0x42: {  	v10 =	vsel vm10, $0x7A80, v10;
	v11 =	vsel vm10, $0xB280, v11;
	v12 =	vsel vm10, $0xE80, v12  }
0x43: {  	v13 =	vsel vm10, $0x4680, v13;
	v14 =	vsel vm10, $0x7E80, v14;
	v15 =	vsel vm10, $0xB680, v15  }
0x44: {  	v16 =	vsel vm10, $0x1280, v16;
	v17 =	vsel vm10, $0x4A80, v17;
	v18 =	vsel vm10, $0x8280, v18  }
0x45: {  	v19 =	vsel vm10, $0xBA80, v19;
	v20 =	vsel vm10, $0x1680, v20;
	v21 =	vsel vm10, $0x4E80, v21  }
0x46: {  	v22 =	vsel vm10, $0x8680, v22;
	v23 =	vsel vm10, $0xBE80, v23;
	v24 =	vsel vm10, $0x1A80, v24  }
0x47: {  	v25 =	vsel vm10, $0x5280, v25;
	v26 =	vsel vm10, $0x8A80, v26;
	v27 =	vsel vm10, $0xC280, v27  }
0x48: {  	v0 =	vsel vm9, $0x300, v0;
	v1 =	vsel vm9, $0x3B00, v1;
	v2 =	vsel vm9, $0x7300, v2  }
0x49: {  	v3 =	vsel vm9, $0xAB00, v3;
	v4 =	vsel vm9, $0x700, v4;
	v5 =	vsel vm9, $0x3F00, v5  }
0x4a: {  	v6 =	vsel vm9, $0x7700, v6;
	v7 =	vsel vm9, $0xAF00, v7;
	v8 =	vsel vm9, $0xB00, v8  }
0x4b: {  	v9 =	vsel vm9, $0x4300, v9;
	v10 =	vsel vm9, $0x7B00, v10;
	v11 =	vsel vm9, $0xB300, v11  }
0x4c: {  	v12 =	vsel vm9, $0xF00, v12;
	v13 =	vsel vm9, $0x4700, v13;
	v14 =	vsel vm9, $0x7F00, v14  }
0x4d: {  	v15 =	vsel vm9, $0xB700, v15;
	v16 =	vsel vm9, $0x1300, v16;
	v17 =	vsel vm9, $0x4B00, v17  }
0x4e: {  	v18 =	vsel vm9, $0x8300, v18;
	v19 =	vsel vm9, $0xBB00, v19;
	v20 =	vsel vm9, $0x1700, v20  }
0x4f: {  	v21 =	vsel vm9, $0x4F00, v21;
	v22 =	vsel vm9, $0x8700, v22;
	v23 =	vsel vm9, $0xBF00, v23  }
0x50: {  	v24 =	vsel vm9, $0x1B00, v24;
	v25 =	vsel vm9, $0x5300, v25;
	v26 =	vsel vm9, $0x8B00, v26  }
0x51: {  	v27 =	vsel vm9, $0xC300, v27;
	v0 =	vsel vm8, $0x380, v0;
	v1 =	vsel vm8, $0x3B80, v1  }
0x52: {  	v2 =	vsel vm8, $0x7380, v2;
	v3 =	vsel vm8, $0xAB80, v3;
	v4 =	vsel vm8, $0x780, v4  }
0x53: {  	v5 =	vsel vm8, $0x3F80, v5;
	v6 =	vsel vm8, $0x7780, v6;
	v7 =	vsel vm8, $0xAF80, v7  }
0x54: {  	v8 =	vsel vm8, $0xB80, v8;
	v9 =	vsel vm8, $0x4380, v9;
	v10 =	vsel vm8, $0x7B80, v10  }
0x55: {  	v11 =	vsel vm8, $0xB380, v11;
	v12 =	vsel vm8, $0xF80, v12;
	v13 =	vsel vm8, $0x4780, v13  }
0x56: {  	v14 =	vsel vm8, $0x7F80, v14;
	v15 =	vsel vm8, $0xB780, v15;
	v16 =	vsel vm8, $0x1380, v16  }
0x57: {  	v17 =	vsel vm8, $0x4B80, v17;
	v18 =	vsel vm8, $0x8380, v18;
	v19 =	vsel vm8, $0xBB80, v19  }
0x58: {  	v20 =	vsel vm8, $0x1780, v20;
	v21 =	vsel vm8, $0x4F80, v21;
	v22 =	vsel vm8, $0x8780, v22  }
0x59: {  	v23 =	vsel vm8, $0xBF80, v23;
	v24 =	vsel vm8, $0x1B80, v24;
	v25 =	vsel vm8, $0x5380, v25  }
0x5a: {  	v26 =	vsel vm8, $0x8B80, v26;
	v27 =	vsel vm8, $0xC380, v27;
	v0 =	vsel vm7, $0x1C00, v0  }
0x5b: {  	v1 =	vsel vm7, $0x5400, v1;
	v2 =	vsel vm7, $0x8C00, v2;
	v3 =	vsel vm7, $0xC400, v3  }
0x5c: {  	v4 =	vsel vm7, $0x2000, v4;
	v5 =	vsel vm7, $0x5800, v5;
	v6 =	vsel vm7, $0x9000, v6  }
0x5d: {  	v7 =	vsel vm7, $0xC800, v7;
	v8 =	vsel vm7, $0x2400, v8;
	v9 =	vsel vm7, $0x5C00, v9  }
0x5e: {  	v10 =	vsel vm7, $0x9400, v10;
	v11 =	vsel vm7, $0xCC00, v11;
	v12 =	vsel vm7, $0x2800, v12  }
0x5f: {  	v13 =	vsel vm7, $0x6000, v13;
	v14 =	vsel vm7, $0x9800, v14;
	v15 =	vsel vm7, $0xD000, v15  }
0x60: {  	v16 =	vsel vm7, $0x2C00, v16;
	v17 =	vsel vm7, $0x6400, v17;
	v18 =	vsel vm7, $0x9C00, v18  }
0x61: {  	v19 =	vsel vm7, $0xD400, v19;
	v20 =	vsel vm7, $0x3000, v20;
	v21 =	vsel vm7, $0x6800, v21  }
0x62: {  	v22 =	vsel vm7, $0xA000, v22;
	v23 =	vsel vm7, $0xD800, v23;
	v24 =	vsel vm7, $0x3400, v24  }
0x63: {  	v25 =	vsel vm7, $0x6C00, v25;
	v26 =	vsel vm7, $0xA400, v26;
	v27 =	vsel vm7, $0xDC00, v27  }
0x64: {  	v0 =	vsel vm6, $0x1C80, v0;
	v1 =	vsel vm6, $0x5480, v1;
	v2 =	vsel vm6, $0x8C80, v2  }
0x65: {  	v3 =	vsel vm6, $0xC480, v3;
	v4 =	vsel vm6, $0x2080, v4;
	v5 =	vsel vm6, $0x5880, v5  }
0x66: {  	v6 =	vsel vm6, $0x9080, v6;
	v7 =	vsel vm6, $0xC880, v7;
	v8 =	vsel vm6, $0x2480, v8  }
0x67: {  	v9 =	vsel vm6, $0x5C80, v9;
	v10 =	vsel vm6, $0x9480, v10;
	v11 =	vsel vm6, $0xCC80, v11  }
0x68: {  	v12 =	vsel vm6, $0x2880, v12;
	v13 =	vsel vm6, $0x6080, v13;
	v14 =	vsel vm6, $0x9880, v14  }
0x69: {  	v15 =	vsel vm6, $0xD080, v15;
	v16 =	vsel vm6, $0x2C80, v16;
	v17 =	vsel vm6, $0x6480, v17  }
0x6a: {  	v18 =	vsel vm6, $0x9C80, v18;
	v19 =	vsel vm6, $0xD480, v19;
	v20 =	vsel vm6, $0x3080, v20  }
0x6b: {  	v21 =	vsel vm6, $0x6880, v21;
	v22 =	vsel vm6, $0xA080, v22;
	v23 =	vsel vm6, $0xD880, v23  }
0x6c: {  	v24 =	vsel vm6, $0x3480, v24;
	v25 =	vsel vm6, $0x6C80, v25;
	v26 =	vsel vm6, $0xA480, v26  }
0x6d: {  	v27 =	vsel vm6, $0xDC80, v27;
	v0 =	vsel vm5, $0x1D00, v0;
	v1 =	vsel vm5, $0x5500, v1  }
0x6e: {  	v2 =	vsel vm5, $0x8D00, v2;
	v3 =	vsel vm5, $0xC500, v3;
	v4 =	vsel vm5, $0x2100, v4  }
0x6f: {  	v5 =	vsel vm5, $0x5900, v5;
	v6 =	vsel vm5, $0x9100, v6;
	v7 =	vsel vm5, $0xC900, v7  }
0x70: {  	v8 =	vsel vm5, $0x2500, v8;
	v9 =	vsel vm5, $0x5D00, v9;
	v10 =	vsel vm5, $0x9500, v10  }
0x71: {  	v11 =	vsel vm5, $0xCD00, v11;
	v12 =	vsel vm5, $0x2900, v12;
	v13 =	vsel vm5, $0x6100, v13  }
0x72: {  	v14 =	vsel vm5, $0x9900, v14;
	v15 =	vsel vm5, $0xD100, v15;
	v16 =	vsel vm5, $0x2D00, v16  }
0x73: {  	v17 =	vsel vm5, $0x6500, v17;
	v18 =	vsel vm5, $0x9D00, v18;
	v19 =	vsel vm5, $0xD500, v19  }
0x74: {  	v20 =	vsel vm5, $0x3100, v20;
	v21 =	vsel vm5, $0x6900, v21;
	v22 =	vsel vm5, $0xA100, v22  }
0x75: {  	v23 =	vsel vm5, $0xD900, v23;
	v24 =	vsel vm5, $0x3500, v24;
	v25 =	vsel vm5, $0x6D00, v25  }
0x76: {  	v26 =	vsel vm5, $0xA500, v26;
	v27 =	vsel vm5, $0xDD00, v27;
	v0 =	vsel vm4, $0x1D80, v0  }
0x77: {  	v1 =	vsel vm4, $0x5580, v1;
	v2 =	vsel vm4, $0x8D80, v2;
	v3 =	vsel vm4, $0xC580, v3  }
0x78: {  	v4 =	vsel vm4, $0x2180, v4;
	v5 =	vsel vm4, $0x5980, v5;
	v6 =	vsel vm4, $0x9180, v6  }
0x79: {  	v7 =	vsel vm4, $0xC980, v7;
	v8 =	vsel vm4, $0x2580, v8;
	v9 =	vsel vm4, $0x5D80, v9  }
0x7a: {  	v10 =	vsel vm4, $0x9580, v10;
	v11 =	vsel vm4, $0xCD80, v11;
	v12 =	vsel vm4, $0x2980, v12  }
0x7b: {  	v13 =	vsel vm4, $0x6180, v13;
	v14 =	vsel vm4, $0x9980, v14;
	v15 =	vsel vm4, $0xD180, v15  }
0x7c: {  	v16 =	vsel vm4, $0x2D80, v16;
	v17 =	vsel vm4, $0x6580, v17;
	v18 =	vsel vm4, $0x9D80, v18  }
0x7d: {  	v19 =	vsel vm4, $0xD580, v19;
	v20 =	vsel vm4, $0x3180, v20;
	v21 =	vsel vm4, $0x6980, v21  }
0x7e: {  	v22 =	vsel vm4, $0xA180, v22;
	v23 =	vsel vm4, $0xD980, v23;
	v24 =	vsel vm4, $0x3580, v24  }
0x7f: {  	v25 =	vsel vm4, $0x6D80, v25;
	v26 =	vsel vm4, $0xA580, v26;
	v27 =	vsel vm4, $0xDD80, v27  }
0x80: {  	v0 =	vsel vm3, $0x1E00, v0;
	v1 =	vsel vm3, $0x5600, v1;
	v2 =	vsel vm3, $0x8E00, v2  }
0x81: {  	v3 =	vsel vm3, $0xC600, v3;
	v4 =	vsel vm3, $0x2200, v4;
	v5 =	vsel vm3, $0x5A00, v5  }
0x82: {  	v6 =	vsel vm3, $0x9200, v6;
	v7 =	vsel vm3, $0xCA00, v7;
	v8 =	vsel vm3, $0x2600, v8  }
0x83: {  	v9 =	vsel vm3, $0x5E00, v9;
	v10 =	vsel vm3, $0x9600, v10;
	v11 =	vsel vm3, $0xCE00, v11  }
0x84: {  	v12 =	vsel vm3, $0x2A00, v12;
	v13 =	vsel vm3, $0x6200, v13;
	v14 =	vsel vm3, $0x9A00, v14  }
0x85: {  	v15 =	vsel vm3, $0xD200, v15;
	v16 =	vsel vm3, $0x2E00, v16;
	v17 =	vsel vm3, $0x6600, v17  }
0x86: {  	v18 =	vsel vm3, $0x9E00, v18;
	v19 =	vsel vm3, $0xD600, v19;
	v20 =	vsel vm3, $0x3200, v20  }
0x87: {  	v21 =	vsel vm3, $0x6A00, v21;
	v22 =	vsel vm3, $0xA200, v22;
	v23 =	vsel vm3, $0xDA00, v23  }
0x88: {  	v24 =	vsel vm3, $0x3600, v24;
	v25 =	vsel vm3, $0x6E00, v25;
	v26 =	vsel vm3, $0xA600, v26  }
0x89: {  	s2 =	rddreg [dreg:$0x0];
	v27 =	vsel vm3, $0xDE00, v27;
	v0 =	vsel vm2, $0x1E80, v0;
	v1 =	vsel vm2, $0x5680, v1  }
0x8a: {  	s4 =	rddreg [dreg:$0x1];
	v2 =	vsel vm2, $0x8E80, v2;
	v3 =	vsel vm2, $0xC680, v3;
	v4 =	vsel vm2, $0x2280, v4  }
0x8b: {  	s0 =	rddreg [dreg:$0x2];
	v5 =	vsel vm2, $0x5A80, v5;
	v6 =	vsel vm2, $0x9280, v6;
	v7 =	vsel vm2, $0xCA80, v7  }
0x8c: {  	s1 =	rddreg [dreg:$0x3];
	v8 =	vsel vm2, $0x2680, v8;
	v9 =	vsel vm2, $0x5E80, v9;
	v10 =	vsel vm2, $0x9680, v10  }
0x8d: {  	s5 =	rddreg [dreg:$0x4];
	s3 =	simm.s32 $0x0;
	s6 =	srdreg.scid;
	v11 =	vsel vm2, $0xCE80, v11;
	v12 =	vsel vm2, $0x2A80, v12;
	v13 =	vsel vm2, $0x6280, v13  }
0x8e: {  	s8 =	stileid.u32;
	s11 =	simm.s32 $0x1;
	s12 =	simm.s32 $0x500;
	v14 =	vsel vm2, $0x9A80, v14;
	v15 =	vsel vm2, $0xD280, v15;
	v16 =	vsel vm2, $0x2E80, v16  }
0x8f: {  	s20 =	simm.s32 $0xE500;
	s13 =	simm.s32 $0x15100;
	s14 =	simm.s32 $0x16D00;
	v17 =	vsel vm2, $0x6680, v17;
	v18 =	vsel vm2, $0x9E80, v18;
	v19 =	vsel vm2, $0xD680, v19  }
0x90: {  	s15 =	simm.s32 $0x18900;
	s16 =	simm.s32 $0x1A500;
	s17 =	simm.s32 $0x1C100;
	v20 =	vsel vm2, $0x3280, v20;
	v21 =	vsel vm2, $0x6A80, v21;
	v22 =	vsel vm2, $0xA280, v22  }
0x91: {  	s18 =	simm.s32 $0x8;
	s19 =	simm.s32 $0x1C500;
	s21 =	simm.s32 $0x2;
	v23 =	vsel vm2, $0xDA80, v23;
	v24 =	vsel vm2, $0x3680, v24;
	v25 =	vsel vm2, $0x6E80, v25  }
0x92: {  	s22 =	simm.s32 $0x9;
	s23 =	simm.s32 $0x3;
	s24 =	simm.s32 $0xA;
	v26 =	vsel vm2, $0xA680, v26;
	v27 =	vsel vm2, $0xDE80, v27;
	v0 =	vsel vm1, $0x1F00, v0  }
0x93: {  	s25 =	simm.s32 $0x4;
	s26 =	simm.s32 $0xB;
	s28 =	simm.s32 $0x5;
	v1 =	vsel vm1, $0x5700, v1;
	v2 =	vsel vm1, $0x8F00, v2;
	v3 =	vsel vm1, $0xC700, v3  }
0x94: {  	s10 =	simm.s32 $0xD;
	[smem:$0x7FF] =	sst s3;
	s6 =	sand.u32 $0x1, s6;
	v4 =	vsel vm1, $0x2300, v4;
	v5 =	vsel vm1, $0x5B00, v5;
	v6 =	vsel vm1, $0x9300, v6  }
0x95: {  	s8 =	sshll.u32 s8, $0x7;
	s7 =	ssub.s32 $0x2, s6;
	s6 =	sshll.u32 s6, $0x6;
	v7 =	vsel vm1, $0xCB00, v7;
	v8 =	vsel vm1, $0x2700, v8;
	v9 =	vsel vm1, $0x5F00, v9  }
0x96: {  	_ =	strace $0x80000047;
	s9 =	sshrl.u32 s7, $0x1;
	s6 =	sor.u32 s6, s8;
	v10 =	vsel vm1, $0x9700, v10;
	v11 =	vsel vm1, $0xCF00, v11;
	v12 =	vsel vm1, $0x2B00, v12  }
0x97: {  	s8 =	simm.s32 $0xF;
	s7 =	ssub.s32 s7, s9;
	s2 =	sadd.s32 s2, s6;
	v13 =	vsel vm1, $0x6300, v13;
	v14 =	vsel vm1, $0x9B00, v14;
	v15 =	vsel vm1, $0xD300, v15  }
0x98: {  	s29 =	sadd.s32 s4, s6;
	s30 =	sadd.s32 s5, s6;
	[dreg:$0x6] =	wrdreg s2;
	v16 =	vsel vm1, $0x2F00, v16;
	v17 =	vsel vm1, $0x6700, v17;
	v18 =	vsel vm1, $0x9F00, v18  }
0x99: {  	s4 =	simm.s32 $0x6;
	s5 =	simm.s32 $0x7;
	[dreg:$0x7] =	wrdreg s29;
	v19 =	vsel vm1, $0xD700, v19;
	v20 =	vsel vm1, $0x3300, v20;
	v21 =	vsel vm1, $0x6B00, v21  }
0x9a: {  	s6 =	simm.s32 $0xE;
	[dreg:$0x8] =	wrdreg s30;
	s31 =	smax.u32 s7, $0x1;
	v22 =	vsel vm1, $0xA300, v22;
	v23 =	vsel vm1, $0xDB00, v23;
	v24 =	vsel vm1, $0x3700, v24  }
0x9b: {  	s9 =	simm.s32 $0x0;
	s2 =	simm.s32 $0xC;
	[dreg:$0x9] =	wrdreg s31;
	v25 =	vsel vm1, $0x6F00, v25;
	v26 =	vsel vm1, $0xA700, v26;
	v27 =	vsel vm1, $0xDF00, v27  }
.LBB2_1:
0x9c: {  	[dreg:$0xa] =	wrdreg s9  }
0x9d: {  	s7 =	rddreg [dreg:$0x6]  }
0x9e: {  	[tilespmem:s3], [sflag:$0xF] =	stream.linear.gather [hbm4b:s7+s3], $0x200, $0x38;
	[tilespmem:$0x1C700] =	vst v63  }
0x9f: {  	_ =	swait.ge [sflag:s8], $0x200  }
0xa0: {  	[sflag:s8] =	ssyncset.done $0x0  }
0xa1: {  	s31 =	simm.s32 $0x280;
	s30 =	rddreg [dreg:$0x7];
	[sflag:s8] =	ssyncadd.s32 $0xFFFFFE00  }
0xa2: {  	[tilespmem:s31], [sflag:$0xF] =	stream.linear.gather [hbm4b:s30+s3], $0x200, $0x38;
	[tilespmem:$0x1C700] =	vst v63  }
0xa3: {  	_ =	swait.ge [sflag:s8], $0x200  }
0xa4: {  	[sflag:s8] =	ssyncset.done $0x0  }
0xa5: {  	[sflag:s8] =	ssyncadd.s32 $0xFFFFFE00  }
0xa6: {  	v29 =	vld [tilespmem:$0x0];
	_ =	sdelay $0x4  }
0xa7: {  	(v2sf) =	vpush v29, $0x0;
	_ =	sdelay $0xe  }
0xa8: {  	s7 =	spop (v2sf)  }
0xa9: {  	s29 =	sand.u32 $0x7F, s7  }
0xaa: {  	s30 =	sshra.s32 s7, $0x1F;
	p0 =	slt.s32 s7, $0x1;
	p1 =	sne.s32 s29, $0x0  }
0xab: {  	s31 =	sshrl.u32 s30, $0x19;
	p0 =	por !p0, !p1  }
0xac: {  	s8 =	simm.s32 $0x1;
	s7 =	sadd.s32 s31, s7;
	p0 =	por !p0, !p0  }
0xad: {  	s7 =	sshrl.u32 s7, $0x7;
	s8 =	simm.s32 @!p0 $0x0  }
0xae: {  	s7 =	ssub.s32 s7, s8  }
0xaf: {  	s7 =	sshll.u32 s7, $0x7  }
0xb0: {  	s7 =	sand.u32 $0x1FFFFF80, s7  }
0xb1: {  	s7 =	sadd.s32 s0, s7  }
0xb2: {  	[tilespmem:s12], [sflag:$0x1] =	stream.linear.gather [hbm4b:s7+s3], $0x400, $0x38;
	[tilespmem:$0x1C700] =	vst v63  }
0xb3: {  	s29 =	simm.s32 $0x2100;
	s9 =	sadd.s32 $0xF4280, s7  }
0xb4: {  	[tilespmem:s29], [sflag:$0x1] =	stream.linear.gather [hbm4b:s9+s3], $0x400, $0x38;
	[tilespmem:$0x1C700] =	vst v63  }
0xb5: {  	s31 =	simm.s32 $0x3D00;
	s30 =	sadd.s32 $0x1E8500, s7  }
0xb6: {  	[tilespmem:s31], [sflag:$0x1] =	stream.linear.gather [hbm4b:s30+s3], $0x400, $0x38;
	[tilespmem:$0x1C700] =	vst v63  }
0xb7: {  	s9 =	sadd.s32 $0x2DC780, s7;
	s29 =	simm.s32 $0x5900  }
0xb8: {  	[tilespmem:s29], [sflag:$0x1] =	stream.linear.gather [hbm4b:s9+s3], $0x400, $0x38;
	[tilespmem:$0x1C700] =	vst v63  }
0xb9: {  	s30 =	sadd.s32 $0x3D0A00, s7;
	s31 =	simm.s32 $0x7500  }
0xba: {  	[tilespmem:s31], [sflag:$0x1] =	stream.linear.gather [hbm4b:s30+s3], $0x400, $0x38;
	[tilespmem:$0x1C700] =	vst v63  }
0xbb: {  	s9 =	sadd.s32 $0x4C4C80, s7;
	s29 =	simm.s32 $0x9100  }
0xbc: {  	[tilespmem:s29], [sflag:$0x1] =	stream.linear.gather [hbm4b:s9+s3], $0x400, $0x38;
	[tilespmem:$0x1C700] =	vst v63  }
0xbd: {  	s30 =	sadd.s32 $0x5B8F00, s7;
	s31 =	simm.s32 $0xAD00  }
0xbe: {  	[tilespmem:s31], [sflag:$0x1] =	stream.linear.gather [hbm4b:s30+s3], $0x400, $0x38;
	[tilespmem:$0x1C700] =	vst v63  }
0xbf: {  	s7 =	sadd.s32 $0x6AD180, s7;
	s9 =	simm.s32 $0xC900  }
0xc0: {  	[tilespmem:s9], [sflag:$0x1] =	stream.linear.gather [hbm4b:s7+s3], $0x400, $0x38;
	[tilespmem:$0x1C700] =	vst v63  }
0xc1: {  	v29 =	vld [tilespmem:$0x280];
	_ =	sdelay $0x4  }
0xc2: {  	(v2sf) =	vpush v29, $0x0;
	_ =	sdelay $0xe  }
0xc3: {  	s7 =	spop (v2sf)  }
0xc4: {  	s29 =	sand.u32 $0x7F, s7  }
0xc5: {  	s30 =	sshra.s32 s7, $0x1F;
	p5 =	slt.s32 s7, $0x1;
	p6 =	sne.s32 s29, $0x0  }
0xc6: {  	s31 =	sshrl.u32 s30, $0x19;
	p0 =	por !p5, !p6  }
0xc7: {  	s8 =	simm.s32 $0x1;
	s7 =	sadd.s32 s31, s7;
	p0 =	por !p0, !p0  }
0xc8: {  	s7 =	sshrl.u32 s7, $0x7;
	s8 =	simm.s32 @!p0 $0x0  }
0xc9: {  	s7 =	ssub.s32 s7, s8  }
0xca: {  	s7 =	sshll.u32 s7, $0x7  }
0xcb: {  	s7 =	sand.u32 $0x1FFFFF80, s7  }
0xcc: {  	s7 =	sadd.s32 s1, s7  }
0xcd: {  	[tilespmem:s20], [sflag:$0x8] =	stream.linear.gather [hbm4b:s7+s3], $0x400, $0x38;
	[tilespmem:$0x1C700] =	vst v63  }
0xce: {  	s29 =	simm.s32 $0x10100;
	s9 =	sadd.s32 $0xF4280, s7  }
0xcf: {  	[tilespmem:s29], [sflag:$0x8] =	stream.linear.gather [hbm4b:s9+s3], $0x400, $0x38;
	[tilespmem:$0x1C700] =	vst v63  }
0xd0: {  	s31 =	simm.s32 $0x11D00;
	s30 =	sadd.s32 $0x1E8500, s7  }
0xd1: {  	[tilespmem:s31], [sflag:$0x8] =	stream.linear.gather [hbm4b:s30+s3], $0x400, $0x38;
	[tilespmem:$0x1C700] =	vst v63  }
0xd2: {  	s9 =	sadd.s32 $0x2DC780, s7;
	s29 =	simm.s32 $0x13900  }
0xd3: {  	[tilespmem:s29], [sflag:$0x8] =	stream.linear.gather [hbm4b:s9+s3], $0x400, $0x38;
	[tilespmem:$0x1C700] =	vst v63  }
0xd4: {  	s30 =	sadd.s32 $0x3D0A00, s7;
	s31 =	simm.s32 $0x15500  }
0xd5: {  	[tilespmem:s31], [sflag:$0x8] =	stream.linear.gather [hbm4b:s30+s3], $0x400, $0x38;
	[tilespmem:$0x1C700] =	vst v63  }
0xd6: {  	s9 =	sadd.s32 $0x4C4C80, s7;
	s29 =	simm.s32 $0x17100  }
0xd7: {  	[tilespmem:s29], [sflag:$0x8] =	stream.linear.gather [hbm4b:s9+s3], $0x400, $0x38;
	[tilespmem:$0x1C700] =	vst v63  }
0xd8: {  	s30 =	sadd.s32 $0x5B8F00, s7;
	s31 =	simm.s32 $0x18D00  }
0xd9: {  	[tilespmem:s31], [sflag:$0x8] =	stream.linear.gather [hbm4b:s30+s3], $0x400, $0x38;
	[tilespmem:$0x1C700] =	vst v63  }
0xda: {  	s7 =	sadd.s32 $0x6AD180, s7;
	s9 =	simm.s32 $0x1A900  }
0xdb: {  	[tilespmem:s9], [sflag:$0x8] =	stream.linear.gather [hbm4b:s7+s3], $0x400, $0x38;
	[tilespmem:$0x1C700] =	vst v63  }
0xdc: {  	v29 =	vld [tilespmem:$0x1];
	_ =	sdelay $0x4  }
0xdd: {  	(v2sf) =	vpush v29, $0x0;
	_ =	sdelay $0xe  }
0xde: {  	s29 =	spop (v2sf)  }
0xdf: {  	s30 =	sand.u32 $0x7F, s29  }
0xe0: {  	s31 =	sshra.s32 s29, $0x1F;
	p1 =	slt.s32 s29, $0x1;
	p2 =	sne.s32 s30, $0x0  }
0xe1: {  	s9 =	sshrl.u32 s31, $0x19;
	p0 =	por !p1, !p2  }
0xe2: {  	s8 =	simm.s32 $0x1;
	s7 =	sadd.s32 s9, s29;
	p0 =	por !p0, !p0  }
0xe3: {  	s7 =	sshrl.u32 s7, $0x7;
	s8 =	simm.s32 @!p0 $0x0  }
0xe4: {  	s7 =	ssub.s32 s7, s8  }
0xe5: {  	s7 =	sshll.u32 s7, $0x7  }
0xe6: {  	s7 =	sand.u32 $0x1FFFFF80, s7  }
0xe7: {  	s29 =	simm.s32 $0x900;
	s7 =	sadd.s32 s0, s7  }
0xe8: {  	[tilespmem:s29], [sflag:$0x2] =	stream.linear.gather [hbm4b:s7+s3], $0x400, $0x38;
	[tilespmem:$0x1C700] =	vst v63  }
0xe9: {  	s31 =	simm.s32 $0x2500;
	s30 =	sadd.s32 $0xF4280, s7  }
0xea: {  	[tilespmem:s31], [sflag:$0x2] =	stream.linear.gather [hbm4b:s30+s3], $0x400, $0x38;
	[tilespmem:$0x1C700] =	vst v63  }
0xeb: {  	s9 =	sadd.s32 $0x1E8500, s7;
	s29 =	simm.s32 $0x4100  }
0xec: {  	[tilespmem:s29], [sflag:$0x2] =	stream.linear.gather [hbm4b:s9+s3], $0x400, $0x38;
	[tilespmem:$0x1C700] =	vst v63  }
0xed: {  	s30 =	sadd.s32 $0x2DC780, s7;
	s31 =	simm.s32 $0x5D00  }
0xee: {  	[tilespmem:s31], [sflag:$0x2] =	stream.linear.gather [hbm4b:s30+s3], $0x400, $0x38;
	[tilespmem:$0x1C700] =	vst v63  }
0xef: {  	s9 =	sadd.s32 $0x3D0A00, s7;
	s29 =	simm.s32 $0x7900  }
0xf0: {  	[tilespmem:s29], [sflag:$0x2] =	stream.linear.gather [hbm4b:s9+s3], $0x400, $0x38;
	[tilespmem:$0x1C700] =	vst v63  }
0xf1: {  	s30 =	sadd.s32 $0x4C4C80, s7;
	s31 =	simm.s32 $0x9500  }
0xf2: {  	[tilespmem:s31], [sflag:$0x2] =	stream.linear.gather [hbm4b:s30+s3], $0x400, $0x38;
	[tilespmem:$0x1C700] =	vst v63  }
0xf3: {  	s9 =	sadd.s32 $0x5B8F00, s7;
	s29 =	simm.s32 $0xB100  }
0xf4: {  	[tilespmem:s29], [sflag:$0x2] =	stream.linear.gather [hbm4b:s9+s3], $0x400, $0x38;
	[tilespmem:$0x1C700] =	vst v63  }
0xf5: {  	s7 =	sadd.s32 $0x6AD180, s7;
	s30 =	simm.s32 $0xCD00  }
0xf6: {  	[tilespmem:s30], [sflag:$0x2] =	stream.linear.gather [hbm4b:s7+s3], $0x400, $0x38;
	[tilespmem:$0x1C700] =	vst v63  }
0xf7: {  	v29 =	vld [tilespmem:$0x281];
	_ =	sdelay $0x4  }
0xf8: {  	(v2sf) =	vpush v29, $0x0;
	_ =	sdelay $0xe  }
0xf9: {  	s31 =	spop (v2sf)  }
0xfa: {  	s9 =	sand.u32 $0x7F, s31  }
0xfb: {  	s29 =	sshra.s32 s31, $0x1F;
	p3 =	slt.s32 s31, $0x1;
	p4 =	sne.s32 s9, $0x0  }
0xfc: {  	s30 =	sshrl.u32 s29, $0x19;
	p0 =	por !p3, !p4  }
0xfd: {  	s8 =	simm.s32 $0x1;
	s7 =	sadd.s32 s30, s31;
	p0 =	por !p0, !p0  }
0xfe: {  	s7 =	sshrl.u32 s7, $0x7;
	s8 =	simm.s32 @!p0 $0x0  }
0xff: {  	s7 =	ssub.s32 s7, s8  }
0x100: {  	s7 =	sshll.u32 s7, $0x7  }
0x101: {  	s7 =	sand.u32 $0x1FFFFF80, s7  }
0x102: {  	s31 =	simm.s32 $0xE900;
	s7 =	sadd.s32 s1, s7  }
0x103: {  	[tilespmem:s31], [sflag:$0x9] =	stream.linear.gather [hbm4b:s7+s3], $0x400, $0x38;
	[tilespmem:$0x1C700] =	vst v63  }
0x104: {  	s29 =	simm.s32 $0x10500;
	s9 =	sadd.s32 $0xF4280, s7  }
0x105: {  	[tilespmem:s29], [sflag:$0x9] =	stream.linear.gather [hbm4b:s9+s3], $0x400, $0x38;
	[tilespmem:$0x1C700] =	vst v63  }
0x106: {  	s30 =	sadd.s32 $0x1E8500, s7;
	s31 =	simm.s32 $0x12100  }
0x107: {  	[tilespmem:s31], [sflag:$0x9] =	stream.linear.gather [hbm4b:s30+s3], $0x400, $0x38;
	[tilespmem:$0x1C700] =	vst v63  }
0x108: {  	s9 =	sadd.s32 $0x2DC780, s7;
	s29 =	simm.s32 $0x13D00  }
0x109: {  	[tilespmem:s29], [sflag:$0x9] =	stream.linear.gather [hbm4b:s9+s3], $0x400, $0x38;
	[tilespmem:$0x1C700] =	vst v63  }
0x10a: {  	s30 =	sadd.s32 $0x3D0A00, s7;
	s31 =	simm.s32 $0x15900  }
0x10b: {  	[tilespmem:s31], [sflag:$0x9] =	stream.linear.gather [hbm4b:s30+s3], $0x400, $0x38;
	[tilespmem:$0x1C700] =	vst v63  }
0x10c: {  	s9 =	sadd.s32 $0x4C4C80, s7;
	s29 =	simm.s32 $0x17500  }
0x10d: {  	[tilespmem:s29], [sflag:$0x9] =	stream.linear.gather [hbm4b:s9+s3], $0x400, $0x38;
	[tilespmem:$0x1C700] =	vst v63  }
0x10e: {  	s30 =	sadd.s32 $0x5B8F00, s7;
	s31 =	simm.s32 $0x19100  }
0x10f: {  	[tilespmem:s31], [sflag:$0x9] =	stream.linear.gather [hbm4b:s30+s3], $0x400, $0x38;
	[tilespmem:$0x1C700] =	vst v63  }
0x110: {  	s7 =	sadd.s32 $0x6AD180, s7;
	s9 =	simm.s32 $0x1AD00  }
0x111: {  	[tilespmem:s9], [sflag:$0x9] =	stream.linear.gather [hbm4b:s7+s3], $0x400, $0x38;
	[tilespmem:$0x1C700] =	vst v63  }
0x112: {  	v29 =	vld [tilespmem:$0x2];
	_ =	sdelay $0x4  }
0x113: {  	(v2sf) =	vpush v29, $0x0;
	_ =	sdelay $0xe  }
0x114: {  	s29 =	spop (v2sf)  }
0x115: {  	s30 =	sand.u32 $0x7F, s29  }
0x116: {  	s31 =	sshra.s32 s29, $0x1F;
	p5 =	slt.s32 s29, $0x1;
	p6 =	sne.s32 s30, $0x0  }
0x117: {  	s9 =	sshrl.u32 s31, $0x19;
	p0 =	por !p5, !p6  }
0x118: {  	s8 =	simm.s32 $0x1;
	s7 =	sadd.s32 s9, s29;
	p0 =	por !p0, !p0  }
0x119: {  	s7 =	sshrl.u32 s7, $0x7;
	s8 =	simm.s32 @!p0 $0x0  }
0x11a: {  	s7 =	ssub.s32 s7, s8  }
0x11b: {  	s7 =	sshll.u32 s7, $0x7  }
0x11c: {  	s7 =	sand.u32 $0x1FFFFF80, s7  }
0x11d: {  	s29 =	simm.s32 $0xD00;
	s7 =	sadd.s32 s0, s7  }
0x11e: {  	[tilespmem:s29], [sflag:$0x3] =	stream.linear.gather [hbm4b:s7+s3], $0x400, $0x38;
	[tilespmem:$0x1C700] =	vst v63  }
0x11f: {  	s31 =	simm.s32 $0x2900;
	s30 =	sadd.s32 $0xF4280, s7  }
0x120: {  	[tilespmem:s31], [sflag:$0x3] =	stream.linear.gather [hbm4b:s30+s3], $0x400, $0x38;
	[tilespmem:$0x1C700] =	vst v63  }
0x121: {  	s9 =	sadd.s32 $0x1E8500, s7;
	s29 =	simm.s32 $0x4500  }
0x122: {  	[tilespmem:s29], [sflag:$0x3] =	stream.linear.gather [hbm4b:s9+s3], $0x400, $0x38;
	[tilespmem:$0x1C700] =	vst v63  }
0x123: {  	s30 =	sadd.s32 $0x2DC780, s7;
	s31 =	simm.s32 $0x6100  }
0x124: {  	[tilespmem:s31], [sflag:$0x3] =	stream.linear.gather [hbm4b:s30+s3], $0x400, $0x38;
	[tilespmem:$0x1C700] =	vst v63  }
0x125: {  	s9 =	sadd.s32 $0x3D0A00, s7;
	s29 =	simm.s32 $0x7D00  }
0x126: {  	[tilespmem:s29], [sflag:$0x3] =	stream.linear.gather [hbm4b:s9+s3], $0x400, $0x38;
	[tilespmem:$0x1C700] =	vst v63  }
0x127: {  	s30 =	sadd.s32 $0x4C4C80, s7;
	s31 =	simm.s32 $0x9900  }
0x128: {  	[tilespmem:s31], [sflag:$0x3] =	stream.linear.gather [hbm4b:s30+s3], $0x400, $0x38;
	[tilespmem:$0x1C700] =	vst v63  }
0x129: {  	s9 =	sadd.s32 $0x5B8F00, s7;
	s29 =	simm.s32 $0xB500  }
0x12a: {  	[tilespmem:s29], [sflag:$0x3] =	stream.linear.gather [hbm4b:s9+s3], $0x400, $0x38;
	[tilespmem:$0x1C700] =	vst v63  }
0x12b: {  	s7 =	sadd.s32 $0x6AD180, s7;
	s30 =	simm.s32 $0xD100  }
0x12c: {  	[tilespmem:s30], [sflag:$0x3] =	stream.linear.gather [hbm4b:s7+s3], $0x400, $0x38;
	[tilespmem:$0x1C700] =	vst v63  }
0x12d: {  	v29 =	vld [tilespmem:$0x282];
	_ =	sdelay $0x4  }
0x12e: {  	(v2sf) =	vpush v29, $0x0;
	_ =	sdelay $0xe  }
0x12f: {  	s31 =	spop (v2sf)  }
0x130: {  	s9 =	sand.u32 $0x7F, s31  }
0x131: {  	s29 =	sshra.s32 s31, $0x1F;
	p1 =	slt.s32 s31, $0x1;
	p2 =	sne.s32 s9, $0x0  }
0x132: {  	s30 =	sshrl.u32 s29, $0x19;
	p0 =	por !p1, !p2  }
0x133: {  	s8 =	simm.s32 $0x1;
	s7 =	sadd.s32 s30, s31;
	p0 =	por !p0, !p0  }
0x134: {  	s7 =	sshrl.u32 s7, $0x7;
	s8 =	simm.s32 @!p0 $0x0  }
0x135: {  	s7 =	ssub.s32 s7, s8  }
0x136: {  	s7 =	sshll.u32 s7, $0x7  }
0x137: {  	s7 =	sand.u32 $0x1FFFFF80, s7  }
0x138: {  	s31 =	simm.s32 $0xED00;
	s7 =	sadd.s32 s1, s7  }
0x139: {  	[tilespmem:s31], [sflag:$0xA] =	stream.linear.gather [hbm4b:s7+s3], $0x400, $0x38;
	[tilespmem:$0x1C700] =	vst v63  }
0x13a: {  	s29 =	simm.s32 $0x10900;
	s9 =	sadd.s32 $0xF4280, s7  }
0x13b: {  	[tilespmem:s29], [sflag:$0xA] =	stream.linear.gather [hbm4b:s9+s3], $0x400, $0x38;
	[tilespmem:$0x1C700] =	vst v63  }
0x13c: {  	s30 =	sadd.s32 $0x1E8500, s7;
	s31 =	simm.s32 $0x12500  }
0x13d: {  	[tilespmem:s31], [sflag:$0xA] =	stream.linear.gather [hbm4b:s30+s3], $0x400, $0x38;
	[tilespmem:$0x1C700] =	vst v63  }
0x13e: {  	s9 =	sadd.s32 $0x2DC780, s7;
	s29 =	simm.s32 $0x14100  }
0x13f: {  	[tilespmem:s29], [sflag:$0xA] =	stream.linear.gather [hbm4b:s9+s3], $0x400, $0x38;
	[tilespmem:$0x1C700] =	vst v63  }
0x140: {  	s30 =	sadd.s32 $0x3D0A00, s7;
	s31 =	simm.s32 $0x15D00  }
0x141: {  	[tilespmem:s31], [sflag:$0xA] =	stream.linear.gather [hbm4b:s30+s3], $0x400, $0x38;
	[tilespmem:$0x1C700] =	vst v63  }
0x142: {  	s9 =	sadd.s32 $0x4C4C80, s7;
	s29 =	simm.s32 $0x17900  }
0x143: {  	[tilespmem:s29], [sflag:$0xA] =	stream.linear.gather [hbm4b:s9+s3], $0x400, $0x38;
	[tilespmem:$0x1C700] =	vst v63  }
0x144: {  	s30 =	sadd.s32 $0x5B8F00, s7;
	s31 =	simm.s32 $0x19500  }
0x145: {  	[tilespmem:s31], [sflag:$0xA] =	stream.linear.gather [hbm4b:s30+s3], $0x400, $0x38;
	[tilespmem:$0x1C700] =	vst v63  }
0x146: {  	s7 =	sadd.s32 $0x6AD180, s7;
	s9 =	simm.s32 $0x1B100  }
0x147: {  	[tilespmem:s9], [sflag:$0xA] =	stream.linear.gather [hbm4b:s7+s3], $0x400, $0x38;
	[tilespmem:$0x1C700] =	vst v63  }
0x148: {  	v29 =	vld [tilespmem:$0x3];
	_ =	sdelay $0x4  }
0x149: {  	(v2sf) =	vpush v29, $0x0;
	_ =	sdelay $0xe  }
0x14a: {  	s29 =	spop (v2sf)  }
0x14b: {  	s30 =	sand.u32 $0x7F, s29  }
0x14c: {  	s31 =	sshra.s32 s29, $0x1F;
	p3 =	slt.s32 s29, $0x1;
	p4 =	sne.s32 s30, $0x0  }
0x14d: {  	s9 =	sshrl.u32 s31, $0x19;
	p0 =	por !p3, !p4  }
0x14e: {  	s8 =	simm.s32 $0x1;
	s7 =	sadd.s32 s9, s29;
	p0 =	por !p0, !p0  }
0x14f: {  	s7 =	sshrl.u32 s7, $0x7;
	s8 =	simm.s32 @!p0 $0x0  }
0x150: {  	s7 =	ssub.s32 s7, s8  }
0x151: {  	s7 =	sshll.u32 s7, $0x7  }
0x152: {  	s7 =	sand.u32 $0x1FFFFF80, s7  }
0x153: {  	s29 =	simm.s32 $0x1100;
	s7 =	sadd.s32 s0, s7  }
0x154: {  	[tilespmem:s29], [sflag:$0x4] =	stream.linear.gather [hbm4b:s7+s3], $0x400, $0x38;
	[tilespmem:$0x1C700] =	vst v63  }
0x155: {  	s31 =	simm.s32 $0x2D00;
	s30 =	sadd.s32 $0xF4280, s7  }
0x156: {  	[tilespmem:s31], [sflag:$0x4] =	stream.linear.gather [hbm4b:s30+s3], $0x400, $0x38;
	[tilespmem:$0x1C700] =	vst v63  }
0x157: {  	s9 =	sadd.s32 $0x1E8500, s7;
	s29 =	simm.s32 $0x4900  }
0x158: {  	[tilespmem:s29], [sflag:$0x4] =	stream.linear.gather [hbm4b:s9+s3], $0x400, $0x38;
	[tilespmem:$0x1C700] =	vst v63  }
0x159: {  	s30 =	sadd.s32 $0x2DC780, s7;
	s31 =	simm.s32 $0x6500  }
0x15a: {  	[tilespmem:s31], [sflag:$0x4] =	stream.linear.gather [hbm4b:s30+s3], $0x400, $0x38;
	[tilespmem:$0x1C700] =	vst v63  }
0x15b: {  	s9 =	sadd.s32 $0x3D0A00, s7;
	s29 =	simm.s32 $0x8100  }
0x15c: {  	[tilespmem:s29], [sflag:$0x4] =	stream.linear.gather [hbm4b:s9+s3], $0x400, $0x38;
	[tilespmem:$0x1C700] =	vst v63  }
0x15d: {  	s30 =	sadd.s32 $0x4C4C80, s7;
	s31 =	simm.s32 $0x9D00  }
0x15e: {  	[tilespmem:s31], [sflag:$0x4] =	stream.linear.gather [hbm4b:s30+s3], $0x400, $0x38;
	[tilespmem:$0x1C700] =	vst v63  }
0x15f: {  	s9 =	sadd.s32 $0x5B8F00, s7;
	s29 =	simm.s32 $0xB900  }
0x160: {  	[tilespmem:s29], [sflag:$0x4] =	stream.linear.gather [hbm4b:s9+s3], $0x400, $0x38;
	[tilespmem:$0x1C700] =	vst v63  }
0x161: {  	s7 =	sadd.s32 $0x6AD180, s7;
	s30 =	simm.s32 $0xD500  }
0x162: {  	[tilespmem:s30], [sflag:$0x4] =	stream.linear.gather [hbm4b:s7+s3], $0x400, $0x38;
	[tilespmem:$0x1C700] =	vst v63  }
0x163: {  	v29 =	vld [tilespmem:$0x283];
	_ =	sdelay $0x4  }
0x164: {  	(v2sf) =	vpush v29, $0x0;
	_ =	sdelay $0xe  }
0x165: {  	s31 =	spop (v2sf)  }
0x166: {  	s9 =	sand.u32 $0x7F, s31  }
0x167: {  	s29 =	sshra.s32 s31, $0x1F;
	p5 =	slt.s32 s31, $0x1;
	p6 =	sne.s32 s9, $0x0  }
0x168: {  	s30 =	sshrl.u32 s29, $0x19;
	p0 =	por !p5, !p6  }
0x169: {  	s8 =	simm.s32 $0x1;
	s7 =	sadd.s32 s30, s31;
	p0 =	por !p0, !p0  }
0x16a: {  	s7 =	sshrl.u32 s7, $0x7;
	s8 =	simm.s32 @!p0 $0x0  }
0x16b: {  	s7 =	ssub.s32 s7, s8  }
0x16c: {  	s7 =	sshll.u32 s7, $0x7  }
0x16d: {  	s7 =	sand.u32 $0x1FFFFF80, s7  }
0x16e: {  	s31 =	simm.s32 $0xF100;
	s7 =	sadd.s32 s1, s7  }
0x16f: {  	[tilespmem:s31], [sflag:$0xB] =	stream.linear.gather [hbm4b:s7+s3], $0x400, $0x38;
	[tilespmem:$0x1C700] =	vst v63  }
0x170: {  	s29 =	simm.s32 $0x10D00;
	s9 =	sadd.s32 $0xF4280, s7  }
0x171: {  	[tilespmem:s29], [sflag:$0xB] =	stream.linear.gather [hbm4b:s9+s3], $0x400, $0x38;
	[tilespmem:$0x1C700] =	vst v63  }
0x172: {  	s30 =	sadd.s32 $0x1E8500, s7;
	s31 =	simm.s32 $0x12900  }
0x173: {  	[tilespmem:s31], [sflag:$0xB] =	stream.linear.gather [hbm4b:s30+s3], $0x400, $0x38;
	[tilespmem:$0x1C700] =	vst v63  }
0x174: {  	s9 =	sadd.s32 $0x2DC780, s7;
	s29 =	simm.s32 $0x14500  }
0x175: {  	[tilespmem:s29], [sflag:$0xB] =	stream.linear.gather [hbm4b:s9+s3], $0x400, $0x38;
	[tilespmem:$0x1C700] =	vst v63  }
0x176: {  	s30 =	sadd.s32 $0x3D0A00, s7;
	s31 =	simm.s32 $0x16100  }
0x177: {  	[tilespmem:s31], [sflag:$0xB] =	stream.linear.gather [hbm4b:s30+s3], $0x400, $0x38;
	[tilespmem:$0x1C700] =	vst v63  }
0x178: {  	s9 =	sadd.s32 $0x4C4C80, s7;
	s29 =	simm.s32 $0x17D00  }
0x179: {  	[tilespmem:s29], [sflag:$0xB] =	stream.linear.gather [hbm4b:s9+s3], $0x400, $0x38;
	[tilespmem:$0x1C700] =	vst v63  }
0x17a: {  	s30 =	sadd.s32 $0x5B8F00, s7;
	s31 =	simm.s32 $0x19900  }
0x17b: {  	[tilespmem:s31], [sflag:$0xB] =	stream.linear.gather [hbm4b:s30+s3], $0x400, $0x38;
	[tilespmem:$0x1C700] =	vst v63  }
0x17c: {  	s7 =	sadd.s32 $0x6AD180, s7;
	s9 =	simm.s32 $0x1B500  }
0x17d: {  	[tilespmem:s9], [sflag:$0xB] =	stream.linear.gather [hbm4b:s7+s3], $0x400, $0x38;
	[tilespmem:$0x1C700] =	vst v63  }
0x17e: {  	v29 =	vld [tilespmem:$0x4];
	_ =	sdelay $0x4  }
0x17f: {  	(v2sf) =	vpush v29, $0x0;
	_ =	sdelay $0xe  }
0x180: {  	s29 =	spop (v2sf)  }
0x181: {  	s30 =	sand.u32 $0x7F, s29  }
0x182: {  	s31 =	sshra.s32 s29, $0x1F;
	p1 =	slt.s32 s29, $0x1;
	p2 =	sne.s32 s30, $0x0  }
0x183: {  	s9 =	sshrl.u32 s31, $0x19;
	p0 =	por !p1, !p2  }
0x184: {  	s8 =	simm.s32 $0x1;
	s7 =	sadd.s32 s9, s29;
	p0 =	por !p0, !p0  }
0x185: {  	s7 =	sshrl.u32 s7, $0x7;
	s8 =	simm.s32 @!p0 $0x0  }
0x186: {  	s7 =	ssub.s32 s7, s8  }
0x187: {  	s7 =	sshll.u32 s7, $0x7  }
0x188: {  	s7 =	sand.u32 $0x1FFFFF80, s7  }
0x189: {  	s29 =	simm.s32 $0x1500;
	s7 =	sadd.s32 s0, s7  }
0x18a: {  	[tilespmem:s29], [sflag:$0x5] =	stream.linear.gather [hbm4b:s7+s3], $0x400, $0x38;
	[tilespmem:$0x1C700] =	vst v63  }
0x18b: {  	s31 =	simm.s32 $0x3100;
	s30 =	sadd.s32 $0xF4280, s7  }
0x18c: {  	[tilespmem:s31], [sflag:$0x5] =	stream.linear.gather [hbm4b:s30+s3], $0x400, $0x38;
	[tilespmem:$0x1C700] =	vst v63  }
0x18d: {  	s9 =	sadd.s32 $0x1E8500, s7;
	s29 =	simm.s32 $0x4D00  }
0x18e: {  	[tilespmem:s29], [sflag:$0x5] =	stream.linear.gather [hbm4b:s9+s3], $0x400, $0x38;
	[tilespmem:$0x1C700] =	vst v63  }
0x18f: {  	s30 =	sadd.s32 $0x2DC780, s7;
	s31 =	simm.s32 $0x6900  }
0x190: {  	[tilespmem:s31], [sflag:$0x5] =	stream.linear.gather [hbm4b:s30+s3], $0x400, $0x38;
	[tilespmem:$0x1C700] =	vst v63  }
0x191: {  	s9 =	sadd.s32 $0x3D0A00, s7;
	s29 =	simm.s32 $0x8500  }
0x192: {  	[tilespmem:s29], [sflag:$0x5] =	stream.linear.gather [hbm4b:s9+s3], $0x400, $0x38;
	[tilespmem:$0x1C700] =	vst v63  }
0x193: {  	s30 =	sadd.s32 $0x4C4C80, s7;
	s31 =	simm.s32 $0xA100  }
0x194: {  	[tilespmem:s31], [sflag:$0x5] =	stream.linear.gather [hbm4b:s30+s3], $0x400, $0x38;
	[tilespmem:$0x1C700] =	vst v63  }
0x195: {  	s9 =	sadd.s32 $0x5B8F00, s7;
	s29 =	simm.s32 $0xBD00  }
0x196: {  	[tilespmem:s29], [sflag:$0x5] =	stream.linear.gather [hbm4b:s9+s3], $0x400, $0x38;
	[tilespmem:$0x1C700] =	vst v63  }
0x197: {  	s7 =	sadd.s32 $0x6AD180, s7;
	s30 =	simm.s32 $0xD900  }
0x198: {  	[tilespmem:s30], [sflag:$0x5] =	stream.linear.gather [hbm4b:s7+s3], $0x400, $0x38;
	[tilespmem:$0x1C700] =	vst v63  }
0x199: {  	v29 =	vld [tilespmem:$0x284];
	_ =	sdelay $0x4  }
0x19a: {  	(v2sf) =	vpush v29, $0x0;
	_ =	sdelay $0xe  }
0x19b: {  	s31 =	spop (v2sf)  }
0x19c: {  	s9 =	sand.u32 $0x7F, s31  }
0x19d: {  	s29 =	sshra.s32 s31, $0x1F;
	p3 =	slt.s32 s31, $0x1;
	p4 =	sne.s32 s9, $0x0  }
0x19e: {  	s30 =	sshrl.u32 s29, $0x19;
	p0 =	por !p3, !p4  }
0x19f: {  	s8 =	simm.s32 $0x1;
	s7 =	sadd.s32 s30, s31;
	p0 =	por !p0, !p0  }
0x1a0: {  	s7 =	sshrl.u32 s7, $0x7;
	s8 =	simm.s32 @!p0 $0x0  }
0x1a1: {  	s7 =	ssub.s32 s7, s8  }
0x1a2: {  	s7 =	sshll.u32 s7, $0x7  }
0x1a3: {  	s7 =	sand.u32 $0x1FFFFF80, s7  }
0x1a4: {  	s31 =	simm.s32 $0xF500;
	s7 =	sadd.s32 s1, s7  }
0x1a5: {  	[tilespmem:s31], [sflag:$0xC] =	stream.linear.gather [hbm4b:s7+s3], $0x400, $0x38;
	[tilespmem:$0x1C700] =	vst v63  }
0x1a6: {  	s29 =	simm.s32 $0x11100;
	s9 =	sadd.s32 $0xF4280, s7  }
0x1a7: {  	[tilespmem:s29], [sflag:$0xC] =	stream.linear.gather [hbm4b:s9+s3], $0x400, $0x38;
	[tilespmem:$0x1C700] =	vst v63  }
0x1a8: {  	s30 =	sadd.s32 $0x1E8500, s7;
	s31 =	simm.s32 $0x12D00  }
0x1a9: {  	[tilespmem:s31], [sflag:$0xC] =	stream.linear.gather [hbm4b:s30+s3], $0x400, $0x38;
	[tilespmem:$0x1C700] =	vst v63  }
0x1aa: {  	s9 =	sadd.s32 $0x2DC780, s7;
	s29 =	simm.s32 $0x14900  }
0x1ab: {  	[tilespmem:s29], [sflag:$0xC] =	stream.linear.gather [hbm4b:s9+s3], $0x400, $0x38;
	[tilespmem:$0x1C700] =	vst v63  }
0x1ac: {  	s30 =	sadd.s32 $0x3D0A00, s7;
	s31 =	simm.s32 $0x16500  }
0x1ad: {  	[tilespmem:s31], [sflag:$0xC] =	stream.linear.gather [hbm4b:s30+s3], $0x400, $0x38;
	[tilespmem:$0x1C700] =	vst v63  }
0x1ae: {  	s9 =	sadd.s32 $0x4C4C80, s7;
	s29 =	simm.s32 $0x18100  }
0x1af: {  	[tilespmem:s29], [sflag:$0xC] =	stream.linear.gather [hbm4b:s9+s3], $0x400, $0x38;
	[tilespmem:$0x1C700] =	vst v63  }
0x1b0: {  	s30 =	sadd.s32 $0x5B8F00, s7;
	s31 =	simm.s32 $0x19D00  }
0x1b1: {  	[tilespmem:s31], [sflag:$0xC] =	stream.linear.gather [hbm4b:s30+s3], $0x400, $0x38;
	[tilespmem:$0x1C700] =	vst v63  }
0x1b2: {  	s7 =	sadd.s32 $0x6AD180, s7;
	s9 =	simm.s32 $0x1B900  }
0x1b3: {  	[tilespmem:s9], [sflag:$0xC] =	stream.linear.gather [hbm4b:s7+s3], $0x400, $0x38;
	[tilespmem:$0x1C700] =	vst v63  }
0x1b4: {  	v29 =	vld [tilespmem:$0x5];
	_ =	sdelay $0x4  }
0x1b5: {  	(v2sf) =	vpush v29, $0x0;
	_ =	sdelay $0xe  }
0x1b6: {  	s29 =	spop (v2sf)  }
0x1b7: {  	s30 =	sand.u32 $0x7F, s29  }
0x1b8: {  	s31 =	sshra.s32 s29, $0x1F;
	p5 =	slt.s32 s29, $0x1;
	p6 =	sne.s32 s30, $0x0  }
0x1b9: {  	s9 =	sshrl.u32 s31, $0x19;
	p0 =	por !p5, !p6  }
0x1ba: {  	s8 =	simm.s32 $0x1;
	s7 =	sadd.s32 s9, s29;
	p0 =	por !p0, !p0  }
0x1bb: {  	s7 =	sshrl.u32 s7, $0x7;
	s8 =	simm.s32 @!p0 $0x0  }
0x1bc: {  	s7 =	ssub.s32 s7, s8  }
0x1bd: {  	s7 =	sshll.u32 s7, $0x7  }
0x1be: {  	s7 =	sand.u32 $0x1FFFFF80, s7  }
0x1bf: {  	s29 =	simm.s32 $0x1900;
	s7 =	sadd.s32 s0, s7  }
0x1c0: {  	[tilespmem:s29], [sflag:$0x6] =	stream.linear.gather [hbm4b:s7+s3], $0x400, $0x38;
	[tilespmem:$0x1C700] =	vst v63  }
0x1c1: {  	s31 =	simm.s32 $0x3500;
	s30 =	sadd.s32 $0xF4280, s7  }
0x1c2: {  	[tilespmem:s31], [sflag:$0x6] =	stream.linear.gather [hbm4b:s30+s3], $0x400, $0x38;
	[tilespmem:$0x1C700] =	vst v63  }
0x1c3: {  	s9 =	sadd.s32 $0x1E8500, s7;
	s29 =	simm.s32 $0x5100  }
0x1c4: {  	[tilespmem:s29], [sflag:$0x6] =	stream.linear.gather [hbm4b:s9+s3], $0x400, $0x38;
	[tilespmem:$0x1C700] =	vst v63  }
0x1c5: {  	s30 =	sadd.s32 $0x2DC780, s7;
	s31 =	simm.s32 $0x6D00  }
0x1c6: {  	[tilespmem:s31], [sflag:$0x6] =	stream.linear.gather [hbm4b:s30+s3], $0x400, $0x38;
	[tilespmem:$0x1C700] =	vst v63  }
0x1c7: {  	s9 =	sadd.s32 $0x3D0A00, s7;
	s29 =	simm.s32 $0x8900  }
0x1c8: {  	[tilespmem:s29], [sflag:$0x6] =	stream.linear.gather [hbm4b:s9+s3], $0x400, $0x38;
	[tilespmem:$0x1C700] =	vst v63  }
0x1c9: {  	s30 =	sadd.s32 $0x4C4C80, s7;
	s31 =	simm.s32 $0xA500  }
0x1ca: {  	[tilespmem:s31], [sflag:$0x6] =	stream.linear.gather [hbm4b:s30+s3], $0x400, $0x38;
	[tilespmem:$0x1C700] =	vst v63  }
0x1cb: {  	s9 =	sadd.s32 $0x5B8F00, s7;
	s29 =	simm.s32 $0xC100  }
0x1cc: {  	[tilespmem:s29], [sflag:$0x6] =	stream.linear.gather [hbm4b:s9+s3], $0x400, $0x38;
	[tilespmem:$0x1C700] =	vst v63  }
0x1cd: {  	s7 =	sadd.s32 $0x6AD180, s7;
	s30 =	simm.s32 $0xDD00  }
0x1ce: {  	[tilespmem:s30], [sflag:$0x6] =	stream.linear.gather [hbm4b:s7+s3], $0x400, $0x38;
	[tilespmem:$0x1C700] =	vst v63  }
0x1cf: {  	v29 =	vld [tilespmem:$0x285];
	_ =	sdelay $0x4  }
0x1d0: {  	(v2sf) =	vpush v29, $0x0;
	_ =	sdelay $0xe  }
0x1d1: {  	s31 =	spop (v2sf)  }
0x1d2: {  	s9 =	sand.u32 $0x7F, s31  }
0x1d3: {  	s29 =	sshra.s32 s31, $0x1F;
	p1 =	slt.s32 s31, $0x1;
	p2 =	sne.s32 s9, $0x0  }
0x1d4: {  	s30 =	sshrl.u32 s29, $0x19;
	p0 =	por !p1, !p2  }
0x1d5: {  	s8 =	simm.s32 $0x1;
	s7 =	sadd.s32 s30, s31;
	p0 =	por !p0, !p0  }
0x1d6: {  	s7 =	sshrl.u32 s7, $0x7;
	s8 =	simm.s32 @!p0 $0x0  }
0x1d7: {  	s7 =	ssub.s32 s7, s8  }
0x1d8: {  	s7 =	sshll.u32 s7, $0x7  }
0x1d9: {  	s7 =	sand.u32 $0x1FFFFF80, s7  }
0x1da: {  	s31 =	simm.s32 $0xF900;
	s7 =	sadd.s32 s1, s7  }
0x1db: {  	[tilespmem:s31], [sflag:$0xD] =	stream.linear.gather [hbm4b:s7+s3], $0x400, $0x38;
	[tilespmem:$0x1C700] =	vst v63  }
0x1dc: {  	s29 =	simm.s32 $0x11500;
	s9 =	sadd.s32 $0xF4280, s7  }
0x1dd: {  	[tilespmem:s29], [sflag:$0xD] =	stream.linear.gather [hbm4b:s9+s3], $0x400, $0x38;
	[tilespmem:$0x1C700] =	vst v63  }
0x1de: {  	s30 =	sadd.s32 $0x1E8500, s7;
	s31 =	simm.s32 $0x13100  }
0x1df: {  	[tilespmem:s31], [sflag:$0xD] =	stream.linear.gather [hbm4b:s30+s3], $0x400, $0x38;
	[tilespmem:$0x1C700] =	vst v63  }
0x1e0: {  	s9 =	sadd.s32 $0x2DC780, s7;
	s29 =	simm.s32 $0x14D00  }
0x1e1: {  	[tilespmem:s29], [sflag:$0xD] =	stream.linear.gather [hbm4b:s9+s3], $0x400, $0x38;
	[tilespmem:$0x1C700] =	vst v63  }
0x1e2: {  	s30 =	sadd.s32 $0x3D0A00, s7;
	s31 =	simm.s32 $0x16900  }
0x1e3: {  	[tilespmem:s31], [sflag:$0xD] =	stream.linear.gather [hbm4b:s30+s3], $0x400, $0x38;
	[tilespmem:$0x1C700] =	vst v63  }
0x1e4: {  	s9 =	sadd.s32 $0x4C4C80, s7;
	s29 =	simm.s32 $0x18500  }
0x1e5: {  	[tilespmem:s29], [sflag:$0xD] =	stream.linear.gather [hbm4b:s9+s3], $0x400, $0x38;
	[tilespmem:$0x1C700] =	vst v63  }
0x1e6: {  	s30 =	sadd.s32 $0x5B8F00, s7;
	s31 =	simm.s32 $0x1A100  }
0x1e7: {  	[tilespmem:s31], [sflag:$0xD] =	stream.linear.gather [hbm4b:s30+s3], $0x400, $0x38;
	[tilespmem:$0x1C700] =	vst v63  }
0x1e8: {  	s7 =	sadd.s32 $0x6AD180, s7;
	s9 =	simm.s32 $0x1BD00  }
0x1e9: {  	[tilespmem:s9], [sflag:$0xD] =	stream.linear.gather [hbm4b:s7+s3], $0x400, $0x38;
	[tilespmem:$0x1C700] =	vst v63  }
0x1ea: {  	v29 =	vld [tilespmem:$0x6];
	_ =	sdelay $0x4  }
0x1eb: {  	(v2sf) =	vpush v29, $0x0;
	_ =	sdelay $0xe  }
0x1ec: {  	s29 =	spop (v2sf)  }
0x1ed: {  	s30 =	sand.u32 $0x7F, s29  }
0x1ee: {  	s31 =	sshra.s32 s29, $0x1F;
	p3 =	slt.s32 s29, $0x1;
	p4 =	sne.s32 s30, $0x0  }
0x1ef: {  	s9 =	sshrl.u32 s31, $0x19;
	p0 =	por !p3, !p4  }
0x1f0: {  	s8 =	simm.s32 $0x1;
	s7 =	sadd.s32 s9, s29;
	p0 =	por !p0, !p0  }
0x1f1: {  	s7 =	sshrl.u32 s7, $0x7;
	s8 =	simm.s32 @!p0 $0x0  }
0x1f2: {  	s7 =	ssub.s32 s7, s8  }
0x1f3: {  	s7 =	sshll.u32 s7, $0x7  }
0x1f4: {  	s7 =	sand.u32 $0x1FFFFF80, s7  }
0x1f5: {  	s29 =	simm.s32 $0x1D00;
	s7 =	sadd.s32 s0, s7  }
0x1f6: {  	[tilespmem:s29], [sflag:$0x7] =	stream.linear.gather [hbm4b:s7+s3], $0x400, $0x38;
	[tilespmem:$0x1C700] =	vst v63  }
0x1f7: {  	s31 =	simm.s32 $0x3900;
	s30 =	sadd.s32 $0xF4280, s7  }
0x1f8: {  	[tilespmem:s31], [sflag:$0x7] =	stream.linear.gather [hbm4b:s30+s3], $0x400, $0x38;
	[tilespmem:$0x1C700] =	vst v63  }
0x1f9: {  	s9 =	sadd.s32 $0x1E8500, s7;
	s29 =	simm.s32 $0x5500  }
0x1fa: {  	[tilespmem:s29], [sflag:$0x7] =	stream.linear.gather [hbm4b:s9+s3], $0x400, $0x38;
	[tilespmem:$0x1C700] =	vst v63  }
0x1fb: {  	s30 =	sadd.s32 $0x2DC780, s7;
	s31 =	simm.s32 $0x7100  }
0x1fc: {  	[tilespmem:s31], [sflag:$0x7] =	stream.linear.gather [hbm4b:s30+s3], $0x400, $0x38;
	[tilespmem:$0x1C700] =	vst v63  }
0x1fd: {  	s9 =	sadd.s32 $0x3D0A00, s7;
	s29 =	simm.s32 $0x8D00  }
0x1fe: {  	[tilespmem:s29], [sflag:$0x7] =	stream.linear.gather [hbm4b:s9+s3], $0x400, $0x38;
	[tilespmem:$0x1C700] =	vst v63  }
0x1ff: {  	s30 =	sadd.s32 $0x4C4C80, s7;
	s31 =	simm.s32 $0xA900  }
0x200: {  	[tilespmem:s31], [sflag:$0x7] =	stream.linear.gather [hbm4b:s30+s3], $0x400, $0x38;
	[tilespmem:$0x1C700] =	vst v63  }
0x201: {  	s9 =	sadd.s32 $0x5B8F00, s7;
	s29 =	simm.s32 $0xC500  }
0x202: {  	[tilespmem:s29], [sflag:$0x7] =	stream.linear.gather [hbm4b:s9+s3], $0x400, $0x38;
	[tilespmem:$0x1C700] =	vst v63  }
0x203: {  	s7 =	sadd.s32 $0x6AD180, s7;
	s30 =	simm.s32 $0xE100  }
0x204: {  	[tilespmem:s30], [sflag:$0x7] =	stream.linear.gather [hbm4b:s7+s3], $0x400, $0x38;
	[tilespmem:$0x1C700] =	vst v63  }
0x205: {  	v29 =	vld [tilespmem:$0x286];
	_ =	sdelay $0x4  }
0x206: {  	(v2sf) =	vpush v29, $0x0;
	_ =	sdelay $0xe  }
0x207: {  	s31 =	spop (v2sf)  }
0x208: {  	s9 =	sand.u32 $0x7F, s31  }
0x209: {  	s29 =	sshra.s32 s31, $0x1F;
	p5 =	slt.s32 s31, $0x1;
	p6 =	sne.s32 s9, $0x0  }
0x20a: {  	s30 =	sshrl.u32 s29, $0x19;
	p0 =	por !p5, !p6  }
0x20b: {  	s8 =	simm.s32 $0x1;
	s7 =	sadd.s32 s30, s31;
	p0 =	por !p0, !p0  }
0x20c: {  	s7 =	sshrl.u32 s7, $0x7;
	s8 =	simm.s32 @!p0 $0x0  }
0x20d: {  	s7 =	ssub.s32 s7, s8  }
0x20e: {  	s7 =	sshll.u32 s7, $0x7  }
0x20f: {  	s7 =	sand.u32 $0x1FFFFF80, s7  }
0x210: {  	s31 =	simm.s32 $0xFD00;
	s7 =	sadd.s32 s1, s7  }
0x211: {  	[tilespmem:s31], [sflag:$0xE] =	stream.linear.gather [hbm4b:s7+s3], $0x400, $0x38;
	[tilespmem:$0x1C700] =	vst v63  }
0x212: {  	s29 =	simm.s32 $0x11900;
	s9 =	sadd.s32 $0xF4280, s7  }
0x213: {  	[tilespmem:s29], [sflag:$0xE] =	stream.linear.gather [hbm4b:s9+s3], $0x400, $0x38;
	[tilespmem:$0x1C700] =	vst v63  }
0x214: {  	s30 =	sadd.s32 $0x1E8500, s7;
	s31 =	simm.s32 $0x13500  }
0x215: {  	[tilespmem:s31], [sflag:$0xE] =	stream.linear.gather [hbm4b:s30+s3], $0x400, $0x38;
	[tilespmem:$0x1C700] =	vst v63  }
0x216: {  	s9 =	sadd.s32 $0x2DC780, s7  }
0x217: {  	[tilespmem:s13], [sflag:$0xE] =	stream.linear.gather [hbm4b:s9+s3], $0x400, $0x38;
	[tilespmem:$0x1C700] =	vst v63  }
0x218: {  	s29 =	sadd.s32 $0x3D0A00, s7  }
0x219: {  	[tilespmem:s14], [sflag:$0xE] =	stream.linear.gather [hbm4b:s29+s3], $0x400, $0x38;
	[tilespmem:$0x1C700] =	vst v63  }
0x21a: {  	s30 =	sadd.s32 $0x4C4C80, s7  }
0x21b: {  	[tilespmem:s15], [sflag:$0xE] =	stream.linear.gather [hbm4b:s30+s3], $0x400, $0x38;
	[tilespmem:$0x1C700] =	vst v63  }
0x21c: {  	s31 =	sadd.s32 $0x5B8F00, s7  }
0x21d: {  	[tilespmem:s16], [sflag:$0xE] =	stream.linear.gather [hbm4b:s31+s3], $0x400, $0x38;
	[tilespmem:$0x1C700] =	vst v63  }
0x21e: {  	s7 =	sadd.s32 $0x6AD180, s7  }
0x21f: {  	[tilespmem:s17], [sflag:$0xE] =	stream.linear.gather [hbm4b:s7+s3], $0x400, $0x38;
	[tilespmem:$0x1C700] =	vst v63  }
0x220: {  	s8 =	simm.s32 $0x7;
	s9 =	simm.s32 $0x6;
	s7 =	simm.s32 $0x287  }
.LBB2_2:
0x221: {  	v29 =	vld [tilespmem:s8+$0xFFFFFFF9]  }
0x222: {  	v30 =	vld [tilespmem:s7+$0xFFFFFFF9];
	_ =	sdelay $0x3  }
0x223: {  	(v2sf) =	vpush v29, $0x0  }
0x224: {  	(v2sf) =	vpush v30, $0x0;
	_ =	sdelay $0xd  }
0x225: {  	s29 =	spop (v2sf)  }
0x226: {  	s30 =	spop (v2sf)  }
0x227: {  	s29 =	sand.u32 $0x7F, s29;
	_ =	swait.ge [sflag:s11], $0x2000  }
0x228: {  	s30 =	sand.u32 $0x7F, s30;
	v29 =	vor.u32 s29, v0;
	[sflag:s11] =	ssyncset.done $0x0  }
0x229: {  	v30 =	vor.u32 s30, v0;
	[sflag:s11] =	ssyncadd.s32 $0xFFFFE000  }
0x22a: {  	v31 =	vor.u32 s29, v1;
	_ =	swait.ge [sflag:s18], $0x2000  }
0x22b: {  	v32 =	vor.u32 s30, v1;
	[sflag:s18] =	ssyncset.done $0x0  }
0x22c: {  	v33 =	vor.u32 s29, v2;
	[sflag:s18] =	ssyncadd.s32 $0xFFFFE000  }
0x22d: {  	v34 =	vor.u32 s30, v2;
	v29 =	vld.idx.msk [tilespmem:v29+s12+$0x0], $0xffff  }
0x22e: {  	v36 =	vor.u32 s30, v3;
	v30 =	vld.idx.msk [tilespmem:v30+s20+$0x0], $0xffff  }
0x22f: {  	v35 =	vor.u32 s29, v3;
	v31 =	vld.idx.msk [tilespmem:v31+s12+$0x0], $0xffff  }
0x230: {  	v32 =	vld.idx.msk [tilespmem:v32+s20+$0x0], $0xffff  }
0x231: {  	v33 =	vld.idx.msk [tilespmem:v33+s12+$0x0], $0xffff  }
0x232: {  	v34 =	vld.idx.msk [tilespmem:v34+s20+$0x0], $0xffff  }
0x233: {  	v56 =	vld.idx.msk [tilespmem:v36+s20+$0x0], $0xffff;
	v29 =	vmul.f32 v30, v29  }
0x234: {  	v30 =	vld.idx.msk [tilespmem:v35+s12+$0x0], $0xffff  }
0x235: {  	v31 =	vmul.f32 v32, v31;
	v29 =	vadd.f32 $0.0e+00, v29;
	_ =	sdelay $0x1  }
0x236: {  	v29 =	vadd.f32 v31, v29;
	v31 =	vmul.f32 v34, v33;
	_ =	sdelay $0x1  }
0x237: {  	v30 =	vmul.f32 v56, v30;
	v29 =	vadd.f32 v31, v29;
	_ =	sdelay $0x1  }
0x238: {  	v29 =	vadd.f32 v30, v29;
	_ =	sdelay $0x1  }
0x239: {  	(xrf2) =	vadd.scan.msk.f32 $0xffff, v29;
	_ =	sdelay $0x4  }
0x23a: {  	s30 =	sadd.s32 $0xFFFFFFFA, s9  }
0x23b: {  	v29 =	vmov s30;
	_ =	sdelay $0x3  }
0x23c: {  	v30, _, _ =	vpop (xrf2)  }
0x23d: {  	[tilespmem:v29+s19+$0x0] =	vst.idx.msk vm0, v30  }
0x23e: {  	v29 =	vld [tilespmem:s8+$0x0];
	_ =	sdelay $0x4  }
0x23f: {  	(v2sf) =	vpush v29, $0x0;
	_ =	sdelay $0xe  }
0x240: {  	s29 =	spop (v2sf)  }
0x241: {  	s31 =	sand.u32 $0x7F, s29  }
0x242: {  	p1 =	slt.s32 s29, $0x1;
	p0 =	sne.s32 s31, $0x0;
	s31 =	sshra.s32 s29, $0x1F  }
0x243: {  	s30 =	sshrl.u32 s31, $0x19;
	p0 =	por !p1, !p0  }
0x244: {  	s29 =	sadd.s32 s30, s29;
	p0 =	por !p0, !p0;
	s30 =	simm.s32 $0x1  }
0x245: {  	s29 =	sshrl.u32 s29, $0x7;
	s30 =	simm.s32 @!p0 $0x0  }
0x246: {  	s29 =	ssub.s32 s29, s30  }
0x247: {  	s29 =	sshll.u32 s29, $0x7  }
0x248: {  	s29 =	sand.u32 $0x1FFFFF80, s29  }
0x249: {  	s29 =	sadd.s32 s0, s29  }
0x24a: {  	[tilespmem:s12], [sflag:$0x1] =	stream.linear.gather [hbm4b:s29+s3], $0x400, $0x38;
	[tilespmem:$0x1C700] =	vst v63  }
0x24b: {  	s31 =	simm.s32 $0x2100;
	s30 =	sadd.s32 $0xF4280, s29  }
0x24c: {  	[tilespmem:s31], [sflag:$0x1] =	stream.linear.gather [hbm4b:s30+s3], $0x400, $0x38;
	[tilespmem:$0x1C700] =	vst v63  }
0x24d: {  	s30 =	sadd.s32 $0x1E8500, s29;
	s31 =	simm.s32 $0x3D00  }
0x24e: {  	[tilespmem:s31], [sflag:$0x1] =	stream.linear.gather [hbm4b:s30+s3], $0x400, $0x38;
	[tilespmem:$0x1C700] =	vst v63  }
0x24f: {  	s30 =	sadd.s32 $0x2DC780, s29;
	s31 =	simm.s32 $0x5900  }
0x250: {  	[tilespmem:s31], [sflag:$0x1] =	stream.linear.gather [hbm4b:s30+s3], $0x400, $0x38;
	[tilespmem:$0x1C700] =	vst v63  }
0x251: {  	s30 =	sadd.s32 $0x3D0A00, s29;
	s31 =	simm.s32 $0x7500  }
0x252: {  	[tilespmem:s31], [sflag:$0x1] =	stream.linear.gather [hbm4b:s30+s3], $0x400, $0x38;
	[tilespmem:$0x1C700] =	vst v63  }
0x253: {  	s30 =	sadd.s32 $0x4C4C80, s29;
	s31 =	simm.s32 $0x9100  }
0x254: {  	[tilespmem:s31], [sflag:$0x1] =	stream.linear.gather [hbm4b:s30+s3], $0x400, $0x38;
	[tilespmem:$0x1C700] =	vst v63  }
0x255: {  	s30 =	sadd.s32 $0x5B8F00, s29;
	s31 =	simm.s32 $0xAD00  }
0x256: {  	[tilespmem:s31], [sflag:$0x1] =	stream.linear.gather [hbm4b:s30+s3], $0x400, $0x38;
	[tilespmem:$0x1C700] =	vst v63  }
0x257: {  	s29 =	sadd.s32 $0x6AD180, s29;
	s31 =	simm.s32 $0xC900  }
0x258: {  	[tilespmem:s31], [sflag:$0x1] =	stream.linear.gather [hbm4b:s29+s3], $0x400, $0x38;
	[tilespmem:$0x1C700] =	vst v63  }
0x259: {  	v29 =	vld [tilespmem:s7+$0x0];
	_ =	sdelay $0x4  }
0x25a: {  	(v2sf) =	vpush v29, $0x0;
	_ =	sdelay $0xe  }
0x25b: {  	s29 =	spop (v2sf)  }
0x25c: {  	s31 =	sand.u32 $0x7F, s29  }
0x25d: {  	p6 =	slt.s32 s29, $0x1;
	p5 =	sne.s32 s31, $0x0;
	s31 =	sshra.s32 s29, $0x1F  }
0x25e: {  	s30 =	sshrl.u32 s31, $0x19;
	p0 =	por !p6, !p5  }
0x25f: {  	s29 =	sadd.s32 s30, s29;
	p0 =	por !p0, !p0;
	s30 =	simm.s32 $0x1  }
0x260: {  	s29 =	sshrl.u32 s29, $0x7;
	s30 =	simm.s32 @!p0 $0x0  }
0x261: {  	s29 =	ssub.s32 s29, s30  }
0x262: {  	s29 =	sshll.u32 s29, $0x7  }
0x263: {  	s29 =	sand.u32 $0x1FFFFF80, s29  }
0x264: {  	s29 =	sadd.s32 s1, s29  }
0x265: {  	[tilespmem:s20], [sflag:$0x8] =	stream.linear.gather [hbm4b:s29+s3], $0x400, $0x38;
	[tilespmem:$0x1C700] =	vst v63  }
0x266: {  	s31 =	simm.s32 $0x10100;
	s30 =	sadd.s32 $0xF4280, s29  }
0x267: {  	[tilespmem:s31], [sflag:$0x8] =	stream.linear.gather [hbm4b:s30+s3], $0x400, $0x38;
	[tilespmem:$0x1C700] =	vst v63  }
0x268: {  	s30 =	sadd.s32 $0x1E8500, s29;
	s31 =	simm.s32 $0x11D00  }
0x269: {  	[tilespmem:s31], [sflag:$0x8] =	stream.linear.gather [hbm4b:s30+s3], $0x400, $0x38;
	[tilespmem:$0x1C700] =	vst v63  }
0x26a: {  	s30 =	sadd.s32 $0x2DC780, s29;
	s31 =	simm.s32 $0x13900  }
0x26b: {  	[tilespmem:s31], [sflag:$0x8] =	stream.linear.gather [hbm4b:s30+s3], $0x400, $0x38;
	[tilespmem:$0x1C700] =	vst v63  }
0x26c: {  	s30 =	sadd.s32 $0x3D0A00, s29;
	s31 =	simm.s32 $0x15500  }
0x26d: {  	[tilespmem:s31], [sflag:$0x8] =	stream.linear.gather [hbm4b:s30+s3], $0x400, $0x38;
	[tilespmem:$0x1C700] =	vst v63  }
0x26e: {  	s30 =	sadd.s32 $0x4C4C80, s29;
	s31 =	simm.s32 $0x17100  }
0x26f: {  	[tilespmem:s31], [sflag:$0x8] =	stream.linear.gather [hbm4b:s30+s3], $0x400, $0x38;
	[tilespmem:$0x1C700] =	vst v63  }
0x270: {  	s30 =	sadd.s32 $0x5B8F00, s29;
	s31 =	simm.s32 $0x18D00  }
0x271: {  	[tilespmem:s31], [sflag:$0x8] =	stream.linear.gather [hbm4b:s30+s3], $0x400, $0x38;
	[tilespmem:$0x1C700] =	vst v63  }
0x272: {  	s29 =	sadd.s32 $0x6AD180, s29;
	s31 =	simm.s32 $0x1A900  }
0x273: {  	[tilespmem:s31], [sflag:$0x8] =	stream.linear.gather [hbm4b:s29+s3], $0x400, $0x38;
	[tilespmem:$0x1C700] =	vst v63  }
0x274: {  	v29 =	vld [tilespmem:s8+$0xFFFFFFFA]  }
0x275: {  	v30 =	vld [tilespmem:s7+$0xFFFFFFFA];
	_ =	sdelay $0x3  }
0x276: {  	v29 =	vand.u32 $0x7F, v29  }
0x277: {  	v30 =	vand.u32 $0x7F, v30;
	v29 =	vbroadcast v29, $0x0  }
0x278: {  	_ =	swait.ge [sflag:s21], $0x2000;
	v30 =	vbroadcast v30, $0x0  }
0x279: {  	[sflag:s21] =	ssyncset.done $0x0;
	v31 =	vor.u32 v4, v29  }
0x27a: {  	[sflag:s21] =	ssyncadd.s32 $0xFFFFE000;
	v57 =	vor.u32 v4, v30  }
0x27b: {  	_ =	swait.ge [sflag:s22], $0x2000;
	v58 =	vor.u32 v5, v29  }
0x27c: {  	[sflag:s22] =	ssyncset.done $0x0;
	v59 =	vor.u32 v5, v30  }
0x27d: {  	[sflag:s22] =	ssyncadd.s32 $0xFFFFE000;
	v60 =	vor.u32 v6, v29  }
0x27e: {  	v61 =	vor.u32 v6, v30;
	v31 =	vld.idx.msk [tilespmem:v31+s12+$0x0], $0xffff  }
0x27f: {  	v29 =	vor.u32 v7, v29;
	v32 =	vld.idx.msk [tilespmem:v57+s20+$0x0], $0xffff  }
0x280: {  	v30 =	vor.u32 v7, v30;
	v33 =	vld.idx.msk [tilespmem:v58+s12+$0x0], $0xffff  }
0x281: {  	v34 =	vld.idx.msk [tilespmem:v59+s20+$0x0], $0xffff  }
0x282: {  	v35 =	vld.idx.msk [tilespmem:v60+s12+$0x0], $0xffff  }
0x283: {  	v36 =	vld.idx.msk [tilespmem:v61+s20+$0x0], $0xffff  }
0x284: {  	v29 =	vld.idx.msk [tilespmem:v29+s12+$0x0], $0xffff;
	v31 =	vmul.f32 v32, v31  }
0x285: {  	v30 =	vld.idx.msk [tilespmem:v30+s20+$0x0], $0xffff  }
0x286: {  	v62 =	vmul.f32 v34, v33;
	v31 =	vadd.f32 $0.0e+00, v31;
	_ =	sdelay $0x1  }
0x287: {  	v63 =	vmul.f32 v36, v35;
	v31 =	vadd.f32 v62, v31;
	_ =	sdelay $0x1  }
0x288: {  	v29 =	vmul.f32 v30, v29;
	v31 =	vadd.f32 v63, v31;
	_ =	sdelay $0x1  }
0x289: {  	v29 =	vadd.f32 v29, v31;
	_ =	sdelay $0x1  }
0x28a: {  	(xrf2) =	vadd.scan.msk.f32 $0xffff, v29;
	_ =	sdelay $0x4  }
0x28b: {  	s31 =	sadd.s32 $0xFFFFFFFB, s9  }
0x28c: {  	p0 =	seq.s32 s9, $0x1FE;
	v29 =	vmov s31  }
.Ltmp0:
0x28d: {  	_ = 	snop;
	(pc) =	sbr.rel @p0 .LBB2_4-.Ltmp0, $3  }
0x28e: {  	_ =	sdelay $0x1  }
0x28f: {  	v30, _, _ =	vpop (xrf2)  }
0x290: {  	[tilespmem:v29+s19+$0x0] =	vst.idx.msk vm0, v30  }
0x291: {  	v29 =	vld [tilespmem:s8+$0x1];
	_ =	sdelay $0x4  }
0x292: {  	(v2sf) =	vpush v29, $0x0;
	_ =	sdelay $0xe  }
0x293: {  	s29 =	spop (v2sf)  }
0x294: {  	s30 =	sand.u32 $0x7F, s29  }
0x295: {  	s31 =	sshra.s32 s29, $0x1F;
	p2 =	slt.s32 s29, $0x1;
	p1 =	sne.s32 s30, $0x0  }
0x296: {  	s30 =	sshrl.u32 s31, $0x19;
	p1 =	por !p2, !p1  }
0x297: {  	s29 =	sadd.s32 s30, s29;
	s30 =	simm.s32 $0x1;
	p1 =	por !p1, !p1  }
0x298: {  	s29 =	sshrl.u32 s29, $0x7;
	s30 =	simm.s32 @!p1 $0x0  }
0x299: {  	s29 =	ssub.s32 s29, s30  }
0x29a: {  	s29 =	sshll.u32 s29, $0x7  }
0x29b: {  	s29 =	sand.u32 $0x1FFFFF80, s29  }
0x29c: {  	s31 =	simm.s32 $0x900;
	s29 =	sadd.s32 s0, s29  }
0x29d: {  	[tilespmem:s31], [sflag:$0x2] =	stream.linear.gather [hbm4b:s29+s3], $0x400, $0x38;
	[tilespmem:$0x1C700] =	vst v63  }
0x29e: {  	s30 =	sadd.s32 $0xF4280, s29;
	s31 =	simm.s32 $0x2500  }
0x29f: {  	[tilespmem:s31], [sflag:$0x2] =	stream.linear.gather [hbm4b:s30+s3], $0x400, $0x38;
	[tilespmem:$0x1C700] =	vst v63  }
0x2a0: {  	s30 =	sadd.s32 $0x1E8500, s29;
	s31 =	simm.s32 $0x4100  }
0x2a1: {  	[tilespmem:s31], [sflag:$0x2] =	stream.linear.gather [hbm4b:s30+s3], $0x400, $0x38;
	[tilespmem:$0x1C700] =	vst v63  }
0x2a2: {  	s30 =	sadd.s32 $0x2DC780, s29;
	s31 =	simm.s32 $0x5D00  }
0x2a3: {  	[tilespmem:s31], [sflag:$0x2] =	stream.linear.gather [hbm4b:s30+s3], $0x400, $0x38;
	[tilespmem:$0x1C700] =	vst v63  }
0x2a4: {  	s30 =	sadd.s32 $0x3D0A00, s29;
	s31 =	simm.s32 $0x7900  }
0x2a5: {  	[tilespmem:s31], [sflag:$0x2] =	stream.linear.gather [hbm4b:s30+s3], $0x400, $0x38;
	[tilespmem:$0x1C700] =	vst v63  }
0x2a6: {  	s30 =	sadd.s32 $0x4C4C80, s29;
	s31 =	simm.s32 $0x9500  }
0x2a7: {  	[tilespmem:s31], [sflag:$0x2] =	stream.linear.gather [hbm4b:s30+s3], $0x400, $0x38;
	[tilespmem:$0x1C700] =	vst v63  }
0x2a8: {  	s30 =	sadd.s32 $0x5B8F00, s29;
	s31 =	simm.s32 $0xB100  }
0x2a9: {  	[tilespmem:s31], [sflag:$0x2] =	stream.linear.gather [hbm4b:s30+s3], $0x400, $0x38;
	[tilespmem:$0x1C700] =	vst v63  }
0x2aa: {  	s29 =	sadd.s32 $0x6AD180, s29;
	s31 =	simm.s32 $0xCD00  }
0x2ab: {  	[tilespmem:s31], [sflag:$0x2] =	stream.linear.gather [hbm4b:s29+s3], $0x400, $0x38;
	[tilespmem:$0x1C700] =	vst v63  }
0x2ac: {  	v29 =	vld [tilespmem:s7+$0x1];
	_ =	sdelay $0x4  }
0x2ad: {  	(v2sf) =	vpush v29, $0x0;
	_ =	sdelay $0xe  }
0x2ae: {  	s29 =	spop (v2sf)  }
0x2af: {  	s31 =	sand.u32 $0x7F, s29  }
0x2b0: {  	p6 =	slt.s32 s29, $0x1;
	p5 =	sne.s32 s31, $0x0;
	s31 =	sshra.s32 s29, $0x1F  }
0x2b1: {  	s30 =	sshrl.u32 s31, $0x19;
	p1 =	por !p6, !p5  }
0x2b2: {  	s29 =	sadd.s32 s30, s29;
	p1 =	por !p1, !p1;
	s30 =	simm.s32 $0x1  }
0x2b3: {  	s29 =	sshrl.u32 s29, $0x7;
	s30 =	simm.s32 @!p1 $0x0  }
0x2b4: {  	s29 =	ssub.s32 s29, s30  }
0x2b5: {  	s29 =	sshll.u32 s29, $0x7  }
0x2b6: {  	s29 =	sand.u32 $0x1FFFFF80, s29  }
0x2b7: {  	s31 =	simm.s32 $0xE900;
	s29 =	sadd.s32 s1, s29  }
0x2b8: {  	[tilespmem:s31], [sflag:$0x9] =	stream.linear.gather [hbm4b:s29+s3], $0x400, $0x38;
	[tilespmem:$0x1C700] =	vst v63  }
0x2b9: {  	s30 =	sadd.s32 $0xF4280, s29;
	s31 =	simm.s32 $0x10500  }
0x2ba: {  	[tilespmem:s31], [sflag:$0x9] =	stream.linear.gather [hbm4b:s30+s3], $0x400, $0x38;
	[tilespmem:$0x1C700] =	vst v63  }
0x2bb: {  	s30 =	sadd.s32 $0x1E8500, s29;
	s31 =	simm.s32 $0x12100  }
0x2bc: {  	[tilespmem:s31], [sflag:$0x9] =	stream.linear.gather [hbm4b:s30+s3], $0x400, $0x38;
	[tilespmem:$0x1C700] =	vst v63  }
0x2bd: {  	s30 =	sadd.s32 $0x2DC780, s29;
	s31 =	simm.s32 $0x13D00  }
0x2be: {  	[tilespmem:s31], [sflag:$0x9] =	stream.linear.gather [hbm4b:s30+s3], $0x400, $0x38;
	[tilespmem:$0x1C700] =	vst v63  }
0x2bf: {  	s30 =	sadd.s32 $0x3D0A00, s29;
	s31 =	simm.s32 $0x15900  }
0x2c0: {  	[tilespmem:s31], [sflag:$0x9] =	stream.linear.gather [hbm4b:s30+s3], $0x400, $0x38;
	[tilespmem:$0x1C700] =	vst v63  }
0x2c1: {  	s30 =	sadd.s32 $0x4C4C80, s29;
	s31 =	simm.s32 $0x17500  }
0x2c2: {  	[tilespmem:s31], [sflag:$0x9] =	stream.linear.gather [hbm4b:s30+s3], $0x400, $0x38;
	[tilespmem:$0x1C700] =	vst v63  }
0x2c3: {  	s30 =	sadd.s32 $0x5B8F00, s29;
	s31 =	simm.s32 $0x19100  }
0x2c4: {  	[tilespmem:s31], [sflag:$0x9] =	stream.linear.gather [hbm4b:s30+s3], $0x400, $0x38;
	[tilespmem:$0x1C700] =	vst v63  }
0x2c5: {  	s29 =	sadd.s32 $0x6AD180, s29;
	s31 =	simm.s32 $0x1AD00  }
0x2c6: {  	[tilespmem:s31], [sflag:$0x9] =	stream.linear.gather [hbm4b:s29+s3], $0x400, $0x38;
	[tilespmem:$0x1C700] =	vst v63  }
.LBB2_4:
0x2c7: {  	v29 =	vld [tilespmem:s8+$0xFFFFFFFB]  }
0x2c8: {  	v30 =	vld [tilespmem:s7+$0xFFFFFFFB];
	_ =	sdelay $0x3  }
0x2c9: {  	v29 =	vand.u32 $0x7F, v29  }
0x2ca: {  	v30 =	vand.u32 $0x7F, v30;
	v29 =	vbroadcast v29, $0x0  }
0x2cb: {  	_ =	swait.ge [sflag:s23], $0x2000;
	v30 =	vbroadcast v30, $0x0  }
0x2cc: {  	[sflag:s23] =	ssyncset.done $0x0;
	v31 =	vor.u32 v8, v29  }
0x2cd: {  	[sflag:s23] =	ssyncadd.s32 $0xFFFFE000;
	v32 =	vor.u32 v8, v30  }
0x2ce: {  	_ =	swait.ge [sflag:s24], $0x2000;
	v33 =	vor.u32 v9, v29  }
0x2cf: {  	[sflag:s24] =	ssyncset.done $0x0;
	v34 =	vor.u32 v9, v30  }
0x2d0: {  	[sflag:s24] =	ssyncadd.s32 $0xFFFFE000;
	v35 =	vor.u32 v10, v29  }
0x2d1: {  	v36 =	vor.u32 v10, v30;
	v31 =	vld.idx.msk [tilespmem:v31+s12+$0x0], $0xffff  }
0x2d2: {  	v29 =	vor.u32 v11, v29;
	v32 =	vld.idx.msk [tilespmem:v32+s20+$0x0], $0xffff  }
0x2d3: {  	v30 =	vor.u32 v11, v30;
	v33 =	vld.idx.msk [tilespmem:v33+s12+$0x0], $0xffff  }
0x2d4: {  	v34 =	vld.idx.msk [tilespmem:v34+s20+$0x0], $0xffff  }
0x2d5: {  	v35 =	vld.idx.msk [tilespmem:v35+s12+$0x0], $0xffff  }
0x2d6: {  	v36 =	vld.idx.msk [tilespmem:v36+s20+$0x0], $0xffff  }
0x2d7: {  	v29 =	vld.idx.msk [tilespmem:v29+s12+$0x0], $0xffff;
	v31 =	vmul.f32 v32, v31  }
0x2d8: {  	v30 =	vld.idx.msk [tilespmem:v30+s20+$0x0], $0xffff  }
0x2d9: {  	v62 =	vmul.f32 v34, v33;
	v31 =	vadd.f32 $0.0e+00, v31;
	_ =	sdelay $0x1  }
0x2da: {  	v63 =	vmul.f32 v36, v35;
	v31 =	vadd.f32 v62, v31;
	_ =	sdelay $0x1  }
0x2db: {  	v29 =	vmul.f32 v30, v29;
	v31 =	vadd.f32 v63, v31;
	_ =	sdelay $0x1  }
0x2dc: {  	v29 =	vadd.f32 v29, v31;
	_ =	sdelay $0x1  }
0x2dd: {  	(xrf2) =	vadd.scan.msk.f32 $0xffff, v29;
	_ =	sdelay $0x4  }
0x2de: {  	s29 =	sadd.s32 $0xFFFFFFFC, s9  }
0x2df: {  	v29 =	vmov s29  }
.Ltmp1:
0x2e0: {  	_ = 	snop;
	(pc) =	sbr.rel @p0 .LBB2_6-.Ltmp1, $3  }
0x2e1: {  	_ =	sdelay $0x1  }
0x2e2: {  	v30, _, _ =	vpop (xrf2)  }
0x2e3: {  	[tilespmem:v29+s19+$0x0] =	vst.idx.msk vm0, v30  }
0x2e4: {  	v29 =	vld [tilespmem:s8+$0x2];
	_ =	sdelay $0x4  }
0x2e5: {  	(v2sf) =	vpush v29, $0x0;
	_ =	sdelay $0xe  }
0x2e6: {  	s29 =	spop (v2sf)  }
0x2e7: {  	s30 =	sand.u32 $0x7F, s29  }
0x2e8: {  	s31 =	sshra.s32 s29, $0x1F;
	p2 =	slt.s32 s29, $0x1;
	p1 =	sne.s32 s30, $0x0  }
0x2e9: {  	s30 =	sshrl.u32 s31, $0x19;
	p1 =	por !p2, !p1  }
0x2ea: {  	s29 =	sadd.s32 s30, s29;
	s30 =	simm.s32 $0x1;
	p1 =	por !p1, !p1  }
0x2eb: {  	s29 =	sshrl.u32 s29, $0x7;
	s30 =	simm.s32 @!p1 $0x0  }
0x2ec: {  	s29 =	ssub.s32 s29, s30  }
0x2ed: {  	s29 =	sshll.u32 s29, $0x7  }
0x2ee: {  	s29 =	sand.u32 $0x1FFFFF80, s29  }
0x2ef: {  	s31 =	simm.s32 $0xD00;
	s29 =	sadd.s32 s0, s29  }
0x2f0: {  	[tilespmem:s31], [sflag:$0x3] =	stream.linear.gather [hbm4b:s29+s3], $0x400, $0x38;
	[tilespmem:$0x1C700] =	vst v63  }
0x2f1: {  	s30 =	sadd.s32 $0xF4280, s29;
	s31 =	simm.s32 $0x2900  }
0x2f2: {  	[tilespmem:s31], [sflag:$0x3] =	stream.linear.gather [hbm4b:s30+s3], $0x400, $0x38;
	[tilespmem:$0x1C700] =	vst v63  }
0x2f3: {  	s30 =	sadd.s32 $0x1E8500, s29;
	s31 =	simm.s32 $0x4500  }
0x2f4: {  	[tilespmem:s31], [sflag:$0x3] =	stream.linear.gather [hbm4b:s30+s3], $0x400, $0x38;
	[tilespmem:$0x1C700] =	vst v63  }
0x2f5: {  	s30 =	sadd.s32 $0x2DC780, s29;
	s31 =	simm.s32 $0x6100  }
0x2f6: {  	[tilespmem:s31], [sflag:$0x3] =	stream.linear.gather [hbm4b:s30+s3], $0x400, $0x38;
	[tilespmem:$0x1C700] =	vst v63  }
0x2f7: {  	s30 =	sadd.s32 $0x3D0A00, s29;
	s31 =	simm.s32 $0x7D00  }
0x2f8: {  	[tilespmem:s31], [sflag:$0x3] =	stream.linear.gather [hbm4b:s30+s3], $0x400, $0x38;
	[tilespmem:$0x1C700] =	vst v63  }
0x2f9: {  	s30 =	sadd.s32 $0x4C4C80, s29;
	s31 =	simm.s32 $0x9900  }
0x2fa: {  	[tilespmem:s31], [sflag:$0x3] =	stream.linear.gather [hbm4b:s30+s3], $0x400, $0x38;
	[tilespmem:$0x1C700] =	vst v63  }
0x2fb: {  	s30 =	sadd.s32 $0x5B8F00, s29;
	s31 =	simm.s32 $0xB500  }
0x2fc: {  	[tilespmem:s31], [sflag:$0x3] =	stream.linear.gather [hbm4b:s30+s3], $0x400, $0x38;
	[tilespmem:$0x1C700] =	vst v63  }
0x2fd: {  	s29 =	sadd.s32 $0x6AD180, s29;
	s31 =	simm.s32 $0xD100  }
0x2fe: {  	[tilespmem:s31], [sflag:$0x3] =	stream.linear.gather [hbm4b:s29+s3], $0x400, $0x38;
	[tilespmem:$0x1C700] =	vst v63  }
0x2ff: {  	v29 =	vld [tilespmem:s7+$0x2];
	_ =	sdelay $0x4  }
0x300: {  	(v2sf) =	vpush v29, $0x0;
	_ =	sdelay $0xe  }
0x301: {  	s29 =	spop (v2sf)  }
0x302: {  	s31 =	sand.u32 $0x7F, s29  }
0x303: {  	p6 =	slt.s32 s29, $0x1;
	p5 =	sne.s32 s31, $0x0;
	s31 =	sshra.s32 s29, $0x1F  }
0x304: {  	s30 =	sshrl.u32 s31, $0x19;
	p1 =	por !p6, !p5  }
0x305: {  	s29 =	sadd.s32 s30, s29;
	p1 =	por !p1, !p1;
	s30 =	simm.s32 $0x1  }
0x306: {  	s29 =	sshrl.u32 s29, $0x7;
	s30 =	simm.s32 @!p1 $0x0  }
0x307: {  	s29 =	ssub.s32 s29, s30  }
0x308: {  	s29 =	sshll.u32 s29, $0x7  }
0x309: {  	s29 =	sand.u32 $0x1FFFFF80, s29  }
0x30a: {  	s31 =	simm.s32 $0xED00;
	s29 =	sadd.s32 s1, s29  }
0x30b: {  	[tilespmem:s31], [sflag:$0xA] =	stream.linear.gather [hbm4b:s29+s3], $0x400, $0x38;
	[tilespmem:$0x1C700] =	vst v63  }
0x30c: {  	s30 =	sadd.s32 $0xF4280, s29;
	s31 =	simm.s32 $0x10900  }
0x30d: {  	[tilespmem:s31], [sflag:$0xA] =	stream.linear.gather [hbm4b:s30+s3], $0x400, $0x38;
	[tilespmem:$0x1C700] =	vst v63  }
0x30e: {  	s30 =	sadd.s32 $0x1E8500, s29;
	s31 =	simm.s32 $0x12500  }
0x30f: {  	[tilespmem:s31], [sflag:$0xA] =	stream.linear.gather [hbm4b:s30+s3], $0x400, $0x38;
	[tilespmem:$0x1C700] =	vst v63  }
0x310: {  	s30 =	sadd.s32 $0x2DC780, s29;
	s31 =	simm.s32 $0x14100  }
0x311: {  	[tilespmem:s31], [sflag:$0xA] =	stream.linear.gather [hbm4b:s30+s3], $0x400, $0x38;
	[tilespmem:$0x1C700] =	vst v63  }
0x312: {  	s30 =	sadd.s32 $0x3D0A00, s29;
	s31 =	simm.s32 $0x15D00  }
0x313: {  	[tilespmem:s31], [sflag:$0xA] =	stream.linear.gather [hbm4b:s30+s3], $0x400, $0x38;
	[tilespmem:$0x1C700] =	vst v63  }
0x314: {  	s30 =	sadd.s32 $0x4C4C80, s29;
	s31 =	simm.s32 $0x17900  }
0x315: {  	[tilespmem:s31], [sflag:$0xA] =	stream.linear.gather [hbm4b:s30+s3], $0x400, $0x38;
	[tilespmem:$0x1C700] =	vst v63  }
0x316: {  	s30 =	sadd.s32 $0x5B8F00, s29;
	s31 =	simm.s32 $0x19500  }
0x317: {  	[tilespmem:s31], [sflag:$0xA] =	stream.linear.gather [hbm4b:s30+s3], $0x400, $0x38;
	[tilespmem:$0x1C700] =	vst v63  }
0x318: {  	s29 =	sadd.s32 $0x6AD180, s29;
	s31 =	simm.s32 $0x1B100  }
0x319: {  	[tilespmem:s31], [sflag:$0xA] =	stream.linear.gather [hbm4b:s29+s3], $0x400, $0x38;
	[tilespmem:$0x1C700] =	vst v63  }
.LBB2_6:
0x31a: {  	v29 =	vld [tilespmem:s8+$0xFFFFFFFC]  }
0x31b: {  	v30 =	vld [tilespmem:s7+$0xFFFFFFFC];
	_ =	sdelay $0x3  }
0x31c: {  	v29 =	vand.u32 $0x7F, v29  }
0x31d: {  	v30 =	vand.u32 $0x7F, v30;
	v29 =	vbroadcast v29, $0x0  }
0x31e: {  	_ =	swait.ge [sflag:s25], $0x2000;
	v30 =	vbroadcast v30, $0x0  }
0x31f: {  	[sflag:s25] =	ssyncset.done $0x0;
	v31 =	vor.u32 v12, v29  }
0x320: {  	[sflag:s25] =	ssyncadd.s32 $0xFFFFE000;
	v32 =	vor.u32 v12, v30  }
0x321: {  	_ =	swait.ge [sflag:s26], $0x2000;
	v33 =	vor.u32 v13, v29  }
0x322: {  	[sflag:s26] =	ssyncset.done $0x0;
	v34 =	vor.u32 v13, v30  }
0x323: {  	[sflag:s26] =	ssyncadd.s32 $0xFFFFE000;
	v35 =	vor.u32 v14, v29  }
0x324: {  	v36 =	vor.u32 v14, v30;
	v31 =	vld.idx.msk [tilespmem:v31+s12+$0x0], $0xffff  }
0x325: {  	v29 =	vor.u32 v15, v29;
	v32 =	vld.idx.msk [tilespmem:v32+s20+$0x0], $0xffff  }
0x326: {  	v30 =	vor.u32 v15, v30;
	v33 =	vld.idx.msk [tilespmem:v33+s12+$0x0], $0xffff  }
0x327: {  	v34 =	vld.idx.msk [tilespmem:v34+s20+$0x0], $0xffff  }
0x328: {  	v35 =	vld.idx.msk [tilespmem:v35+s12+$0x0], $0xffff  }
0x329: {  	v36 =	vld.idx.msk [tilespmem:v36+s20+$0x0], $0xffff  }
0x32a: {  	v29 =	vld.idx.msk [tilespmem:v29+s12+$0x0], $0xffff;
	v31 =	vmul.f32 v32, v31  }
0x32b: {  	v30 =	vld.idx.msk [tilespmem:v30+s20+$0x0], $0xffff  }
0x32c: {  	v62 =	vmul.f32 v34, v33;
	v31 =	vadd.f32 $0.0e+00, v31;
	_ =	sdelay $0x1  }
0x32d: {  	v63 =	vmul.f32 v36, v35;
	v31 =	vadd.f32 v62, v31;
	_ =	sdelay $0x1  }
0x32e: {  	v29 =	vmul.f32 v30, v29;
	v31 =	vadd.f32 v63, v31;
	_ =	sdelay $0x1  }
0x32f: {  	v29 =	vadd.f32 v29, v31;
	_ =	sdelay $0x1  }
0x330: {  	(xrf2) =	vadd.scan.msk.f32 $0xffff, v29;
	_ =	sdelay $0x4  }
0x331: {  	s29 =	sadd.s32 $0xFFFFFFFD, s9  }
0x332: {  	v29 =	vmov s29  }
.Ltmp2:
0x333: {  	_ = 	snop;
	(pc) =	sbr.rel @p0 .LBB2_8-.Ltmp2, $3  }
0x334: {  	_ =	sdelay $0x1  }
0x335: {  	v30, _, _ =	vpop (xrf2)  }
0x336: {  	[tilespmem:v29+s19+$0x0] =	vst.idx.msk vm0, v30  }
0x337: {  	v29 =	vld [tilespmem:s8+$0x3];
	_ =	sdelay $0x4  }
0x338: {  	(v2sf) =	vpush v29, $0x0;
	_ =	sdelay $0xe  }
0x339: {  	s29 =	spop (v2sf)  }
0x33a: {  	s30 =	sand.u32 $0x7F, s29  }
0x33b: {  	s31 =	sshra.s32 s29, $0x1F;
	p2 =	slt.s32 s29, $0x1;
	p1 =	sne.s32 s30, $0x0  }
0x33c: {  	s30 =	sshrl.u32 s31, $0x19;
	p1 =	por !p2, !p1  }
0x33d: {  	s29 =	sadd.s32 s30, s29;
	s30 =	simm.s32 $0x1;
	p1 =	por !p1, !p1  }
0x33e: {  	s29 =	sshrl.u32 s29, $0x7;
	s30 =	simm.s32 @!p1 $0x0  }
0x33f: {  	s29 =	ssub.s32 s29, s30  }
0x340: {  	s29 =	sshll.u32 s29, $0x7  }
0x341: {  	s29 =	sand.u32 $0x1FFFFF80, s29  }
0x342: {  	s31 =	simm.s32 $0x1100;
	s29 =	sadd.s32 s0, s29  }
0x343: {  	[tilespmem:s31], [sflag:$0x4] =	stream.linear.gather [hbm4b:s29+s3], $0x400, $0x38;
	[tilespmem:$0x1C700] =	vst v63  }
0x344: {  	s30 =	sadd.s32 $0xF4280, s29;
	s31 =	simm.s32 $0x2D00  }
0x345: {  	[tilespmem:s31], [sflag:$0x4] =	stream.linear.gather [hbm4b:s30+s3], $0x400, $0x38;
	[tilespmem:$0x1C700] =	vst v63  }
0x346: {  	s30 =	sadd.s32 $0x1E8500, s29;
	s31 =	simm.s32 $0x4900  }
0x347: {  	[tilespmem:s31], [sflag:$0x4] =	stream.linear.gather [hbm4b:s30+s3], $0x400, $0x38;
	[tilespmem:$0x1C700] =	vst v63  }
0x348: {  	s30 =	sadd.s32 $0x2DC780, s29;
	s31 =	simm.s32 $0x6500  }
0x349: {  	[tilespmem:s31], [sflag:$0x4] =	stream.linear.gather [hbm4b:s30+s3], $0x400, $0x38;
	[tilespmem:$0x1C700] =	vst v63  }
0x34a: {  	s30 =	sadd.s32 $0x3D0A00, s29;
	s31 =	simm.s32 $0x8100  }
0x34b: {  	[tilespmem:s31], [sflag:$0x4] =	stream.linear.gather [hbm4b:s30+s3], $0x400, $0x38;
	[tilespmem:$0x1C700] =	vst v63  }
0x34c: {  	s30 =	sadd.s32 $0x4C4C80, s29;
	s31 =	simm.s32 $0x9D00  }
0x34d: {  	[tilespmem:s31], [sflag:$0x4] =	stream.linear.gather [hbm4b:s30+s3], $0x400, $0x38;
	[tilespmem:$0x1C700] =	vst v63  }
0x34e: {  	s30 =	sadd.s32 $0x5B8F00, s29;
	s31 =	simm.s32 $0xB900  }
0x34f: {  	[tilespmem:s31], [sflag:$0x4] =	stream.linear.gather [hbm4b:s30+s3], $0x400, $0x38;
	[tilespmem:$0x1C700] =	vst v63  }
0x350: {  	s29 =	sadd.s32 $0x6AD180, s29;
	s31 =	simm.s32 $0xD500  }
0x351: {  	[tilespmem:s31], [sflag:$0x4] =	stream.linear.gather [hbm4b:s29+s3], $0x400, $0x38;
	[tilespmem:$0x1C700] =	vst v63  }
0x352: {  	v29 =	vld [tilespmem:s7+$0x3];
	_ =	sdelay $0x4  }
0x353: {  	(v2sf) =	vpush v29, $0x0;
	_ =	sdelay $0xe  }
0x354: {  	s29 =	spop (v2sf)  }
0x355: {  	s31 =	sand.u32 $0x7F, s29  }
0x356: {  	p6 =	slt.s32 s29, $0x1;
	p5 =	sne.s32 s31, $0x0;
	s31 =	sshra.s32 s29, $0x1F  }
0x357: {  	s30 =	sshrl.u32 s31, $0x19;
	p1 =	por !p6, !p5  }
0x358: {  	s29 =	sadd.s32 s30, s29;
	p1 =	por !p1, !p1;
	s30 =	simm.s32 $0x1  }
0x359: {  	s29 =	sshrl.u32 s29, $0x7;
	s30 =	simm.s32 @!p1 $0x0  }
0x35a: {  	s29 =	ssub.s32 s29, s30  }
0x35b: {  	s29 =	sshll.u32 s29, $0x7  }
0x35c: {  	s29 =	sand.u32 $0x1FFFFF80, s29  }
0x35d: {  	s31 =	simm.s32 $0xF100;
	s29 =	sadd.s32 s1, s29  }
0x35e: {  	[tilespmem:s31], [sflag:$0xB] =	stream.linear.gather [hbm4b:s29+s3], $0x400, $0x38;
	[tilespmem:$0x1C700] =	vst v63  }
0x35f: {  	s30 =	sadd.s32 $0xF4280, s29;
	s31 =	simm.s32 $0x10D00  }
0x360: {  	[tilespmem:s31], [sflag:$0xB] =	stream.linear.gather [hbm4b:s30+s3], $0x400, $0x38;
	[tilespmem:$0x1C700] =	vst v63  }
0x361: {  	s30 =	sadd.s32 $0x1E8500, s29;
	s31 =	simm.s32 $0x12900  }
0x362: {  	[tilespmem:s31], [sflag:$0xB] =	stream.linear.gather [hbm4b:s30+s3], $0x400, $0x38;
	[tilespmem:$0x1C700] =	vst v63  }
0x363: {  	s30 =	sadd.s32 $0x2DC780, s29;
	s31 =	simm.s32 $0x14500  }
0x364: {  	[tilespmem:s31], [sflag:$0xB] =	stream.linear.gather [hbm4b:s30+s3], $0x400, $0x38;
	[tilespmem:$0x1C700] =	vst v63  }
0x365: {  	s30 =	sadd.s32 $0x3D0A00, s29;
	s31 =	simm.s32 $0x16100  }
0x366: {  	[tilespmem:s31], [sflag:$0xB] =	stream.linear.gather [hbm4b:s30+s3], $0x400, $0x38;
	[tilespmem:$0x1C700] =	vst v63  }
0x367: {  	s30 =	sadd.s32 $0x4C4C80, s29;
	s31 =	simm.s32 $0x17D00  }
0x368: {  	[tilespmem:s31], [sflag:$0xB] =	stream.linear.gather [hbm4b:s30+s3], $0x400, $0x38;
	[tilespmem:$0x1C700] =	vst v63  }
0x369: {  	s30 =	sadd.s32 $0x5B8F00, s29;
	s31 =	simm.s32 $0x19900  }
0x36a: {  	[tilespmem:s31], [sflag:$0xB] =	stream.linear.gather [hbm4b:s30+s3], $0x400, $0x38;
	[tilespmem:$0x1C700] =	vst v63  }
0x36b: {  	s29 =	sadd.s32 $0x6AD180, s29;
	s31 =	simm.s32 $0x1B500  }
0x36c: {  	[tilespmem:s31], [sflag:$0xB] =	stream.linear.gather [hbm4b:s29+s3], $0x400, $0x38;
	[tilespmem:$0x1C700] =	vst v63  }
.LBB2_8:
0x36d: {  	v29 =	vld [tilespmem:s8+$0xFFFFFFFD]  }
0x36e: {  	v30 =	vld [tilespmem:s7+$0xFFFFFFFD];
	_ =	sdelay $0x3  }
0x36f: {  	v29 =	vand.u32 $0x7F, v29  }
0x370: {  	v30 =	vand.u32 $0x7F, v30;
	v29 =	vbroadcast v29, $0x0  }
0x371: {  	_ =	swait.ge [sflag:s28], $0x2000;
	v30 =	vbroadcast v30, $0x0  }
0x372: {  	[sflag:s28] =	ssyncset.done $0x0;
	v31 =	vor.u32 v16, v29  }
0x373: {  	[sflag:s28] =	ssyncadd.s32 $0xFFFFE000;
	v32 =	vor.u32 v16, v30  }
0x374: {  	_ =	swait.ge [sflag:s2], $0x2000;
	v33 =	vor.u32 v17, v29  }
0x375: {  	[sflag:s2] =	ssyncset.done $0x0;
	v34 =	vor.u32 v17, v30  }
0x376: {  	[sflag:s2] =	ssyncadd.s32 $0xFFFFE000;
	v35 =	vor.u32 v18, v29  }
0x377: {  	v36 =	vor.u32 v18, v30;
	v31 =	vld.idx.msk [tilespmem:v31+s12+$0x0], $0xffff  }
0x378: {  	v29 =	vor.u32 v19, v29;
	v32 =	vld.idx.msk [tilespmem:v32+s20+$0x0], $0xffff  }
0x379: {  	v30 =	vor.u32 v19, v30;
	v33 =	vld.idx.msk [tilespmem:v33+s12+$0x0], $0xffff  }
0x37a: {  	v34 =	vld.idx.msk [tilespmem:v34+s20+$0x0], $0xffff  }
0x37b: {  	v35 =	vld.idx.msk [tilespmem:v35+s12+$0x0], $0xffff  }
0x37c: {  	v36 =	vld.idx.msk [tilespmem:v36+s20+$0x0], $0xffff  }
0x37d: {  	v29 =	vld.idx.msk [tilespmem:v29+s12+$0x0], $0xffff;
	v31 =	vmul.f32 v32, v31  }
0x37e: {  	v30 =	vld.idx.msk [tilespmem:v30+s20+$0x0], $0xffff  }
0x37f: {  	v62 =	vmul.f32 v34, v33;
	v31 =	vadd.f32 $0.0e+00, v31;
	_ =	sdelay $0x1  }
0x380: {  	v63 =	vmul.f32 v36, v35;
	v31 =	vadd.f32 v62, v31;
	_ =	sdelay $0x1  }
0x381: {  	v29 =	vmul.f32 v30, v29;
	v31 =	vadd.f32 v63, v31;
	_ =	sdelay $0x1  }
0x382: {  	v29 =	vadd.f32 v29, v31;
	_ =	sdelay $0x1  }
0x383: {  	(xrf2) =	vadd.scan.msk.f32 $0xffff, v29;
	_ =	sdelay $0x4  }
0x384: {  	s29 =	sadd.s32 $0xFFFFFFFE, s9  }
0x385: {  	v29 =	vmov s29  }
.Ltmp3:
0x386: {  	_ = 	snop;
	(pc) =	sbr.rel @p0 .LBB2_10-.Ltmp3, $3  }
0x387: {  	_ =	sdelay $0x1  }
0x388: {  	v30, _, _ =	vpop (xrf2)  }
0x389: {  	[tilespmem:v29+s19+$0x0] =	vst.idx.msk vm0, v30  }
0x38a: {  	v29 =	vld [tilespmem:s8+$0x4];
	_ =	sdelay $0x4  }
0x38b: {  	(v2sf) =	vpush v29, $0x0;
	_ =	sdelay $0xe  }
0x38c: {  	s29 =	spop (v2sf)  }
0x38d: {  	s30 =	sand.u32 $0x7F, s29  }
0x38e: {  	s31 =	sshra.s32 s29, $0x1F;
	p2 =	slt.s32 s29, $0x1;
	p1 =	sne.s32 s30, $0x0  }
0x38f: {  	s30 =	sshrl.u32 s31, $0x19;
	p1 =	por !p2, !p1  }
0x390: {  	s29 =	sadd.s32 s30, s29;
	s30 =	simm.s32 $0x1;
	p1 =	por !p1, !p1  }
0x391: {  	s29 =	sshrl.u32 s29, $0x7;
	s30 =	simm.s32 @!p1 $0x0  }
0x392: {  	s29 =	ssub.s32 s29, s30  }
0x393: {  	s29 =	sshll.u32 s29, $0x7  }
0x394: {  	s29 =	sand.u32 $0x1FFFFF80, s29  }
0x395: {  	s31 =	simm.s32 $0x1500;
	s29 =	sadd.s32 s0, s29  }
0x396: {  	[tilespmem:s31], [sflag:$0x5] =	stream.linear.gather [hbm4b:s29+s3], $0x400, $0x38;
	[tilespmem:$0x1C700] =	vst v63  }
0x397: {  	s30 =	sadd.s32 $0xF4280, s29;
	s31 =	simm.s32 $0x3100  }
0x398: {  	[tilespmem:s31], [sflag:$0x5] =	stream.linear.gather [hbm4b:s30+s3], $0x400, $0x38;
	[tilespmem:$0x1C700] =	vst v63  }
0x399: {  	s30 =	sadd.s32 $0x1E8500, s29;
	s31 =	simm.s32 $0x4D00  }
0x39a: {  	[tilespmem:s31], [sflag:$0x5] =	stream.linear.gather [hbm4b:s30+s3], $0x400, $0x38;
	[tilespmem:$0x1C700] =	vst v63  }
0x39b: {  	s30 =	sadd.s32 $0x2DC780, s29;
	s31 =	simm.s32 $0x6900  }
0x39c: {  	[tilespmem:s31], [sflag:$0x5] =	stream.linear.gather [hbm4b:s30+s3], $0x400, $0x38;
	[tilespmem:$0x1C700] =	vst v63  }
0x39d: {  	s30 =	sadd.s32 $0x3D0A00, s29;
	s31 =	simm.s32 $0x8500  }
0x39e: {  	[tilespmem:s31], [sflag:$0x5] =	stream.linear.gather [hbm4b:s30+s3], $0x400, $0x38;
	[tilespmem:$0x1C700] =	vst v63  }
0x39f: {  	s30 =	sadd.s32 $0x4C4C80, s29;
	s31 =	simm.s32 $0xA100  }
0x3a0: {  	[tilespmem:s31], [sflag:$0x5] =	stream.linear.gather [hbm4b:s30+s3], $0x400, $0x38;
	[tilespmem:$0x1C700] =	vst v63  }
0x3a1: {  	s30 =	sadd.s32 $0x5B8F00, s29;
	s31 =	simm.s32 $0xBD00  }
0x3a2: {  	[tilespmem:s31], [sflag:$0x5] =	stream.linear.gather [hbm4b:s30+s3], $0x400, $0x38;
	[tilespmem:$0x1C700] =	vst v63  }
0x3a3: {  	s29 =	sadd.s32 $0x6AD180, s29;
	s31 =	simm.s32 $0xD900  }
0x3a4: {  	[tilespmem:s31], [sflag:$0x5] =	stream.linear.gather [hbm4b:s29+s3], $0x400, $0x38;
	[tilespmem:$0x1C700] =	vst v63  }
0x3a5: {  	v29 =	vld [tilespmem:s7+$0x4];
	_ =	sdelay $0x4  }
0x3a6: {  	(v2sf) =	vpush v29, $0x0;
	_ =	sdelay $0xe  }
0x3a7: {  	s29 =	spop (v2sf)  }
0x3a8: {  	s31 =	sand.u32 $0x7F, s29  }
0x3a9: {  	p6 =	slt.s32 s29, $0x1;
	p5 =	sne.s32 s31, $0x0;
	s31 =	sshra.s32 s29, $0x1F  }
0x3aa: {  	s30 =	sshrl.u32 s31, $0x19;
	p1 =	por !p6, !p5  }
0x3ab: {  	s29 =	sadd.s32 s30, s29;
	p1 =	por !p1, !p1;
	s30 =	simm.s32 $0x1  }
0x3ac: {  	s29 =	sshrl.u32 s29, $0x7;
	s30 =	simm.s32 @!p1 $0x0  }
0x3ad: {  	s29 =	ssub.s32 s29, s30  }
0x3ae: {  	s29 =	sshll.u32 s29, $0x7  }
0x3af: {  	s29 =	sand.u32 $0x1FFFFF80, s29  }
0x3b0: {  	s31 =	simm.s32 $0xF500;
	s29 =	sadd.s32 s1, s29  }
0x3b1: {  	[tilespmem:s31], [sflag:$0xC] =	stream.linear.gather [hbm4b:s29+s3], $0x400, $0x38;
	[tilespmem:$0x1C700] =	vst v63  }
0x3b2: {  	s30 =	sadd.s32 $0xF4280, s29;
	s31 =	simm.s32 $0x11100  }
0x3b3: {  	[tilespmem:s31], [sflag:$0xC] =	stream.linear.gather [hbm4b:s30+s3], $0x400, $0x38;
	[tilespmem:$0x1C700] =	vst v63  }
0x3b4: {  	s30 =	sadd.s32 $0x1E8500, s29;
	s31 =	simm.s32 $0x12D00  }
0x3b5: {  	[tilespmem:s31], [sflag:$0xC] =	stream.linear.gather [hbm4b:s30+s3], $0x400, $0x38;
	[tilespmem:$0x1C700] =	vst v63  }
0x3b6: {  	s30 =	sadd.s32 $0x2DC780, s29;
	s31 =	simm.s32 $0x14900  }
0x3b7: {  	[tilespmem:s31], [sflag:$0xC] =	stream.linear.gather [hbm4b:s30+s3], $0x400, $0x38;
	[tilespmem:$0x1C700] =	vst v63  }
0x3b8: {  	s30 =	sadd.s32 $0x3D0A00, s29;
	s31 =	simm.s32 $0x16500  }
0x3b9: {  	[tilespmem:s31], [sflag:$0xC] =	stream.linear.gather [hbm4b:s30+s3], $0x400, $0x38;
	[tilespmem:$0x1C700] =	vst v63  }
0x3ba: {  	s30 =	sadd.s32 $0x4C4C80, s29;
	s31 =	simm.s32 $0x18100  }
0x3bb: {  	[tilespmem:s31], [sflag:$0xC] =	stream.linear.gather [hbm4b:s30+s3], $0x400, $0x38;
	[tilespmem:$0x1C700] =	vst v63  }
0x3bc: {  	s30 =	sadd.s32 $0x5B8F00, s29;
	s31 =	simm.s32 $0x19D00  }
0x3bd: {  	[tilespmem:s31], [sflag:$0xC] =	stream.linear.gather [hbm4b:s30+s3], $0x400, $0x38;
	[tilespmem:$0x1C700] =	vst v63  }
0x3be: {  	s29 =	sadd.s32 $0x6AD180, s29;
	s31 =	simm.s32 $0x1B900  }
0x3bf: {  	[tilespmem:s31], [sflag:$0xC] =	stream.linear.gather [hbm4b:s29+s3], $0x400, $0x38;
	[tilespmem:$0x1C700] =	vst v63  }
.LBB2_10:
0x3c0: {  	v29 =	vld [tilespmem:s8+$0xFFFFFFFE]  }
0x3c1: {  	v30 =	vld [tilespmem:s7+$0xFFFFFFFE];
	_ =	sdelay $0x3  }
0x3c2: {  	v29 =	vand.u32 $0x7F, v29  }
0x3c3: {  	v30 =	vand.u32 $0x7F, v30;
	v29 =	vbroadcast v29, $0x0  }
0x3c4: {  	_ =	swait.ge [sflag:s4], $0x2000;
	v30 =	vbroadcast v30, $0x0  }
0x3c5: {  	[sflag:s4] =	ssyncset.done $0x0;
	v31 =	vor.u32 v20, v29  }
0x3c6: {  	[sflag:s4] =	ssyncadd.s32 $0xFFFFE000;
	v32 =	vor.u32 v20, v30  }
0x3c7: {  	_ =	swait.ge [sflag:s10], $0x2000;
	v33 =	vor.u32 v21, v29  }
0x3c8: {  	[sflag:s10] =	ssyncset.done $0x0;
	v34 =	vor.u32 v21, v30  }
0x3c9: {  	[sflag:s10] =	ssyncadd.s32 $0xFFFFE000;
	v35 =	vor.u32 v22, v29  }
0x3ca: {  	v36 =	vor.u32 v22, v30;
	v31 =	vld.idx.msk [tilespmem:v31+s12+$0x0], $0xffff  }
0x3cb: {  	v29 =	vor.u32 v23, v29;
	v32 =	vld.idx.msk [tilespmem:v32+s20+$0x0], $0xffff  }
0x3cc: {  	v30 =	vor.u32 v23, v30;
	v33 =	vld.idx.msk [tilespmem:v33+s12+$0x0], $0xffff  }
0x3cd: {  	v34 =	vld.idx.msk [tilespmem:v34+s20+$0x0], $0xffff  }
0x3ce: {  	v35 =	vld.idx.msk [tilespmem:v35+s12+$0x0], $0xffff  }
0x3cf: {  	v36 =	vld.idx.msk [tilespmem:v36+s20+$0x0], $0xffff  }
0x3d0: {  	v29 =	vld.idx.msk [tilespmem:v29+s12+$0x0], $0xffff;
	v31 =	vmul.f32 v32, v31  }
0x3d1: {  	v30 =	vld.idx.msk [tilespmem:v30+s20+$0x0], $0xffff  }
0x3d2: {  	v62 =	vmul.f32 v34, v33;
	v31 =	vadd.f32 $0.0e+00, v31;
	_ =	sdelay $0x1  }
0x3d3: {  	v63 =	vmul.f32 v36, v35;
	v31 =	vadd.f32 v62, v31;
	_ =	sdelay $0x1  }
0x3d4: {  	v29 =	vmul.f32 v30, v29;
	v31 =	vadd.f32 v63, v31;
	_ =	sdelay $0x1  }
0x3d5: {  	v29 =	vadd.f32 v29, v31;
	_ =	sdelay $0x1  }
0x3d6: {  	(xrf2) =	vadd.scan.msk.f32 $0xffff, v29;
	_ =	sdelay $0x4  }
0x3d7: {  	s29 =	sadd.s32 $0xFFFFFFFF, s9  }
0x3d8: {  	v29 =	vmov s29  }
.Ltmp4:
0x3d9: {  	_ = 	snop;
	(pc) =	sbr.rel @p0 .LBB2_12-.Ltmp4, $3  }
0x3da: {  	_ =	sdelay $0x1  }
0x3db: {  	v30, _, _ =	vpop (xrf2)  }
0x3dc: {  	[tilespmem:v29+s19+$0x0] =	vst.idx.msk vm0, v30  }
0x3dd: {  	v29 =	vld [tilespmem:s8+$0x5];
	_ =	sdelay $0x4  }
0x3de: {  	(v2sf) =	vpush v29, $0x0;
	_ =	sdelay $0xe  }
0x3df: {  	s29 =	spop (v2sf)  }
0x3e0: {  	s30 =	sand.u32 $0x7F, s29  }
0x3e1: {  	s31 =	sshra.s32 s29, $0x1F;
	p2 =	slt.s32 s29, $0x1;
	p1 =	sne.s32 s30, $0x0  }
0x3e2: {  	s30 =	sshrl.u32 s31, $0x19;
	p1 =	por !p2, !p1  }
0x3e3: {  	s29 =	sadd.s32 s30, s29;
	s30 =	simm.s32 $0x1;
	p1 =	por !p1, !p1  }
0x3e4: {  	s29 =	sshrl.u32 s29, $0x7;
	s30 =	simm.s32 @!p1 $0x0  }
0x3e5: {  	s29 =	ssub.s32 s29, s30  }
0x3e6: {  	s29 =	sshll.u32 s29, $0x7  }
0x3e7: {  	s29 =	sand.u32 $0x1FFFFF80, s29  }
0x3e8: {  	s31 =	simm.s32 $0x1900;
	s29 =	sadd.s32 s0, s29  }
0x3e9: {  	[tilespmem:s31], [sflag:$0x6] =	stream.linear.gather [hbm4b:s29+s3], $0x400, $0x38;
	[tilespmem:$0x1C700] =	vst v63  }
0x3ea: {  	s30 =	sadd.s32 $0xF4280, s29;
	s31 =	simm.s32 $0x3500  }
0x3eb: {  	[tilespmem:s31], [sflag:$0x6] =	stream.linear.gather [hbm4b:s30+s3], $0x400, $0x38;
	[tilespmem:$0x1C700] =	vst v63  }
0x3ec: {  	s30 =	sadd.s32 $0x1E8500, s29;
	s31 =	simm.s32 $0x5100  }
0x3ed: {  	[tilespmem:s31], [sflag:$0x6] =	stream.linear.gather [hbm4b:s30+s3], $0x400, $0x38;
	[tilespmem:$0x1C700] =	vst v63  }
0x3ee: {  	s30 =	sadd.s32 $0x2DC780, s29;
	s31 =	simm.s32 $0x6D00  }
0x3ef: {  	[tilespmem:s31], [sflag:$0x6] =	stream.linear.gather [hbm4b:s30+s3], $0x400, $0x38;
	[tilespmem:$0x1C700] =	vst v63  }
0x3f0: {  	s30 =	sadd.s32 $0x3D0A00, s29;
	s31 =	simm.s32 $0x8900  }
0x3f1: {  	[tilespmem:s31], [sflag:$0x6] =	stream.linear.gather [hbm4b:s30+s3], $0x400, $0x38;
	[tilespmem:$0x1C700] =	vst v63  }
0x3f2: {  	s30 =	sadd.s32 $0x4C4C80, s29;
	s31 =	simm.s32 $0xA500  }
0x3f3: {  	[tilespmem:s31], [sflag:$0x6] =	stream.linear.gather [hbm4b:s30+s3], $0x400, $0x38;
	[tilespmem:$0x1C700] =	vst v63  }
0x3f4: {  	s30 =	sadd.s32 $0x5B8F00, s29;
	s31 =	simm.s32 $0xC100  }
0x3f5: {  	[tilespmem:s31], [sflag:$0x6] =	stream.linear.gather [hbm4b:s30+s3], $0x400, $0x38;
	[tilespmem:$0x1C700] =	vst v63  }
0x3f6: {  	s29 =	sadd.s32 $0x6AD180, s29;
	s31 =	simm.s32 $0xDD00  }
0x3f7: {  	[tilespmem:s31], [sflag:$0x6] =	stream.linear.gather [hbm4b:s29+s3], $0x400, $0x38;
	[tilespmem:$0x1C700] =	vst v63  }
0x3f8: {  	v29 =	vld [tilespmem:s7+$0x5];
	_ =	sdelay $0x4  }
0x3f9: {  	(v2sf) =	vpush v29, $0x0;
	_ =	sdelay $0xe  }
0x3fa: {  	s29 =	spop (v2sf)  }
0x3fb: {  	s31 =	sand.u32 $0x7F, s29  }
0x3fc: {  	p6 =	slt.s32 s29, $0x1;
	p5 =	sne.s32 s31, $0x0;
	s31 =	sshra.s32 s29, $0x1F  }
0x3fd: {  	s30 =	sshrl.u32 s31, $0x19;
	p1 =	por !p6, !p5  }
0x3fe: {  	s29 =	sadd.s32 s30, s29;
	p1 =	por !p1, !p1;
	s30 =	simm.s32 $0x1  }
0x3ff: {  	s29 =	sshrl.u32 s29, $0x7;
	s30 =	simm.s32 @!p1 $0x0  }
0x400: {  	s29 =	ssub.s32 s29, s30  }
0x401: {  	s29 =	sshll.u32 s29, $0x7  }
0x402: {  	s29 =	sand.u32 $0x1FFFFF80, s29  }
0x403: {  	s31 =	simm.s32 $0xF900;
	s29 =	sadd.s32 s1, s29  }
0x404: {  	[tilespmem:s31], [sflag:$0xD] =	stream.linear.gather [hbm4b:s29+s3], $0x400, $0x38;
	[tilespmem:$0x1C700] =	vst v63  }
0x405: {  	s30 =	sadd.s32 $0xF4280, s29;
	s31 =	simm.s32 $0x11500  }
0x406: {  	[tilespmem:s31], [sflag:$0xD] =	stream.linear.gather [hbm4b:s30+s3], $0x400, $0x38;
	[tilespmem:$0x1C700] =	vst v63  }
0x407: {  	s30 =	sadd.s32 $0x1E8500, s29;
	s31 =	simm.s32 $0x13100  }
0x408: {  	[tilespmem:s31], [sflag:$0xD] =	stream.linear.gather [hbm4b:s30+s3], $0x400, $0x38;
	[tilespmem:$0x1C700] =	vst v63  }
0x409: {  	s30 =	sadd.s32 $0x2DC780, s29;
	s31 =	simm.s32 $0x14D00  }
0x40a: {  	[tilespmem:s31], [sflag:$0xD] =	stream.linear.gather [hbm4b:s30+s3], $0x400, $0x38;
	[tilespmem:$0x1C700] =	vst v63  }
0x40b: {  	s30 =	sadd.s32 $0x3D0A00, s29;
	s31 =	simm.s32 $0x16900  }
0x40c: {  	[tilespmem:s31], [sflag:$0xD] =	stream.linear.gather [hbm4b:s30+s3], $0x400, $0x38;
	[tilespmem:$0x1C700] =	vst v63  }
0x40d: {  	s30 =	sadd.s32 $0x4C4C80, s29;
	s31 =	simm.s32 $0x18500  }
0x40e: {  	[tilespmem:s31], [sflag:$0xD] =	stream.linear.gather [hbm4b:s30+s3], $0x400, $0x38;
	[tilespmem:$0x1C700] =	vst v63  }
0x40f: {  	s30 =	sadd.s32 $0x5B8F00, s29;
	s31 =	simm.s32 $0x1A100  }
0x410: {  	[tilespmem:s31], [sflag:$0xD] =	stream.linear.gather [hbm4b:s30+s3], $0x400, $0x38;
	[tilespmem:$0x1C700] =	vst v63  }
0x411: {  	s29 =	sadd.s32 $0x6AD180, s29;
	s31 =	simm.s32 $0x1BD00  }
0x412: {  	[tilespmem:s31], [sflag:$0xD] =	stream.linear.gather [hbm4b:s29+s3], $0x400, $0x38;
	[tilespmem:$0x1C700] =	vst v63  }
.LBB2_12:
0x413: {  	v29 =	vld [tilespmem:s8+$0xFFFFFFFF]  }
0x414: {  	v30 =	vld [tilespmem:s7+$0xFFFFFFFF];
	_ =	sdelay $0x3  }
0x415: {  	v29 =	vand.u32 $0x7F, v29  }
0x416: {  	v30 =	vand.u32 $0x7F, v30;
	v29 =	vbroadcast v29, $0x0  }
0x417: {  	_ =	swait.ge [sflag:s5], $0x2000;
	v30 =	vbroadcast v30, $0x0  }
0x418: {  	[sflag:s5] =	ssyncset.done $0x0;
	v31 =	vor.u32 v24, v29  }
0x419: {  	[sflag:s5] =	ssyncadd.s32 $0xFFFFE000;
	v32 =	vor.u32 v24, v30  }
0x41a: {  	_ =	swait.ge [sflag:s6], $0x2000;
	v33 =	vor.u32 v25, v29  }
0x41b: {  	[sflag:s6] =	ssyncset.done $0x0;
	v34 =	vor.u32 v25, v30  }
0x41c: {  	[sflag:s6] =	ssyncadd.s32 $0xFFFFE000;
	v35 =	vor.u32 v26, v29  }
0x41d: {  	v36 =	vor.u32 v26, v30;
	v31 =	vld.idx.msk [tilespmem:v31+s12+$0x0], $0xffff  }
0x41e: {  	v29 =	vor.u32 v27, v29;
	v32 =	vld.idx.msk [tilespmem:v32+s20+$0x0], $0xffff  }
0x41f: {  	v30 =	vor.u32 v27, v30;
	v33 =	vld.idx.msk [tilespmem:v33+s12+$0x0], $0xffff  }
0x420: {  	v34 =	vld.idx.msk [tilespmem:v34+s20+$0x0], $0xffff  }
0x421: {  	v35 =	vld.idx.msk [tilespmem:v35+s12+$0x0], $0xffff  }
0x422: {  	v36 =	vld.idx.msk [tilespmem:v36+s20+$0x0], $0xffff  }
0x423: {  	v29 =	vld.idx.msk [tilespmem:v29+s12+$0x0], $0xffff;
	v31 =	vmul.f32 v32, v31  }
0x424: {  	v30 =	vld.idx.msk [tilespmem:v30+s20+$0x0], $0xffff  }
0x425: {  	v62 =	vmul.f32 v34, v33;
	v31 =	vadd.f32 $0.0e+00, v31;
	_ =	sdelay $0x1  }
0x426: {  	v63 =	vmul.f32 v36, v35;
	v31 =	vadd.f32 v62, v31;
	_ =	sdelay $0x1  }
0x427: {  	v29 =	vmul.f32 v30, v29;
	v31 =	vadd.f32 v63, v31;
	_ =	sdelay $0x1  }
0x428: {  	v29 =	vadd.f32 v29, v31;
	_ =	sdelay $0x1  }
0x429: {  	(xrf2) =	vadd.scan.msk.f32 $0xffff, v29;
	_ =	sdelay $0x5  }
0x42a: {  	v29 =	vmov s9  }
.Ltmp5:
0x42b: {  	_ = 	snop;
	(pc) =	sbr.rel @p0 .LBB2_14-.Ltmp5, $3  }
0x42c: {  	_ =	sdelay $0x1  }
0x42d: {  	v30, _, _ =	vpop (xrf2)  }
0x42e: {  	[tilespmem:v29+s19+$0x0] =	vst.idx.msk vm0, v30  }
0x42f: {  	v29 =	vld [tilespmem:s8+$0x6];
	_ =	sdelay $0x4  }
0x430: {  	(v2sf) =	vpush v29, $0x0;
	_ =	sdelay $0xe  }
0x431: {  	s29 =	spop (v2sf)  }
0x432: {  	s30 =	sand.u32 $0x7F, s29  }
0x433: {  	s31 =	sshra.s32 s29, $0x1F;
	p1 =	slt.s32 s29, $0x1;
	p0 =	sne.s32 s30, $0x0  }
0x434: {  	s30 =	sshrl.u32 s31, $0x19;
	p0 =	por !p1, !p0  }
0x435: {  	s29 =	sadd.s32 s30, s29;
	s30 =	simm.s32 $0x1;
	p0 =	por !p0, !p0  }
0x436: {  	s29 =	sshrl.u32 s29, $0x7;
	s30 =	simm.s32 @!p0 $0x0  }
0x437: {  	s29 =	ssub.s32 s29, s30  }
0x438: {  	s29 =	sshll.u32 s29, $0x7  }
0x439: {  	s29 =	sand.u32 $0x1FFFFF80, s29  }
0x43a: {  	s31 =	simm.s32 $0x1D00;
	s29 =	sadd.s32 s0, s29  }
0x43b: {  	[tilespmem:s31], [sflag:$0x7] =	stream.linear.gather [hbm4b:s29+s3], $0x400, $0x38;
	[tilespmem:$0x1C700] =	vst v63  }
0x43c: {  	s30 =	sadd.s32 $0xF4280, s29;
	s31 =	simm.s32 $0x3900  }
0x43d: {  	[tilespmem:s31], [sflag:$0x7] =	stream.linear.gather [hbm4b:s30+s3], $0x400, $0x38;
	[tilespmem:$0x1C700] =	vst v63  }
0x43e: {  	s30 =	sadd.s32 $0x1E8500, s29;
	s31 =	simm.s32 $0x5500  }
0x43f: {  	[tilespmem:s31], [sflag:$0x7] =	stream.linear.gather [hbm4b:s30+s3], $0x400, $0x38;
	[tilespmem:$0x1C700] =	vst v63  }
0x440: {  	s30 =	sadd.s32 $0x2DC780, s29;
	s31 =	simm.s32 $0x7100  }
0x441: {  	[tilespmem:s31], [sflag:$0x7] =	stream.linear.gather [hbm4b:s30+s3], $0x400, $0x38;
	[tilespmem:$0x1C700] =	vst v63  }
0x442: {  	s30 =	sadd.s32 $0x3D0A00, s29;
	s31 =	simm.s32 $0x8D00  }
0x443: {  	[tilespmem:s31], [sflag:$0x7] =	stream.linear.gather [hbm4b:s30+s3], $0x400, $0x38;
	[tilespmem:$0x1C700] =	vst v63  }
0x444: {  	s30 =	sadd.s32 $0x4C4C80, s29;
	s31 =	simm.s32 $0xA900  }
0x445: {  	[tilespmem:s31], [sflag:$0x7] =	stream.linear.gather [hbm4b:s30+s3], $0x400, $0x38;
	[tilespmem:$0x1C700] =	vst v63  }
0x446: {  	s30 =	sadd.s32 $0x5B8F00, s29;
	s31 =	simm.s32 $0xC500  }
0x447: {  	[tilespmem:s31], [sflag:$0x7] =	stream.linear.gather [hbm4b:s30+s3], $0x400, $0x38;
	[tilespmem:$0x1C700] =	vst v63  }
0x448: {  	s29 =	sadd.s32 $0x6AD180, s29;
	s31 =	simm.s32 $0xE100  }
0x449: {  	[tilespmem:s31], [sflag:$0x7] =	stream.linear.gather [hbm4b:s29+s3], $0x400, $0x38;
	[tilespmem:$0x1C700] =	vst v63  }
0x44a: {  	v29 =	vld [tilespmem:s7+$0x6];
	_ =	sdelay $0x4  }
0x44b: {  	(v2sf) =	vpush v29, $0x0;
	_ =	sdelay $0xe  }
0x44c: {  	s29 =	spop (v2sf)  }
0x44d: {  	s31 =	sand.u32 $0x7F, s29  }
0x44e: {  	p6 =	slt.s32 s29, $0x1;
	p5 =	sne.s32 s31, $0x0;
	s31 =	sshra.s32 s29, $0x1F  }
0x44f: {  	s30 =	sshrl.u32 s31, $0x19;
	p0 =	por !p6, !p5  }
0x450: {  	s29 =	sadd.s32 s30, s29;
	p0 =	por !p0, !p0;
	s30 =	simm.s32 $0x1  }
0x451: {  	s29 =	sshrl.u32 s29, $0x7;
	s30 =	simm.s32 @!p0 $0x0  }
0x452: {  	s29 =	ssub.s32 s29, s30  }
0x453: {  	s29 =	sshll.u32 s29, $0x7  }
0x454: {  	s29 =	sand.u32 $0x1FFFFF80, s29  }
0x455: {  	s31 =	simm.s32 $0xFD00;
	s29 =	sadd.s32 s1, s29  }
0x456: {  	[tilespmem:s31], [sflag:$0xE] =	stream.linear.gather [hbm4b:s29+s3], $0x400, $0x38;
	[tilespmem:$0x1C700] =	vst v63  }
0x457: {  	s30 =	sadd.s32 $0xF4280, s29;
	s31 =	simm.s32 $0x11900  }
0x458: {  	[tilespmem:s31], [sflag:$0xE] =	stream.linear.gather [hbm4b:s30+s3], $0x400, $0x38;
	[tilespmem:$0x1C700] =	vst v63  }
0x459: {  	s30 =	sadd.s32 $0x1E8500, s29;
	s31 =	simm.s32 $0x13500  }
0x45a: {  	[tilespmem:s31], [sflag:$0xE] =	stream.linear.gather [hbm4b:s30+s3], $0x400, $0x38;
	[tilespmem:$0x1C700] =	vst v63  }
0x45b: {  	s31 =	sadd.s32 $0x2DC780, s29  }
0x45c: {  	[tilespmem:s13], [sflag:$0xE] =	stream.linear.gather [hbm4b:s31+s3], $0x400, $0x38;
	[tilespmem:$0x1C700] =	vst v63  }
0x45d: {  	s31 =	sadd.s32 $0x3D0A00, s29  }
0x45e: {  	[tilespmem:s14], [sflag:$0xE] =	stream.linear.gather [hbm4b:s31+s3], $0x400, $0x38;
	[tilespmem:$0x1C700] =	vst v63  }
0x45f: {  	s31 =	sadd.s32 $0x4C4C80, s29  }
0x460: {  	[tilespmem:s15], [sflag:$0xE] =	stream.linear.gather [hbm4b:s31+s3], $0x400, $0x38;
	[tilespmem:$0x1C700] =	vst v63  }
.Ltmp6:
0x461: {  	_ = 	snop;
	(pc) =	sbr.rel .LBB2_2-.Ltmp6, $4  }
0x462: {  	s9 =	sadd.s32 $0x7, s9;
	s31 =	sadd.s32 $0x5B8F00, s29  }
0x463: {  	[tilespmem:s16], [sflag:$0xE] =	stream.linear.gather [hbm4b:s31+s3], $0x400, $0x38;
	[tilespmem:$0x1C700] =	vst v63  }
0x464: {  	s8 =	sadd.s32 $0x7, s8;
	s7 =	sadd.s32 $0x7, s7;
	s29 =	sadd.s32 $0x6AD180, s29  }
0x465: {  	[tilespmem:s17], [sflag:$0xE] =	stream.linear.gather [hbm4b:s29+s3], $0x400, $0x38;
	[tilespmem:$0x1C700] =	vst v63  }
.LBB2_14:
0x466: {  	v29 =	vld [tilespmem:$0x1FF]  }
0x467: {  	v30 =	vld [tilespmem:$0x47F];
	_ =	sdelay $0x3  }
0x468: {  	(v2sf) =	vpush v29, $0x0  }
0x469: {  	(v2sf) =	vpush v30, $0x0;
	_ =	sdelay $0xd  }
0x46a: {  	s7 =	spop (v2sf)  }
0x46b: {  	s8 =	spop (v2sf)  }
0x46c: {  	s7 =	sand.u32 $0x7F, s7;
	_ =	swait.ge [sflag:s11], $0x2000  }
0x46d: {  	s8 =	sand.u32 $0x7F, s8;
	v29 =	vor.u32 s7, v0;
	[sflag:s11] =	ssyncset.done $0x0  }
0x46e: {  	v30 =	vor.u32 s8, v0;
	[sflag:s11] =	ssyncadd.s32 $0xFFFFE000  }
0x46f: {  	v31 =	vor.u32 s7, v1;
	_ =	swait.ge [sflag:s18], $0x2000  }
0x470: {  	v32 =	vor.u32 s8, v1;
	[sflag:s18] =	ssyncset.done $0x0  }
0x471: {  	v33 =	vor.u32 s7, v2;
	[sflag:s18] =	ssyncadd.s32 $0xFFFFE000  }
0x472: {  	v34 =	vor.u32 s8, v2;
	v29 =	vld.idx.msk [tilespmem:v29+s12+$0x0], $0xffff  }
0x473: {  	v36 =	vor.u32 s8, v3;
	v30 =	vld.idx.msk [tilespmem:v30+s20+$0x0], $0xffff  }
0x474: {  	v35 =	vor.u32 s7, v3;
	v31 =	vld.idx.msk [tilespmem:v31+s12+$0x0], $0xffff  }
0x475: {  	v32 =	vld.idx.msk [tilespmem:v32+s20+$0x0], $0xffff  }
0x476: {  	v33 =	vld.idx.msk [tilespmem:v33+s12+$0x0], $0xffff  }
0x477: {  	v34 =	vld.idx.msk [tilespmem:v34+s20+$0x0], $0xffff  }
0x478: {  	v63 =	vld.idx.msk [tilespmem:v36+s20+$0x0], $0xffff;
	v29 =	vmul.f32 v30, v29  }
0x479: {  	v30 =	vld.idx.msk [tilespmem:v35+s12+$0x0], $0xffff  }
0x47a: {  	v31 =	vmul.f32 v32, v31;
	v29 =	vadd.f32 $0.0e+00, v29;
	_ =	sdelay $0x1  }
0x47b: {  	v29 =	vadd.f32 v31, v29;
	v31 =	vmul.f32 v34, v33;
	_ =	sdelay $0x1  }
0x47c: {  	v30 =	vmul.f32 v63, v30;
	v29 =	vadd.f32 v31, v29;
	_ =	sdelay $0x1  }
0x47d: {  	v29 =	vadd.f32 v30, v29;
	_ =	sdelay $0x1  }
0x47e: {  	(xrf2) =	vadd.scan.msk.f32 $0xffff, v29;
	_ =	sdelay $0x9  }
0x47f: {  	v29, _, _ =	vpop (xrf2)  }
0x480: {  	s7 =	simm.s32 $0x0;
	s8 =	simm.s32 $0x40;
	[tilespmem:v28+s19+$0x0] =	vst.idx.msk vm0, v29  }
.LBB2_15:
0x481: {  	p0 =	sne.s32 s8, $0x7C0;
	v29 =	vld [tilespmem:s7+$0x1C500];
	_ =	sdelay $0x4  }
0x482: {  	v29 =	vsub.f32 $0.0e+00, v29;
	_ =	sdelay $0x1  }
0x483: {  	v29 =	vmul.f32 $1.442695020e+00, v29;
	_ =	sdelay $0x1  }
0x484: {  	(erf) = vpow2.f32 v29;
	_ =	sdelay $0x8  }
0x485: {  	v29 =	vpop (erf)  }
0x486: {  	v29 =	vadd.f32 $1.000000000e+00, v29;
	_ =	sdelay $0x1  }
0x487: {  	(erf) = vrcp.f32 v29;
	_ =	sdelay $0x5  }
.Ltmp7:
0x488: {  	(pc) =	sbr.rel @p0 .LBB2_15-.Ltmp7, $3  }
0x489: {  	_ =	sdelay $0x1  }
0x48a: {  	v29 =	vpop (erf)  }
0x48b: {  	[tilespmem:s7+$0x1C500] =	vst v29;
	s7 =	sshra.s32 s8, $0x2;
	s8 =	sadd.s32 $0x40, s8  }
0x48c: {  	v29 =	vld [tilespmem:s7+$0x1C500];
	_ =	sdelay $0x4  }
0x48d: {  	v29 =	vsub.f32 $0.0e+00, v29;
	_ =	sdelay $0x1  }
0x48e: {  	v29 =	vmul.f32 $1.442695020e+00, v29;
	_ =	sdelay $0x1  }
0x48f: {  	(erf) = vpow2.f32 v29;
	_ =	sdelay $0x8  }
0x490: {  	v29 =	vpop (erf)  }
0x491: {  	v29 =	vadd.f32 $1.000000000e+00, v29;
	_ =	sdelay $0x1  }
0x492: {  	(erf) = vrcp.f32 v29;
	_ =	sdelay $0x8  }
0x493: {  	v29 =	vpop (erf)  }
0x494: {  	s30 =	rddreg [dreg:$0x8];
	s8 =	simm.s32 $0xF;
	[tilespmem:s7+$0x1C500] =	vst v29  }
0x495: {  	[hbm4b:s30+s3] =	stream.linear.scatter [tilespmem:s19], [sflag:$0xF], $0x200, $0x38;
	[tilespmem:$0x1C700] =	vst v63  }
0x496: {  	_ =	swait.ge [sflag:s8], $0x200  }
0x497: {  	s9 =	rddreg [dreg:$0xa]  }
0x498: {  	s31 =	rddreg [dreg:$0x9];
	s9 =	sadd.s32 $0x1, s9  }
0x499: {  	p0 =	sne.s32 s9, s31  }
.Ltmp8:
0x49a: {  	_ = 	snop;
	(pc) =	sbr.rel @p0 .LBB2_1-.Ltmp8, $3  }
0x49b: {  	_ =	sdelay $0x1  }
0x49c: {  	[sflag:s8] =	ssyncset.done $0x0  }
0x49d: {  	[sflag:s8] =	ssyncadd.s32 $0xFFFFFE00  }
0x49e: {  	_ =	sfence.sel $0x180000  }
0x49f: {  	[bflag:$0x0] =	sbarrier.arrive $0xFFFF  }
0x4a0: {  	_ =	strace $0x90000047  }
0x4a1: {  	s0 =	stileid.u32;
	[bflag:$0x2] =	sbarrier.arrive $0xFFFF  }
0x4a2: {  	p0 =	sne.s32 s0, $0x0;
	s0 =	rddreg [dreg:$0x5]  }
0x4a3: {  	s0 =	sadd.s32 @!p0 $0x100000, s0  }
0x4a4: {  	[sflag:s0] =	ssyncadd.tile.s32 @!p0 $0x1;
	_ =	shalt  }
.Lfunc_end2:
_tile_overlayer_lowered:
.L_overlay_start_2:
0x4a5: {  	(tag) =	ssettag $0x2  }
0x4a6: {  	s0 =	rddreg [dreg:$0x0];
	s2 =	stileid.u32  }
0x4a7: {  	s1 =	rddreg [dreg:$0x1];
	p0 =	sne.s32 s2, $0x0  }
0x4a8: {  	s3 =	rddreg [dreg:$0x2];
	[bflag:$0x3] =	sbarrier.arrive $0xFFFF;
	s2 =	simm.s32 @!p0 $0x1C0F  }
0x4a9: {  	[timem:s3], [sflag:s2] =	dma.local @!p0 [hbm:s0], s1  }
0x4aa: {  	s0 =	simm.s32 @!p0 $0xF  }
0x4ab: {  	_ =	swait.ge @!p0 [sflag:s0], s1  }
0x4ac: {  	s1 =	ssub.s32 @!p0 $0x0, s1;
	[sflag:s0] =	ssyncset.done @!p0 $0x0  }
0x4ad: {  	[sflag:s0] =	ssyncadd.s32 @!p0 s1  }
0x4ae: {  	[bflag:$0x3] =	sbarrier.arrive $0xFFFF  }
0x4af: {  	_ =	shalt  }

</sc_bundles>
